<compile_context>
chip_gen: v7x
topology: tpu7x:2x2x1
jax: 0.10.2.dev20260603
libtpu: 0.0.44.dev20260713+nightly
codegen_flags: <defaults>
</compile_context>

<pallas_src>
import functools

import jax
import jax.numpy as jnp
from jax import lax
from jax.experimental import pallas as pl
from jax.experimental.pallas import tpu as pltpu
from jax.experimental.pallas import tpu_sc as plsc

N = 10000
NP = 10240
E = 320000
D_IN = 128
H = 64
B = 256
NC = 2
NS = 16
NW = NC * NS
EPT = NP
NCHUNK = EPT // 128
ROWS_PER_TILE = NP // NS

def _worker_id():
    return lax.axis_index("s") * NC + lax.axis_index("c")


def _deg_body(dst_hbm, out_hbm, dst_v, acc_v):
    wid = _worker_id()

    def zero(i, _):
        acc_v[pl.ds(i * 16, 16)] = jnp.zeros((16,), jnp.float32)
        return 0

    lax.fori_loop(0, NP // 16, zero, 0)
    pltpu.sync_copy(dst_hbm.at[wid], dst_v)
    ones = jnp.ones((16,), jnp.float32)

    def body(j, _):
        row = j // 8
        col = (j % 8) * 16
        idx = dst_v[row, pl.ds(col, 16)]
        plsc.addupdate_scatter(acc_v, [idx], ones)
        return 0

    lax.fori_loop(0, (2 * K0 * 128) // 16, body, 0)
    pltpu.sync_copy(acc_v, out_hbm.at[wid])


GC = 256
K0 = 58
K1 = 22
NBUF = 2
TOTCH = NS * (K0 + K1)


def _scatter_body(g_hbm, src_hbm, dst_hbm, out_hbm,
                  src_v, dst_v, zbuf, shared, *bufs_and_sems):
    bufs = bufs_and_sems[:NBUF]
    gsems = bufs_and_sems[NBUF:2 * NBUF]
    ssems = bufs_and_sems[2 * NBUF:3 * NBUF]
    cid = lax.axis_index("c")
    sid = lax.axis_index("s")
    wid = sid * NC + cid

    def zero(i, _):
        zbuf[i // 4, pl.ds((i % 4) * 16, 16)] = jnp.zeros((16,), jnp.float32)
        return 0

    lax.fori_loop(0, 128 * 4, zero, 0)
    for q in range(ROWS_PER_TILE // 128):
        pltpu.sync_copy(zbuf, shared.at[pl.ds(sid * ROWS_PER_TILE + q * 128, 128)])
    pltpu.sync_copy(src_hbm.at[wid], src_v)
    pltpu.sync_copy(dst_hbm.at[wid], dst_v)
    plsc.subcore_barrier()

    def gather_start(c, buf, sem):
        pltpu.async_copy(g_hbm.at[src_v.at[c]], buf, sem)

    def gather_wait(c, buf, sem):
        pltpu.make_async_copy(g_hbm.at[src_v.at[c]], buf, sem).wait()

    def scatter_start(c, buf, sem):
        pltpu.async_copy(buf.at[pl.ds(0, 128)],
                         shared.at[dst_v.at[2 * c]], sem, add=True)
        pltpu.async_copy(buf.at[pl.ds(128, 128)],
                         shared.at[dst_v.at[2 * c + 1]], sem, add=True)

    def scatter_wait(c, buf, sem):
        pltpu.make_async_copy(buf.at[pl.ds(0, 128)],
                              shared.at[dst_v.at[2 * c]], sem).wait()
        pltpu.make_async_copy(buf.at[pl.ds(128, 128)],
                              shared.at[dst_v.at[2 * c + 1]], sem).wait()

    nrounds = jnp.where(cid == 0, K0 // NBUF, K1 // NBUF)
    for k in range(NBUF):
        gather_start(k, bufs[k], gsems[k])

    def roundfn(t, _):
        c0 = t * NBUF
        for k in range(NBUF):
            gather_wait(c0 + k, bufs[k], gsems[k])
            scatter_start(c0 + k, bufs[k], ssems[k])
        for k in range(NBUF):
            @pl.when(t < nrounds - 1)
            def _(k=k):
                scatter_wait(c0 + k, bufs[k], ssems[k])
                gather_start(c0 + NBUF + k, bufs[k], gsems[k])
        return 0

    lax.fori_loop(0, nrounds, roundfn, 0)
    for k in range(NBUF):
        scatter_wait((nrounds - 1) * NBUF + k, bufs[k], ssems[k])
    plsc.subcore_barrier()
    pltpu.sync_copy(shared.at[pl.ds(sid * ROWS_PER_TILE, ROWS_PER_TILE)],
                    out_hbm.at[cid, pl.ds(sid * ROWS_PER_TILE, ROWS_PER_TILE)])


_POOL_CHUNK = NP // NW


def _pool_body(h_hbm, bi_hbm, osum, omax, ocnt,
               h_v, bi_v, sum_v, max_v, cnt_v):
    wid = _worker_id()
    base = wid * _POOL_CHUNK
    pltpu.sync_copy(h_hbm.at[pl.ds(base, _POOL_CHUNK)], h_v)
    pltpu.sync_copy(bi_hbm.at[pl.ds(base, _POOL_CHUNK)],
                    bi_v.at[pl.ds(0, _POOL_CHUNK)])
    neg_inf = jnp.full((16,), -jnp.inf, jnp.float32)
    zeros = jnp.zeros((16,), jnp.float32)

    def init(i, _):
        sum_v[i // 4, pl.ds((i % 4) * 16, 16)] = zeros
        max_v[i // 4, pl.ds((i % 4) * 16, 16)] = neg_inf
        return 0

    lax.fori_loop(0, B * 4, init, 0)

    def initc(i, _):
        cnt_v[pl.ds(i * 16, 16)] = zeros
        return 0

    lax.fori_loop(0, B // 16, initc, 0)
    count = jnp.minimum(_POOL_CHUNK, N - base)
    ones = jnp.ones((16,), jnp.float32)

    def hist(i, _):
        idx = bi_v[pl.ds(i * 16, 16)]
        plsc.addupdate_scatter(cnt_v, [idx], ones)
        return 0

    lax.fori_loop(0, count // 16, hist, 0)

    def row(r, _):
        seg = bi_v[pl.ds(r, 16)][0]
        for f in range(H // 16):
            sl = pl.ds(f * 16, 16)
            v = h_v[r, sl]
            max_v[seg, sl] = jnp.maximum(max_v[seg, sl], v)
            sum_v[seg, sl] = sum_v[seg, sl] + v
        return 0

    lax.fori_loop(0, count, row, 0)
    pltpu.sync_copy(sum_v, osum.at[wid])
    pltpu.sync_copy(max_v, omax.at[wid])
    pltpu.sync_copy(cnt_v, ocnt.at[wid])


@functools.cache
def _sc_kernels():
    mesh = plsc.VectorSubcoreMesh(core_axis_name="c", subcore_axis_name="s",
                                  num_cores=NC, num_subcores=NS)
    deg = pl.kernel(
        _deg_body,
        out_type=jax.ShapeDtypeStruct((NW, NP), jnp.float32),
        mesh=mesh,
        scratch_types=[
            pltpu.VMEM((2 * K0, 128), jnp.int32),
            pltpu.VMEM((NP,), jnp.float32),
        ],
        compiler_params=pltpu.CompilerParams(needs_layout_passes=False),
    )
    scat = pl.kernel(
        _scatter_body,
        out_type=jax.ShapeDtypeStruct((NC, NP, H), jnp.float32),
        mesh=mesh,
        scratch_types=(
            [
                pltpu.VMEM((K0, GC), jnp.int32),
                pltpu.VMEM((2 * K0, 128), jnp.int32),
                pltpu.VMEM((128, H), jnp.float32),
                pltpu.VMEM_SHARED((NP, H), jnp.float32),
            ]
            + [pltpu.VMEM((GC, H), jnp.float32)] * NBUF
            + [pltpu.SemaphoreType.DMA] * (2 * NBUF)
        ),
        compiler_params=pltpu.CompilerParams(use_tc_tiling_on_sc=False),
    )
    pool = pl.kernel(
        _pool_body,
        out_type=(
            jax.ShapeDtypeStruct((NW, B, H), jnp.float32),
            jax.ShapeDtypeStruct((NW, B, H), jnp.float32),
            jax.ShapeDtypeStruct((NW, B), jnp.float32),
        ),
        mesh=mesh,
        scratch_types=[
            pltpu.VMEM((_POOL_CHUNK, H), jnp.float32),
            pltpu.VMEM((_POOL_CHUNK + 16,), jnp.int32),
            pltpu.VMEM((B, H), jnp.float32),
            pltpu.VMEM((B, H), jnp.float32),
            pltpu.VMEM((B,), jnp.float32),
        ],
        compiler_params=pltpu.CompilerParams(needs_layout_passes=False),
    )
    return deg, scat, pool


_ROWS_BLK = 1280
_GRID = NP // _ROWS_BLK


def _tc1_body(degp, x, w, g_out, dinv_out):
    deg = jnp.sum(degp[:, :], axis=0) + 1.0
    dinv = lax.rsqrt(deg)
    dinv_out[:, :] = dinv[:, None]
    h = jnp.dot(x[:, :], w[:, :], preferred_element_type=jnp.float32)
    g_out[:, :] = h * dinv[:, None]


def _tc1(deg_p, x_p, W1):
    return pl.pallas_call(
        _tc1_body,
        grid=(_GRID,),
        in_specs=[
            pl.BlockSpec((NW, _ROWS_BLK), lambda i: (0, i)),
            pl.BlockSpec((_ROWS_BLK, D_IN), lambda i: (i, 0)),
            pl.BlockSpec((D_IN, H), lambda i: (0, 0)),
        ],
        out_specs=[
            pl.BlockSpec((_ROWS_BLK, H), lambda i: (i, 0)),
            pl.BlockSpec((_ROWS_BLK, 1), lambda i: (i, 0)),
        ],
        out_shape=[
            jax.ShapeDtypeStruct((NP, H), jnp.float32),
            jax.ShapeDtypeStruct((NP, 1), jnp.float32),
        ],
    )(deg_p, x_p, W1)


def _tcmid_body(acc, g, dinv, w, b, g_out):
    s = acc[0] + acc[1] + g[:, :]
    a = jnp.maximum(s * dinv[:, :] + b[:, :], 0.0)
    h = jnp.dot(a, w[:, :], preferred_element_type=jnp.float32)
    g_out[:, :] = h * dinv[:, :]


def _tcmid(acc, g, dinv, w, b):
    return pl.pallas_call(
        _tcmid_body,
        grid=(_GRID,),
        in_specs=[
            pl.BlockSpec((NC, _ROWS_BLK, H), lambda i: (0, i, 0)),
            pl.BlockSpec((_ROWS_BLK, H), lambda i: (i, 0)),
            pl.BlockSpec((_ROWS_BLK, 1), lambda i: (i, 0)),
            pl.BlockSpec((H, H), lambda i: (0, 0)),
            pl.BlockSpec((1, H), lambda i: (0, 0)),
        ],
        out_specs=pl.BlockSpec((_ROWS_BLK, H), lambda i: (i, 0)),
        out_shape=jax.ShapeDtypeStruct((NP, H), jnp.float32),
    )(acc, g, dinv, w, b)


def _tclast_body(acc, g, dinv, b, h_out):
    s = acc[0] + acc[1] + g[:, :]
    h_out[:, :] = jnp.maximum(s * dinv[:, :] + b[:, :], 0.0)


def _tclast(acc, g, dinv, b):
    return pl.pallas_call(
        _tclast_body,
        grid=(_GRID,),
        in_specs=[
            pl.BlockSpec((NC, _ROWS_BLK, H), lambda i: (0, i, 0)),
            pl.BlockSpec((_ROWS_BLK, H), lambda i: (i, 0)),
            pl.BlockSpec((_ROWS_BLK, 1), lambda i: (i, 0)),
            pl.BlockSpec((1, H), lambda i: (0, 0)),
        ],
        out_specs=pl.BlockSpec((_ROWS_BLK, H), lambda i: (i, 0)),
        out_shape=jax.ShapeDtypeStruct((NP, H), jnp.float32),
    )(acc, g, dinv, b)


def _readout_body(sump, maxp, cntp, wout, bout, out_o, xp_o):
    s = jnp.zeros((B, H), jnp.float32)
    m = jnp.full((B, H), -jnp.inf, jnp.float32)
    for i in range(NW):
        s = s + sump[i]
        m = jnp.maximum(m, maxp[i])
    cnt = jnp.sum(cntp[:, :], axis=0)
    mean = s / jnp.maximum(cnt, 1.0)[:, None]
    xp = jnp.concatenate([mean, m], axis=1)
    xp_o[:, :] = xp
    out_o[:, :] = jnp.dot(xp, wout[:, :], preferred_element_type=jnp.float32) + bout[:, :]


def _readout(sump, maxp, cntp, W_out, b_out):
    return pl.pallas_call(
        _readout_body,
        out_shape=[
            jax.ShapeDtypeStruct((B, 1), jnp.float32),
            jax.ShapeDtypeStruct((B, 2 * H), jnp.float32),
        ],
    )(sump, maxp, cntp, W_out, b_out)


def kernel(x, edge_index, batch_index, W1, b1, W2, b2, W3, b3, W4, b4,
           W_out, b_out):
    pad_e = TOTCH * GC - E
    src_f = jnp.concatenate([edge_index[0], jnp.zeros((pad_e,), jnp.int32)])
    dst_f = jnp.concatenate([edge_index[1], jnp.full((pad_e,), N, jnp.int32)])
    src_c = src_f.reshape(TOTCH, GC)
    dst_c = dst_f.reshape(TOTCH, 2, 128)
    src_rows, dst_rows = [], []
    for sid in range(NS):
        base = sid * (K0 + K1)
        src_rows.append(src_c[base:base + K0])
        dst_rows.append(dst_c[base:base + K0])
        src_rows.append(jnp.pad(src_c[base + K0:base + K0 + K1],
                                ((0, K0 - K1), (0, 0)), constant_values=N))
        dst_rows.append(jnp.pad(dst_c[base + K0:base + K0 + K1],
                                ((0, K0 - K1), (0, 0), (0, 0)), constant_values=N))
    src_p = jnp.stack(src_rows)
    dst_p = jnp.stack(dst_rows).reshape(NW, 2 * K0, 128)
    x_p = jnp.pad(x, ((0, NP - N), (0, 0)))
    bi_p = jnp.pad(batch_index, (0, NP - N))

    deg_kernel, scatter_kernel, pool_kernel = _sc_kernels()
    deg_p = deg_kernel(dst_p)
    g, dinv = _tc1(deg_p, x_p, W1)
    acc = scatter_kernel(g, src_p, dst_p)
    g = _tcmid(acc, g, dinv, W2, b1.reshape(1, H))
    acc = scatter_kernel(g, src_p, dst_p)
    g = _tcmid(acc, g, dinv, W3, b2.reshape(1, H))
    acc = scatter_kernel(g, src_p, dst_p)
    g = _tcmid(acc, g, dinv, W4, b3.reshape(1, H))
    acc = scatter_kernel(g, src_p, dst_p)
    h = _tclast(acc, g, dinv, b4.reshape(1, H))
    sump, maxp, cntp = pool_kernel(h, bi_p)
    out, xp = _readout(sump, maxp, cntp, W_out, b_out.reshape(1, 1))
    return (out, xp)

# --- scband reference (transcript-rebuilt; emitter-appended) ---
"""Pipeline reference for scband-gcn-molecule-classification-10230612099848 (READ-ONLY COPY).

The authoritative reference and input builder live on the scoring server;
editing this copy changes nothing except your own understanding.
"""

import jax, jax.numpy as jnp
import numpy as np

N = 10000
E = 320000
D_IN = 128
H = 64
B = 256
NUM_CLASSES = 1


def setup_inputs(seed: int = 0) -> dict:
    key = jax.random.key(seed)
    ks = jax.random.split(key, 16)
    x = jax.random.normal(ks[0], (N, D_IN), dtype=jnp.float32)
    edge_index = jax.random.randint(ks[1], (2, E), 0, N, dtype=jnp.int32)
    batch_index = jnp.sort(jax.random.randint(ks[2], (N,), 0, B, dtype=jnp.int32))
    # GCNConv weights: 4 layers, [128->64, 64->64, 64->64, 64->64]
    W1 = jax.random.normal(ks[3], (D_IN, H), dtype=jnp.float32) * (1.0 / np.sqrt(D_IN))
    b1 = jnp.zeros((H,), dtype=jnp.float32)
    W2 = jax.random.normal(ks[4], (H, H), dtype=jnp.float32) * (1.0 / np.sqrt(H))
    b2 = jnp.zeros((H,), dtype=jnp.float32)
    W3 = jax.random.normal(ks[5], (H, H), dtype=jnp.float32) * (1.0 / np.sqrt(H))
    b3 = jnp.zeros((H,), dtype=jnp.float32)
    W4 = jax.random.normal(ks[6], (H, H), dtype=jnp.float32) * (1.0 / np.sqrt(H))
    b4 = jnp.zeros((H,), dtype=jnp.float32)
    # readout linear: in = hidden*2 (mean_pool + max_pool) -> num_classes
    W_out = jax.random.normal(ks[7], (2 * H, NUM_CLASSES), dtype=jnp.float32) * (1.0 / np.sqrt(2 * H))
    b_out = jnp.zeros((NUM_CLASSES,), dtype=jnp.float32)
    return {"x": x, "edge_index": edge_index, "batch_index": batch_index,
            "W1": W1, "b1": b1, "W2": W2, "b2": b2, "W3": W3, "b3": b3,
            "W4": W4, "b4": b4, "W_out": W_out, "b_out": b_out}


def _gcn_conv(x, src, dst, W, b):
    # GCNConv with self-loops and symmetric normalization: D^-1/2 (A+I) D^-1/2 X W + b
    ones = jnp.ones(dst.shape, dtype=jnp.float32)
    deg = jax.ops.segment_sum(ones, dst, num_segments=N)
    dinv = jnp.where(deg > 0, deg ** -0.5, 0.0)
    norm = dinv[src] * dinv[dst]
    h = x @ W
    msg = h[src] * norm[:, None]
    out = jax.ops.segment_sum(msg, dst, num_segments=N) + b
    return out


def reference(x, edge_index, batch_index, W1, b1, W2, b2, W3, b3, W4, b4, W_out, b_out):
    loops = jnp.arange(N, dtype=edge_index.dtype)
    src = jnp.concatenate([edge_index[0], loops])
    dst = jnp.concatenate([edge_index[1], loops])
    h = x
    for W, b in ((W1, b1), (W2, b2), (W3, b3), (W4, b4)):
        h = jax.nn.relu(_gcn_conv(h, src, dst, W, b))
    # global_mean_pool
    counts = jax.ops.segment_sum(jnp.ones((N,), jnp.float32), batch_index, num_segments=B)
    mean_p = jax.ops.segment_sum(h, batch_index, num_segments=B) / jnp.maximum(counts, 1.0)[:, None]
    # global_max_pool
    max_p = jax.ops.segment_max(h, batch_index, num_segments=B)
    xp = jnp.concatenate([mean_p, max_p], axis=1)
    out = xp @ W_out + b_out
    return (out, xp)

if __name__ == "__main__":
    import jax
    _d = setup_inputs()
    print(jax.jit(kernel)(*tuple(_d.values())))

</pallas_src>

<mosaic_0001>
#map = affine_map<(d0, d1) -> (0, 0)>
#map1 = affine_map<(d0, d1) -> (0, 0, 0)>
module attributes {stable_mosaic.version = 14 : i64} {
  func.func @_scatter_body(%arg0: i32, %arg1: i32, %arg2: memref<10240x64xf32, #tpu.memory_space<hbm>>, %arg3: memref<32x58x256xi32, #tpu.memory_space<hbm>>, %arg4: memref<32x116x128xi32, #tpu.memory_space<hbm>>, %arg5: memref<2x10240x64xf32, #tpu.memory_space<hbm>>, %arg6: memref<58x256xi32, #tpu.memory_space<vmem>>, %arg7: memref<116x128xi32, #tpu.memory_space<vmem>>, %arg8: memref<128x64xf32, #tpu.memory_space<vmem>>, %arg9: memref<10240x64xf32, #tpu.memory_space<vmem_shared>>, %arg10: memref<256x64xf32, #tpu.memory_space<vmem>>, %arg11: memref<256x64xf32, #tpu.memory_space<vmem>>, %arg12: memref<!tpu.dma_semaphore, #tpu.memory_space<semaphore_mem>>, %arg13: memref<!tpu.dma_semaphore, #tpu.memory_space<semaphore_mem>>, %arg14: memref<!tpu.dma_semaphore, #tpu.memory_space<semaphore_mem>>, %arg15: memref<!tpu.dma_semaphore, #tpu.memory_space<semaphore_mem>>) attributes {dimension_semantics = [#tpu.dimension_semantics<core_parallel>, #tpu.dimension_semantics<subcore_parallel>], iteration_bounds = array<i64: 2, 16>, scalar_prefetch = 0 : i64, scratch_operands = 10 : i64, tpu.core_type = #tpu.core_type<sc_vector_subcore>, window_params = [{transform_indices = #map}, {transform_indices = #map1}, {transform_indices = #map1}, {transform_indices = #map1}]} {
    %mul3A = arith.constant 2 : i32
    %mul3A_0 = arith.muli %arg1, %mul3A : i32
    %add3A = arith.addi %mul3A_0, %arg0 : i32
    %scan3A = arith.constant 0 : i32
    %scan3A_1 = arith.constant 0 : i32
    %scan3A_2 = arith.constant 512 : i32
    %scan3A_3 = arith.addi %scan3A_1, %scan3A_2 : i32
    %scan3A_4 = arith.constant 1 : i32
    %scan3A_5 = scf.for %scan3A_116 = %scan3A_1 to %scan3A_3 step %scan3A_4 iter_args(%scan3A_117 = %scan3A) -> (i32)  : i32 {
      %broadcast_in_dim3A = arith.constant 0.000000e+00 : f32
      %broadcast_in_dim3A_118 = vector.broadcast %broadcast_in_dim3A : f32 to vector<16xf32>
      %jit3A_119 = arith.constant 4 : i32
      %div3A = arith.divsi %scan3A_116, %jit3A_119 : i32
      %sign3A = arith.constant 0 : i32
      %sign3A_120 = arith.cmpi sgt, %scan3A_116, %sign3A : i32
      %sign3A_121 = arith.extui %sign3A_120 : i1 to i32
      %sign3A_122 = arith.constant 0 : i32
      %sign3A_123 = arith.cmpi slt, %scan3A_116, %sign3A_122 : i32
      %sign3A_124 = arith.extui %sign3A_123 : i1 to i32
      %sign3A_125 = arith.subi %sign3A_121, %sign3A_124 : i32
      %sign3A_126 = arith.constant 0 : i32
      %sign3A_127 = arith.cmpi sgt, %jit3A_119, %sign3A_126 : i32
      %sign3A_128 = arith.extui %sign3A_127 : i1 to i32
      %sign3A_129 = arith.constant 0 : i32
      %sign3A_130 = arith.cmpi slt, %jit3A_119, %sign3A_129 : i32
      %sign3A_131 = arith.extui %sign3A_130 : i1 to i32
      %sign3A_132 = arith.subi %sign3A_128, %sign3A_131 : i32
      %ne3A = arith.cmpi ne, %sign3A_125, %sign3A_132 : i32
      %rem3A = arith.remsi %scan3A_116, %jit3A_119 : i32
      %ne3A_133 = arith.constant 0 : i32
      %ne3A_134 = arith.cmpi ne, %rem3A, %ne3A_133 : i32
      %and3A = arith.andi %ne3A, %ne3A_134 : i1
      %sub3A_135 = arith.constant 1 : i32
      %sub3A_136 = arith.subi %div3A, %sub3A_135 : i32
      %select_n3A_137 = arith.select %and3A, %sub3A_136, %div3A : i32
      %jit3A_138 = arith.constant 4 : i32
      %eq3A_139 = arith.constant 0 : i32
      %eq3A_140 = arith.cmpi eq, %jit3A_138, %eq3A_139 : i32
      %jit3A_141 = arith.constant 1 : i32
      %select_n3A_142 = arith.select %eq3A_140, %jit3A_141, %jit3A_138 : i32
      %rem3A_143 = arith.remsi %scan3A_116, %select_n3A_142 : i32
      %ne3A_144 = arith.constant 0 : i32
      %ne3A_145 = arith.cmpi ne, %rem3A_143, %ne3A_144 : i32
      %lt3A = arith.constant 0 : i32
      %lt3A_146 = arith.cmpi slt, %rem3A_143, %lt3A : i32
      %lt3A_147 = arith.constant 0 : i32
      %lt3A_148 = arith.cmpi slt, %select_n3A_142, %lt3A_147 : i32
      %ne3A_149 = arith.xori %lt3A_146, %lt3A_148 : i1
      %and3A_150 = arith.andi %ne3A_149, %ne3A_145 : i1
      %add3A_151 = arith.addi %rem3A_143, %select_n3A_142 : i32
      %select_n3A_152 = arith.select %and3A_150, %add3A_151, %rem3A_143 : i32
      %mul3A_153 = arith.constant 16 : i32
      %mul3A_154 = arith.muli %select_n3A_152, %mul3A_153 : i32
      %swap3A = arith.index_cast %select_n3A_137 : i32 to index
      %swap3A_155 = arith.index_cast %mul3A_154 : i32 to index
      %swap3A_156 = tpu.vector_load %arg8[%swap3A, %swap3A_155] {strides = array<i32>} : memref<128x64xf32, #tpu.memory_space<vmem>>, vector<1x16xf32>,
      %swap3A_157 = vector.shape_cast %swap3A_156 : vector<1x16xf32> to vector<16xf32>
      %swap3A_158 = vector.shape_cast %broadcast_in_dim3A_118 : vector<16xf32> to vector<1x16xf32>
      tpu.vector_store %arg8[%swap3A, %swap3A_155], %swap3A_158 {strides = array<i32>} : memref<128x64xf32, #tpu.memory_space<vmem>>, vector<1x16xf32>,
      %scan3A_159 = arith.constant 0 : i32
      scf.yield %scan3A_159 : i32
    }
    %scan3A_6 = arith.constant 512 : i32
    %mul3A_7 = arith.constant 640 : i32
    %mul3A_8 = arith.muli %arg1, %mul3A_7 : i32
    %add3A_9 = arith.constant 0 : i32
    %add3A_10 = arith.addi %mul3A_8, %add3A_9 : i32
    "tpu.region"() ({
      %run_scoped3A = tpu.sem_alloc : memref<!tpu.dma_semaphore, #tpu.memory_space<semaphore_mem>>
      %dma_start3A_116 = arith.constant 0 : i32
      %dma_start3A_117 = tpu.memref_slice %arg9[%add3A_10, %dma_start3A_116] : memref<10240x64xf32, #tpu.memory_space<vmem_shared>> -> memref<128x64xf32, #tpu.memory_space<vmem_shared>>
      %dma_start3A_118 = arith.constant 0 : i32
      %dma_start3A_119 = tpu.memref_slice %arg9[%add3A_10, %dma_start3A_118] : memref<10240x64xf32, #tpu.memory_space<vmem_shared>> -> memref<128x64xf32, #tpu.memory_space<vmem_shared>>
      tpu.enqueue_dma source(%arg8 : memref<128x64xf32, #tpu.memory_space<vmem>>) target(%dma_start3A_119 : memref<128x64xf32, #tpu.memory_space<vmem_shared>>) target_semaphore(%run_scoped3A : memref<!tpu.dma_semaphore, #tpu.memory_space<semaphore_mem>>)
      %dma_wait3A_120 = arith.constant 0 : i32
      %dma_wait3A_121 = tpu.memref_slice %arg9[%add3A_10, %dma_wait3A_120] : memref<10240x64xf32, #tpu.memory_space<vmem_shared>> -> memref<128x64xf32, #tpu.memory_space<vmem_shared>>
      %dma_wait3A_122 = arith.constant 0 : i32
      %dma_wait3A_123 = tpu.memref_slice %arg9[%add3A_10, %dma_wait3A_122] : memref<10240x64xf32, #tpu.memory_space<vmem_shared>> -> memref<128x64xf32, #tpu.memory_space<vmem_shared>>
      tpu.wait_dma2 semaphore(%run_scoped3A : memref<!tpu.dma_semaphore, #tpu.memory_space<semaphore_mem>>) src(%arg8 : memref<128x64xf32, #tpu.memory_space<vmem>>) dst(%dma_wait3A_123 : memref<128x64xf32, #tpu.memory_space<vmem_shared>>)
      tpu.yield
    }) : () -> ()
    %mul3A_11 = arith.constant 640 : i32
    %mul3A_12 = arith.muli %arg1, %mul3A_11 : i32
    %add3A_13 = arith.constant 128 : i32
    %add3A_14 = arith.addi %mul3A_12, %add3A_13 : i32
    "tpu.region"() ({
      %run_scoped3A = tpu.sem_alloc : memref<!tpu.dma_semaphore, #tpu.memory_space<semaphore_mem>>
      %dma_start3A_116 = arith.constant 0 : i32
      %dma_start3A_117 = tpu.memref_slice %arg9[%add3A_14, %dma_start3A_116] : memref<10240x64xf32, #tpu.memory_space<vmem_shared>> -> memref<128x64xf32, #tpu.memory_space<vmem_shared>>
      %dma_start3A_118 = arith.constant 0 : i32
      %dma_start3A_119 = tpu.memref_slice %arg9[%add3A_14, %dma_start3A_118] : memref<10240x64xf32, #tpu.memory_space<vmem_shared>> -> memref<128x64xf32, #tpu.memory_space<vmem_shared>>
      tpu.enqueue_dma source(%arg8 : memref<128x64xf32, #tpu.memory_space<vmem>>) target(%dma_start3A_119 : memref<128x64xf32, #tpu.memory_space<vmem_shared>>) target_semaphore(%run_scoped3A : memref<!tpu.dma_semaphore, #tpu.memory_space<semaphore_mem>>)
      %dma_wait3A_120 = arith.constant 0 : i32
      %dma_wait3A_121 = tpu.memref_slice %arg9[%add3A_14, %dma_wait3A_120] : memref<10240x64xf32, #tpu.memory_space<vmem_shared>> -> memref<128x64xf32, #tpu.memory_space<vmem_shared>>
      %dma_wait3A_122 = arith.constant 0 : i32
      %dma_wait3A_123 = tpu.memref_slice %arg9[%add3A_14, %dma_wait3A_122] : memref<10240x64xf32, #tpu.memory_space<vmem_shared>> -> memref<128x64xf32, #tpu.memory_space<vmem_shared>>
      tpu.wait_dma2 semaphore(%run_scoped3A : memref<!tpu.dma_semaphore, #tpu.memory_space<semaphore_mem>>) src(%arg8 : memref<128x64xf32, #tpu.memory_space<vmem>>) dst(%dma_wait3A_123 : memref<128x64xf32, #tpu.memory_space<vmem_shared>>)
      tpu.yield
    }) : () -> ()
    %mul3A_15 = arith.constant 640 : i32
    %mul3A_16 = arith.muli %arg1, %mul3A_15 : i32
    %add3A_17 = arith.constant 256 : i32
    %add3A_18 = arith.addi %mul3A_16, %add3A_17 : i32
    "tpu.region"() ({
      %run_scoped3A = tpu.sem_alloc : memref<!tpu.dma_semaphore, #tpu.memory_space<semaphore_mem>>
      %dma_start3A_116 = arith.constant 0 : i32
      %dma_start3A_117 = tpu.memref_slice %arg9[%add3A_18, %dma_start3A_116] : memref<10240x64xf32, #tpu.memory_space<vmem_shared>> -> memref<128x64xf32, #tpu.memory_space<vmem_shared>>
      %dma_start3A_118 = arith.constant 0 : i32
      %dma_start3A_119 = tpu.memref_slice %arg9[%add3A_18, %dma_start3A_118] : memref<10240x64xf32, #tpu.memory_space<vmem_shared>> -> memref<128x64xf32, #tpu.memory_space<vmem_shared>>
      tpu.enqueue_dma source(%arg8 : memref<128x64xf32, #tpu.memory_space<vmem>>) target(%dma_start3A_119 : memref<128x64xf32, #tpu.memory_space<vmem_shared>>) target_semaphore(%run_scoped3A : memref<!tpu.dma_semaphore, #tpu.memory_space<semaphore_mem>>)
      %dma_wait3A_120 = arith.constant 0 : i32
      %dma_wait3A_121 = tpu.memref_slice %arg9[%add3A_18, %dma_wait3A_120] : memref<10240x64xf32, #tpu.memory_space<vmem_shared>> -> memref<128x64xf32, #tpu.memory_space<vmem_shared>>
      %dma_wait3A_122 = arith.constant 0 : i32
      %dma_wait3A_123 = tpu.memref_slice %arg9[%add3A_18, %dma_wait3A_122] : memref<10240x64xf32, #tpu.memory_space<vmem_shared>> -> memref<128x64xf32, #tpu.memory_space<vmem_shared>>
      tpu.wait_dma2 semaphore(%run_scoped3A : memref<!tpu.dma_semaphore, #tpu.memory_space<semaphore_mem>>) src(%arg8 : memref<128x64xf32, #tpu.memory_space<vmem>>) dst(%dma_wait3A_123 : memref<128x64xf32, #tpu.memory_space<vmem_shared>>)
      tpu.yield
    }) : () -> ()
    %mul3A_19 = arith.constant 640 : i32
    %mul3A_20 = arith.muli %arg1, %mul3A_19 : i32
    %add3A_21 = arith.constant 384 : i32
    %add3A_22 = arith.addi %mul3A_20, %add3A_21 : i32
    "tpu.region"() ({
      %run_scoped3A = tpu.sem_alloc : memref<!tpu.dma_semaphore, #tpu.memory_space<semaphore_mem>>
      %dma_start3A_116 = arith.constant 0 : i32
      %dma_start3A_117 = tpu.memref_slice %arg9[%add3A_22, %dma_start3A_116] : memref<10240x64xf32, #tpu.memory_space<vmem_shared>> -> memref<128x64xf32, #tpu.memory_space<vmem_shared>>
      %dma_start3A_118 = arith.constant 0 : i32
      %dma_start3A_119 = tpu.memref_slice %arg9[%add3A_22, %dma_start3A_118] : memref<10240x64xf32, #tpu.memory_space<vmem_shared>> -> memref<128x64xf32, #tpu.memory_space<vmem_shared>>
      tpu.enqueue_dma source(%arg8 : memref<128x64xf32, #tpu.memory_space<vmem>>) target(%dma_start3A_119 : memref<128x64xf32, #tpu.memory_space<vmem_shared>>) target_semaphore(%run_scoped3A : memref<!tpu.dma_semaphore, #tpu.memory_space<semaphore_mem>>)
      %dma_wait3A_120 = arith.constant 0 : i32
      %dma_wait3A_121 = tpu.memref_slice %arg9[%add3A_22, %dma_wait3A_120] : memref<10240x64xf32, #tpu.memory_space<vmem_shared>> -> memref<128x64xf32, #tpu.memory_space<vmem_shared>>
      %dma_wait3A_122 = arith.constant 0 : i32
      %dma_wait3A_123 = tpu.memref_slice %arg9[%add3A_22, %dma_wait3A_122] : memref<10240x64xf32, #tpu.memory_space<vmem_shared>> -> memref<128x64xf32, #tpu.memory_space<vmem_shared>>
      tpu.wait_dma2 semaphore(%run_scoped3A : memref<!tpu.dma_semaphore, #tpu.memory_space<semaphore_mem>>) src(%arg8 : memref<128x64xf32, #tpu.memory_space<vmem>>) dst(%dma_wait3A_123 : memref<128x64xf32, #tpu.memory_space<vmem_shared>>)
      tpu.yield
    }) : () -> ()
    %mul3A_23 = arith.constant 640 : i32
    %mul3A_24 = arith.muli %arg1, %mul3A_23 : i32
    %add3A_25 = arith.constant 512 : i32
    %add3A_26 = arith.addi %mul3A_24, %add3A_25 : i32
    "tpu.region"() ({
      %run_scoped3A = tpu.sem_alloc : memref<!tpu.dma_semaphore, #tpu.memory_space<semaphore_mem>>
      %dma_start3A_116 = arith.constant 0 : i32
      %dma_start3A_117 = tpu.memref_slice %arg9[%add3A_26, %dma_start3A_116] : memref<10240x64xf32, #tpu.memory_space<vmem_shared>> -> memref<128x64xf32, #tpu.memory_space<vmem_shared>>
      %dma_start3A_118 = arith.constant 0 : i32
      %dma_start3A_119 = tpu.memref_slice %arg9[%add3A_26, %dma_start3A_118] : memref<10240x64xf32, #tpu.memory_space<vmem_shared>> -> memref<128x64xf32, #tpu.memory_space<vmem_shared>>
      tpu.enqueue_dma source(%arg8 : memref<128x64xf32, #tpu.memory_space<vmem>>) target(%dma_start3A_119 : memref<128x64xf32, #tpu.memory_space<vmem_shared>>) target_semaphore(%run_scoped3A : memref<!tpu.dma_semaphore, #tpu.memory_space<semaphore_mem>>)
      %dma_wait3A_120 = arith.constant 0 : i32
      %dma_wait3A_121 = tpu.memref_slice %arg9[%add3A_26, %dma_wait3A_120] : memref<10240x64xf32, #tpu.memory_space<vmem_shared>> -> memref<128x64xf32, #tpu.memory_space<vmem_shared>>
      %dma_wait3A_122 = arith.constant 0 : i32
      %dma_wait3A_123 = tpu.memref_slice %arg9[%add3A_26, %dma_wait3A_122] : memref<10240x64xf32, #tpu.memory_space<vmem_shared>> -> memref<128x64xf32, #tpu.memory_space<vmem_shared>>
      tpu.wait_dma2 semaphore(%run_scoped3A : memref<!tpu.dma_semaphore, #tpu.memory_space<semaphore_mem>>) src(%arg8 : memref<128x64xf32, #tpu.memory_space<vmem>>) dst(%dma_wait3A_123 : memref<128x64xf32, #tpu.memory_space<vmem_shared>>)
      tpu.yield
    }) : () -> ()
    "tpu.region"() ({
      %run_scoped3A = tpu.sem_alloc : memref<!tpu.dma_semaphore, #tpu.memory_space<semaphore_mem>>
      %dma_start3A_116 = arith.constant 0 : i32
      %dma_start3A_117 = arith.constant 0 : i32
      %dma_start3A_118 = tpu.memref_slice %arg3[%add3A, %dma_start3A_116, %dma_start3A_117] : memref<32x58x256xi32, #tpu.memory_space<hbm>> -> memref<1x58x256xi32, #tpu.memory_space<hbm>>
      %dma_start3A_119 = tpu.memref_squeeze %dma_start3A_118 : memref<1x58x256xi32, #tpu.memory_space<hbm>> -> memref<58x256xi32, #tpu.memory_space<hbm>>
      %dma_start3A_120 = arith.constant 0 : i32
      %dma_start3A_121 = arith.constant 0 : i32
      %dma_start3A_122 = tpu.memref_slice %arg3[%add3A, %dma_start3A_120, %dma_start3A_121] : memref<32x58x256xi32, #tpu.memory_space<hbm>> -> memref<1x58x256xi32, #tpu.memory_space<hbm>>
      %dma_start3A_123 = tpu.memref_squeeze %dma_start3A_122 : memref<1x58x256xi32, #tpu.memory_space<hbm>> -> memref<58x256xi32, #tpu.memory_space<hbm>>
      tpu.enqueue_dma source(%dma_start3A_123 : memref<58x256xi32, #tpu.memory_space<hbm>>) target(%arg6 : memref<58x256xi32, #tpu.memory_space<vmem>>) target_semaphore(%run_scoped3A : memref<!tpu.dma_semaphore, #tpu.memory_space<semaphore_mem>>)
      %dma_wait3A_124 = arith.constant 0 : i32
      %dma_wait3A_125 = arith.constant 0 : i32
      %dma_wait3A_126 = tpu.memref_slice %arg3[%add3A, %dma_wait3A_124, %dma_wait3A_125] : memref<32x58x256xi32, #tpu.memory_space<hbm>> -> memref<1x58x256xi32, #tpu.memory_space<hbm>>
      %dma_wait3A_127 = tpu.memref_squeeze %dma_wait3A_126 : memref<1x58x256xi32, #tpu.memory_space<hbm>> -> memref<58x256xi32, #tpu.memory_space<hbm>>
      %dma_wait3A_128 = arith.constant 0 : i32
      %dma_wait3A_129 = arith.constant 0 : i32
      %dma_wait3A_130 = tpu.memref_slice %arg3[%add3A, %dma_wait3A_128, %dma_wait3A_129] : memref<32x58x256xi32, #tpu.memory_space<hbm>> -> memref<1x58x256xi32, #tpu.memory_space<hbm>>
      %dma_wait3A_131 = tpu.memref_squeeze %dma_wait3A_130 : memref<1x58x256xi32, #tpu.memory_space<hbm>> -> memref<58x256xi32, #tpu.memory_space<hbm>>
      tpu.wait_dma2 semaphore(%run_scoped3A : memref<!tpu.dma_semaphore, #tpu.memory_space<semaphore_mem>>) src(%dma_wait3A_131 : memref<58x256xi32, #tpu.memory_space<hbm>>) dst(%arg6 : memref<58x256xi32, #tpu.memory_space<vmem>>)
      tpu.yield
    }) : () -> ()
    "tpu.region"() ({
      %run_scoped3A = tpu.sem_alloc : memref<!tpu.dma_semaphore, #tpu.memory_space<semaphore_mem>>
      %dma_start3A_116 = arith.constant 0 : i32
      %dma_start3A_117 = arith.constant 0 : i32
      %dma_start3A_118 = tpu.memref_slice %arg4[%add3A, %dma_start3A_116, %dma_start3A_117] : memref<32x116x128xi32, #tpu.memory_space<hbm>> -> memref<1x116x128xi32, #tpu.memory_space<hbm>>
      %dma_start3A_119 = tpu.memref_squeeze %dma_start3A_118 : memref<1x116x128xi32, #tpu.memory_space<hbm>> -> memref<116x128xi32, #tpu.memory_space<hbm>>
      %dma_start3A_120 = arith.constant 0 : i32
      %dma_start3A_121 = arith.constant 0 : i32
      %dma_start3A_122 = tpu.memref_slice %arg4[%add3A, %dma_start3A_120, %dma_start3A_121] : memref<32x116x128xi32, #tpu.memory_space<hbm>> -> memref<1x116x128xi32, #tpu.memory_space<hbm>>
      %dma_start3A_123 = tpu.memref_squeeze %dma_start3A_122 : memref<1x116x128xi32, #tpu.memory_space<hbm>> -> memref<116x128xi32, #tpu.memory_space<hbm>>
      tpu.enqueue_dma source(%dma_start3A_123 : memref<116x128xi32, #tpu.memory_space<hbm>>) target(%arg7 : memref<116x128xi32, #tpu.memory_space<vmem>>) target_semaphore(%run_scoped3A : memref<!tpu.dma_semaphore, #tpu.memory_space<semaphore_mem>>)
      %dma_wait3A_124 = arith.constant 0 : i32
      %dma_wait3A_125 = arith.constant 0 : i32
      %dma_wait3A_126 = tpu.memref_slice %arg4[%add3A, %dma_wait3A_124, %dma_wait3A_125] : memref<32x116x128xi32, #tpu.memory_space<hbm>> -> memref<1x116x128xi32, #tpu.memory_space<hbm>>
      %dma_wait3A_127 = tpu.memref_squeeze %dma_wait3A_126 : memref<1x116x128xi32, #tpu.memory_space<hbm>> -> memref<116x128xi32, #tpu.memory_space<hbm>>
      %dma_wait3A_128 = arith.constant 0 : i32
      %dma_wait3A_129 = arith.constant 0 : i32
      %dma_wait3A_130 = tpu.memref_slice %arg4[%add3A, %dma_wait3A_128, %dma_wait3A_129] : memref<32x116x128xi32, #tpu.memory_space<hbm>> -> memref<1x116x128xi32, #tpu.memory_space<hbm>>
      %dma_wait3A_131 = tpu.memref_squeeze %dma_wait3A_130 : memref<1x116x128xi32, #tpu.memory_space<hbm>> -> memref<116x128xi32, #tpu.memory_space<hbm>>
      tpu.wait_dma2 semaphore(%run_scoped3A : memref<!tpu.dma_semaphore, #tpu.memory_space<semaphore_mem>>) src(%dma_wait3A_131 : memref<116x128xi32, #tpu.memory_space<hbm>>) dst(%arg7 : memref<116x128xi32, #tpu.memory_space<vmem>>)
      tpu.yield
    }) : () -> ()
    %barrier3A = arith.constant 0 : index
    tpu.barrier barrier_id(%barrier3A)
    %eq3A = arith.constant 0 : i32
    %eq3A_27 = arith.cmpi eq, %arg0, %eq3A : i32
    %jit3A = arith.constant 29 : i32
    %jit3A_28 = arith.constant 11 : i32
    %select_n3A = arith.select %eq3A_27, %jit3A, %jit3A_28 : i32
    %dma_start3A = arith.constant 0 : i32
    %dma_start3A_29 = arith.constant 0 : i32
    %dma_start3A_30 = tpu.memref_slice %arg6[%dma_start3A, %dma_start3A_29] : memref<58x256xi32, #tpu.memory_space<vmem>> -> memref<1x256xi32, #tpu.memory_space<vmem>>
    %dma_start3A_31 = tpu.memref_squeeze %dma_start3A_30 : memref<1x256xi32, #tpu.memory_space<vmem>> -> memref<256xi32, #tpu.memory_space<vmem>>
    %dma_start3A_32 = arith.constant 0 : i32
    %dma_start3A_33 = arith.constant 0 : i32
    %dma_start3A_34 = tpu.memref_slice %arg2[%dma_start3A_32, %dma_start3A_33] : memref<10240x64xf32, #tpu.memory_space<hbm>> -> memref<10240x64xf32, #tpu.memory_space<hbm>>
    tpu.enqueue_indirect_dma source(%dma_start3A_34 : memref<10240x64xf32, #tpu.memory_space<hbm>>) target(%arg10 : memref<256x64xf32, #tpu.memory_space<vmem>>) offsets(%dma_start3A_31 : memref<256xi32, #tpu.memory_space<vmem>>) semaphore(%arg12 : memref<!tpu.dma_semaphore, #tpu.memory_space<semaphore_mem>>)
    %dma_start3A_35 = arith.constant 1 : i32
    %dma_start3A_36 = arith.constant 0 : i32
    %dma_start3A_37 = tpu.memref_slice %arg6[%dma_start3A_35, %dma_start3A_36] : memref<58x256xi32, #tpu.memory_space<vmem>> -> memref<1x256xi32, #tpu.memory_space<vmem>>
    %dma_start3A_38 = tpu.memref_squeeze %dma_start3A_37 : memref<1x256xi32, #tpu.memory_space<vmem>> -> memref<256xi32, #tpu.memory_space<vmem>>
    %dma_start3A_39 = arith.constant 0 : i32
    %dma_start3A_40 = arith.constant 0 : i32
    %dma_start3A_41 = tpu.memref_slice %arg2[%dma_start3A_39, %dma_start3A_40] : memref<10240x64xf32, #tpu.memory_space<hbm>> -> memref<10240x64xf32, #tpu.memory_space<hbm>>
    tpu.enqueue_indirect_dma source(%dma_start3A_41 : memref<10240x64xf32, #tpu.memory_space<hbm>>) target(%arg11 : memref<256x64xf32, #tpu.memory_space<vmem>>) offsets(%dma_start3A_38 : memref<256xi32, #tpu.memory_space<vmem>>) semaphore(%arg13 : memref<!tpu.dma_semaphore, #tpu.memory_space<semaphore_mem>>)
    %while3A = arith.constant 0 : i32
    %while3A_42 = arith.constant 0 : i32
    %while3A_43 = arith.subi %select_n3A, %while3A : i32
    %while3A_44 = arith.addi %while3A, %while3A_43 : i32
    %while3A_45 = arith.constant 1 : i32
    %while3A_46 = arith.divsi %while3A_43, %while3A_45 : i32
    %while3A_47 = arith.muli %while3A_46, %while3A_45 : i32
    %while3A_48 = arith.addi %while3A, %while3A_47 : i32
    %while3A_49 = arith.constant 1 : i32
    %while3A_50 = scf.for %while3A_116 = %while3A to %while3A_48 step %while3A_49 iter_args(%while3A_117 = %while3A_42) -> (i32)  : i32 {
      %mul3A_118 = arith.constant 2 : i32
      %mul3A_119 = arith.muli %while3A_116, %mul3A_118 : i32
      %add3A_120 = arith.constant 0 : i32
      %add3A_121 = arith.addi %mul3A_119, %add3A_120 : i32
      %dma_wait3A_122 = arith.constant 0 : i32
      %dma_wait3A_123 = tpu.memref_slice %arg6[%add3A_121, %dma_wait3A_122] : memref<58x256xi32, #tpu.memory_space<vmem>> -> memref<1x256xi32, #tpu.memory_space<vmem>>
      %dma_wait3A_124 = tpu.memref_squeeze %dma_wait3A_123 : memref<1x256xi32, #tpu.memory_space<vmem>> -> memref<256xi32, #tpu.memory_space<vmem>>
      %dma_wait3A_125 = arith.constant 0 : i32
      %dma_wait3A_126 = arith.constant 0 : i32
      %dma_wait3A_127 = tpu.memref_slice %arg2[%dma_wait3A_125, %dma_wait3A_126] : memref<10240x64xf32, #tpu.memory_space<hbm>> -> memref<10240x64xf32, #tpu.memory_space<hbm>>
      tpu.wait_indirect_dma semaphore(%arg12 : memref<!tpu.dma_semaphore, #tpu.memory_space<semaphore_mem>>) src(%dma_wait3A_127 : memref<10240x64xf32, #tpu.memory_space<hbm>>) dst(%arg10 : memref<256x64xf32, #tpu.memory_space<vmem>>)
      %add3A_128 = arith.constant 0 : i32
      %add3A_129 = arith.addi %mul3A_119, %add3A_128 : i32
      %mul3A_130 = arith.constant 2 : i32
      %mul3A_131 = arith.muli %mul3A_130, %add3A_129 : i32
      %dma_start3A_132 = arith.constant 0 : i32
      %dma_start3A_133 = arith.constant 0 : i32
      %dma_start3A_134 = tpu.memref_slice %arg10[%dma_start3A_132, %dma_start3A_133] : memref<256x64xf32, #tpu.memory_space<vmem>> -> memref<128x64xf32, #tpu.memory_space<vmem>>
      %dma_start3A_135 = arith.constant 0 : i32
      %dma_start3A_136 = tpu.memref_slice %arg7[%mul3A_131, %dma_start3A_135] : memref<116x128xi32, #tpu.memory_space<vmem>> -> memref<1x128xi32, #tpu.memory_space<vmem>>
      %dma_start3A_137 = tpu.memref_squeeze %dma_start3A_136 : memref<1x128xi32, #tpu.memory_space<vmem>> -> memref<128xi32, #tpu.memory_space<vmem>>
      %dma_start3A_138 = arith.constant 0 : i32
      %dma_start3A_139 = arith.constant 0 : i32
      %dma_start3A_140 = tpu.memref_slice %arg9[%dma_start3A_138, %dma_start3A_139] : memref<10240x64xf32, #tpu.memory_space<vmem_shared>> -> memref<10240x64xf32, #tpu.memory_space<vmem_shared>>
      tpu.enqueue_indirect_dma source(%dma_start3A_134 : memref<128x64xf32, #tpu.memory_space<vmem>>) target(%dma_start3A_140 : memref<10240x64xf32, #tpu.memory_space<vmem_shared>>) offsets(%dma_start3A_137 : memref<128xi32, #tpu.memory_space<vmem>>) semaphore(%arg14 : memref<!tpu.dma_semaphore, #tpu.memory_space<semaphore_mem>>) {add = true}
      %mul3A_141 = arith.constant 2 : i32
      %mul3A_142 = arith.muli %mul3A_141, %add3A_129 : i32
      %add3A_143 = arith.constant 1 : i32
      %add3A_144 = arith.addi %mul3A_142, %add3A_143 : i32
      %dma_start3A_145 = arith.constant 128 : i32
      %dma_start3A_146 = arith.constant 0 : i32
      %dma_start3A_147 = tpu.memref_slice %arg10[%dma_start3A_145, %dma_start3A_146] : memref<256x64xf32, #tpu.memory_space<vmem>> -> memref<128x64xf32, #tpu.memory_space<vmem>>
      %dma_start3A_148 = arith.constant 0 : i32
      %dma_start3A_149 = tpu.memref_slice %arg7[%add3A_144, %dma_start3A_148] : memref<116x128xi32, #tpu.memory_space<vmem>> -> memref<1x128xi32, #tpu.memory_space<vmem>>
      %dma_start3A_150 = tpu.memref_squeeze %dma_start3A_149 : memref<1x128xi32, #tpu.memory_space<vmem>> -> memref<128xi32, #tpu.memory_space<vmem>>
      %dma_start3A_151 = arith.constant 0 : i32
      %dma_start3A_152 = arith.constant 0 : i32
      %dma_start3A_153 = tpu.memref_slice %arg9[%dma_start3A_151, %dma_start3A_152] : memref<10240x64xf32, #tpu.memory_space<vmem_shared>> -> memref<10240x64xf32, #tpu.memory_space<vmem_shared>>
      tpu.enqueue_indirect_dma source(%dma_start3A_147 : memref<128x64xf32, #tpu.memory_space<vmem>>) target(%dma_start3A_153 : memref<10240x64xf32, #tpu.memory_space<vmem_shared>>) offsets(%dma_start3A_150 : memref<128xi32, #tpu.memory_space<vmem>>) semaphore(%arg14 : memref<!tpu.dma_semaphore, #tpu.memory_space<semaphore_mem>>) {add = true}
      %add3A_154 = arith.constant 1 : i32
      %add3A_155 = arith.addi %mul3A_119, %add3A_154 : i32
      %dma_wait3A_156 = arith.constant 0 : i32
      %dma_wait3A_157 = tpu.memref_slice %arg6[%add3A_155, %dma_wait3A_156] : memref<58x256xi32, #tpu.memory_space<vmem>> -> memref<1x256xi32, #tpu.memory_space<vmem>>
      %dma_wait3A_158 = tpu.memref_squeeze %dma_wait3A_157 : memref<1x256xi32, #tpu.memory_space<vmem>> -> memref<256xi32, #tpu.memory_space<vmem>>
      %dma_wait3A_159 = arith.constant 0 : i32
      %dma_wait3A_160 = arith.constant 0 : i32
      %dma_wait3A_161 = tpu.memref_slice %arg2[%dma_wait3A_159, %dma_wait3A_160] : memref<10240x64xf32, #tpu.memory_space<hbm>> -> memref<10240x64xf32, #tpu.memory_space<hbm>>
      tpu.wait_indirect_dma semaphore(%arg13 : memref<!tpu.dma_semaphore, #tpu.memory_space<semaphore_mem>>) src(%dma_wait3A_161 : memref<10240x64xf32, #tpu.memory_space<hbm>>) dst(%arg11 : memref<256x64xf32, #tpu.memory_space<vmem>>)
      %add3A_162 = arith.constant 1 : i32
      %add3A_163 = arith.addi %mul3A_119, %add3A_162 : i32
      %mul3A_164 = arith.constant 2 : i32
      %mul3A_165 = arith.muli %mul3A_164, %add3A_163 : i32
      %dma_start3A_166 = arith.constant 0 : i32
      %dma_start3A_167 = arith.constant 0 : i32
      %dma_start3A_168 = tpu.memref_slice %arg11[%dma_start3A_166, %dma_start3A_167] : memref<256x64xf32, #tpu.memory_space<vmem>> -> memref<128x64xf32, #tpu.memory_space<vmem>>
      %dma_start3A_169 = arith.constant 0 : i32
      %dma_start3A_170 = tpu.memref_slice %arg7[%mul3A_165, %dma_start3A_169] : memref<116x128xi32, #tpu.memory_space<vmem>> -> memref<1x128xi32, #tpu.memory_space<vmem>>
      %dma_start3A_171 = tpu.memref_squeeze %dma_start3A_170 : memref<1x128xi32, #tpu.memory_space<vmem>> -> memref<128xi32, #tpu.memory_space<vmem>>
      %dma_start3A_172 = arith.constant 0 : i32
      %dma_start3A_173 = arith.constant 0 : i32
      %dma_start3A_174 = tpu.memref_slice %arg9[%dma_start3A_172, %dma_start3A_173] : memref<10240x64xf32, #tpu.memory_space<vmem_shared>> -> memref<10240x64xf32, #tpu.memory_space<vmem_shared>>
      tpu.enqueue_indirect_dma source(%dma_start3A_168 : memref<128x64xf32, #tpu.memory_space<vmem>>) target(%dma_start3A_174 : memref<10240x64xf32, #tpu.memory_space<vmem_shared>>) offsets(%dma_start3A_171 : memref<128xi32, #tpu.memory_space<vmem>>) semaphore(%arg15 : memref<!tpu.dma_semaphore, #tpu.memory_space<semaphore_mem>>) {add = true}
      %mul3A_175 = arith.constant 2 : i32
      %mul3A_176 = arith.muli %mul3A_175, %add3A_163 : i32
      %add3A_177 = arith.constant 1 : i32
      %add3A_178 = arith.addi %mul3A_176, %add3A_177 : i32
      %dma_start3A_179 = arith.constant 128 : i32
      %dma_start3A_180 = arith.constant 0 : i32
      %dma_start3A_181 = tpu.memref_slice %arg11[%dma_start3A_179, %dma_start3A_180] : memref<256x64xf32, #tpu.memory_space<vmem>> -> memref<128x64xf32, #tpu.memory_space<vmem>>
      %dma_start3A_182 = arith.constant 0 : i32
      %dma_start3A_183 = tpu.memref_slice %arg7[%add3A_178, %dma_start3A_182] : memref<116x128xi32, #tpu.memory_space<vmem>> -> memref<1x128xi32, #tpu.memory_space<vmem>>
      %dma_start3A_184 = tpu.memref_squeeze %dma_start3A_183 : memref<1x128xi32, #tpu.memory_space<vmem>> -> memref<128xi32, #tpu.memory_space<vmem>>
      %dma_start3A_185 = arith.constant 0 : i32
      %dma_start3A_186 = arith.constant 0 : i32
      %dma_start3A_187 = tpu.memref_slice %arg9[%dma_start3A_185, %dma_start3A_186] : memref<10240x64xf32, #tpu.memory_space<vmem_shared>> -> memref<10240x64xf32, #tpu.memory_space<vmem_shared>>
      tpu.enqueue_indirect_dma source(%dma_start3A_181 : memref<128x64xf32, #tpu.memory_space<vmem>>) target(%dma_start3A_187 : memref<10240x64xf32, #tpu.memory_space<vmem_shared>>) offsets(%dma_start3A_184 : memref<128xi32, #tpu.memory_space<vmem>>) semaphore(%arg15 : memref<!tpu.dma_semaphore, #tpu.memory_space<semaphore_mem>>) {add = true}
      %sub3A_188 = arith.constant 1 : i32
      %sub3A_189 = arith.subi %select_n3A, %sub3A_188 : i32
      %lt3A = arith.cmpi slt, %while3A_116, %sub3A_189 : i32
      %convert_element_type3A = arith.extui %lt3A : i1 to i32
      %cond3A = arith.constant 0 : i32
      %cond3A_190 = arith.cmpi ne, %convert_element_type3A, %cond3A : i32
      scf.if %cond3A_190 {
        %add3A_198 = arith.constant 0 : i32
        %add3A_199 = arith.addi %mul3A_119, %add3A_198 : i32
        %mul3A_200 = arith.constant 2 : i32
        %mul3A_201 = arith.muli %mul3A_200, %add3A_199 : i32
        %dma_wait3A_202 = arith.constant 0 : i32
        %dma_wait3A_203 = arith.constant 0 : i32
        %dma_wait3A_204 = tpu.memref_slice %arg10[%dma_wait3A_202, %dma_wait3A_203] : memref<256x64xf32, #tpu.memory_space<vmem>> -> memref<128x64xf32, #tpu.memory_space<vmem>>
        %dma_wait3A_205 = arith.constant 0 : i32
        %dma_wait3A_206 = tpu.memref_slice %arg7[%mul3A_201, %dma_wait3A_205] : memref<116x128xi32, #tpu.memory_space<vmem>> -> memref<1x128xi32, #tpu.memory_space<vmem>>
        %dma_wait3A_207 = tpu.memref_squeeze %dma_wait3A_206 : memref<1x128xi32, #tpu.memory_space<vmem>> -> memref<128xi32, #tpu.memory_space<vmem>>
        %dma_wait3A_208 = arith.constant 0 : i32
        %dma_wait3A_209 = arith.constant 0 : i32
        %dma_wait3A_210 = tpu.memref_slice %arg9[%dma_wait3A_208, %dma_wait3A_209] : memref<10240x64xf32, #tpu.memory_space<vmem_shared>> -> memref<10240x64xf32, #tpu.memory_space<vmem_shared>>
        tpu.wait_indirect_dma semaphore(%arg14 : memref<!tpu.dma_semaphore, #tpu.memory_space<semaphore_mem>>) src(%dma_wait3A_204 : memref<128x64xf32, #tpu.memory_space<vmem>>) dst(%dma_wait3A_210 : memref<10240x64xf32, #tpu.memory_space<vmem_shared>>)
        %mul3A_211 = arith.constant 2 : i32
        %mul3A_212 = arith.muli %mul3A_211, %add3A_199 : i32
        %add3A_213 = arith.constant 1 : i32
        %add3A_214 = arith.addi %mul3A_212, %add3A_213 : i32
        %dma_wait3A_215 = arith.constant 128 : i32
        %dma_wait3A_216 = arith.constant 0 : i32
        %dma_wait3A_217 = tpu.memref_slice %arg10[%dma_wait3A_215, %dma_wait3A_216] : memref<256x64xf32, #tpu.memory_space<vmem>> -> memref<128x64xf32, #tpu.memory_space<vmem>>
        %dma_wait3A_218 = arith.constant 0 : i32
        %dma_wait3A_219 = tpu.memref_slice %arg7[%add3A_214, %dma_wait3A_218] : memref<116x128xi32, #tpu.memory_space<vmem>> -> memref<1x128xi32, #tpu.memory_space<vmem>>
        %dma_wait3A_220 = tpu.memref_squeeze %dma_wait3A_219 : memref<1x128xi32, #tpu.memory_space<vmem>> -> memref<128xi32, #tpu.memory_space<vmem>>
        %dma_wait3A_221 = arith.constant 0 : i32
        %dma_wait3A_222 = arith.constant 0 : i32
        %dma_wait3A_223 = tpu.memref_slice %arg9[%dma_wait3A_221, %dma_wait3A_222] : memref<10240x64xf32, #tpu.memory_space<vmem_shared>> -> memref<10240x64xf32, #tpu.memory_space<vmem_shared>>
        tpu.wait_indirect_dma semaphore(%arg14 : memref<!tpu.dma_semaphore, #tpu.memory_space<semaphore_mem>>) src(%dma_wait3A_217 : memref<128x64xf32, #tpu.memory_space<vmem>>) dst(%dma_wait3A_223 : memref<10240x64xf32, #tpu.memory_space<vmem_shared>>)
        %add3A_224 = arith.constant 2 : i32
        %add3A_225 = arith.addi %mul3A_119, %add3A_224 : i32
        %add3A_226 = arith.constant 0 : i32
        %add3A_227 = arith.addi %add3A_225, %add3A_226 : i32
        %dma_start3A_228 = arith.constant 0 : i32
        %dma_start3A_229 = tpu.memref_slice %arg6[%add3A_227, %dma_start3A_228] : memref<58x256xi32, #tpu.memory_space<vmem>> -> memref<1x256xi32, #tpu.memory_space<vmem>>
        %dma_start3A_230 = tpu.memref_squeeze %dma_start3A_229 : memref<1x256xi32, #tpu.memory_space<vmem>> -> memref<256xi32, #tpu.memory_space<vmem>>
        %dma_start3A_231 = arith.constant 0 : i32
        %dma_start3A_232 = arith.constant 0 : i32
        %dma_start3A_233 = tpu.memref_slice %arg2[%dma_start3A_231, %dma_start3A_232] : memref<10240x64xf32, #tpu.memory_space<hbm>> -> memref<10240x64xf32, #tpu.memory_space<hbm>>
        tpu.enqueue_indirect_dma source(%dma_start3A_233 : memref<10240x64xf32, #tpu.memory_space<hbm>>) target(%arg10 : memref<256x64xf32, #tpu.memory_space<vmem>>) offsets(%dma_start3A_230 : memref<256xi32, #tpu.memory_space<vmem>>) semaphore(%arg12 : memref<!tpu.dma_semaphore, #tpu.memory_space<semaphore_mem>>)
      } else {
      }
      %sub3A_191 = arith.constant 1 : i32
      %sub3A_192 = arith.subi %select_n3A, %sub3A_191 : i32
      %lt3A_193 = arith.cmpi slt, %while3A_116, %sub3A_192 : i32
      %convert_element_type3A_194 = arith.extui %lt3A_193 : i1 to i32
      %cond3A_195 = arith.constant 0 : i32
      %cond3A_196 = arith.cmpi ne, %convert_element_type3A_194, %cond3A_195 : i32
      scf.if %cond3A_196 {
        %add3A_198 = arith.constant 1 : i32
        %add3A_199 = arith.addi %mul3A_119, %add3A_198 : i32
        %mul3A_200 = arith.constant 2 : i32
        %mul3A_201 = arith.muli %mul3A_200, %add3A_199 : i32
        %dma_wait3A_202 = arith.constant 0 : i32
        %dma_wait3A_203 = arith.constant 0 : i32
        %dma_wait3A_204 = tpu.memref_slice %arg11[%dma_wait3A_202, %dma_wait3A_203] : memref<256x64xf32, #tpu.memory_space<vmem>> -> memref<128x64xf32, #tpu.memory_space<vmem>>
        %dma_wait3A_205 = arith.constant 0 : i32
        %dma_wait3A_206 = tpu.memref_slice %arg7[%mul3A_201, %dma_wait3A_205] : memref<116x128xi32, #tpu.memory_space<vmem>> -> memref<1x128xi32, #tpu.memory_space<vmem>>
        %dma_wait3A_207 = tpu.memref_squeeze %dma_wait3A_206 : memref<1x128xi32, #tpu.memory_space<vmem>> -> memref<128xi32, #tpu.memory_space<vmem>>
        %dma_wait3A_208 = arith.constant 0 : i32
        %dma_wait3A_209 = arith.constant 0 : i32
        %dma_wait3A_210 = tpu.memref_slice %arg9[%dma_wait3A_208, %dma_wait3A_209] : memref<10240x64xf32, #tpu.memory_space<vmem_shared>> -> memref<10240x64xf32, #tpu.memory_space<vmem_shared>>
        tpu.wait_indirect_dma semaphore(%arg15 : memref<!tpu.dma_semaphore, #tpu.memory_space<semaphore_mem>>) src(%dma_wait3A_204 : memref<128x64xf32, #tpu.memory_space<vmem>>) dst(%dma_wait3A_210 : memref<10240x64xf32, #tpu.memory_space<vmem_shared>>)
        %mul3A_211 = arith.constant 2 : i32
        %mul3A_212 = arith.muli %mul3A_211, %add3A_199 : i32
        %add3A_213 = arith.constant 1 : i32
        %add3A_214 = arith.addi %mul3A_212, %add3A_213 : i32
        %dma_wait3A_215 = arith.constant 128 : i32
        %dma_wait3A_216 = arith.constant 0 : i32
        %dma_wait3A_217 = tpu.memref_slice %arg11[%dma_wait3A_215, %dma_wait3A_216] : memref<256x64xf32, #tpu.memory_space<vmem>> -> memref<128x64xf32, #tpu.memory_space<vmem>>
        %dma_wait3A_218 = arith.constant 0 : i32
        %dma_wait3A_219 = tpu.memref_slice %arg7[%add3A_214, %dma_wait3A_218] : memref<116x128xi32, #tpu.memory_space<vmem>> -> memref<1x128xi32, #tpu.memory_space<vmem>>
        %dma_wait3A_220 = tpu.memref_squeeze %dma_wait3A_219 : memref<1x128xi32, #tpu.memory_space<vmem>> -> memref<128xi32, #tpu.memory_space<vmem>>
        %dma_wait3A_221 = arith.constant 0 : i32
        %dma_wait3A_222 = arith.constant 0 : i32
        %dma_wait3A_223 = tpu.memref_slice %arg9[%dma_wait3A_221, %dma_wait3A_222] : memref<10240x64xf32, #tpu.memory_space<vmem_shared>> -> memref<10240x64xf32, #tpu.memory_space<vmem_shared>>
        tpu.wait_indirect_dma semaphore(%arg15 : memref<!tpu.dma_semaphore, #tpu.memory_space<semaphore_mem>>) src(%dma_wait3A_217 : memref<128x64xf32, #tpu.memory_space<vmem>>) dst(%dma_wait3A_223 : memref<10240x64xf32, #tpu.memory_space<vmem_shared>>)
        %add3A_224 = arith.constant 2 : i32
        %add3A_225 = arith.addi %mul3A_119, %add3A_224 : i32
        %add3A_226 = arith.constant 1 : i32
        %add3A_227 = arith.addi %add3A_225, %add3A_226 : i32
        %dma_start3A_228 = arith.constant 0 : i32
        %dma_start3A_229 = tpu.memref_slice %arg6[%add3A_227, %dma_start3A_228] : memref<58x256xi32, #tpu.memory_space<vmem>> -> memref<1x256xi32, #tpu.memory_space<vmem>>
        %dma_start3A_230 = tpu.memref_squeeze %dma_start3A_229 : memref<1x256xi32, #tpu.memory_space<vmem>> -> memref<256xi32, #tpu.memory_space<vmem>>
        %dma_start3A_231 = arith.constant 0 : i32
        %dma_start3A_232 = arith.constant 0 : i32
        %dma_start3A_233 = tpu.memref_slice %arg2[%dma_start3A_231, %dma_start3A_232] : memref<10240x64xf32, #tpu.memory_space<hbm>> -> memref<10240x64xf32, #tpu.memory_space<hbm>>
        tpu.enqueue_indirect_dma source(%dma_start3A_233 : memref<10240x64xf32, #tpu.memory_space<hbm>>) target(%arg11 : memref<256x64xf32, #tpu.memory_space<vmem>>) offsets(%dma_start3A_230 : memref<256xi32, #tpu.memory_space<vmem>>) semaphore(%arg13 : memref<!tpu.dma_semaphore, #tpu.memory_space<semaphore_mem>>)
      } else {
      }
      %while3A_197 = arith.constant 0 : i32
      scf.yield %while3A_197 : i32
    }
    %while3A_51 = arith.constant 1 : i32
    %while3A_52 = scf.for %while3A_116 = %while3A_48 to %while3A_44 step %while3A_51 iter_args(%while3A_117 = %while3A_50) -> (i32)  : i32 {
      %mul3A_118 = arith.constant 2 : i32
      %mul3A_119 = arith.muli %while3A_116, %mul3A_118 : i32
      %add3A_120 = arith.constant 0 : i32
      %add3A_121 = arith.addi %mul3A_119, %add3A_120 : i32
      %dma_wait3A_122 = arith.constant 0 : i32
      %dma_wait3A_123 = tpu.memref_slice %arg6[%add3A_121, %dma_wait3A_122] : memref<58x256xi32, #tpu.memory_space<vmem>> -> memref<1x256xi32, #tpu.memory_space<vmem>>
      %dma_wait3A_124 = tpu.memref_squeeze %dma_wait3A_123 : memref<1x256xi32, #tpu.memory_space<vmem>> -> memref<256xi32, #tpu.memory_space<vmem>>
      %dma_wait3A_125 = arith.constant 0 : i32
      %dma_wait3A_126 = arith.constant 0 : i32
      %dma_wait3A_127 = tpu.memref_slice %arg2[%dma_wait3A_125, %dma_wait3A_126] : memref<10240x64xf32, #tpu.memory_space<hbm>> -> memref<10240x64xf32, #tpu.memory_space<hbm>>
      tpu.wait_indirect_dma semaphore(%arg12 : memref<!tpu.dma_semaphore, #tpu.memory_space<semaphore_mem>>) src(%dma_wait3A_127 : memref<10240x64xf32, #tpu.memory_space<hbm>>) dst(%arg10 : memref<256x64xf32, #tpu.memory_space<vmem>>)
      %add3A_128 = arith.constant 0 : i32
      %add3A_129 = arith.addi %mul3A_119, %add3A_128 : i32
      %mul3A_130 = arith.constant 2 : i32
      %mul3A_131 = arith.muli %mul3A_130, %add3A_129 : i32
      %dma_start3A_132 = arith.constant 0 : i32
      %dma_start3A_133 = arith.constant 0 : i32
      %dma_start3A_134 = tpu.memref_slice %arg10[%dma_start3A_132, %dma_start3A_133] : memref<256x64xf32, #tpu.memory_space<vmem>> -> memref<128x64xf32, #tpu.memory_space<vmem>>
      %dma_start3A_135 = arith.constant 0 : i32
      %dma_start3A_136 = tpu.memref_slice %arg7[%mul3A_131, %dma_start3A_135] : memref<116x128xi32, #tpu.memory_space<vmem>> -> memref<1x128xi32, #tpu.memory_space<vmem>>
      %dma_start3A_137 = tpu.memref_squeeze %dma_start3A_136 : memref<1x128xi32, #tpu.memory_space<vmem>> -> memref<128xi32, #tpu.memory_space<vmem>>
      %dma_start3A_138 = arith.constant 0 : i32
      %dma_start3A_139 = arith.constant 0 : i32
      %dma_start3A_140 = tpu.memref_slice %arg9[%dma_start3A_138, %dma_start3A_139] : memref<10240x64xf32, #tpu.memory_space<vmem_shared>> -> memref<10240x64xf32, #tpu.memory_space<vmem_shared>>
      tpu.enqueue_indirect_dma source(%dma_start3A_134 : memref<128x64xf32, #tpu.memory_space<vmem>>) target(%dma_start3A_140 : memref<10240x64xf32, #tpu.memory_space<vmem_shared>>) offsets(%dma_start3A_137 : memref<128xi32, #tpu.memory_space<vmem>>) semaphore(%arg14 : memref<!tpu.dma_semaphore, #tpu.memory_space<semaphore_mem>>) {add = true}
      %mul3A_141 = arith.constant 2 : i32
      %mul3A_142 = arith.muli %mul3A_141, %add3A_129 : i32
      %add3A_143 = arith.constant 1 : i32
      %add3A_144 = arith.addi %mul3A_142, %add3A_143 : i32
      %dma_start3A_145 = arith.constant 128 : i32
      %dma_start3A_146 = arith.constant 0 : i32
      %dma_start3A_147 = tpu.memref_slice %arg10[%dma_start3A_145, %dma_start3A_146] : memref<256x64xf32, #tpu.memory_space<vmem>> -> memref<128x64xf32, #tpu.memory_space<vmem>>
      %dma_start3A_148 = arith.constant 0 : i32
      %dma_start3A_149 = tpu.memref_slice %arg7[%add3A_144, %dma_start3A_148] : memref<116x128xi32, #tpu.memory_space<vmem>> -> memref<1x128xi32, #tpu.memory_space<vmem>>
      %dma_start3A_150 = tpu.memref_squeeze %dma_start3A_149 : memref<1x128xi32, #tpu.memory_space<vmem>> -> memref<128xi32, #tpu.memory_space<vmem>>
      %dma_start3A_151 = arith.constant 0 : i32
      %dma_start3A_152 = arith.constant 0 : i32
      %dma_start3A_153 = tpu.memref_slice %arg9[%dma_start3A_151, %dma_start3A_152] : memref<10240x64xf32, #tpu.memory_space<vmem_shared>> -> memref<10240x64xf32, #tpu.memory_space<vmem_shared>>
      tpu.enqueue_indirect_dma source(%dma_start3A_147 : memref<128x64xf32, #tpu.memory_space<vmem>>) target(%dma_start3A_153 : memref<10240x64xf32, #tpu.memory_space<vmem_shared>>) offsets(%dma_start3A_150 : memref<128xi32, #tpu.memory_space<vmem>>) semaphore(%arg14 : memref<!tpu.dma_semaphore, #tpu.memory_space<semaphore_mem>>) {add = true}
      %add3A_154 = arith.constant 1 : i32
      %add3A_155 = arith.addi %mul3A_119, %add3A_154 : i32
      %dma_wait3A_156 = arith.constant 0 : i32
      %dma_wait3A_157 = tpu.memref_slice %arg6[%add3A_155, %dma_wait3A_156] : memref<58x256xi32, #tpu.memory_space<vmem>> -> memref<1x256xi32, #tpu.memory_space<vmem>>
      %dma_wait3A_158 = tpu.memref_squeeze %dma_wait3A_157 : memref<1x256xi32, #tpu.memory_space<vmem>> -> memref<256xi32, #tpu.memory_space<vmem>>
      %dma_wait3A_159 = arith.constant 0 : i32
      %dma_wait3A_160 = arith.constant 0 : i32
      %dma_wait3A_161 = tpu.memref_slice %arg2[%dma_wait3A_159, %dma_wait3A_160] : memref<10240x64xf32, #tpu.memory_space<hbm>> -> memref<10240x64xf32, #tpu.memory_space<hbm>>
      tpu.wait_indirect_dma semaphore(%arg13 : memref<!tpu.dma_semaphore, #tpu.memory_space<semaphore_mem>>) src(%dma_wait3A_161 : memref<10240x64xf32, #tpu.memory_space<hbm>>) dst(%arg11 : memref<256x64xf32, #tpu.memory_space<vmem>>)
      %add3A_162 = arith.constant 1 : i32
      %add3A_163 = arith.addi %mul3A_119, %add3A_162 : i32
      %mul3A_164 = arith.constant 2 : i32
      %mul3A_165 = arith.muli %mul3A_164, %add3A_163 : i32
      %dma_start3A_166 = arith.constant 0 : i32
      %dma_start3A_167 = arith.constant 0 : i32
      %dma_start3A_168 = tpu.memref_slice %arg11[%dma_start3A_166, %dma_start3A_167] : memref<256x64xf32, #tpu.memory_space<vmem>> -> memref<128x64xf32, #tpu.memory_space<vmem>>
      %dma_start3A_169 = arith.constant 0 : i32
      %dma_start3A_170 = tpu.memref_slice %arg7[%mul3A_165, %dma_start3A_169] : memref<116x128xi32, #tpu.memory_space<vmem>> -> memref<1x128xi32, #tpu.memory_space<vmem>>
      %dma_start3A_171 = tpu.memref_squeeze %dma_start3A_170 : memref<1x128xi32, #tpu.memory_space<vmem>> -> memref<128xi32, #tpu.memory_space<vmem>>
      %dma_start3A_172 = arith.constant 0 : i32
      %dma_start3A_173 = arith.constant 0 : i32
      %dma_start3A_174 = tpu.memref_slice %arg9[%dma_start3A_172, %dma_start3A_173] : memref<10240x64xf32, #tpu.memory_space<vmem_shared>> -> memref<10240x64xf32, #tpu.memory_space<vmem_shared>>
      tpu.enqueue_indirect_dma source(%dma_start3A_168 : memref<128x64xf32, #tpu.memory_space<vmem>>) target(%dma_start3A_174 : memref<10240x64xf32, #tpu.memory_space<vmem_shared>>) offsets(%dma_start3A_171 : memref<128xi32, #tpu.memory_space<vmem>>) semaphore(%arg15 : memref<!tpu.dma_semaphore, #tpu.memory_space<semaphore_mem>>) {add = true}
      %mul3A_175 = arith.constant 2 : i32
      %mul3A_176 = arith.muli %mul3A_175, %add3A_163 : i32
      %add3A_177 = arith.constant 1 : i32
      %add3A_178 = arith.addi %mul3A_176, %add3A_177 : i32
      %dma_start3A_179 = arith.constant 128 : i32
      %dma_start3A_180 = arith.constant 0 : i32
      %dma_start3A_181 = tpu.memref_slice %arg11[%dma_start3A_179, %dma_start3A_180] : memref<256x64xf32, #tpu.memory_space<vmem>> -> memref<128x64xf32, #tpu.memory_space<vmem>>
      %dma_start3A_182 = arith.constant 0 : i32
      %dma_start3A_183 = tpu.memref_slice %arg7[%add3A_178, %dma_start3A_182] : memref<116x128xi32, #tpu.memory_space<vmem>> -> memref<1x128xi32, #tpu.memory_space<vmem>>
      %dma_start3A_184 = tpu.memref_squeeze %dma_start3A_183 : memref<1x128xi32, #tpu.memory_space<vmem>> -> memref<128xi32, #tpu.memory_space<vmem>>
      %dma_start3A_185 = arith.constant 0 : i32
      %dma_start3A_186 = arith.constant 0 : i32
      %dma_start3A_187 = tpu.memref_slice %arg9[%dma_start3A_185, %dma_start3A_186] : memref<10240x64xf32, #tpu.memory_space<vmem_shared>> -> memref<10240x64xf32, #tpu.memory_space<vmem_shared>>
      tpu.enqueue_indirect_dma source(%dma_start3A_181 : memref<128x64xf32, #tpu.memory_space<vmem>>) target(%dma_start3A_187 : memref<10240x64xf32, #tpu.memory_space<vmem_shared>>) offsets(%dma_start3A_184 : memref<128xi32, #tpu.memory_space<vmem>>) semaphore(%arg15 : memref<!tpu.dma_semaphore, #tpu.memory_space<semaphore_mem>>) {add = true}
      %sub3A_188 = arith.constant 1 : i32
      %sub3A_189 = arith.subi %select_n3A, %sub3A_188 : i32
      %lt3A = arith.cmpi slt, %while3A_116, %sub3A_189 : i32
      %convert_element_type3A = arith.extui %lt3A : i1 to i32
      %cond3A = arith.constant 0 : i32
      %cond3A_190 = arith.cmpi ne, %convert_element_type3A, %cond3A : i32
      scf.if %cond3A_190 {
        %add3A_198 = arith.constant 0 : i32
        %add3A_199 = arith.addi %mul3A_119, %add3A_198 : i32
        %mul3A_200 = arith.constant 2 : i32
        %mul3A_201 = arith.muli %mul3A_200, %add3A_199 : i32
        %dma_wait3A_202 = arith.constant 0 : i32
        %dma_wait3A_203 = arith.constant 0 : i32
        %dma_wait3A_204 = tpu.memref_slice %arg10[%dma_wait3A_202, %dma_wait3A_203] : memref<256x64xf32, #tpu.memory_space<vmem>> -> memref<128x64xf32, #tpu.memory_space<vmem>>
        %dma_wait3A_205 = arith.constant 0 : i32
        %dma_wait3A_206 = tpu.memref_slice %arg7[%mul3A_201, %dma_wait3A_205] : memref<116x128xi32, #tpu.memory_space<vmem>> -> memref<1x128xi32, #tpu.memory_space<vmem>>
        %dma_wait3A_207 = tpu.memref_squeeze %dma_wait3A_206 : memref<1x128xi32, #tpu.memory_space<vmem>> -> memref<128xi32, #tpu.memory_space<vmem>>
        %dma_wait3A_208 = arith.constant 0 : i32
        %dma_wait3A_209 = arith.constant 0 : i32
        %dma_wait3A_210 = tpu.memref_slice %arg9[%dma_wait3A_208, %dma_wait3A_209] : memref<10240x64xf32, #tpu.memory_space<vmem_shared>> -> memref<10240x64xf32, #tpu.memory_space<vmem_shared>>
        tpu.wait_indirect_dma semaphore(%arg14 : memref<!tpu.dma_semaphore, #tpu.memory_space<semaphore_mem>>) src(%dma_wait3A_204 : memref<128x64xf32, #tpu.memory_space<vmem>>) dst(%dma_wait3A_210 : memref<10240x64xf32, #tpu.memory_space<vmem_shared>>)
        %mul3A_211 = arith.constant 2 : i32
        %mul3A_212 = arith.muli %mul3A_211, %add3A_199 : i32
        %add3A_213 = arith.constant 1 : i32
        %add3A_214 = arith.addi %mul3A_212, %add3A_213 : i32
        %dma_wait3A_215 = arith.constant 128 : i32
        %dma_wait3A_216 = arith.constant 0 : i32
        %dma_wait3A_217 = tpu.memref_slice %arg10[%dma_wait3A_215, %dma_wait3A_216] : memref<256x64xf32, #tpu.memory_space<vmem>> -> memref<128x64xf32, #tpu.memory_space<vmem>>
        %dma_wait3A_218 = arith.constant 0 : i32
        %dma_wait3A_219 = tpu.memref_slice %arg7[%add3A_214, %dma_wait3A_218] : memref<116x128xi32, #tpu.memory_space<vmem>> -> memref<1x128xi32, #tpu.memory_space<vmem>>
        %dma_wait3A_220 = tpu.memref_squeeze %dma_wait3A_219 : memref<1x128xi32, #tpu.memory_space<vmem>> -> memref<128xi32, #tpu.memory_space<vmem>>
        %dma_wait3A_221 = arith.constant 0 : i32
        %dma_wait3A_222 = arith.constant 0 : i32
        %dma_wait3A_223 = tpu.memref_slice %arg9[%dma_wait3A_221, %dma_wait3A_222] : memref<10240x64xf32, #tpu.memory_space<vmem_shared>> -> memref<10240x64xf32, #tpu.memory_space<vmem_shared>>
        tpu.wait_indirect_dma semaphore(%arg14 : memref<!tpu.dma_semaphore, #tpu.memory_space<semaphore_mem>>) src(%dma_wait3A_217 : memref<128x64xf32, #tpu.memory_space<vmem>>) dst(%dma_wait3A_223 : memref<10240x64xf32, #tpu.memory_space<vmem_shared>>)
        %add3A_224 = arith.constant 2 : i32
        %add3A_225 = arith.addi %mul3A_119, %add3A_224 : i32
        %add3A_226 = arith.constant 0 : i32
        %add3A_227 = arith.addi %add3A_225, %add3A_226 : i32
        %dma_start3A_228 = arith.constant 0 : i32
        %dma_start3A_229 = tpu.memref_slice %arg6[%add3A_227, %dma_start3A_228] : memref<58x256xi32, #tpu.memory_space<vmem>> -> memref<1x256xi32, #tpu.memory_space<vmem>>
        %dma_start3A_230 = tpu.memref_squeeze %dma_start3A_229 : memref<1x256xi32, #tpu.memory_space<vmem>> -> memref<256xi32, #tpu.memory_space<vmem>>
        %dma_start3A_231 = arith.constant 0 : i32
        %dma_start3A_232 = arith.constant 0 : i32
        %dma_start3A_233 = tpu.memref_slice %arg2[%dma_start3A_231, %dma_start3A_232] : memref<10240x64xf32, #tpu.memory_space<hbm>> -> memref<10240x64xf32, #tpu.memory_space<hbm>>
        tpu.enqueue_indirect_dma source(%dma_start3A_233 : memref<10240x64xf32, #tpu.memory_space<hbm>>) target(%arg10 : memref<256x64xf32, #tpu.memory_space<vmem>>) offsets(%dma_start3A_230 : memref<256xi32, #tpu.memory_space<vmem>>) semaphore(%arg12 : memref<!tpu.dma_semaphore, #tpu.memory_space<semaphore_mem>>)
      } else {
      }
      %sub3A_191 = arith.constant 1 : i32
      %sub3A_192 = arith.subi %select_n3A, %sub3A_191 : i32
      %lt3A_193 = arith.cmpi slt, %while3A_116, %sub3A_192 : i32
      %convert_element_type3A_194 = arith.extui %lt3A_193 : i1 to i32
      %cond3A_195 = arith.constant 0 : i32
      %cond3A_196 = arith.cmpi ne, %convert_element_type3A_194, %cond3A_195 : i32
      scf.if %cond3A_196 {
        %add3A_198 = arith.constant 1 : i32
        %add3A_199 = arith.addi %mul3A_119, %add3A_198 : i32
        %mul3A_200 = arith.constant 2 : i32
        %mul3A_201 = arith.muli %mul3A_200, %add3A_199 : i32
        %dma_wait3A_202 = arith.constant 0 : i32
        %dma_wait3A_203 = arith.constant 0 : i32
        %dma_wait3A_204 = tpu.memref_slice %arg11[%dma_wait3A_202, %dma_wait3A_203] : memref<256x64xf32, #tpu.memory_space<vmem>> -> memref<128x64xf32, #tpu.memory_space<vmem>>
        %dma_wait3A_205 = arith.constant 0 : i32
        %dma_wait3A_206 = tpu.memref_slice %arg7[%mul3A_201, %dma_wait3A_205] : memref<116x128xi32, #tpu.memory_space<vmem>> -> memref<1x128xi32, #tpu.memory_space<vmem>>
        %dma_wait3A_207 = tpu.memref_squeeze %dma_wait3A_206 : memref<1x128xi32, #tpu.memory_space<vmem>> -> memref<128xi32, #tpu.memory_space<vmem>>
        %dma_wait3A_208 = arith.constant 0 : i32
        %dma_wait3A_209 = arith.constant 0 : i32
        %dma_wait3A_210 = tpu.memref_slice %arg9[%dma_wait3A_208, %dma_wait3A_209] : memref<10240x64xf32, #tpu.memory_space<vmem_shared>> -> memref<10240x64xf32, #tpu.memory_space<vmem_shared>>
        tpu.wait_indirect_dma semaphore(%arg15 : memref<!tpu.dma_semaphore, #tpu.memory_space<semaphore_mem>>) src(%dma_wait3A_204 : memref<128x64xf32, #tpu.memory_space<vmem>>) dst(%dma_wait3A_210 : memref<10240x64xf32, #tpu.memory_space<vmem_shared>>)
        %mul3A_211 = arith.constant 2 : i32
        %mul3A_212 = arith.muli %mul3A_211, %add3A_199 : i32
        %add3A_213 = arith.constant 1 : i32
        %add3A_214 = arith.addi %mul3A_212, %add3A_213 : i32
        %dma_wait3A_215 = arith.constant 128 : i32
        %dma_wait3A_216 = arith.constant 0 : i32
        %dma_wait3A_217 = tpu.memref_slice %arg11[%dma_wait3A_215, %dma_wait3A_216] : memref<256x64xf32, #tpu.memory_space<vmem>> -> memref<128x64xf32, #tpu.memory_space<vmem>>
        %dma_wait3A_218 = arith.constant 0 : i32
        %dma_wait3A_219 = tpu.memref_slice %arg7[%add3A_214, %dma_wait3A_218] : memref<116x128xi32, #tpu.memory_space<vmem>> -> memref<1x128xi32, #tpu.memory_space<vmem>>
        %dma_wait3A_220 = tpu.memref_squeeze %dma_wait3A_219 : memref<1x128xi32, #tpu.memory_space<vmem>> -> memref<128xi32, #tpu.memory_space<vmem>>
        %dma_wait3A_221 = arith.constant 0 : i32
        %dma_wait3A_222 = arith.constant 0 : i32
        %dma_wait3A_223 = tpu.memref_slice %arg9[%dma_wait3A_221, %dma_wait3A_222] : memref<10240x64xf32, #tpu.memory_space<vmem_shared>> -> memref<10240x64xf32, #tpu.memory_space<vmem_shared>>
        tpu.wait_indirect_dma semaphore(%arg15 : memref<!tpu.dma_semaphore, #tpu.memory_space<semaphore_mem>>) src(%dma_wait3A_217 : memref<128x64xf32, #tpu.memory_space<vmem>>) dst(%dma_wait3A_223 : memref<10240x64xf32, #tpu.memory_space<vmem_shared>>)
        %add3A_224 = arith.constant 2 : i32
        %add3A_225 = arith.addi %mul3A_119, %add3A_224 : i32
        %add3A_226 = arith.constant 1 : i32
        %add3A_227 = arith.addi %add3A_225, %add3A_226 : i32
        %dma_start3A_228 = arith.constant 0 : i32
        %dma_start3A_229 = tpu.memref_slice %arg6[%add3A_227, %dma_start3A_228] : memref<58x256xi32, #tpu.memory_space<vmem>> -> memref<1x256xi32, #tpu.memory_space<vmem>>
        %dma_start3A_230 = tpu.memref_squeeze %dma_start3A_229 : memref<1x256xi32, #tpu.memory_space<vmem>> -> memref<256xi32, #tpu.memory_space<vmem>>
        %dma_start3A_231 = arith.constant 0 : i32
        %dma_start3A_232 = arith.constant 0 : i32
        %dma_start3A_233 = tpu.memref_slice %arg2[%dma_start3A_231, %dma_start3A_232] : memref<10240x64xf32, #tpu.memory_space<hbm>> -> memref<10240x64xf32, #tpu.memory_space<hbm>>
        tpu.enqueue_indirect_dma source(%dma_start3A_233 : memref<10240x64xf32, #tpu.memory_space<hbm>>) target(%arg11 : memref<256x64xf32, #tpu.memory_space<vmem>>) offsets(%dma_start3A_230 : memref<256xi32, #tpu.memory_space<vmem>>) semaphore(%arg13 : memref<!tpu.dma_semaphore, #tpu.memory_space<semaphore_mem>>)
      } else {
      }
      %while3A_197 = arith.constant 0 : i32
      scf.yield %while3A_197 : i32
    }
    %sub3A = arith.constant 1 : i32
    %sub3A_53 = arith.subi %select_n3A, %sub3A : i32
    %mul3A_54 = arith.constant 2 : i32
    %mul3A_55 = arith.muli %sub3A_53, %mul3A_54 : i32
    %add3A_56 = arith.constant 0 : i32
    %add3A_57 = arith.addi %mul3A_55, %add3A_56 : i32
    %mul3A_58 = arith.constant 2 : i32
    %mul3A_59 = arith.muli %mul3A_58, %add3A_57 : i32
    %dma_wait3A = arith.constant 0 : i32
    %dma_wait3A_60 = arith.constant 0 : i32
    %dma_wait3A_61 = tpu.memref_slice %arg10[%dma_wait3A, %dma_wait3A_60] : memref<256x64xf32, #tpu.memory_space<vmem>> -> memref<128x64xf32, #tpu.memory_space<vmem>>
    %dma_wait3A_62 = arith.constant 0 : i32
    %dma_wait3A_63 = tpu.memref_slice %arg7[%mul3A_59, %dma_wait3A_62] : memref<116x128xi32, #tpu.memory_space<vmem>> -> memref<1x128xi32, #tpu.memory_space<vmem>>
    %dma_wait3A_64 = tpu.memref_squeeze %dma_wait3A_63 : memref<1x128xi32, #tpu.memory_space<vmem>> -> memref<128xi32, #tpu.memory_space<vmem>>
    %dma_wait3A_65 = arith.constant 0 : i32
    %dma_wait3A_66 = arith.constant 0 : i32
    %dma_wait3A_67 = tpu.memref_slice %arg9[%dma_wait3A_65, %dma_wait3A_66] : memref<10240x64xf32, #tpu.memory_space<vmem_shared>> -> memref<10240x64xf32, #tpu.memory_space<vmem_shared>>
    tpu.wait_indirect_dma semaphore(%arg14 : memref<!tpu.dma_semaphore, #tpu.memory_space<semaphore_mem>>) src(%dma_wait3A_61 : memref<128x64xf32, #tpu.memory_space<vmem>>) dst(%dma_wait3A_67 : memref<10240x64xf32, #tpu.memory_space<vmem_shared>>)
    %mul3A_68 = arith.constant 2 : i32
    %mul3A_69 = arith.muli %mul3A_68, %add3A_57 : i32
    %add3A_70 = arith.constant 1 : i32
    %add3A_71 = arith.addi %mul3A_69, %add3A_70 : i32
    %dma_wait3A_72 = arith.constant 128 : i32
    %dma_wait3A_73 = arith.constant 0 : i32
    %dma_wait3A_74 = tpu.memref_slice %arg10[%dma_wait3A_72, %dma_wait3A_73] : memref<256x64xf32, #tpu.memory_space<vmem>> -> memref<128x64xf32, #tpu.memory_space<vmem>>
    %dma_wait3A_75 = arith.constant 0 : i32
    %dma_wait3A_76 = tpu.memref_slice %arg7[%add3A_71, %dma_wait3A_75] : memref<116x128xi32, #tpu.memory_space<vmem>> -> memref<1x128xi32, #tpu.memory_space<vmem>>
    %dma_wait3A_77 = tpu.memref_squeeze %dma_wait3A_76 : memref<1x128xi32, #tpu.memory_space<vmem>> -> memref<128xi32, #tpu.memory_space<vmem>>
    %dma_wait3A_78 = arith.constant 0 : i32
    %dma_wait3A_79 = arith.constant 0 : i32
    %dma_wait3A_80 = tpu.memref_slice %arg9[%dma_wait3A_78, %dma_wait3A_79] : memref<10240x64xf32, #tpu.memory_space<vmem_shared>> -> memref<10240x64xf32, #tpu.memory_space<vmem_shared>>
    tpu.wait_indirect_dma semaphore(%arg14 : memref<!tpu.dma_semaphore, #tpu.memory_space<semaphore_mem>>) src(%dma_wait3A_74 : memref<128x64xf32, #tpu.memory_space<vmem>>) dst(%dma_wait3A_80 : memref<10240x64xf32, #tpu.memory_space<vmem_shared>>)
    %sub3A_81 = arith.constant 1 : i32
    %sub3A_82 = arith.subi %select_n3A, %sub3A_81 : i32
    %mul3A_83 = arith.constant 2 : i32
    %mul3A_84 = arith.muli %sub3A_82, %mul3A_83 : i32
    %add3A_85 = arith.constant 1 : i32
    %add3A_86 = arith.addi %mul3A_84, %add3A_85 : i32
    %mul3A_87 = arith.constant 2 : i32
    %mul3A_88 = arith.muli %mul3A_87, %add3A_86 : i32
    %dma_wait3A_89 = arith.constant 0 : i32
    %dma_wait3A_90 = arith.constant 0 : i32
    %dma_wait3A_91 = tpu.memref_slice %arg11[%dma_wait3A_89, %dma_wait3A_90] : memref<256x64xf32, #tpu.memory_space<vmem>> -> memref<128x64xf32, #tpu.memory_space<vmem>>
    %dma_wait3A_92 = arith.constant 0 : i32
    %dma_wait3A_93 = tpu.memref_slice %arg7[%mul3A_88, %dma_wait3A_92] : memref<116x128xi32, #tpu.memory_space<vmem>> -> memref<1x128xi32, #tpu.memory_space<vmem>>
    %dma_wait3A_94 = tpu.memref_squeeze %dma_wait3A_93 : memref<1x128xi32, #tpu.memory_space<vmem>> -> memref<128xi32, #tpu.memory_space<vmem>>
    %dma_wait3A_95 = arith.constant 0 : i32
    %dma_wait3A_96 = arith.constant 0 : i32
    %dma_wait3A_97 = tpu.memref_slice %arg9[%dma_wait3A_95, %dma_wait3A_96] : memref<10240x64xf32, #tpu.memory_space<vmem_shared>> -> memref<10240x64xf32, #tpu.memory_space<vmem_shared>>
    tpu.wait_indirect_dma semaphore(%arg15 : memref<!tpu.dma_semaphore, #tpu.memory_space<semaphore_mem>>) src(%dma_wait3A_91 : memref<128x64xf32, #tpu.memory_space<vmem>>) dst(%dma_wait3A_97 : memref<10240x64xf32, #tpu.memory_space<vmem_shared>>)
    %mul3A_98 = arith.constant 2 : i32
    %mul3A_99 = arith.muli %mul3A_98, %add3A_86 : i32
    %add3A_100 = arith.constant 1 : i32
    %add3A_101 = arith.addi %mul3A_99, %add3A_100 : i32
    %dma_wait3A_102 = arith.constant 128 : i32
    %dma_wait3A_103 = arith.constant 0 : i32
    %dma_wait3A_104 = tpu.memref_slice %arg11[%dma_wait3A_102, %dma_wait3A_103] : memref<256x64xf32, #tpu.memory_space<vmem>> -> memref<128x64xf32, #tpu.memory_space<vmem>>
    %dma_wait3A_105 = arith.constant 0 : i32
    %dma_wait3A_106 = tpu.memref_slice %arg7[%add3A_101, %dma_wait3A_105] : memref<116x128xi32, #tpu.memory_space<vmem>> -> memref<1x128xi32, #tpu.memory_space<vmem>>
    %dma_wait3A_107 = tpu.memref_squeeze %dma_wait3A_106 : memref<1x128xi32, #tpu.memory_space<vmem>> -> memref<128xi32, #tpu.memory_space<vmem>>
    %dma_wait3A_108 = arith.constant 0 : i32
    %dma_wait3A_109 = arith.constant 0 : i32
    %dma_wait3A_110 = tpu.memref_slice %arg9[%dma_wait3A_108, %dma_wait3A_109] : memref<10240x64xf32, #tpu.memory_space<vmem_shared>> -> memref<10240x64xf32, #tpu.memory_space<vmem_shared>>
    tpu.wait_indirect_dma semaphore(%arg15 : memref<!tpu.dma_semaphore, #tpu.memory_space<semaphore_mem>>) src(%dma_wait3A_104 : memref<128x64xf32, #tpu.memory_space<vmem>>) dst(%dma_wait3A_110 : memref<10240x64xf32, #tpu.memory_space<vmem_shared>>)
    %barrier3A_111 = arith.constant 0 : index
    tpu.barrier barrier_id(%barrier3A_111)
    %mul3A_112 = arith.constant 640 : i32
    %mul3A_113 = arith.muli %arg1, %mul3A_112 : i32
    %mul3A_114 = arith.constant 640 : i32
    %mul3A_115 = arith.muli %arg1, %mul3A_114 : i32
    "tpu.region"() ({
      %run_scoped3A = tpu.sem_alloc : memref<!tpu.dma_semaphore, #tpu.memory_space<semaphore_mem>>
      %dma_start3A_116 = arith.constant 0 : i32
      %dma_start3A_117 = tpu.memref_slice %arg5[%arg0, %mul3A_115, %dma_start3A_116] : memref<2x10240x64xf32, #tpu.memory_space<hbm>> -> memref<1x640x64xf32, #tpu.memory_space<hbm>>
      %dma_start3A_118 = tpu.memref_squeeze %dma_start3A_117 : memref<1x640x64xf32, #tpu.memory_space<hbm>> -> memref<640x64xf32, #tpu.memory_space<hbm>>
      %dma_start3A_119 = arith.constant 0 : i32
      %dma_start3A_120 = tpu.memref_slice %arg9[%mul3A_113, %dma_start3A_119] : memref<10240x64xf32, #tpu.memory_space<vmem_shared>> -> memref<640x64xf32, #tpu.memory_space<vmem_shared>>
      tpu.enqueue_dma source(%dma_start3A_120 : memref<640x64xf32, #tpu.memory_space<vmem_shared>>) target(%dma_start3A_118 : memref<640x64xf32, #tpu.memory_space<hbm>>) target_semaphore(%run_scoped3A : memref<!tpu.dma_semaphore, #tpu.memory_space<semaphore_mem>>)
      %dma_wait3A_121 = arith.constant 0 : i32
      %dma_wait3A_122 = tpu.memref_slice %arg5[%arg0, %mul3A_115, %dma_wait3A_121] : memref<2x10240x64xf32, #tpu.memory_space<hbm>> -> memref<1x640x64xf32, #tpu.memory_space<hbm>>
      %dma_wait3A_123 = tpu.memref_squeeze %dma_wait3A_122 : memref<1x640x64xf32, #tpu.memory_space<hbm>> -> memref<640x64xf32, #tpu.memory_space<hbm>>
      %dma_wait3A_124 = arith.constant 0 : i32
      %dma_wait3A_125 = tpu.memref_slice %arg9[%mul3A_113, %dma_wait3A_124] : memref<10240x64xf32, #tpu.memory_space<vmem_shared>> -> memref<640x64xf32, #tpu.memory_space<vmem_shared>>
      tpu.wait_dma2 semaphore(%run_scoped3A : memref<!tpu.dma_semaphore, #tpu.memory_space<semaphore_mem>>) src(%dma_wait3A_125 : memref<640x64xf32, #tpu.memory_space<vmem_shared>>) dst(%dma_wait3A_123 : memref<640x64xf32, #tpu.memory_space<hbm>>)
      tpu.yield
    }) : () -> ()
    return
  }
}

#map = affine_map<(d0, d1) -> (0, 0)>
#map1 = affine_map<(d0, d1) -> (0, 0, 0)>
module attributes {stable_mosaic.version = 14 : i64} {
  func.func @_scatter_body(%arg0: i32, %arg1: i32, %arg2: memref<10240x64xf32, #tpu.memory_space<hbm>>, %arg3: memref<32x58x256xi32, #tpu.memory_space<hbm>>, %arg4: memref<32x116x128xi32, #tpu.memory_space<hbm>>, %arg5: memref<2x10240x64xf32, #tpu.memory_space<hbm>>, %arg6: memref<58x256xi32, #tpu.memory_space<vmem>>, %arg7: memref<116x128xi32, #tpu.memory_space<vmem>>, %arg8: memref<128x64xf32, #tpu.memory_space<vmem>>, %arg9: memref<10240x64xf32, #tpu.memory_space<vmem_shared>>, %arg10: memref<256x64xf32, #tpu.memory_space<vmem>>, %arg11: memref<256x64xf32, #tpu.memory_space<vmem>>, %arg12: memref<!tpu.dma_semaphore, #tpu.memory_space<semaphore_mem>>, %arg13: memref<!tpu.dma_semaphore, #tpu.memory_space<semaphore_mem>>, %arg14: memref<!tpu.dma_semaphore, #tpu.memory_space<semaphore_mem>>, %arg15: memref<!tpu.dma_semaphore, #tpu.memory_space<semaphore_mem>>) attributes {dimension_semantics = [#tpu.dimension_semantics<core_parallel>, #tpu.dimension_semantics<subcore_parallel>], iteration_bounds = array<i64: 2, 16>, scalar_prefetch = 0 : i64, scratch_operands = 10 : i64, tpu.core_type = #tpu.core_type<sc_vector_subcore>, window_params = [{transform_indices = #map}, {transform_indices = #map1}, {transform_indices = #map1}, {transform_indices = #map1}]} {
    %mul3A = arith.constant 2 : i32
    %mul3A_0 = arith.muli %arg1, %mul3A : i32
    %add3A = arith.addi %mul3A_0, %arg0 : i32
    %scan3A = arith.constant 0 : i32
    %scan3A_1 = arith.constant 0 : i32
    %scan3A_2 = arith.constant 512 : i32
    %scan3A_3 = arith.addi %scan3A_1, %scan3A_2 : i32
    %scan3A_4 = arith.constant 1 : i32
    %scan3A_5 = scf.for %scan3A_116 = %scan3A_1 to %scan3A_3 step %scan3A_4 iter_args(%scan3A_117 = %scan3A) -> (i32)  : i32 {
      %broadcast_in_dim3A = arith.constant 0.000000e+00 : f32
      %broadcast_in_dim3A_118 = vector.broadcast %broadcast_in_dim3A : f32 to vector<16xf32>
      %jit3A_119 = arith.constant 4 : i32
      %div3A = arith.divsi %scan3A_116, %jit3A_119 : i32
      %sign3A = arith.constant 0 : i32
      %sign3A_120 = arith.cmpi sgt, %scan3A_116, %sign3A : i32
      %sign3A_121 = arith.extui %sign3A_120 : i1 to i32
      %sign3A_122 = arith.constant 0 : i32
      %sign3A_123 = arith.cmpi slt, %scan3A_116, %sign3A_122 : i32
      %sign3A_124 = arith.extui %sign3A_123 : i1 to i32
      %sign3A_125 = arith.subi %sign3A_121, %sign3A_124 : i32
      %sign3A_126 = arith.constant 0 : i32
      %sign3A_127 = arith.cmpi sgt, %jit3A_119, %sign3A_126 : i32
      %sign3A_128 = arith.extui %sign3A_127 : i1 to i32
      %sign3A_129 = arith.constant 0 : i32
      %sign3A_130 = arith.cmpi slt, %jit3A_119, %sign3A_129 : i32
      %sign3A_131 = arith.extui %sign3A_130 : i1 to i32
      %sign3A_132 = arith.subi %sign3A_128, %sign3A_131 : i32
      %ne3A = arith.cmpi ne, %sign3A_125, %sign3A_132 : i32
      %rem3A = arith.remsi %scan3A_116, %jit3A_119 : i32
      %ne3A_133 = arith.constant 0 : i32
      %ne3A_134 = arith.cmpi ne, %rem3A, %ne3A_133 : i32
      %and3A = arith.andi %ne3A, %ne3A_134 : i1
      %sub3A_135 = arith.constant 1 : i32
      %sub3A_136 = arith.subi %div3A, %sub3A_135 : i32
      %select_n3A_137 = arith.select %and3A, %sub3A_136, %div3A : i32
      %jit3A_138 = arith.constant 4 : i32
      %eq3A_139 = arith.constant 0 : i32
      %eq3A_140 = arith.cmpi eq, %jit3A_138, %eq3A_139 : i32
      %jit3A_141 = arith.constant 1 : i32
      %select_n3A_142 = arith.select %eq3A_140, %jit3A_141, %jit3A_138 : i32
      %rem3A_143 = arith.remsi %scan3A_116, %select_n3A_142 : i32
      %ne3A_144 = arith.constant 0 : i32
      %ne3A_145 = arith.cmpi ne, %rem3A_143, %ne3A_144 : i32
      %lt3A = arith.constant 0 : i32
      %lt3A_146 = arith.cmpi slt, %rem3A_143, %lt3A : i32
      %lt3A_147 = arith.constant 0 : i32
      %lt3A_148 = arith.cmpi slt, %select_n3A_142, %lt3A_147 : i32
      %ne3A_149 = arith.xori %lt3A_146, %lt3A_148 : i1
      %and3A_150 = arith.andi %ne3A_149, %ne3A_145 : i1
      %add3A_151 = arith.addi %rem3A_143, %select_n3A_142 : i32
      %select_n3A_152 = arith.select %and3A_150, %add3A_151, %rem3A_143 : i32
      %mul3A_153 = arith.constant 16 : i32
      %mul3A_154 = arith.muli %select_n3A_152, %mul3A_153 : i32
      %swap3A = arith.index_cast %select_n3A_137 : i32 to index
      %swap3A_155 = arith.index_cast %mul3A_154 : i32 to index
      %swap3A_156 = tpu.vector_load %arg8[%swap3A, %swap3A_155] {strides = array<i32>} : memref<128x64xf32, #tpu.memory_space<vmem>>, vector<1x16xf32>,
      %swap3A_157 = vector.shape_cast %swap3A_156 : vector<1x16xf32> to vector<16xf32>
      %swap3A_158 = vector.shape_cast %broadcast_in_dim3A_118 : vector<16xf32> to vector<1x16xf32>
      tpu.vector_store %arg8[%swap3A, %swap3A_155], %swap3A_158 {strides = array<i32>} : memref<128x64xf32, #tpu.memory_space<vmem>>, vector<1x16xf32>,
      %scan3A_159 = arith.constant 0 : i32
      scf.yield %scan3A_159 : i32
    }
    %scan3A_6 = arith.constant 512 : i32
    %mul3A_7 = arith.constant 640 : i32
    %mul3A_8 = arith.muli %arg1, %mul3A_7 : i32
    %add3A_9 = arith.constant 0 : i32
    %add3A_10 = arith.addi %mul3A_8, %add3A_9 : i32
    "tpu.region"() ({
      %run_scoped3A = tpu.sem_alloc : memref<!tpu.dma_semaphore, #tpu.memory_space<semaphore_mem>>
      %dma_start3A_116 = arith.constant 0 : i32
      %dma_start3A_117 = tpu.memref_slice %arg9[%add3A_10, %dma_start3A_116] : memref<10240x64xf32, #tpu.memory_space<vmem_shared>> -> memref<128x64xf32, #tpu.memory_space<vmem_shared>>
      %dma_start3A_118 = arith.constant 0 : i32
      %dma_start3A_119 = tpu.memref_slice %arg9[%add3A_10, %dma_start3A_118] : memref<10240x64xf32, #tpu.memory_space<vmem_shared>> -> memref<128x64xf32, #tpu.memory_space<vmem_shared>>
      tpu.enqueue_dma source(%arg8 : memref<128x64xf32, #tpu.memory_space<vmem>>) target(%dma_start3A_119 : memref<128x64xf32, #tpu.memory_space<vmem_shared>>) target_semaphore(%run_scoped3A : memref<!tpu.dma_semaphore, #tpu.memory_space<semaphore_mem>>)
      %dma_wait3A_120 = arith.constant 0 : i32
      %dma_wait3A_121 = tpu.memref_slice %arg9[%add3A_10, %dma_wait3A_120] : memref<10240x64xf32, #tpu.memory_space<vmem_shared>> -> memref<128x64xf32, #tpu.memory_space<vmem_shared>>
      %dma_wait3A_122 = arith.constant 0 : i32
      %dma_wait3A_123 = tpu.memref_slice %arg9[%add3A_10, %dma_wait3A_122] : memref<10240x64xf32, #tpu.memory_space<vmem_shared>> -> memref<128x64xf32, #tpu.memory_space<vmem_shared>>
      tpu.wait_dma2 semaphore(%run_scoped3A : memref<!tpu.dma_semaphore, #tpu.memory_space<semaphore_mem>>) src(%arg8 : memref<128x64xf32, #tpu.memory_space<vmem>>) dst(%dma_wait3A_123 : memref<128x64xf32, #tpu.memory_space<vmem_shared>>)
      tpu.yield
    }) : () -> ()
    %mul3A_11 = arith.constant 640 : i32
    %mul3A_12 = arith.muli %arg1, %mul3A_11 : i32
    %add3A_13 = arith.constant 128 : i32
    %add3A_14 = arith.addi %mul3A_12, %add3A_13 : i32
    "tpu.region"() ({
      %run_scoped3A = tpu.sem_alloc : memref<!tpu.dma_semaphore, #tpu.memory_space<semaphore_mem>>
      %dma_start3A_116 = arith.constant 0 : i32
      %dma_start3A_117 = tpu.memref_slice %arg9[%add3A_14, %dma_start3A_116] : memref<10240x64xf32, #tpu.memory_space<vmem_shared>> -> memref<128x64xf32, #tpu.memory_space<vmem_shared>>
      %dma_start3A_118 = arith.constant 0 : i32
      %dma_start3A_119 = tpu.memref_slice %arg9[%add3A_14, %dma_start3A_118] : memref<10240x64xf32, #tpu.memory_space<vmem_shared>> -> memref<128x64xf32, #tpu.memory_space<vmem_shared>>
      tpu.enqueue_dma source(%arg8 : memref<128x64xf32, #tpu.memory_space<vmem>>) target(%dma_start3A_119 : memref<128x64xf32, #tpu.memory_space<vmem_shared>>) target_semaphore(%run_scoped3A : memref<!tpu.dma_semaphore, #tpu.memory_space<semaphore_mem>>)
      %dma_wait3A_120 = arith.constant 0 : i32
      %dma_wait3A_121 = tpu.memref_slice %arg9[%add3A_14, %dma_wait3A_120] : memref<10240x64xf32, #tpu.memory_space<vmem_shared>> -> memref<128x64xf32, #tpu.memory_space<vmem_shared>>
      %dma_wait3A_122 = arith.constant 0 : i32
      %dma_wait3A_123 = tpu.memref_slice %arg9[%add3A_14, %dma_wait3A_122] : memref<10240x64xf32, #tpu.memory_space<vmem_shared>> -> memref<128x64xf32, #tpu.memory_space<vmem_shared>>
      tpu.wait_dma2 semaphore(%run_scoped3A : memref<!tpu.dma_semaphore, #tpu.memory_space<semaphore_mem>>) src(%arg8 : memref<128x64xf32, #tpu.memory_space<vmem>>) dst(%dma_wait3A_123 : memref<128x64xf32, #tpu.memory_space<vmem_shared>>)
      tpu.yield
    }) : () -> ()
    %mul3A_15 = arith.constant 640 : i32
    %mul3A_16 = arith.muli %arg1, %mul3A_15 : i32
    %add3A_17 = arith.constant 256 : i32
    %add3A_18 = arith.addi %mul3A_16, %add3A_17 : i32
    "tpu.region"() ({
      %run_scoped3A = tpu.sem_alloc : memref<!tpu.dma_semaphore, #tpu.memory_space<semaphore_mem>>
      %dma_start3A_116 = arith.constant 0 : i32
      %dma_start3A_117 = tpu.memref_slice %arg9[%add3A_18, %dma_start3A_116] : memref<10240x64xf32, #tpu.memory_space<vmem_shared>> -> memref<128x64xf32, #tpu.memory_space<vmem_shared>>
      %dma_start3A_118 = arith.constant 0 : i32
      %dma_start3A_119 = tpu.memref_slice %arg9[%add3A_18, %dma_start3A_118] : memref<10240x64xf32, #tpu.memory_space<vmem_shared>> -> memref<128x64xf32, #tpu.memory_space<vmem_shared>>
      tpu.enqueue_dma source(%arg8 : memref<128x64xf32, #tpu.memory_space<vmem>>) target(%dma_start3A_119 : memref<128x64xf32, #tpu.memory_space<vmem_shared>>) target_semaphore(%run_scoped3A : memref<!tpu.dma_semaphore, #tpu.memory_space<semaphore_mem>>)
      %dma_wait3A_120 = arith.constant 0 : i32
      %dma_wait3A_121 = tpu.memref_slice %arg9[%add3A_18, %dma_wait3A_120] : memref<10240x64xf32, #tpu.memory_space<vmem_shared>> -> memref<128x64xf32, #tpu.memory_space<vmem_shared>>
      %dma_wait3A_122 = arith.constant 0 : i32
      %dma_wait3A_123 = tpu.memref_slice %arg9[%add3A_18, %dma_wait3A_122] : memref<10240x64xf32, #tpu.memory_space<vmem_shared>> -> memref<128x64xf32, #tpu.memory_space<vmem_shared>>
      tpu.wait_dma2 semaphore(%run_scoped3A : memref<!tpu.dma_semaphore, #tpu.memory_space<semaphore_mem>>) src(%arg8 : memref<128x64xf32, #tpu.memory_space<vmem>>) dst(%dma_wait3A_123 : memref<128x64xf32, #tpu.memory_space<vmem_shared>>)
      tpu.yield
    }) : () -> ()
    %mul3A_19 = arith.constant 640 : i32
    %mul3A_20 = arith.muli %arg1, %mul3A_19 : i32
    %add3A_21 = arith.constant 384 : i32
    %add3A_22 = arith.addi %mul3A_20, %add3A_21 : i32
    "tpu.region"() ({
      %run_scoped3A = tpu.sem_alloc : memref<!tpu.dma_semaphore, #tpu.memory_space<semaphore_mem>>
      %dma_start3A_116 = arith.constant 0 : i32
      %dma_start3A_117 = tpu.memref_slice %arg9[%add3A_22, %dma_start3A_116] : memref<10240x64xf32, #tpu.memory_space<vmem_shared>> -> memref<128x64xf32, #tpu.memory_space<vmem_shared>>
      %dma_start3A_118 = arith.constant 0 : i32
      %dma_start3A_119 = tpu.memref_slice %arg9[%add3A_22, %dma_start3A_118] : memref<10240x64xf32, #tpu.memory_space<vmem_shared>> -> memref<128x64xf32, #tpu.memory_space<vmem_shared>>
      tpu.enqueue_dma source(%arg8 : memref<128x64xf32, #tpu.memory_space<vmem>>) target(%dma_start3A_119 : memref<128x64xf32, #tpu.memory_space<vmem_shared>>) target_semaphore(%run_scoped3A : memref<!tpu.dma_semaphore, #tpu.memory_space<semaphore_mem>>)
      %dma_wait3A_120 = arith.constant 0 : i32
      %dma_wait3A_121 = tpu.memref_slice %arg9[%add3A_22, %dma_wait3A_120] : memref<10240x64xf32, #tpu.memory_space<vmem_shared>> -> memref<128x64xf32, #tpu.memory_space<vmem_shared>>
      %dma_wait3A_122 = arith.constant 0 : i32
      %dma_wait3A_123 = tpu.memref_slice %arg9[%add3A_22, %dma_wait3A_122] : memref<10240x64xf32, #tpu.memory_space<vmem_shared>> -> memref<128x64xf32, #tpu.memory_space<vmem_shared>>
      tpu.wait_dma2 semaphore(%run_scoped3A : memref<!tpu.dma_semaphore, #tpu.memory_space<semaphore_mem>>) src(%arg8 : memref<128x64xf32, #tpu.memory_space<vmem>>) dst(%dma_wait3A_123 : memref<128x64xf32, #tpu.memory_space<vmem_shared>>)
      tpu.yield
    }) : () -> ()
    %mul3A_23 = arith.constant 640 : i32
    %mul3A_24 = arith.muli %arg1, %mul3A_23 : i32
    %add3A_25 = arith.constant 512 : i32
    %add3A_26 = arith.addi %mul3A_24, %add3A_25 : i32
    "tpu.region"() ({
      %run_scoped3A = tpu.sem_alloc : memref<!tpu.dma_semaphore, #tpu.memory_space<semaphore_mem>>
      %dma_start3A_116 = arith.constant 0 : i32
      %dma_start3A_117 = tpu.memref_slice %arg9[%add3A_26, %dma_start3A_116] : memref<10240x64xf32, #tpu.memory_space<vmem_shared>> -> memref<128x64xf32, #tpu.memory_space<vmem_shared>>
      %dma_start3A_118 = arith.constant 0 : i32
      %dma_start3A_119 = tpu.memref_slice %arg9[%add3A_26, %dma_start3A_118] : memref<10240x64xf32, #tpu.memory_space<vmem_shared>> -> memref<128x64xf32, #tpu.memory_space<vmem_shared>>
      tpu.enqueue_dma source(%arg8 : memref<128x64xf32, #tpu.memory_space<vmem>>) target(%dma_start3A_119 : memref<128x64xf32, #tpu.memory_space<vmem_shared>>) target_semaphore(%run_scoped3A : memref<!tpu.dma_semaphore, #tpu.memory_space<semaphore_mem>>)
      %dma_wait3A_120 = arith.constant 0 : i32
      %dma_wait3A_121 = tpu.memref_slice %arg9[%add3A_26, %dma_wait3A_120] : memref<10240x64xf32, #tpu.memory_space<vmem_shared>> -> memref<128x64xf32, #tpu.memory_space<vmem_shared>>
      %dma_wait3A_122 = arith.constant 0 : i32
      %dma_wait3A_123 = tpu.memref_slice %arg9[%add3A_26, %dma_wait3A_122] : memref<10240x64xf32, #tpu.memory_space<vmem_shared>> -> memref<128x64xf32, #tpu.memory_space<vmem_shared>>
      tpu.wait_dma2 semaphore(%run_scoped3A : memref<!tpu.dma_semaphore, #tpu.memory_space<semaphore_mem>>) src(%arg8 : memref<128x64xf32, #tpu.memory_space<vmem>>) dst(%dma_wait3A_123 : memref<128x64xf32, #tpu.memory_space<vmem_shared>>)
      tpu.yield
    }) : () -> ()
    "tpu.region"() ({
      %run_scoped3A = tpu.sem_alloc : memref<!tpu.dma_semaphore, #tpu.memory_space<semaphore_mem>>
      %dma_start3A_116 = arith.constant 0 : i32
      %dma_start3A_117 = arith.constant 0 : i32
      %dma_start3A_118 = tpu.memref_slice %arg3[%add3A, %dma_start3A_116, %dma_start3A_117] : memref<32x58x256xi32, #tpu.memory_space<hbm>> -> memref<1x58x256xi32, #tpu.memory_space<hbm>>
      %dma_start3A_119 = tpu.memref_squeeze %dma_start3A_118 : memref<1x58x256xi32, #tpu.memory_space<hbm>> -> memref<58x256xi32, #tpu.memory_space<hbm>>
      %dma_start3A_120 = arith.constant 0 : i32
      %dma_start3A_121 = arith.constant 0 : i32
      %dma_start3A_122 = tpu.memref_slice %arg3[%add3A, %dma_start3A_120, %dma_start3A_121] : memref<32x58x256xi32, #tpu.memory_space<hbm>> -> memref<1x58x256xi32, #tpu.memory_space<hbm>>
      %dma_start3A_123 = tpu.memref_squeeze %dma_start3A_122 : memref<1x58x256xi32, #tpu.memory_space<hbm>> -> memref<58x256xi32, #tpu.memory_space<hbm>>
      tpu.enqueue_dma source(%dma_start3A_123 : memref<58x256xi32, #tpu.memory_space<hbm>>) target(%arg6 : memref<58x256xi32, #tpu.memory_space<vmem>>) target_semaphore(%run_scoped3A : memref<!tpu.dma_semaphore, #tpu.memory_space<semaphore_mem>>)
      %dma_wait3A_124 = arith.constant 0 : i32
      %dma_wait3A_125 = arith.constant 0 : i32
      %dma_wait3A_126 = tpu.memref_slice %arg3[%add3A, %dma_wait3A_124, %dma_wait3A_125] : memref<32x58x256xi32, #tpu.memory_space<hbm>> -> memref<1x58x256xi32, #tpu.memory_space<hbm>>
      %dma_wait3A_127 = tpu.memref_squeeze %dma_wait3A_126 : memref<1x58x256xi32, #tpu.memory_space<hbm>> -> memref<58x256xi32, #tpu.memory_space<hbm>>
      %dma_wait3A_128 = arith.constant 0 : i32
      %dma_wait3A_129 = arith.constant 0 : i32
      %dma_wait3A_130 = tpu.memref_slice %arg3[%add3A, %dma_wait3A_128, %dma_wait3A_129] : memref<32x58x256xi32, #tpu.memory_space<hbm>> -> memref<1x58x256xi32, #tpu.memory_space<hbm>>
      %dma_wait3A_131 = tpu.memref_squeeze %dma_wait3A_130 : memref<1x58x256xi32, #tpu.memory_space<hbm>> -> memref<58x256xi32, #tpu.memory_space<hbm>>
      tpu.wait_dma2 semaphore(%run_scoped3A : memref<!tpu.dma_semaphore, #tpu.memory_space<semaphore_mem>>) src(%dma_wait3A_131 : memref<58x256xi32, #tpu.memory_space<hbm>>) dst(%arg6 : memref<58x256xi32, #tpu.memory_space<vmem>>)
      tpu.yield
    }) : () -> ()
    "tpu.region"() ({
      %run_scoped3A = tpu.sem_alloc : memref<!tpu.dma_semaphore, #tpu.memory_space<semaphore_mem>>
      %dma_start3A_116 = arith.constant 0 : i32
      %dma_start3A_117 = arith.constant 0 : i32
      %dma_start3A_118 = tpu.memref_slice %arg4[%add3A, %dma_start3A_116, %dma_start3A_117] : memref<32x116x128xi32, #tpu.memory_space<hbm>> -> memref<1x116x128xi32, #tpu.memory_space<hbm>>
      %dma_start3A_119 = tpu.memref_squeeze %dma_start3A_118 : memref<1x116x128xi32, #tpu.memory_space<hbm>> -> memref<116x128xi32, #tpu.memory_space<hbm>>
      %dma_start3A_120 = arith.constant 0 : i32
      %dma_start3A_121 = arith.constant 0 : i32
      %dma_start3A_122 = tpu.memref_slice %arg4[%add3A, %dma_start3A_120, %dma_start3A_121] : memref<32x116x128xi32, #tpu.memory_space<hbm>> -> memref<1x116x128xi32, #tpu.memory_space<hbm>>
      %dma_start3A_123 = tpu.memref_squeeze %dma_start3A_122 : memref<1x116x128xi32, #tpu.memory_space<hbm>> -> memref<116x128xi32, #tpu.memory_space<hbm>>
      tpu.enqueue_dma source(%dma_start3A_123 : memref<116x128xi32, #tpu.memory_space<hbm>>) target(%arg7 : memref<116x128xi32, #tpu.memory_space<vmem>>) target_semaphore(%run_scoped3A : memref<!tpu.dma_semaphore, #tpu.memory_space<semaphore_mem>>)
      %dma_wait3A_124 = arith.constant 0 : i32
      %dma_wait3A_125 = arith.constant 0 : i32
      %dma_wait3A_126 = tpu.memref_slice %arg4[%add3A, %dma_wait3A_124, %dma_wait3A_125] : memref<32x116x128xi32, #tpu.memory_space<hbm>> -> memref<1x116x128xi32, #tpu.memory_space<hbm>>
      %dma_wait3A_127 = tpu.memref_squeeze %dma_wait3A_126 : memref<1x116x128xi32, #tpu.memory_space<hbm>> -> memref<116x128xi32, #tpu.memory_space<hbm>>
      %dma_wait3A_128 = arith.constant 0 : i32
      %dma_wait3A_129 = arith.constant 0 : i32
      %dma_wait3A_130 = tpu.memref_slice %arg4[%add3A, %dma_wait3A_128, %dma_wait3A_129] : memref<32x116x128xi32, #tpu.memory_space<hbm>> -> memref<1x116x128xi32, #tpu.memory_space<hbm>>
      %dma_wait3A_131 = tpu.memref_squeeze %dma_wait3A_130 : memref<1x116x128xi32, #tpu.memory_space<hbm>> -> memref<116x128xi32, #tpu.memory_space<hbm>>
      tpu.wait_dma2 semaphore(%run_scoped3A : memref<!tpu.dma_semaphore, #tpu.memory_space<semaphore_mem>>) src(%dma_wait3A_131 : memref<116x128xi32, #tpu.memory_space<hbm>>) dst(%arg7 : memref<116x128xi32, #tpu.memory_space<vmem>>)
      tpu.yield
    }) : () -> ()
    %barrier3A = arith.constant 0 : index
    tpu.barrier barrier_id(%barrier3A)
    %eq3A = arith.constant 0 : i32
    %eq3A_27 = arith.cmpi eq, %arg0, %eq3A : i32
    %jit3A = arith.constant 29 : i32
    %jit3A_28 = arith.constant 11 : i32
    %select_n3A = arith.select %eq3A_27, %jit3A, %jit3A_28 : i32
    %dma_start3A = arith.constant 0 : i32
    %dma_start3A_29 = arith.constant 0 : i32
    %dma_start3A_30 = tpu.memref_slice %arg6[%dma_start3A, %dma_start3A_29] : memref<58x256xi32, #tpu.memory_space<vmem>> -> memref<1x256xi32, #tpu.memory_space<vmem>>
    %dma_start3A_31 = tpu.memref_squeeze %dma_start3A_30 : memref<1x256xi32, #tpu.memory_space<vmem>> -> memref<256xi32, #tpu.memory_space<vmem>>
    %dma_start3A_32 = arith.constant 0 : i32
    %dma_start3A_33 = arith.constant 0 : i32
    %dma_start3A_34 = tpu.memref_slice %arg2[%dma_start3A_32, %dma_start3A_33] : memref<10240x64xf32, #tpu.memory_space<hbm>> -> memref<10240x64xf32, #tpu.memory_space<hbm>>
    tpu.enqueue_indirect_dma source(%dma_start3A_34 : memref<10240x64xf32, #tpu.memory_space<hbm>>) target(%arg10 : memref<256x64xf32, #tpu.memory_space<vmem>>) offsets(%dma_start3A_31 : memref<256xi32, #tpu.memory_space<vmem>>) semaphore(%arg12 : memref<!tpu.dma_semaphore, #tpu.memory_space<semaphore_mem>>)
    %dma_start3A_35 = arith.constant 1 : i32
    %dma_start3A_36 = arith.constant 0 : i32
    %dma_start3A_37 = tpu.memref_slice %arg6[%dma_start3A_35, %dma_start3A_36] : memref<58x256xi32, #tpu.memory_space<vmem>> -> memref<1x256xi32, #tpu.memory_space<vmem>>
    %dma_start3A_38 = tpu.memref_squeeze %dma_start3A_37 : memref<1x256xi32, #tpu.memory_space<vmem>> -> memref<256xi32, #tpu.memory_space<vmem>>
    %dma_start3A_39 = arith.constant 0 : i32
    %dma_start3A_40 = arith.constant 0 : i32
    %dma_start3A_41 = tpu.memref_slice %arg2[%dma_start3A_39, %dma_start3A_40] : memref<10240x64xf32, #tpu.memory_space<hbm>> -> memref<10240x64xf32, #tpu.memory_space<hbm>>
    tpu.enqueue_indirect_dma source(%dma_start3A_41 : memref<10240x64xf32, #tpu.memory_space<hbm>>) target(%arg11 : memref<256x64xf32, #tpu.memory_space<vmem>>) offsets(%dma_start3A_38 : memref<256xi32, #tpu.memory_space<vmem>>) semaphore(%arg13 : memref<!tpu.dma_semaphore, #tpu.memory_space<semaphore_mem>>)
    %while3A = arith.constant 0 : i32
    %while3A_42 = arith.constant 0 : i32
    %while3A_43 = arith.subi %select_n3A, %while3A : i32
    %while3A_44 = arith.addi %while3A, %while3A_43 : i32
    %while3A_45 = arith.constant 1 : i32
    %while3A_46 = arith.divsi %while3A_43, %while3A_45 : i32
    %while3A_47 = arith.muli %while3A_46, %while3A_45 : i32
    %while3A_48 = arith.addi %while3A, %while3A_47 : i32
    %while3A_49 = arith.constant 1 : i32
    %while3A_50 = scf.for %while3A_116 = %while3A to %while3A_48 step %while3A_49 iter_args(%while3A_117 = %while3A_42) -> (i32)  : i32 {
      %mul3A_118 = arith.constant 2 : i32
      %mul3A_119 = arith.muli %while3A_116, %mul3A_118 : i32
      %add3A_120 = arith.constant 0 : i32
      %add3A_121 = arith.addi %mul3A_119, %add3A_120 : i32
      %dma_wait3A_122 = arith.constant 0 : i32
      %dma_wait3A_123 = tpu.memref_slice %arg6[%add3A_121, %dma_wait3A_122] : memref<58x256xi32, #tpu.memory_space<vmem>> -> memref<1x256xi32, #tpu.memory_space<vmem>>
      %dma_wait3A_124 = tpu.memref_squeeze %dma_wait3A_123 : memref<1x256xi32, #tpu.memory_space<vmem>> -> memref<256xi32, #tpu.memory_space<vmem>>
      %dma_wait3A_125 = arith.constant 0 : i32
      %dma_wait3A_126 = arith.constant 0 : i32
      %dma_wait3A_127 = tpu.memref_slice %arg2[%dma_wait3A_125, %dma_wait3A_126] : memref<10240x64xf32, #tpu.memory_space<hbm>> -> memref<10240x64xf32, #tpu.memory_space<hbm>>
      tpu.wait_indirect_dma semaphore(%arg12 : memref<!tpu.dma_semaphore, #tpu.memory_space<semaphore_mem>>) src(%dma_wait3A_127 : memref<10240x64xf32, #tpu.memory_space<hbm>>) dst(%arg10 : memref<256x64xf32, #tpu.memory_space<vmem>>)
      %add3A_128 = arith.constant 0 : i32
      %add3A_129 = arith.addi %mul3A_119, %add3A_128 : i32
      %mul3A_130 = arith.constant 2 : i32
      %mul3A_131 = arith.muli %mul3A_130, %add3A_129 : i32
      %dma_start3A_132 = arith.constant 0 : i32
      %dma_start3A_133 = arith.constant 0 : i32
      %dma_start3A_134 = tpu.memref_slice %arg10[%dma_start3A_132, %dma_start3A_133] : memref<256x64xf32, #tpu.memory_space<vmem>> -> memref<128x64xf32, #tpu.memory_space<vmem>>
      %dma_start3A_135 = arith.constant 0 : i32
      %dma_start3A_136 = tpu.memref_slice %arg7[%mul3A_131, %dma_start3A_135] : memref<116x128xi32, #tpu.memory_space<vmem>> -> memref<1x128xi32, #tpu.memory_space<vmem>>
      %dma_start3A_137 = tpu.memref_squeeze %dma_start3A_136 : memref<1x128xi32, #tpu.memory_space<vmem>> -> memref<128xi32, #tpu.memory_space<vmem>>
      %dma_start3A_138 = arith.constant 0 : i32
      %dma_start3A_139 = arith.constant 0 : i32
      %dma_start3A_140 = tpu.memref_slice %arg9[%dma_start3A_138, %dma_start3A_139] : memref<10240x64xf32, #tpu.memory_space<vmem_shared>> -> memref<10240x64xf32, #tpu.memory_space<vmem_shared>>
      tpu.enqueue_indirect_dma source(%dma_start3A_134 : memref<128x64xf32, #tpu.memory_space<vmem>>) target(%dma_start3A_140 : memref<10240x64xf32, #tpu.memory_space<vmem_shared>>) offsets(%dma_start3A_137 : memref<128xi32, #tpu.memory_space<vmem>>) semaphore(%arg14 : memref<!tpu.dma_semaphore, #tpu.memory_space<semaphore_mem>>) {add = true}
      %mul3A_141 = arith.constant 2 : i32
      %mul3A_142 = arith.muli %mul3A_141, %add3A_129 : i32
      %add3A_143 = arith.constant 1 : i32
      %add3A_144 = arith.addi %mul3A_142, %add3A_143 : i32
      %dma_start3A_145 = arith.constant 128 : i32
      %dma_start3A_146 = arith.constant 0 : i32
      %dma_start3A_147 = tpu.memref_slice %arg10[%dma_start3A_145, %dma_start3A_146] : memref<256x64xf32, #tpu.memory_space<vmem>> -> memref<128x64xf32, #tpu.memory_space<vmem>>
      %dma_start3A_148 = arith.constant 0 : i32
      %dma_start3A_149 = tpu.memref_slice %arg7[%add3A_144, %dma_start3A_148] : memref<116x128xi32, #tpu.memory_space<vmem>> -> memref<1x128xi32, #tpu.memory_space<vmem>>
      %dma_start3A_150 = tpu.memref_squeeze %dma_start3A_149 : memref<1x128xi32, #tpu.memory_space<vmem>> -> memref<128xi32, #tpu.memory_space<vmem>>
      %dma_start3A_151 = arith.constant 0 : i32
      %dma_start3A_152 = arith.constant 0 : i32
      %dma_start3A_153 = tpu.memref_slice %arg9[%dma_start3A_151, %dma_start3A_152] : memref<10240x64xf32, #tpu.memory_space<vmem_shared>> -> memref<10240x64xf32, #tpu.memory_space<vmem_shared>>
      tpu.enqueue_indirect_dma source(%dma_start3A_147 : memref<128x64xf32, #tpu.memory_space<vmem>>) target(%dma_start3A_153 : memref<10240x64xf32, #tpu.memory_space<vmem_shared>>) offsets(%dma_start3A_150 : memref<128xi32, #tpu.memory_space<vmem>>) semaphore(%arg14 : memref<!tpu.dma_semaphore, #tpu.memory_space<semaphore_mem>>) {add = true}
      %add3A_154 = arith.constant 1 : i32
      %add3A_155 = arith.addi %mul3A_119, %add3A_154 : i32
      %dma_wait3A_156 = arith.constant 0 : i32
      %dma_wait3A_157 = tpu.memref_slice %arg6[%add3A_155, %dma_wait3A_156] : memref<58x256xi32, #tpu.memory_space<vmem>> -> memref<1x256xi32, #tpu.memory_space<vmem>>
      %dma_wait3A_158 = tpu.memref_squeeze %dma_wait3A_157 : memref<1x256xi32, #tpu.memory_space<vmem>> -> memref<256xi32, #tpu.memory_space<vmem>>
      %dma_wait3A_159 = arith.constant 0 : i32
      %dma_wait3A_160 = arith.constant 0 : i32
      %dma_wait3A_161 = tpu.memref_slice %arg2[%dma_wait3A_159, %dma_wait3A_160] : memref<10240x64xf32, #tpu.memory_space<hbm>> -> memref<10240x64xf32, #tpu.memory_space<hbm>>
      tpu.wait_indirect_dma semaphore(%arg13 : memref<!tpu.dma_semaphore, #tpu.memory_space<semaphore_mem>>) src(%dma_wait3A_161 : memref<10240x64xf32, #tpu.memory_space<hbm>>) dst(%arg11 : memref<256x64xf32, #tpu.memory_space<vmem>>)
      %add3A_162 = arith.constant 1 : i32
      %add3A_163 = arith.addi %mul3A_119, %add3A_162 : i32
      %mul3A_164 = arith.constant 2 : i32
      %mul3A_165 = arith.muli %mul3A_164, %add3A_163 : i32
      %dma_start3A_166 = arith.constant 0 : i32
      %dma_start3A_167 = arith.constant 0 : i32
      %dma_start3A_168 = tpu.memref_slice %arg11[%dma_start3A_166, %dma_start3A_167] : memref<256x64xf32, #tpu.memory_space<vmem>> -> memref<128x64xf32, #tpu.memory_space<vmem>>
      %dma_start3A_169 = arith.constant 0 : i32
      %dma_start3A_170 = tpu.memref_slice %arg7[%mul3A_165, %dma_start3A_169] : memref<116x128xi32, #tpu.memory_space<vmem>> -> memref<1x128xi32, #tpu.memory_space<vmem>>
      %dma_start3A_171 = tpu.memref_squeeze %dma_start3A_170 : memref<1x128xi32, #tpu.memory_space<vmem>> -> memref<128xi32, #tpu.memory_space<vmem>>
      %dma_start3A_172 = arith.constant 0 : i32
      %dma_start3A_173 = arith.constant 0 : i32
      %dma_start3A_174 = tpu.memref_slice %arg9[%dma_start3A_172, %dma_start3A_173] : memref<10240x64xf32, #tpu.memory_space<vmem_shared>> -> memref<10240x64xf32, #tpu.memory_space<vmem_shared>>
      tpu.enqueue_indirect_dma source(%dma_start3A_168 : memref<128x64xf32, #tpu.memory_space<vmem>>) target(%dma_start3A_174 : memref<10240x64xf32, #tpu.memory_space<vmem_shared>>) offsets(%dma_start3A_171 : memref<128xi32, #tpu.memory_space<vmem>>) semaphore(%arg15 : memref<!tpu.dma_semaphore, #tpu.memory_space<semaphore_mem>>) {add = true}
      %mul3A_175 = arith.constant 2 : i32
      %mul3A_176 = arith.muli %mul3A_175, %add3A_163 : i32
      %add3A_177 = arith.constant 1 : i32
      %add3A_178 = arith.addi %mul3A_176, %add3A_177 : i32
      %dma_start3A_179 = arith.constant 128 : i32
      %dma_start3A_180 = arith.constant 0 : i32
      %dma_start3A_181 = tpu.memref_slice %arg11[%dma_start3A_179, %dma_start3A_180] : memref<256x64xf32, #tpu.memory_space<vmem>> -> memref<128x64xf32, #tpu.memory_space<vmem>>
      %dma_start3A_182 = arith.constant 0 : i32
      %dma_start3A_183 = tpu.memref_slice %arg7[%add3A_178, %dma_start3A_182] : memref<116x128xi32, #tpu.memory_space<vmem>> -> memref<1x128xi32, #tpu.memory_space<vmem>>
      %dma_start3A_184 = tpu.memref_squeeze %dma_start3A_183 : memref<1x128xi32, #tpu.memory_space<vmem>> -> memref<128xi32, #tpu.memory_space<vmem>>
      %dma_start3A_185 = arith.constant 0 : i32
      %dma_start3A_186 = arith.constant 0 : i32
      %dma_start3A_187 = tpu.memref_slice %arg9[%dma_start3A_185, %dma_start3A_186] : memref<10240x64xf32, #tpu.memory_space<vmem_shared>> -> memref<10240x64xf32, #tpu.memory_space<vmem_shared>>
      tpu.enqueue_indirect_dma source(%dma_start3A_181 : memref<128x64xf32, #tpu.memory_space<vmem>>) target(%dma_start3A_187 : memref<10240x64xf32, #tpu.memory_space<vmem_shared>>) offsets(%dma_start3A_184 : memref<128xi32, #tpu.memory_space<vmem>>) semaphore(%arg15 : memref<!tpu.dma_semaphore, #tpu.memory_space<semaphore_mem>>) {add = true}
      %sub3A_188 = arith.constant 1 : i32
      %sub3A_189 = arith.subi %select_n3A, %sub3A_188 : i32
      %lt3A = arith.cmpi slt, %while3A_116, %sub3A_189 : i32
      %convert_element_type3A = arith.extui %lt3A : i1 to i32
      %cond3A = arith.constant 0 : i32
      %cond3A_190 = arith.cmpi ne, %convert_element_type3A, %cond3A : i32
      scf.if %cond3A_190 {
        %add3A_198 = arith.constant 0 : i32
        %add3A_199 = arith.addi %mul3A_119, %add3A_198 : i32
        %mul3A_200 = arith.constant 2 : i32
        %mul3A_201 = arith.muli %mul3A_200, %add3A_199 : i32
        %dma_wait3A_202 = arith.constant 0 : i32
        %dma_wait3A_203 = arith.constant 0 : i32
        %dma_wait3A_204 = tpu.memref_slice %arg10[%dma_wait3A_202, %dma_wait3A_203] : memref<256x64xf32, #tpu.memory_space<vmem>> -> memref<128x64xf32, #tpu.memory_space<vmem>>
        %dma_wait3A_205 = arith.constant 0 : i32
        %dma_wait3A_206 = tpu.memref_slice %arg7[%mul3A_201, %dma_wait3A_205] : memref<116x128xi32, #tpu.memory_space<vmem>> -> memref<1x128xi32, #tpu.memory_space<vmem>>
        %dma_wait3A_207 = tpu.memref_squeeze %dma_wait3A_206 : memref<1x128xi32, #tpu.memory_space<vmem>> -> memref<128xi32, #tpu.memory_space<vmem>>
        %dma_wait3A_208 = arith.constant 0 : i32
        %dma_wait3A_209 = arith.constant 0 : i32
        %dma_wait3A_210 = tpu.memref_slice %arg9[%dma_wait3A_208, %dma_wait3A_209] : memref<10240x64xf32, #tpu.memory_space<vmem_shared>> -> memref<10240x64xf32, #tpu.memory_space<vmem_shared>>
        tpu.wait_indirect_dma semaphore(%arg14 : memref<!tpu.dma_semaphore, #tpu.memory_space<semaphore_mem>>) src(%dma_wait3A_204 : memref<128x64xf32, #tpu.memory_space<vmem>>) dst(%dma_wait3A_210 : memref<10240x64xf32, #tpu.memory_space<vmem_shared>>)
        %mul3A_211 = arith.constant 2 : i32
        %mul3A_212 = arith.muli %mul3A_211, %add3A_199 : i32
        %add3A_213 = arith.constant 1 : i32
        %add3A_214 = arith.addi %mul3A_212, %add3A_213 : i32
        %dma_wait3A_215 = arith.constant 128 : i32
        %dma_wait3A_216 = arith.constant 0 : i32
        %dma_wait3A_217 = tpu.memref_slice %arg10[%dma_wait3A_215, %dma_wait3A_216] : memref<256x64xf32, #tpu.memory_space<vmem>> -> memref<128x64xf32, #tpu.memory_space<vmem>>
        %dma_wait3A_218 = arith.constant 0 : i32
        %dma_wait3A_219 = tpu.memref_slice %arg7[%add3A_214, %dma_wait3A_218] : memref<116x128xi32, #tpu.memory_space<vmem>> -> memref<1x128xi32, #tpu.memory_space<vmem>>
        %dma_wait3A_220 = tpu.memref_squeeze %dma_wait3A_219 : memref<1x128xi32, #tpu.memory_space<vmem>> -> memref<128xi32, #tpu.memory_space<vmem>>
        %dma_wait3A_221 = arith.constant 0 : i32
        %dma_wait3A_222 = arith.constant 0 : i32
        %dma_wait3A_223 = tpu.memref_slice %arg9[%dma_wait3A_221, %dma_wait3A_222] : memref<10240x64xf32, #tpu.memory_space<vmem_shared>> -> memref<10240x64xf32, #tpu.memory_space<vmem_shared>>
        tpu.wait_indirect_dma semaphore(%arg14 : memref<!tpu.dma_semaphore, #tpu.memory_space<semaphore_mem>>) src(%dma_wait3A_217 : memref<128x64xf32, #tpu.memory_space<vmem>>) dst(%dma_wait3A_223 : memref<10240x64xf32, #tpu.memory_space<vmem_shared>>)
        %add3A_224 = arith.constant 2 : i32
        %add3A_225 = arith.addi %mul3A_119, %add3A_224 : i32
        %add3A_226 = arith.constant 0 : i32
        %add3A_227 = arith.addi %add3A_225, %add3A_226 : i32
        %dma_start3A_228 = arith.constant 0 : i32
        %dma_start3A_229 = tpu.memref_slice %arg6[%add3A_227, %dma_start3A_228] : memref<58x256xi32, #tpu.memory_space<vmem>> -> memref<1x256xi32, #tpu.memory_space<vmem>>
        %dma_start3A_230 = tpu.memref_squeeze %dma_start3A_229 : memref<1x256xi32, #tpu.memory_space<vmem>> -> memref<256xi32, #tpu.memory_space<vmem>>
        %dma_start3A_231 = arith.constant 0 : i32
        %dma_start3A_232 = arith.constant 0 : i32
        %dma_start3A_233 = tpu.memref_slice %arg2[%dma_start3A_231, %dma_start3A_232] : memref<10240x64xf32, #tpu.memory_space<hbm>> -> memref<10240x64xf32, #tpu.memory_space<hbm>>
        tpu.enqueue_indirect_dma source(%dma_start3A_233 : memref<10240x64xf32, #tpu.memory_space<hbm>>) target(%arg10 : memref<256x64xf32, #tpu.memory_space<vmem>>) offsets(%dma_start3A_230 : memref<256xi32, #tpu.memory_space<vmem>>) semaphore(%arg12 : memref<!tpu.dma_semaphore, #tpu.memory_space<semaphore_mem>>)
      } else {
      }
      %sub3A_191 = arith.constant 1 : i32
      %sub3A_192 = arith.subi %select_n3A, %sub3A_191 : i32
      %lt3A_193 = arith.cmpi slt, %while3A_116, %sub3A_192 : i32
      %convert_element_type3A_194 = arith.extui %lt3A_193 : i1 to i32
      %cond3A_195 = arith.constant 0 : i32
      %cond3A_196 = arith.cmpi ne, %convert_element_type3A_194, %cond3A_195 : i32
      scf.if %cond3A_196 {
        %add3A_198 = arith.constant 1 : i32
        %add3A_199 = arith.addi %mul3A_119, %add3A_198 : i32
        %mul3A_200 = arith.constant 2 : i32
        %mul3A_201 = arith.muli %mul3A_200, %add3A_199 : i32
        %dma_wait3A_202 = arith.constant 0 : i32
        %dma_wait3A_203 = arith.constant 0 : i32
        %dma_wait3A_204 = tpu.memref_slice %arg11[%dma_wait3A_202, %dma_wait3A_203] : memref<256x64xf32, #tpu.memory_space<vmem>> -> memref<128x64xf32, #tpu.memory_space<vmem>>
        %dma_wait3A_205 = arith.constant 0 : i32
        %dma_wait3A_206 = tpu.memref_slice %arg7[%mul3A_201, %dma_wait3A_205] : memref<116x128xi32, #tpu.memory_space<vmem>> -> memref<1x128xi32, #tpu.memory_space<vmem>>
        %dma_wait3A_207 = tpu.memref_squeeze %dma_wait3A_206 : memref<1x128xi32, #tpu.memory_space<vmem>> -> memref<128xi32, #tpu.memory_space<vmem>>
        %dma_wait3A_208 = arith.constant 0 : i32
        %dma_wait3A_209 = arith.constant 0 : i32
        %dma_wait3A_210 = tpu.memref_slice %arg9[%dma_wait3A_208, %dma_wait3A_209] : memref<10240x64xf32, #tpu.memory_space<vmem_shared>> -> memref<10240x64xf32, #tpu.memory_space<vmem_shared>>
        tpu.wait_indirect_dma semaphore(%arg15 : memref<!tpu.dma_semaphore, #tpu.memory_space<semaphore_mem>>) src(%dma_wait3A_204 : memref<128x64xf32, #tpu.memory_space<vmem>>) dst(%dma_wait3A_210 : memref<10240x64xf32, #tpu.memory_space<vmem_shared>>)
        %mul3A_211 = arith.constant 2 : i32
        %mul3A_212 = arith.muli %mul3A_211, %add3A_199 : i32
        %add3A_213 = arith.constant 1 : i32
        %add3A_214 = arith.addi %mul3A_212, %add3A_213 : i32
        %dma_wait3A_215 = arith.constant 128 : i32
        %dma_wait3A_216 = arith.constant 0 : i32
        %dma_wait3A_217 = tpu.memref_slice %arg11[%dma_wait3A_215, %dma_wait3A_216] : memref<256x64xf32, #tpu.memory_space<vmem>> -> memref<128x64xf32, #tpu.memory_space<vmem>>
        %dma_wait3A_218 = arith.constant 0 : i32
        %dma_wait3A_219 = tpu.memref_slice %arg7[%add3A_214, %dma_wait3A_218] : memref<116x128xi32, #tpu.memory_space<vmem>> -> memref<1x128xi32, #tpu.memory_space<vmem>>
        %dma_wait3A_220 = tpu.memref_squeeze %dma_wait3A_219 : memref<1x128xi32, #tpu.memory_space<vmem>> -> memref<128xi32, #tpu.memory_space<vmem>>
        %dma_wait3A_221 = arith.constant 0 : i32
        %dma_wait3A_222 = arith.constant 0 : i32
        %dma_wait3A_223 = tpu.memref_slice %arg9[%dma_wait3A_221, %dma_wait3A_222] : memref<10240x64xf32, #tpu.memory_space<vmem_shared>> -> memref<10240x64xf32, #tpu.memory_space<vmem_shared>>
        tpu.wait_indirect_dma semaphore(%arg15 : memref<!tpu.dma_semaphore, #tpu.memory_space<semaphore_mem>>) src(%dma_wait3A_217 : memref<128x64xf32, #tpu.memory_space<vmem>>) dst(%dma_wait3A_223 : memref<10240x64xf32, #tpu.memory_space<vmem_shared>>)
        %add3A_224 = arith.constant 2 : i32
        %add3A_225 = arith.addi %mul3A_119, %add3A_224 : i32
        %add3A_226 = arith.constant 1 : i32
        %add3A_227 = arith.addi %add3A_225, %add3A_226 : i32
        %dma_start3A_228 = arith.constant 0 : i32
        %dma_start3A_229 = tpu.memref_slice %arg6[%add3A_227, %dma_start3A_228] : memref<58x256xi32, #tpu.memory_space<vmem>> -> memref<1x256xi32, #tpu.memory_space<vmem>>
        %dma_start3A_230 = tpu.memref_squeeze %dma_start3A_229 : memref<1x256xi32, #tpu.memory_space<vmem>> -> memref<256xi32, #tpu.memory_space<vmem>>
        %dma_start3A_231 = arith.constant 0 : i32
        %dma_start3A_232 = arith.constant 0 : i32
        %dma_start3A_233 = tpu.memref_slice %arg2[%dma_start3A_231, %dma_start3A_232] : memref<10240x64xf32, #tpu.memory_space<hbm>> -> memref<10240x64xf32, #tpu.memory_space<hbm>>
        tpu.enqueue_indirect_dma source(%dma_start3A_233 : memref<10240x64xf32, #tpu.memory_space<hbm>>) target(%arg11 : memref<256x64xf32, #tpu.memory_space<vmem>>) offsets(%dma_start3A_230 : memref<256xi32, #tpu.memory_space<vmem>>) semaphore(%arg13 : memref<!tpu.dma_semaphore, #tpu.memory_space<semaphore_mem>>)
      } else {
      }
      %while3A_197 = arith.constant 0 : i32
      scf.yield %while3A_197 : i32
    }
    %while3A_51 = arith.constant 1 : i32
    %while3A_52 = scf.for %while3A_116 = %while3A_48 to %while3A_44 step %while3A_51 iter_args(%while3A_117 = %while3A_50) -> (i32)  : i32 {
      %mul3A_118 = arith.constant 2 : i32
      %mul3A_119 = arith.muli %while3A_116, %mul3A_118 : i32
      %add3A_120 = arith.constant 0 : i32
      %add3A_121 = arith.addi %mul3A_119, %add3A_120 : i32
      %dma_wait3A_122 = arith.constant 0 : i32
      %dma_wait3A_123 = tpu.memref_slice %arg6[%add3A_121, %dma_wait3A_122] : memref<58x256xi32, #tpu.memory_space<vmem>> -> memref<1x256xi32, #tpu.memory_space<vmem>>
      %dma_wait3A_124 = tpu.memref_squeeze %dma_wait3A_123 : memref<1x256xi32, #tpu.memory_space<vmem>> -> memref<256xi32, #tpu.memory_space<vmem>>
      %dma_wait3A_125 = arith.constant 0 : i32
      %dma_wait3A_126 = arith.constant 0 : i32
      %dma_wait3A_127 = tpu.memref_slice %arg2[%dma_wait3A_125, %dma_wait3A_126] : memref<10240x64xf32, #tpu.memory_space<hbm>> -> memref<10240x64xf32, #tpu.memory_space<hbm>>
      tpu.wait_indirect_dma semaphore(%arg12 : memref<!tpu.dma_semaphore, #tpu.memory_space<semaphore_mem>>) src(%dma_wait3A_127 : memref<10240x64xf32, #tpu.memory_space<hbm>>) dst(%arg10 : memref<256x64xf32, #tpu.memory_space<vmem>>)
      %add3A_128 = arith.constant 0 : i32
      %add3A_129 = arith.addi %mul3A_119, %add3A_128 : i32
      %mul3A_130 = arith.constant 2 : i32
      %mul3A_131 = arith.muli %mul3A_130, %add3A_129 : i32
      %dma_start3A_132 = arith.constant 0 : i32
      %dma_start3A_133 = arith.constant 0 : i32
      %dma_start3A_134 = tpu.memref_slice %arg10[%dma_start3A_132, %dma_start3A_133] : memref<256x64xf32, #tpu.memory_space<vmem>> -> memref<128x64xf32, #tpu.memory_space<vmem>>
      %dma_start3A_135 = arith.constant 0 : i32
      %dma_start3A_136 = tpu.memref_slice %arg7[%mul3A_131, %dma_start3A_135] : memref<116x128xi32, #tpu.memory_space<vmem>> -> memref<1x128xi32, #tpu.memory_space<vmem>>
      %dma_start3A_137 = tpu.memref_squeeze %dma_start3A_136 : memref<1x128xi32, #tpu.memory_space<vmem>> -> memref<128xi32, #tpu.memory_space<vmem>>
      %dma_start3A_138 = arith.constant 0 : i32
      %dma_start3A_139 = arith.constant 0 : i32
      %dma_start3A_140 = tpu.memref_slice %arg9[%dma_start3A_138, %dma_start3A_139] : memref<10240x64xf32, #tpu.memory_space<vmem_shared>> -> memref<10240x64xf32, #tpu.memory_space<vmem_shared>>
      tpu.enqueue_indirect_dma source(%dma_start3A_134 : memref<128x64xf32, #tpu.memory_space<vmem>>) target(%dma_start3A_140 : memref<10240x64xf32, #tpu.memory_space<vmem_shared>>) offsets(%dma_start3A_137 : memref<128xi32, #tpu.memory_space<vmem>>) semaphore(%arg14 : memref<!tpu.dma_semaphore, #tpu.memory_space<semaphore_mem>>) {add = true}
      %mul3A_141 = arith.constant 2 : i32
      %mul3A_142 = arith.muli %mul3A_141, %add3A_129 : i32
      %add3A_143 = arith.constant 1 : i32
      %add3A_144 = arith.addi %mul3A_142, %add3A_143 : i32
      %dma_start3A_145 = arith.constant 128 : i32
      %dma_start3A_146 = arith.constant 0 : i32
      %dma_start3A_147 = tpu.memref_slice %arg10[%dma_start3A_145, %dma_start3A_146] : memref<256x64xf32, #tpu.memory_space<vmem>> -> memref<128x64xf32, #tpu.memory_space<vmem>>
      %dma_start3A_148 = arith.constant 0 : i32
      %dma_start3A_149 = tpu.memref_slice %arg7[%add3A_144, %dma_start3A_148] : memref<116x128xi32, #tpu.memory_space<vmem>> -> memref<1x128xi32, #tpu.memory_space<vmem>>
      %dma_start3A_150 = tpu.memref_squeeze %dma_start3A_149 : memref<1x128xi32, #tpu.memory_space<vmem>> -> memref<128xi32, #tpu.memory_space<vmem>>
      %dma_start3A_151 = arith.constant 0 : i32
      %dma_start3A_152 = arith.constant 0 : i32
      %dma_start3A_153 = tpu.memref_slice %arg9[%dma_start3A_151, %dma_start3A_152] : memref<10240x64xf32, #tpu.memory_space<vmem_shared>> -> memref<10240x64xf32, #tpu.memory_space<vmem_shared>>
      tpu.enqueue_indirect_dma source(%dma_start3A_147 : memref<128x64xf32, #tpu.memory_space<vmem>>) target(%dma_start3A_153 : memref<10240x64xf32, #tpu.memory_space<vmem_shared>>) offsets(%dma_start3A_150 : memref<128xi32, #tpu.memory_space<vmem>>) semaphore(%arg14 : memref<!tpu.dma_semaphore, #tpu.memory_space<semaphore_mem>>) {add = true}
      %add3A_154 = arith.constant 1 : i32
      %add3A_155 = arith.addi %mul3A_119, %add3A_154 : i32
      %dma_wait3A_156 = arith.constant 0 : i32
      %dma_wait3A_157 = tpu.memref_slice %arg6[%add3A_155, %dma_wait3A_156] : memref<58x256xi32, #tpu.memory_space<vmem>> -> memref<1x256xi32, #tpu.memory_space<vmem>>
      %dma_wait3A_158 = tpu.memref_squeeze %dma_wait3A_157 : memref<1x256xi32, #tpu.memory_space<vmem>> -> memref<256xi32, #tpu.memory_space<vmem>>
      %dma_wait3A_159 = arith.constant 0 : i32
      %dma_wait3A_160 = arith.constant 0 : i32
      %dma_wait3A_161 = tpu.memref_slice %arg2[%dma_wait3A_159, %dma_wait3A_160] : memref<10240x64xf32, #tpu.memory_space<hbm>> -> memref<10240x64xf32, #tpu.memory_space<hbm>>
      tpu.wait_indirect_dma semaphore(%arg13 : memref<!tpu.dma_semaphore, #tpu.memory_space<semaphore_mem>>) src(%dma_wait3A_161 : memref<10240x64xf32, #tpu.memory_space<hbm>>) dst(%arg11 : memref<256x64xf32, #tpu.memory_space<vmem>>)
      %add3A_162 = arith.constant 1 : i32
      %add3A_163 = arith.addi %mul3A_119, %add3A_162 : i32
      %mul3A_164 = arith.constant 2 : i32
      %mul3A_165 = arith.muli %mul3A_164, %add3A_163 : i32
      %dma_start3A_166 = arith.constant 0 : i32
      %dma_start3A_167 = arith.constant 0 : i32
      %dma_start3A_168 = tpu.memref_slice %arg11[%dma_start3A_166, %dma_start3A_167] : memref<256x64xf32, #tpu.memory_space<vmem>> -> memref<128x64xf32, #tpu.memory_space<vmem>>
      %dma_start3A_169 = arith.constant 0 : i32
      %dma_start3A_170 = tpu.memref_slice %arg7[%mul3A_165, %dma_start3A_169] : memref<116x128xi32, #tpu.memory_space<vmem>> -> memref<1x128xi32, #tpu.memory_space<vmem>>
      %dma_start3A_171 = tpu.memref_squeeze %dma_start3A_170 : memref<1x128xi32, #tpu.memory_space<vmem>> -> memref<128xi32, #tpu.memory_space<vmem>>
      %dma_start3A_172 = arith.constant 0 : i32
      %dma_start3A_173 = arith.constant 0 : i32
      %dma_start3A_174 = tpu.memref_slice %arg9[%dma_start3A_172, %dma_start3A_173] : memref<10240x64xf32, #tpu.memory_space<vmem_shared>> -> memref<10240x64xf32, #tpu.memory_space<vmem_shared>>
      tpu.enqueue_indirect_dma source(%dma_start3A_168 : memref<128x64xf32, #tpu.memory_space<vmem>>) target(%dma_start3A_174 : memref<10240x64xf32, #tpu.memory_space<vmem_shared>>) offsets(%dma_start3A_171 : memref<128xi32, #tpu.memory_space<vmem>>) semaphore(%arg15 : memref<!tpu.dma_semaphore, #tpu.memory_space<semaphore_mem>>) {add = true}
      %mul3A_175 = arith.constant 2 : i32
      %mul3A_176 = arith.muli %mul3A_175, %add3A_163 : i32
      %add3A_177 = arith.constant 1 : i32
      %add3A_178 = arith.addi %mul3A_176, %add3A_177 : i32
      %dma_start3A_179 = arith.constant 128 : i32
      %dma_start3A_180 = arith.constant 0 : i32
      %dma_start3A_181 = tpu.memref_slice %arg11[%dma_start3A_179, %dma_start3A_180] : memref<256x64xf32, #tpu.memory_space<vmem>> -> memref<128x64xf32, #tpu.memory_space<vmem>>
      %dma_start3A_182 = arith.constant 0 : i32
      %dma_start3A_183 = tpu.memref_slice %arg7[%add3A_178, %dma_start3A_182] : memref<116x128xi32, #tpu.memory_space<vmem>> -> memref<1x128xi32, #tpu.memory_space<vmem>>
      %dma_start3A_184 = tpu.memref_squeeze %dma_start3A_183 : memref<1x128xi32, #tpu.memory_space<vmem>> -> memref<128xi32, #tpu.memory_space<vmem>>
      %dma_start3A_185 = arith.constant 0 : i32
      %dma_start3A_186 = arith.constant 0 : i32
      %dma_start3A_187 = tpu.memref_slice %arg9[%dma_start3A_185, %dma_start3A_186] : memref<10240x64xf32, #tpu.memory_space<vmem_shared>> -> memref<10240x64xf32, #tpu.memory_space<vmem_shared>>
      tpu.enqueue_indirect_dma source(%dma_start3A_181 : memref<128x64xf32, #tpu.memory_space<vmem>>) target(%dma_start3A_187 : memref<10240x64xf32, #tpu.memory_space<vmem_shared>>) offsets(%dma_start3A_184 : memref<128xi32, #tpu.memory_space<vmem>>) semaphore(%arg15 : memref<!tpu.dma_semaphore, #tpu.memory_space<semaphore_mem>>) {add = true}
      %sub3A_188 = arith.constant 1 : i32
      %sub3A_189 = arith.subi %select_n3A, %sub3A_188 : i32
      %lt3A = arith.cmpi slt, %while3A_116, %sub3A_189 : i32
      %convert_element_type3A = arith.extui %lt3A : i1 to i32
      %cond3A = arith.constant 0 : i32
      %cond3A_190 = arith.cmpi ne, %convert_element_type3A, %cond3A : i32
      scf.if %cond3A_190 {
        %add3A_198 = arith.constant 0 : i32
        %add3A_199 = arith.addi %mul3A_119, %add3A_198 : i32
        %mul3A_200 = arith.constant 2 : i32
        %mul3A_201 = arith.muli %mul3A_200, %add3A_199 : i32
        %dma_wait3A_202 = arith.constant 0 : i32
        %dma_wait3A_203 = arith.constant 0 : i32
        %dma_wait3A_204 = tpu.memref_slice %arg10[%dma_wait3A_202, %dma_wait3A_203] : memref<256x64xf32, #tpu.memory_space<vmem>> -> memref<128x64xf32, #tpu.memory_space<vmem>>
        %dma_wait3A_205 = arith.constant 0 : i32
        %dma_wait3A_206 = tpu.memref_slice %arg7[%mul3A_201, %dma_wait3A_205] : memref<116x128xi32, #tpu.memory_space<vmem>> -> memref<1x128xi32, #tpu.memory_space<vmem>>
        %dma_wait3A_207 = tpu.memref_squeeze %dma_wait3A_206 : memref<1x128xi32, #tpu.memory_space<vmem>> -> memref<128xi32, #tpu.memory_space<vmem>>
        %dma_wait3A_208 = arith.constant 0 : i32
        %dma_wait3A_209 = arith.constant 0 : i32
        %dma_wait3A_210 = tpu.memref_slice %arg9[%dma_wait3A_208, %dma_wait3A_209] : memref<10240x64xf32, #tpu.memory_space<vmem_shared>> -> memref<10240x64xf32, #tpu.memory_space<vmem_shared>>
        tpu.wait_indirect_dma semaphore(%arg14 : memref<!tpu.dma_semaphore, #tpu.memory_space<semaphore_mem>>) src(%dma_wait3A_204 : memref<128x64xf32, #tpu.memory_space<vmem>>) dst(%dma_wait3A_210 : memref<10240x64xf32, #tpu.memory_space<vmem_shared>>)
        %mul3A_211 = arith.constant 2 : i32
        %mul3A_212 = arith.muli %mul3A_211, %add3A_199 : i32
        %add3A_213 = arith.constant 1 : i32
        %add3A_214 = arith.addi %mul3A_212, %add3A_213 : i32
        %dma_wait3A_215 = arith.constant 128 : i32
        %dma_wait3A_216 = arith.constant 0 : i32
        %dma_wait3A_217 = tpu.memref_slice %arg10[%dma_wait3A_215, %dma_wait3A_216] : memref<256x64xf32, #tpu.memory_space<vmem>> -> memref<128x64xf32, #tpu.memory_space<vmem>>
        %dma_wait3A_218 = arith.constant 0 : i32
        %dma_wait3A_219 = tpu.memref_slice %arg7[%add3A_214, %dma_wait3A_218] : memref<116x128xi32, #tpu.memory_space<vmem>> -> memref<1x128xi32, #tpu.memory_space<vmem>>
        %dma_wait3A_220 = tpu.memref_squeeze %dma_wait3A_219 : memref<1x128xi32, #tpu.memory_space<vmem>> -> memref<128xi32, #tpu.memory_space<vmem>>
        %dma_wait3A_221 = arith.constant 0 : i32
        %dma_wait3A_222 = arith.constant 0 : i32
        %dma_wait3A_223 = tpu.memref_slice %arg9[%dma_wait3A_221, %dma_wait3A_222] : memref<10240x64xf32, #tpu.memory_space<vmem_shared>> -> memref<10240x64xf32, #tpu.memory_space<vmem_shared>>
        tpu.wait_indirect_dma semaphore(%arg14 : memref<!tpu.dma_semaphore, #tpu.memory_space<semaphore_mem>>) src(%dma_wait3A_217 : memref<128x64xf32, #tpu.memory_space<vmem>>) dst(%dma_wait3A_223 : memref<10240x64xf32, #tpu.memory_space<vmem_shared>>)
        %add3A_224 = arith.constant 2 : i32
        %add3A_225 = arith.addi %mul3A_119, %add3A_224 : i32
        %add3A_226 = arith.constant 0 : i32
        %add3A_227 = arith.addi %add3A_225, %add3A_226 : i32
        %dma_start3A_228 = arith.constant 0 : i32
        %dma_start3A_229 = tpu.memref_slice %arg6[%add3A_227, %dma_start3A_228] : memref<58x256xi32, #tpu.memory_space<vmem>> -> memref<1x256xi32, #tpu.memory_space<vmem>>
        %dma_start3A_230 = tpu.memref_squeeze %dma_start3A_229 : memref<1x256xi32, #tpu.memory_space<vmem>> -> memref<256xi32, #tpu.memory_space<vmem>>
        %dma_start3A_231 = arith.constant 0 : i32
        %dma_start3A_232 = arith.constant 0 : i32
        %dma_start3A_233 = tpu.memref_slice %arg2[%dma_start3A_231, %dma_start3A_232] : memref<10240x64xf32, #tpu.memory_space<hbm>> -> memref<10240x64xf32, #tpu.memory_space<hbm>>
        tpu.enqueue_indirect_dma source(%dma_start3A_233 : memref<10240x64xf32, #tpu.memory_space<hbm>>) target(%arg10 : memref<256x64xf32, #tpu.memory_space<vmem>>) offsets(%dma_start3A_230 : memref<256xi32, #tpu.memory_space<vmem>>) semaphore(%arg12 : memref<!tpu.dma_semaphore, #tpu.memory_space<semaphore_mem>>)
      } else {
      }
      %sub3A_191 = arith.constant 1 : i32
      %sub3A_192 = arith.subi %select_n3A, %sub3A_191 : i32
      %lt3A_193 = arith.cmpi slt, %while3A_116, %sub3A_192 : i32
      %convert_element_type3A_194 = arith.extui %lt3A_193 : i1 to i32
      %cond3A_195 = arith.constant 0 : i32
      %cond3A_196 = arith.cmpi ne, %convert_element_type3A_194, %cond3A_195 : i32
      scf.if %cond3A_196 {
        %add3A_198 = arith.constant 1 : i32
        %add3A_199 = arith.addi %mul3A_119, %add3A_198 : i32
        %mul3A_200 = arith.constant 2 : i32
        %mul3A_201 = arith.muli %mul3A_200, %add3A_199 : i32
        %dma_wait3A_202 = arith.constant 0 : i32
        %dma_wait3A_203 = arith.constant 0 : i32
        %dma_wait3A_204 = tpu.memref_slice %arg11[%dma_wait3A_202, %dma_wait3A_203] : memref<256x64xf32, #tpu.memory_space<vmem>> -> memref<128x64xf32, #tpu.memory_space<vmem>>
        %dma_wait3A_205 = arith.constant 0 : i32
        %dma_wait3A_206 = tpu.memref_slice %arg7[%mul3A_201, %dma_wait3A_205] : memref<116x128xi32, #tpu.memory_space<vmem>> -> memref<1x128xi32, #tpu.memory_space<vmem>>
        %dma_wait3A_207 = tpu.memref_squeeze %dma_wait3A_206 : memref<1x128xi32, #tpu.memory_space<vmem>> -> memref<128xi32, #tpu.memory_space<vmem>>
        %dma_wait3A_208 = arith.constant 0 : i32
        %dma_wait3A_209 = arith.constant 0 : i32
        %dma_wait3A_210 = tpu.memref_slice %arg9[%dma_wait3A_208, %dma_wait3A_209] : memref<10240x64xf32, #tpu.memory_space<vmem_shared>> -> memref<10240x64xf32, #tpu.memory_space<vmem_shared>>
        tpu.wait_indirect_dma semaphore(%arg15 : memref<!tpu.dma_semaphore, #tpu.memory_space<semaphore_mem>>) src(%dma_wait3A_204 : memref<128x64xf32, #tpu.memory_space<vmem>>) dst(%dma_wait3A_210 : memref<10240x64xf32, #tpu.memory_space<vmem_shared>>)
        %mul3A_211 = arith.constant 2 : i32
        %mul3A_212 = arith.muli %mul3A_211, %add3A_199 : i32
        %add3A_213 = arith.constant 1 : i32
        %add3A_214 = arith.addi %mul3A_212, %add3A_213 : i32
        %dma_wait3A_215 = arith.constant 128 : i32
        %dma_wait3A_216 = arith.constant 0 : i32
        %dma_wait3A_217 = tpu.memref_slice %arg11[%dma_wait3A_215, %dma_wait3A_216] : memref<256x64xf32, #tpu.memory_space<vmem>> -> memref<128x64xf32, #tpu.memory_space<vmem>>
        %dma_wait3A_218 = arith.constant 0 : i32
        %dma_wait3A_219 = tpu.memref_slice %arg7[%add3A_214, %dma_wait3A_218] : memref<116x128xi32, #tpu.memory_space<vmem>> -> memref<1x128xi32, #tpu.memory_space<vmem>>
        %dma_wait3A_220 = tpu.memref_squeeze %dma_wait3A_219 : memref<1x128xi32, #tpu.memory_space<vmem>> -> memref<128xi32, #tpu.memory_space<vmem>>
        %dma_wait3A_221 = arith.constant 0 : i32
        %dma_wait3A_222 = arith.constant 0 : i32
        %dma_wait3A_223 = tpu.memref_slice %arg9[%dma_wait3A_221, %dma_wait3A_222] : memref<10240x64xf32, #tpu.memory_space<vmem_shared>> -> memref<10240x64xf32, #tpu.memory_space<vmem_shared>>
        tpu.wait_indirect_dma semaphore(%arg15 : memref<!tpu.dma_semaphore, #tpu.memory_space<semaphore_mem>>) src(%dma_wait3A_217 : memref<128x64xf32, #tpu.memory_space<vmem>>) dst(%dma_wait3A_223 : memref<10240x64xf32, #tpu.memory_space<vmem_shared>>)
        %add3A_224 = arith.constant 2 : i32
        %add3A_225 = arith.addi %mul3A_119, %add3A_224 : i32
        %add3A_226 = arith.constant 1 : i32
        %add3A_227 = arith.addi %add3A_225, %add3A_226 : i32
        %dma_start3A_228 = arith.constant 0 : i32
        %dma_start3A_229 = tpu.memref_slice %arg6[%add3A_227, %dma_start3A_228] : memref<58x256xi32, #tpu.memory_space<vmem>> -> memref<1x256xi32, #tpu.memory_space<vmem>>
        %dma_start3A_230 = tpu.memref_squeeze %dma_start3A_229 : memref<1x256xi32, #tpu.memory_space<vmem>> -> memref<256xi32, #tpu.memory_space<vmem>>
        %dma_start3A_231 = arith.constant 0 : i32
        %dma_start3A_232 = arith.constant 0 : i32
        %dma_start3A_233 = tpu.memref_slice %arg2[%dma_start3A_231, %dma_start3A_232] : memref<10240x64xf32, #tpu.memory_space<hbm>> -> memref<10240x64xf32, #tpu.memory_space<hbm>>
        tpu.enqueue_indirect_dma source(%dma_start3A_233 : memref<10240x64xf32, #tpu.memory_space<hbm>>) target(%arg11 : memref<256x64xf32, #tpu.memory_space<vmem>>) offsets(%dma_start3A_230 : memref<256xi32, #tpu.memory_space<vmem>>) semaphore(%arg13 : memref<!tpu.dma_semaphore, #tpu.memory_space<semaphore_mem>>)
      } else {
      }
      %while3A_197 = arith.constant 0 : i32
      scf.yield %while3A_197 : i32
    }
    %sub3A = arith.constant 1 : i32
    %sub3A_53 = arith.subi %select_n3A, %sub3A : i32
    %mul3A_54 = arith.constant 2 : i32
    %mul3A_55 = arith.muli %sub3A_53, %mul3A_54 : i32
    %add3A_56 = arith.constant 0 : i32
    %add3A_57 = arith.addi %mul3A_55, %add3A_56 : i32
    %mul3A_58 = arith.constant 2 : i32
    %mul3A_59 = arith.muli %mul3A_58, %add3A_57 : i32
    %dma_wait3A = arith.constant 0 : i32
    %dma_wait3A_60 = arith.constant 0 : i32
    %dma_wait3A_61 = tpu.memref_slice %arg10[%dma_wait3A, %dma_wait3A_60] : memref<256x64xf32, #tpu.memory_space<vmem>> -> memref<128x64xf32, #tpu.memory_space<vmem>>
    %dma_wait3A_62 = arith.constant 0 : i32
    %dma_wait3A_63 = tpu.memref_slice %arg7[%mul3A_59, %dma_wait3A_62] : memref<116x128xi32, #tpu.memory_space<vmem>> -> memref<1x128xi32, #tpu.memory_space<vmem>>
    %dma_wait3A_64 = tpu.memref_squeeze %dma_wait3A_63 : memref<1x128xi32, #tpu.memory_space<vmem>> -> memref<128xi32, #tpu.memory_space<vmem>>
    %dma_wait3A_65 = arith.constant 0 : i32
    %dma_wait3A_66 = arith.constant 0 : i32
    %dma_wait3A_67 = tpu.memref_slice %arg9[%dma_wait3A_65, %dma_wait3A_66] : memref<10240x64xf32, #tpu.memory_space<vmem_shared>> -> memref<10240x64xf32, #tpu.memory_space<vmem_shared>>
    tpu.wait_indirect_dma semaphore(%arg14 : memref<!tpu.dma_semaphore, #tpu.memory_space<semaphore_mem>>) src(%dma_wait3A_61 : memref<128x64xf32, #tpu.memory_space<vmem>>) dst(%dma_wait3A_67 : memref<10240x64xf32, #tpu.memory_space<vmem_shared>>)
    %mul3A_68 = arith.constant 2 : i32
    %mul3A_69 = arith.muli %mul3A_68, %add3A_57 : i32
    %add3A_70 = arith.constant 1 : i32
    %add3A_71 = arith.addi %mul3A_69, %add3A_70 : i32
    %dma_wait3A_72 = arith.constant 128 : i32
    %dma_wait3A_73 = arith.constant 0 : i32
    %dma_wait3A_74 = tpu.memref_slice %arg10[%dma_wait3A_72, %dma_wait3A_73] : memref<256x64xf32, #tpu.memory_space<vmem>> -> memref<128x64xf32, #tpu.memory_space<vmem>>
    %dma_wait3A_75 = arith.constant 0 : i32
    %dma_wait3A_76 = tpu.memref_slice %arg7[%add3A_71, %dma_wait3A_75] : memref<116x128xi32, #tpu.memory_space<vmem>> -> memref<1x128xi32, #tpu.memory_space<vmem>>
    %dma_wait3A_77 = tpu.memref_squeeze %dma_wait3A_76 : memref<1x128xi32, #tpu.memory_space<vmem>> -> memref<128xi32, #tpu.memory_space<vmem>>
    %dma_wait3A_78 = arith.constant 0 : i32
    %dma_wait3A_79 = arith.constant 0 : i32
    %dma_wait3A_80 = tpu.memref_slice %arg9[%dma_wait3A_78, %dma_wait3A_79] : memref<10240x64xf32, #tpu.memory_space<vmem_shared>> -> memref<10240x64xf32, #tpu.memory_space<vmem_shared>>
    tpu.wait_indirect_dma semaphore(%arg14 : memref<!tpu.dma_semaphore, #tpu.memory_space<semaphore_mem>>) src(%dma_wait3A_74 : memref<128x64xf32, #tpu.memory_space<vmem>>) dst(%dma_wait3A_80 : memref<10240x64xf32, #tpu.memory_space<vmem_shared>>)
    %sub3A_81 = arith.constant 1 : i32
    %sub3A_82 = arith.subi %select_n3A, %sub3A_81 : i32
    %mul3A_83 = arith.constant 2 : i32
    %mul3A_84 = arith.muli %sub3A_82, %mul3A_83 : i32
    %add3A_85 = arith.constant 1 : i32
    %add3A_86 = arith.addi %mul3A_84, %add3A_85 : i32
    %mul3A_87 = arith.constant 2 : i32
    %mul3A_88 = arith.muli %mul3A_87, %add3A_86 : i32
    %dma_wait3A_89 = arith.constant 0 : i32
    %dma_wait3A_90 = arith.constant 0 : i32
    %dma_wait3A_91 = tpu.memref_slice %arg11[%dma_wait3A_89, %dma_wait3A_90] : memref<256x64xf32, #tpu.memory_space<vmem>> -> memref<128x64xf32, #tpu.memory_space<vmem>>
    %dma_wait3A_92 = arith.constant 0 : i32
    %dma_wait3A_93 = tpu.memref_slice %arg7[%mul3A_88, %dma_wait3A_92] : memref<116x128xi32, #tpu.memory_space<vmem>> -> memref<1x128xi32, #tpu.memory_space<vmem>>
    %dma_wait3A_94 = tpu.memref_squeeze %dma_wait3A_93 : memref<1x128xi32, #tpu.memory_space<vmem>> -> memref<128xi32, #tpu.memory_space<vmem>>
    %dma_wait3A_95 = arith.constant 0 : i32
    %dma_wait3A_96 = arith.constant 0 : i32
    %dma_wait3A_97 = tpu.memref_slice %arg9[%dma_wait3A_95, %dma_wait3A_96] : memref<10240x64xf32, #tpu.memory_space<vmem_shared>> -> memref<10240x64xf32, #tpu.memory_space<vmem_shared>>
    tpu.wait_indirect_dma semaphore(%arg15 : memref<!tpu.dma_semaphore, #tpu.memory_space<semaphore_mem>>) src(%dma_wait3A_91 : memref<128x64xf32, #tpu.memory_space<vmem>>) dst(%dma_wait3A_97 : memref<10240x64xf32, #tpu.memory_space<vmem_shared>>)
    %mul3A_98 = arith.constant 2 : i32
    %mul3A_99 = arith.muli %mul3A_98, %add3A_86 : i32
    %add3A_100 = arith.constant 1 : i32
    %add3A_101 = arith.addi %mul3A_99, %add3A_100 : i32
    %dma_wait3A_102 = arith.constant 128 : i32
    %dma_wait3A_103 = arith.constant 0 : i32
    %dma_wait3A_104 = tpu.memref_slice %arg11[%dma_wait3A_102, %dma_wait3A_103] : memref<256x64xf32, #tpu.memory_space<vmem>> -> memref<128x64xf32, #tpu.memory_space<vmem>>
    %dma_wait3A_105 = arith.constant 0 : i32
    %dma_wait3A_106 = tpu.memref_slice %arg7[%add3A_101, %dma_wait3A_105] : memref<116x128xi32, #tpu.memory_space<vmem>> -> memref<1x128xi32, #tpu.memory_space<vmem>>
    %dma_wait3A_107 = tpu.memref_squeeze %dma_wait3A_106 : memref<1x128xi32, #tpu.memory_space<vmem>> -> memref<128xi32, #tpu.memory_space<vmem>>
    %dma_wait3A_108 = arith.constant 0 : i32
    %dma_wait3A_109 = arith.constant 0 : i32
    %dma_wait3A_110 = tpu.memref_slice %arg9[%dma_wait3A_108, %dma_wait3A_109] : memref<10240x64xf32, #tpu.memory_space<vmem_shared>> -> memref<10240x64xf32, #tpu.memory_space<vmem_shared>>
    tpu.wait_indirect_dma semaphore(%arg15 : memref<!tpu.dma_semaphore, #tpu.memory_space<semaphore_mem>>) src(%dma_wait3A_104 : memref<128x64xf32, #tpu.memory_space<vmem>>) dst(%dma_wait3A_110 : memref<10240x64xf32, #tpu.memory_space<vmem_shared>>)
    %barrier3A_111 = arith.constant 0 : index
    tpu.barrier barrier_id(%barrier3A_111)
    %mul3A_112 = arith.constant 640 : i32
    %mul3A_113 = arith.muli %arg1, %mul3A_112 : i32
    %mul3A_114 = arith.constant 640 : i32
    %mul3A_115 = arith.muli %arg1, %mul3A_114 : i32
    "tpu.region"() ({
      %run_scoped3A = tpu.sem_alloc : memref<!tpu.dma_semaphore, #tpu.memory_space<semaphore_mem>>
      %dma_start3A_116 = arith.constant 0 : i32
      %dma_start3A_117 = tpu.memref_slice %arg5[%arg0, %mul3A_115, %dma_start3A_116] : memref<2x10240x64xf32, #tpu.memory_space<hbm>> -> memref<1x640x64xf32, #tpu.memory_space<hbm>>
      %dma_start3A_118 = tpu.memref_squeeze %dma_start3A_117 : memref<1x640x64xf32, #tpu.memory_space<hbm>> -> memref<640x64xf32, #tpu.memory_space<hbm>>
      %dma_start3A_119 = arith.constant 0 : i32
      %dma_start3A_120 = tpu.memref_slice %arg9[%mul3A_113, %dma_start3A_119] : memref<10240x64xf32, #tpu.memory_space<vmem_shared>> -> memref<640x64xf32, #tpu.memory_space<vmem_shared>>
      tpu.enqueue_dma source(%dma_start3A_120 : memref<640x64xf32, #tpu.memory_space<vmem_shared>>) target(%dma_start3A_118 : memref<640x64xf32, #tpu.memory_space<hbm>>) target_semaphore(%run_scoped3A : memref<!tpu.dma_semaphore, #tpu.memory_space<semaphore_mem>>)
      %dma_wait3A_121 = arith.constant 0 : i32
      %dma_wait3A_122 = tpu.memref_slice %arg5[%arg0, %mul3A_115, %dma_wait3A_121] : memref<2x10240x64xf32, #tpu.memory_space<hbm>> -> memref<1x640x64xf32, #tpu.memory_space<hbm>>
      %dma_wait3A_123 = tpu.memref_squeeze %dma_wait3A_122 : memref<1x640x64xf32, #tpu.memory_space<hbm>> -> memref<640x64xf32, #tpu.memory_space<hbm>>
      %dma_wait3A_124 = arith.constant 0 : i32
      %dma_wait3A_125 = tpu.memref_slice %arg9[%mul3A_113, %dma_wait3A_124] : memref<10240x64xf32, #tpu.memory_space<vmem_shared>> -> memref<640x64xf32, #tpu.memory_space<vmem_shared>>
      tpu.wait_dma2 semaphore(%run_scoped3A : memref<!tpu.dma_semaphore, #tpu.memory_space<semaphore_mem>>) src(%dma_wait3A_125 : memref<640x64xf32, #tpu.memory_space<vmem_shared>>) dst(%dma_wait3A_123 : memref<640x64xf32, #tpu.memory_space<hbm>>)
      tpu.yield
    }) : () -> ()
    return
  }
}

#map = affine_map<(d0, d1) -> (0, 0, 0)>
#map1 = affine_map<(d0, d1) -> (0, 0)>
module attributes {stable_mosaic.version = 14 : i64} {
  func.func @_deg_body(%arg0: i32, %arg1: i32, %arg2: memref<32x116x128xi32, #tpu.memory_space<hbm>>, %arg3: memref<32x10240xf32, #tpu.memory_space<hbm>>, %arg4: memref<116x128xi32, #tpu.memory_space<vmem>>, %arg5: memref<10240xf32, #tpu.memory_space<vmem>>) attributes {dimension_semantics = [#tpu.dimension_semantics<core_parallel>, #tpu.dimension_semantics<subcore_parallel>], iteration_bounds = array<i64: 2, 16>, scalar_prefetch = 0 : i64, scratch_operands = 2 : i64, tpu.core_type = #tpu.core_type<sc_vector_subcore>, window_params = [{transform_indices = #map}, {transform_indices = #map1}]} {
    %mul3A = arith.constant 2 : i32
    %mul3A_0 = arith.muli %arg1, %mul3A : i32
    %add3A = arith.addi %mul3A_0, %arg0 : i32
    %scan3A = arith.constant 0 : i32
    %scan3A_1 = arith.constant 0 : i32
    %scan3A_2 = arith.constant 640 : i32
    %scan3A_3 = arith.addi %scan3A_1, %scan3A_2 : i32
    %scan3A_4 = arith.constant 1 : i32
    %scan3A_5 = scf.for %scan3A_15 = %scan3A_1 to %scan3A_3 step %scan3A_4 iter_args(%scan3A_16 = %scan3A) -> (i32)  : i32 {
      %broadcast_in_dim3A_17 = arith.constant 0.000000e+00 : f32
      %broadcast_in_dim3A_18 = vector.broadcast %broadcast_in_dim3A_17 : f32 to vector<16xf32>
      %mul3A_19 = arith.constant 16 : i32
      %mul3A_20 = arith.muli %scan3A_15, %mul3A_19 : i32
      %swap3A = arith.index_cast %mul3A_20 : i32 to index
      %swap3A_21 = tpu.vector_load %arg5[%swap3A] {strides = array<i32>} : memref<10240xf32, #tpu.memory_space<vmem>>, vector<16xf32>,
      tpu.vector_store %arg5[%swap3A], %broadcast_in_dim3A_18 {strides = array<i32>} : memref<10240xf32, #tpu.memory_space<vmem>>, vector<16xf32>,
      %scan3A_22 = arith.constant 0 : i32
      scf.yield %scan3A_22 : i32
    }
    %scan3A_6 = arith.constant 640 : i32
    "tpu.region"() ({
      %run_scoped3A = tpu.sem_alloc : memref<!tpu.dma_semaphore, #tpu.memory_space<semaphore_mem>>
      %dma_start3A = arith.constant 0 : i32
      %dma_start3A_15 = arith.constant 0 : i32
      %dma_start3A_16 = tpu.memref_slice %arg2[%add3A, %dma_start3A, %dma_start3A_15] : memref<32x116x128xi32, #tpu.memory_space<hbm>> -> memref<1x116x128xi32, #tpu.memory_space<hbm>>
      %dma_start3A_17 = tpu.memref_squeeze %dma_start3A_16 : memref<1x116x128xi32, #tpu.memory_space<hbm>> -> memref<116x128xi32, #tpu.memory_space<hbm>>
      %dma_start3A_18 = arith.constant 0 : i32
      %dma_start3A_19 = arith.constant 0 : i32
      %dma_start3A_20 = tpu.memref_slice %arg2[%add3A, %dma_start3A_18, %dma_start3A_19] : memref<32x116x128xi32, #tpu.memory_space<hbm>> -> memref<1x116x128xi32, #tpu.memory_space<hbm>>
      %dma_start3A_21 = tpu.memref_squeeze %dma_start3A_20 : memref<1x116x128xi32, #tpu.memory_space<hbm>> -> memref<116x128xi32, #tpu.memory_space<hbm>>
      tpu.enqueue_dma source(%dma_start3A_21 : memref<116x128xi32, #tpu.memory_space<hbm>>) target(%arg4 : memref<116x128xi32, #tpu.memory_space<vmem>>) target_semaphore(%run_scoped3A : memref<!tpu.dma_semaphore, #tpu.memory_space<semaphore_mem>>)
      %dma_wait3A = arith.constant 0 : i32
      %dma_wait3A_22 = arith.constant 0 : i32
      %dma_wait3A_23 = tpu.memref_slice %arg2[%add3A, %dma_wait3A, %dma_wait3A_22] : memref<32x116x128xi32, #tpu.memory_space<hbm>> -> memref<1x116x128xi32, #tpu.memory_space<hbm>>
      %dma_wait3A_24 = tpu.memref_squeeze %dma_wait3A_23 : memref<1x116x128xi32, #tpu.memory_space<hbm>> -> memref<116x128xi32, #tpu.memory_space<hbm>>
      %dma_wait3A_25 = arith.constant 0 : i32
      %dma_wait3A_26 = arith.constant 0 : i32
      %dma_wait3A_27 = tpu.memref_slice %arg2[%add3A, %dma_wait3A_25, %dma_wait3A_26] : memref<32x116x128xi32, #tpu.memory_space<hbm>> -> memref<1x116x128xi32, #tpu.memory_space<hbm>>
      %dma_wait3A_28 = tpu.memref_squeeze %dma_wait3A_27 : memref<1x116x128xi32, #tpu.memory_space<hbm>> -> memref<116x128xi32, #tpu.memory_space<hbm>>
      tpu.wait_dma2 semaphore(%run_scoped3A : memref<!tpu.dma_semaphore, #tpu.memory_space<semaphore_mem>>) src(%dma_wait3A_28 : memref<116x128xi32, #tpu.memory_space<hbm>>) dst(%arg4 : memref<116x128xi32, #tpu.memory_space<vmem>>)
      tpu.yield
    }) : () -> ()
    %broadcast_in_dim3A = arith.constant 1.000000e+00 : f32
    %broadcast_in_dim3A_7 = vector.broadcast %broadcast_in_dim3A : f32 to vector<16xf32>
    %scan3A_8 = arith.constant 0 : i32
    %scan3A_9 = arith.constant 0 : i32
    %scan3A_10 = arith.constant 928 : i32
    %scan3A_11 = arith.addi %scan3A_9, %scan3A_10 : i32
    %scan3A_12 = arith.constant 1 : i32
    %scan3A_13 = scf.for %scan3A_15 = %scan3A_9 to %scan3A_11 step %scan3A_12 iter_args(%scan3A_16 = %scan3A_8) -> (i32)  : i32 {
      %jit3A = arith.constant 8 : i32
      %div3A = arith.divsi %scan3A_15, %jit3A : i32
      %sign3A = arith.constant 0 : i32
      %sign3A_17 = arith.cmpi sgt, %scan3A_15, %sign3A : i32
      %sign3A_18 = arith.extui %sign3A_17 : i1 to i32
      %sign3A_19 = arith.constant 0 : i32
      %sign3A_20 = arith.cmpi slt, %scan3A_15, %sign3A_19 : i32
      %sign3A_21 = arith.extui %sign3A_20 : i1 to i32
      %sign3A_22 = arith.subi %sign3A_18, %sign3A_21 : i32
      %sign3A_23 = arith.constant 0 : i32
      %sign3A_24 = arith.cmpi sgt, %jit3A, %sign3A_23 : i32
      %sign3A_25 = arith.extui %sign3A_24 : i1 to i32
      %sign3A_26 = arith.constant 0 : i32
      %sign3A_27 = arith.cmpi slt, %jit3A, %sign3A_26 : i32
      %sign3A_28 = arith.extui %sign3A_27 : i1 to i32
      %sign3A_29 = arith.subi %sign3A_25, %sign3A_28 : i32
      %ne3A = arith.cmpi ne, %sign3A_22, %sign3A_29 : i32
      %rem3A = arith.remsi %scan3A_15, %jit3A : i32
      %ne3A_30 = arith.constant 0 : i32
      %ne3A_31 = arith.cmpi ne, %rem3A, %ne3A_30 : i32
      %and3A = arith.andi %ne3A, %ne3A_31 : i1
      %sub3A = arith.constant 1 : i32
      %sub3A_32 = arith.subi %div3A, %sub3A : i32
      %select_n3A = arith.select %and3A, %sub3A_32, %div3A : i32
      %jit3A_33 = arith.constant 8 : i32
      %eq3A = arith.constant 0 : i32
      %eq3A_34 = arith.cmpi eq, %jit3A_33, %eq3A : i32
      %jit3A_35 = arith.constant 1 : i32
      %select_n3A_36 = arith.select %eq3A_34, %jit3A_35, %jit3A_33 : i32
      %rem3A_37 = arith.remsi %scan3A_15, %select_n3A_36 : i32
      %ne3A_38 = arith.constant 0 : i32
      %ne3A_39 = arith.cmpi ne, %rem3A_37, %ne3A_38 : i32
      %lt3A = arith.constant 0 : i32
      %lt3A_40 = arith.cmpi slt, %rem3A_37, %lt3A : i32
      %lt3A_41 = arith.constant 0 : i32
      %lt3A_42 = arith.cmpi slt, %select_n3A_36, %lt3A_41 : i32
      %ne3A_43 = arith.xori %lt3A_40, %lt3A_42 : i1
      %and3A_44 = arith.andi %ne3A_43, %ne3A_39 : i1
      %add3A_45 = arith.addi %rem3A_37, %select_n3A_36 : i32
      %select_n3A_46 = arith.select %and3A_44, %add3A_45, %rem3A_37 : i32
      %mul3A_47 = arith.constant 16 : i32
      %mul3A_48 = arith.muli %select_n3A_46, %mul3A_47 : i32
      %get3A = arith.index_cast %select_n3A : i32 to index
      %get3A_49 = arith.index_cast %mul3A_48 : i32 to index
      %get3A_50 = tpu.vector_load %arg4[%get3A, %get3A_49] {strides = array<i32>} : memref<116x128xi32, #tpu.memory_space<vmem>>, vector<16xi32>,
      tpu.vector_store_idx %arg5[%get3A_50], %broadcast_in_dim3A_7 {add = true} : memref<10240xf32, #tpu.memory_space<vmem>>[vector<16xi32>], vector<16xf32>,
      %scan3A_51 = arith.constant 0 : i32
      scf.yield %scan3A_51 : i32
    }
    %scan3A_14 = arith.constant 928 : i32
    "tpu.region"() ({
      %run_scoped3A = tpu.sem_alloc : memref<!tpu.dma_semaphore, #tpu.memory_space<semaphore_mem>>
      %dma_start3A = arith.constant 0 : i32
      %dma_start3A_15 = tpu.memref_slice %arg3[%add3A, %dma_start3A] : memref<32x10240xf32, #tpu.memory_space<hbm>> -> memref<1x10240xf32, #tpu.memory_space<hbm>>
      %dma_start3A_16 = tpu.memref_squeeze %dma_start3A_15 : memref<1x10240xf32, #tpu.memory_space<hbm>> -> memref<10240xf32, #tpu.memory_space<hbm>>
      %dma_start3A_17 = arith.constant 0 : i32
      %dma_start3A_18 = tpu.memref_slice %arg3[%add3A, %dma_start3A_17] : memref<32x10240xf32, #tpu.memory_space<hbm>> -> memref<1x10240xf32, #tpu.memory_space<hbm>>
      %dma_start3A_19 = tpu.memref_squeeze %dma_start3A_18 : memref<1x10240xf32, #tpu.memory_space<hbm>> -> memref<10240xf32, #tpu.memory_space<hbm>>
      tpu.enqueue_dma source(%arg5 : memref<10240xf32, #tpu.memory_space<vmem>>) target(%dma_start3A_19 : memref<10240xf32, #tpu.memory_space<hbm>>) target_semaphore(%run_scoped3A : memref<!tpu.dma_semaphore, #tpu.memory_space<semaphore_mem>>)
      %dma_wait3A = arith.constant 0 : i32
      %dma_wait3A_20 = tpu.memref_slice %arg3[%add3A, %dma_wait3A] : memref<32x10240xf32, #tpu.memory_space<hbm>> -> memref<1x10240xf32, #tpu.memory_space<hbm>>
      %dma_wait3A_21 = tpu.memref_squeeze %dma_wait3A_20 : memref<1x10240xf32, #tpu.memory_space<hbm>> -> memref<10240xf32, #tpu.memory_space<hbm>>
      %dma_wait3A_22 = arith.constant 0 : i32
      %dma_wait3A_23 = tpu.memref_slice %arg3[%add3A, %dma_wait3A_22] : memref<32x10240xf32, #tpu.memory_space<hbm>> -> memref<1x10240xf32, #tpu.memory_space<hbm>>
      %dma_wait3A_24 = tpu.memref_squeeze %dma_wait3A_23 : memref<1x10240xf32, #tpu.memory_space<hbm>> -> memref<10240xf32, #tpu.memory_space<hbm>>
      tpu.wait_dma2 semaphore(%run_scoped3A : memref<!tpu.dma_semaphore, #tpu.memory_space<semaphore_mem>>) src(%arg5 : memref<10240xf32, #tpu.memory_space<vmem>>) dst(%dma_wait3A_24 : memref<10240xf32, #tpu.memory_space<hbm>>)
      tpu.yield
    }) : () -> ()
    return
  }
}

#map = affine_map<(d0, d1) -> (0, 0)>
#map1 = affine_map<(d0, d1) -> (0, 0, 0)>
module attributes {stable_mosaic.version = 14 : i64} {
  func.func @_scatter_body(%arg0: i32, %arg1: i32, %arg2: memref<10240x64xf32, #tpu.memory_space<hbm>>, %arg3: memref<32x58x256xi32, #tpu.memory_space<hbm>>, %arg4: memref<32x116x128xi32, #tpu.memory_space<hbm>>, %arg5: memref<2x10240x64xf32, #tpu.memory_space<hbm>>, %arg6: memref<58x256xi32, #tpu.memory_space<vmem>>, %arg7: memref<116x128xi32, #tpu.memory_space<vmem>>, %arg8: memref<128x64xf32, #tpu.memory_space<vmem>>, %arg9: memref<10240x64xf32, #tpu.memory_space<vmem_shared>>, %arg10: memref<256x64xf32, #tpu.memory_space<vmem>>, %arg11: memref<256x64xf32, #tpu.memory_space<vmem>>, %arg12: memref<!tpu.dma_semaphore, #tpu.memory_space<semaphore_mem>>, %arg13: memref<!tpu.dma_semaphore, #tpu.memory_space<semaphore_mem>>, %arg14: memref<!tpu.dma_semaphore, #tpu.memory_space<semaphore_mem>>, %arg15: memref<!tpu.dma_semaphore, #tpu.memory_space<semaphore_mem>>) attributes {dimension_semantics = [#tpu.dimension_semantics<core_parallel>, #tpu.dimension_semantics<subcore_parallel>], iteration_bounds = array<i64: 2, 16>, scalar_prefetch = 0 : i64, scratch_operands = 10 : i64, tpu.core_type = #tpu.core_type<sc_vector_subcore>, window_params = [{transform_indices = #map}, {transform_indices = #map1}, {transform_indices = #map1}, {transform_indices = #map1}]} {
    %mul3A = arith.constant 2 : i32
    %mul3A_0 = arith.muli %arg1, %mul3A : i32
    %add3A = arith.addi %mul3A_0, %arg0 : i32
    %scan3A = arith.constant 0 : i32
    %scan3A_1 = arith.constant 0 : i32
    %scan3A_2 = arith.constant 512 : i32
    %scan3A_3 = arith.addi %scan3A_1, %scan3A_2 : i32
    %scan3A_4 = arith.constant 1 : i32
    %scan3A_5 = scf.for %scan3A_116 = %scan3A_1 to %scan3A_3 step %scan3A_4 iter_args(%scan3A_117 = %scan3A) -> (i32)  : i32 {
      %broadcast_in_dim3A = arith.constant 0.000000e+00 : f32
      %broadcast_in_dim3A_118 = vector.broadcast %broadcast_in_dim3A : f32 to vector<16xf32>
      %jit3A_119 = arith.constant 4 : i32
      %div3A = arith.divsi %scan3A_116, %jit3A_119 : i32
      %sign3A = arith.constant 0 : i32
      %sign3A_120 = arith.cmpi sgt, %scan3A_116, %sign3A : i32
      %sign3A_121 = arith.extui %sign3A_120 : i1 to i32
      %sign3A_122 = arith.constant 0 : i32
      %sign3A_123 = arith.cmpi slt, %scan3A_116, %sign3A_122 : i32
      %sign3A_124 = arith.extui %sign3A_123 : i1 to i32
      %sign3A_125 = arith.subi %sign3A_121, %sign3A_124 : i32
      %sign3A_126 = arith.constant 0 : i32
      %sign3A_127 = arith.cmpi sgt, %jit3A_119, %sign3A_126 : i32
      %sign3A_128 = arith.extui %sign3A_127 : i1 to i32
      %sign3A_129 = arith.constant 0 : i32
      %sign3A_130 = arith.cmpi slt, %jit3A_119, %sign3A_129 : i32
      %sign3A_131 = arith.extui %sign3A_130 : i1 to i32
      %sign3A_132 = arith.subi %sign3A_128, %sign3A_131 : i32
      %ne3A = arith.cmpi ne, %sign3A_125, %sign3A_132 : i32
      %rem3A = arith.remsi %scan3A_116, %jit3A_119 : i32
      %ne3A_133 = arith.constant 0 : i32
      %ne3A_134 = arith.cmpi ne, %rem3A, %ne3A_133 : i32
      %and3A = arith.andi %ne3A, %ne3A_134 : i1
      %sub3A_135 = arith.constant 1 : i32
      %sub3A_136 = arith.subi %div3A, %sub3A_135 : i32
      %select_n3A_137 = arith.select %and3A, %sub3A_136, %div3A : i32
      %jit3A_138 = arith.constant 4 : i32
      %eq3A_139 = arith.constant 0 : i32
      %eq3A_140 = arith.cmpi eq, %jit3A_138, %eq3A_139 : i32
      %jit3A_141 = arith.constant 1 : i32
      %select_n3A_142 = arith.select %eq3A_140, %jit3A_141, %jit3A_138 : i32
      %rem3A_143 = arith.remsi %scan3A_116, %select_n3A_142 : i32
      %ne3A_144 = arith.constant 0 : i32
      %ne3A_145 = arith.cmpi ne, %rem3A_143, %ne3A_144 : i32
      %lt3A = arith.constant 0 : i32
      %lt3A_146 = arith.cmpi slt, %rem3A_143, %lt3A : i32
      %lt3A_147 = arith.constant 0 : i32
      %lt3A_148 = arith.cmpi slt, %select_n3A_142, %lt3A_147 : i32
      %ne3A_149 = arith.xori %lt3A_146, %lt3A_148 : i1
      %and3A_150 = arith.andi %ne3A_149, %ne3A_145 : i1
      %add3A_151 = arith.addi %rem3A_143, %select_n3A_142 : i32
      %select_n3A_152 = arith.select %and3A_150, %add3A_151, %rem3A_143 : i32
      %mul3A_153 = arith.constant 16 : i32
      %mul3A_154 = arith.muli %select_n3A_152, %mul3A_153 : i32
      %swap3A = arith.index_cast %select_n3A_137 : i32 to index
      %swap3A_155 = arith.index_cast %mul3A_154 : i32 to index
      %swap3A_156 = tpu.vector_load %arg8[%swap3A, %swap3A_155] {strides = array<i32>} : memref<128x64xf32, #tpu.memory_space<vmem>>, vector<1x16xf32>,
      %swap3A_157 = vector.shape_cast %swap3A_156 : vector<1x16xf32> to vector<16xf32>
      %swap3A_158 = vector.shape_cast %broadcast_in_dim3A_118 : vector<16xf32> to vector<1x16xf32>
      tpu.vector_store %arg8[%swap3A, %swap3A_155], %swap3A_158 {strides = array<i32>} : memref<128x64xf32, #tpu.memory_space<vmem>>, vector<1x16xf32>,
      %scan3A_159 = arith.constant 0 : i32
      scf.yield %scan3A_159 : i32
    }
    %scan3A_6 = arith.constant 512 : i32
    %mul3A_7 = arith.constant 640 : i32
    %mul3A_8 = arith.muli %arg1, %mul3A_7 : i32
    %add3A_9 = arith.constant 0 : i32
    %add3A_10 = arith.addi %mul3A_8, %add3A_9 : i32
    "tpu.region"() ({
      %run_scoped3A = tpu.sem_alloc : memref<!tpu.dma_semaphore, #tpu.memory_space<semaphore_mem>>
      %dma_start3A_116 = arith.constant 0 : i32
      %dma_start3A_117 = tpu.memref_slice %arg9[%add3A_10, %dma_start3A_116] : memref<10240x64xf32, #tpu.memory_space<vmem_shared>> -> memref<128x64xf32, #tpu.memory_space<vmem_shared>>
      %dma_start3A_118 = arith.constant 0 : i32
      %dma_start3A_119 = tpu.memref_slice %arg9[%add3A_10, %dma_start3A_118] : memref<10240x64xf32, #tpu.memory_space<vmem_shared>> -> memref<128x64xf32, #tpu.memory_space<vmem_shared>>
      tpu.enqueue_dma source(%arg8 : memref<128x64xf32, #tpu.memory_space<vmem>>) target(%dma_start3A_119 : memref<128x64xf32, #tpu.memory_space<vmem_shared>>) target_semaphore(%run_scoped3A : memref<!tpu.dma_semaphore, #tpu.memory_space<semaphore_mem>>)
      %dma_wait3A_120 = arith.constant 0 : i32
      %dma_wait3A_121 = tpu.memref_slice %arg9[%add3A_10, %dma_wait3A_120] : memref<10240x64xf32, #tpu.memory_space<vmem_shared>> -> memref<128x64xf32, #tpu.memory_space<vmem_shared>>
      %dma_wait3A_122 = arith.constant 0 : i32
      %dma_wait3A_123 = tpu.memref_slice %arg9[%add3A_10, %dma_wait3A_122] : memref<10240x64xf32, #tpu.memory_space<vmem_shared>> -> memref<128x64xf32, #tpu.memory_space<vmem_shared>>
      tpu.wait_dma2 semaphore(%run_scoped3A : memref<!tpu.dma_semaphore, #tpu.memory_space<semaphore_mem>>) src(%arg8 : memref<128x64xf32, #tpu.memory_space<vmem>>) dst(%dma_wait3A_123 : memref<128x64xf32, #tpu.memory_space<vmem_shared>>)
      tpu.yield
    }) : () -> ()
    %mul3A_11 = arith.constant 640 : i32
    %mul3A_12 = arith.muli %arg1, %mul3A_11 : i32
    %add3A_13 = arith.constant 128 : i32
    %add3A_14 = arith.addi %mul3A_12, %add3A_13 : i32
    "tpu.region"() ({
      %run_scoped3A = tpu.sem_alloc : memref<!tpu.dma_semaphore, #tpu.memory_space<semaphore_mem>>
      %dma_start3A_116 = arith.constant 0 : i32
      %dma_start3A_117 = tpu.memref_slice %arg9[%add3A_14, %dma_start3A_116] : memref<10240x64xf32, #tpu.memory_space<vmem_shared>> -> memref<128x64xf32, #tpu.memory_space<vmem_shared>>
      %dma_start3A_118 = arith.constant 0 : i32
      %dma_start3A_119 = tpu.memref_slice %arg9[%add3A_14, %dma_start3A_118] : memref<10240x64xf32, #tpu.memory_space<vmem_shared>> -> memref<128x64xf32, #tpu.memory_space<vmem_shared>>
      tpu.enqueue_dma source(%arg8 : memref<128x64xf32, #tpu.memory_space<vmem>>) target(%dma_start3A_119 : memref<128x64xf32, #tpu.memory_space<vmem_shared>>) target_semaphore(%run_scoped3A : memref<!tpu.dma_semaphore, #tpu.memory_space<semaphore_mem>>)
      %dma_wait3A_120 = arith.constant 0 : i32
      %dma_wait3A_121 = tpu.memref_slice %arg9[%add3A_14, %dma_wait3A_120] : memref<10240x64xf32, #tpu.memory_space<vmem_shared>> -> memref<128x64xf32, #tpu.memory_space<vmem_shared>>
      %dma_wait3A_122 = arith.constant 0 : i32
      %dma_wait3A_123 = tpu.memref_slice %arg9[%add3A_14, %dma_wait3A_122] : memref<10240x64xf32, #tpu.memory_space<vmem_shared>> -> memref<128x64xf32, #tpu.memory_space<vmem_shared>>
      tpu.wait_dma2 semaphore(%run_scoped3A : memref<!tpu.dma_semaphore, #tpu.memory_space<semaphore_mem>>) src(%arg8 : memref<128x64xf32, #tpu.memory_space<vmem>>) dst(%dma_wait3A_123 : memref<128x64xf32, #tpu.memory_space<vmem_shared>>)
      tpu.yield
    }) : () -> ()
    %mul3A_15 = arith.constant 640 : i32
    %mul3A_16 = arith.muli %arg1, %mul3A_15 : i32
    %add3A_17 = arith.constant 256 : i32
    %add3A_18 = arith.addi %mul3A_16, %add3A_17 : i32
    "tpu.region"() ({
      %run_scoped3A = tpu.sem_alloc : memref<!tpu.dma_semaphore, #tpu.memory_space<semaphore_mem>>
      %dma_start3A_116 = arith.constant 0 : i32
      %dma_start3A_117 = tpu.memref_slice %arg9[%add3A_18, %dma_start3A_116] : memref<10240x64xf32, #tpu.memory_space<vmem_shared>> -> memref<128x64xf32, #tpu.memory_space<vmem_shared>>
      %dma_start3A_118 = arith.constant 0 : i32
      %dma_start3A_119 = tpu.memref_slice %arg9[%add3A_18, %dma_start3A_118] : memref<10240x64xf32, #tpu.memory_space<vmem_shared>> -> memref<128x64xf32, #tpu.memory_space<vmem_shared>>
      tpu.enqueue_dma source(%arg8 : memref<128x64xf32, #tpu.memory_space<vmem>>) target(%dma_start3A_119 : memref<128x64xf32, #tpu.memory_space<vmem_shared>>) target_semaphore(%run_scoped3A : memref<!tpu.dma_semaphore, #tpu.memory_space<semaphore_mem>>)
      %dma_wait3A_120 = arith.constant 0 : i32
      %dma_wait3A_121 = tpu.memref_slice %arg9[%add3A_18, %dma_wait3A_120] : memref<10240x64xf32, #tpu.memory_space<vmem_shared>> -> memref<128x64xf32, #tpu.memory_space<vmem_shared>>
      %dma_wait3A_122 = arith.constant 0 : i32
      %dma_wait3A_123 = tpu.memref_slice %arg9[%add3A_18, %dma_wait3A_122] : memref<10240x64xf32, #tpu.memory_space<vmem_shared>> -> memref<128x64xf32, #tpu.memory_space<vmem_shared>>
      tpu.wait_dma2 semaphore(%run_scoped3A : memref<!tpu.dma_semaphore, #tpu.memory_space<semaphore_mem>>) src(%arg8 : memref<128x64xf32, #tpu.memory_space<vmem>>) dst(%dma_wait3A_123 : memref<128x64xf32, #tpu.memory_space<vmem_shared>>)
      tpu.yield
    }) : () -> ()
    %mul3A_19 = arith.constant 640 : i32
    %mul3A_20 = arith.muli %arg1, %mul3A_19 : i32
    %add3A_21 = arith.constant 384 : i32
    %add3A_22 = arith.addi %mul3A_20, %add3A_21 : i32
    "tpu.region"() ({
      %run_scoped3A = tpu.sem_alloc : memref<!tpu.dma_semaphore, #tpu.memory_space<semaphore_mem>>
      %dma_start3A_116 = arith.constant 0 : i32
      %dma_start3A_117 = tpu.memref_slice %arg9[%add3A_22, %dma_start3A_116] : memref<10240x64xf32, #tpu.memory_space<vmem_shared>> -> memref<128x64xf32, #tpu.memory_space<vmem_shared>>
      %dma_start3A_118 = arith.constant 0 : i32
      %dma_start3A_119 = tpu.memref_slice %arg9[%add3A_22, %dma_start3A_118] : memref<10240x64xf32, #tpu.memory_space<vmem_shared>> -> memref<128x64xf32, #tpu.memory_space<vmem_shared>>
      tpu.enqueue_dma source(%arg8 : memref<128x64xf32, #tpu.memory_space<vmem>>) target(%dma_start3A_119 : memref<128x64xf32, #tpu.memory_space<vmem_shared>>) target_semaphore(%run_scoped3A : memref<!tpu.dma_semaphore, #tpu.memory_space<semaphore_mem>>)
      %dma_wait3A_120 = arith.constant 0 : i32
      %dma_wait3A_121 = tpu.memref_slice %arg9[%add3A_22, %dma_wait3A_120] : memref<10240x64xf32, #tpu.memory_space<vmem_shared>> -> memref<128x64xf32, #tpu.memory_space<vmem_shared>>
      %dma_wait3A_122 = arith.constant 0 : i32
      %dma_wait3A_123 = tpu.memref_slice %arg9[%add3A_22, %dma_wait3A_122] : memref<10240x64xf32, #tpu.memory_space<vmem_shared>> -> memref<128x64xf32, #tpu.memory_space<vmem_shared>>
      tpu.wait_dma2 semaphore(%run_scoped3A : memref<!tpu.dma_semaphore, #tpu.memory_space<semaphore_mem>>) src(%arg8 : memref<128x64xf32, #tpu.memory_space<vmem>>) dst(%dma_wait3A_123 : memref<128x64xf32, #tpu.memory_space<vmem_shared>>)
      tpu.yield
    }) : () -> ()
    %mul3A_23 = arith.constant 640 : i32
    %mul3A_24 = arith.muli %arg1, %mul3A_23 : i32
    %add3A_25 = arith.constant 512 : i32
    %add3A_26 = arith.addi %mul3A_24, %add3A_25 : i32
    "tpu.region"() ({
      %run_scoped3A = tpu.sem_alloc : memref<!tpu.dma_semaphore, #tpu.memory_space<semaphore_mem>>
      %dma_start3A_116 = arith.constant 0 : i32
      %dma_start3A_117 = tpu.memref_slice %arg9[%add3A_26, %dma_start3A_116] : memref<10240x64xf32, #tpu.memory_space<vmem_shared>> -> memref<128x64xf32, #tpu.memory_space<vmem_shared>>
      %dma_start3A_118 = arith.constant 0 : i32
      %dma_start3A_119 = tpu.memref_slice %arg9[%add3A_26, %dma_start3A_118] : memref<10240x64xf32, #tpu.memory_space<vmem_shared>> -> memref<128x64xf32, #tpu.memory_space<vmem_shared>>
      tpu.enqueue_dma source(%arg8 : memref<128x64xf32, #tpu.memory_space<vmem>>) target(%dma_start3A_119 : memref<128x64xf32, #tpu.memory_space<vmem_shared>>) target_semaphore(%run_scoped3A : memref<!tpu.dma_semaphore, #tpu.memory_space<semaphore_mem>>)
      %dma_wait3A_120 = arith.constant 0 : i32
      %dma_wait3A_121 = tpu.memref_slice %arg9[%add3A_26, %dma_wait3A_120] : memref<10240x64xf32, #tpu.memory_space<vmem_shared>> -> memref<128x64xf32, #tpu.memory_space<vmem_shared>>
      %dma_wait3A_122 = arith.constant 0 : i32
      %dma_wait3A_123 = tpu.memref_slice %arg9[%add3A_26, %dma_wait3A_122] : memref<10240x64xf32, #tpu.memory_space<vmem_shared>> -> memref<128x64xf32, #tpu.memory_space<vmem_shared>>
      tpu.wait_dma2 semaphore(%run_scoped3A : memref<!tpu.dma_semaphore, #tpu.memory_space<semaphore_mem>>) src(%arg8 : memref<128x64xf32, #tpu.memory_space<vmem>>) dst(%dma_wait3A_123 : memref<128x64xf32, #tpu.memory_space<vmem_shared>>)
      tpu.yield
    }) : () -> ()
    "tpu.region"() ({
      %run_scoped3A = tpu.sem_alloc : memref<!tpu.dma_semaphore, #tpu.memory_space<semaphore_mem>>
      %dma_start3A_116 = arith.constant 0 : i32
      %dma_start3A_117 = arith.constant 0 : i32
      %dma_start3A_118 = tpu.memref_slice %arg3[%add3A, %dma_start3A_116, %dma_start3A_117] : memref<32x58x256xi32, #tpu.memory_space<hbm>> -> memref<1x58x256xi32, #tpu.memory_space<hbm>>
      %dma_start3A_119 = tpu.memref_squeeze %dma_start3A_118 : memref<1x58x256xi32, #tpu.memory_space<hbm>> -> memref<58x256xi32, #tpu.memory_space<hbm>>
      %dma_start3A_120 = arith.constant 0 : i32
      %dma_start3A_121 = arith.constant 0 : i32
      %dma_start3A_122 = tpu.memref_slice %arg3[%add3A, %dma_start3A_120, %dma_start3A_121] : memref<32x58x256xi32, #tpu.memory_space<hbm>> -> memref<1x58x256xi32, #tpu.memory_space<hbm>>
      %dma_start3A_123 = tpu.memref_squeeze %dma_start3A_122 : memref<1x58x256xi32, #tpu.memory_space<hbm>> -> memref<58x256xi32, #tpu.memory_space<hbm>>
      tpu.enqueue_dma source(%dma_start3A_123 : memref<58x256xi32, #tpu.memory_space<hbm>>) target(%arg6 : memref<58x256xi32, #tpu.memory_space<vmem>>) target_semaphore(%run_scoped3A : memref<!tpu.dma_semaphore, #tpu.memory_space<semaphore_mem>>)
      %dma_wait3A_124 = arith.constant 0 : i32
      %dma_wait3A_125 = arith.constant 0 : i32
      %dma_wait3A_126 = tpu.memref_slice %arg3[%add3A, %dma_wait3A_124, %dma_wait3A_125] : memref<32x58x256xi32, #tpu.memory_space<hbm>> -> memref<1x58x256xi32, #tpu.memory_space<hbm>>
      %dma_wait3A_127 = tpu.memref_squeeze %dma_wait3A_126 : memref<1x58x256xi32, #tpu.memory_space<hbm>> -> memref<58x256xi32, #tpu.memory_space<hbm>>
      %dma_wait3A_128 = arith.constant 0 : i32
      %dma_wait3A_129 = arith.constant 0 : i32
      %dma_wait3A_130 = tpu.memref_slice %arg3[%add3A, %dma_wait3A_128, %dma_wait3A_129] : memref<32x58x256xi32, #tpu.memory_space<hbm>> -> memref<1x58x256xi32, #tpu.memory_space<hbm>>
      %dma_wait3A_131 = tpu.memref_squeeze %dma_wait3A_130 : memref<1x58x256xi32, #tpu.memory_space<hbm>> -> memref<58x256xi32, #tpu.memory_space<hbm>>
      tpu.wait_dma2 semaphore(%run_scoped3A : memref<!tpu.dma_semaphore, #tpu.memory_space<semaphore_mem>>) src(%dma_wait3A_131 : memref<58x256xi32, #tpu.memory_space<hbm>>) dst(%arg6 : memref<58x256xi32, #tpu.memory_space<vmem>>)
      tpu.yield
    }) : () -> ()
    "tpu.region"() ({
      %run_scoped3A = tpu.sem_alloc : memref<!tpu.dma_semaphore, #tpu.memory_space<semaphore_mem>>
      %dma_start3A_116 = arith.constant 0 : i32
      %dma_start3A_117 = arith.constant 0 : i32
      %dma_start3A_118 = tpu.memref_slice %arg4[%add3A, %dma_start3A_116, %dma_start3A_117] : memref<32x116x128xi32, #tpu.memory_space<hbm>> -> memref<1x116x128xi32, #tpu.memory_space<hbm>>
      %dma_start3A_119 = tpu.memref_squeeze %dma_start3A_118 : memref<1x116x128xi32, #tpu.memory_space<hbm>> -> memref<116x128xi32, #tpu.memory_space<hbm>>
      %dma_start3A_120 = arith.constant 0 : i32
      %dma_start3A_121 = arith.constant 0 : i32
      %dma_start3A_122 = tpu.memref_slice %arg4[%add3A, %dma_start3A_120, %dma_start3A_121] : memref<32x116x128xi32, #tpu.memory_space<hbm>> -> memref<1x116x128xi32, #tpu.memory_space<hbm>>
      %dma_start3A_123 = tpu.memref_squeeze %dma_start3A_122 : memref<1x116x128xi32, #tpu.memory_space<hbm>> -> memref<116x128xi32, #tpu.memory_space<hbm>>
      tpu.enqueue_dma source(%dma_start3A_123 : memref<116x128xi32, #tpu.memory_space<hbm>>) target(%arg7 : memref<116x128xi32, #tpu.memory_space<vmem>>) target_semaphore(%run_scoped3A : memref<!tpu.dma_semaphore, #tpu.memory_space<semaphore_mem>>)
      %dma_wait3A_124 = arith.constant 0 : i32
      %dma_wait3A_125 = arith.constant 0 : i32
      %dma_wait3A_126 = tpu.memref_slice %arg4[%add3A, %dma_wait3A_124, %dma_wait3A_125] : memref<32x116x128xi32, #tpu.memory_space<hbm>> -> memref<1x116x128xi32, #tpu.memory_space<hbm>>
      %dma_wait3A_127 = tpu.memref_squeeze %dma_wait3A_126 : memref<1x116x128xi32, #tpu.memory_space<hbm>> -> memref<116x128xi32, #tpu.memory_space<hbm>>
      %dma_wait3A_128 = arith.constant 0 : i32
      %dma_wait3A_129 = arith.constant 0 : i32
      %dma_wait3A_130 = tpu.memref_slice %arg4[%add3A, %dma_wait3A_128, %dma_wait3A_129] : memref<32x116x128xi32, #tpu.memory_space<hbm>> -> memref<1x116x128xi32, #tpu.memory_space<hbm>>
      %dma_wait3A_131 = tpu.memref_squeeze %dma_wait3A_130 : memref<1x116x128xi32, #tpu.memory_space<hbm>> -> memref<116x128xi32, #tpu.memory_space<hbm>>
      tpu.wait_dma2 semaphore(%run_scoped3A : memref<!tpu.dma_semaphore, #tpu.memory_space<semaphore_mem>>) src(%dma_wait3A_131 : memref<116x128xi32, #tpu.memory_space<hbm>>) dst(%arg7 : memref<116x128xi32, #tpu.memory_space<vmem>>)
      tpu.yield
    }) : () -> ()
    %barrier3A = arith.constant 0 : index
    tpu.barrier barrier_id(%barrier3A)
    %eq3A = arith.constant 0 : i32
    %eq3A_27 = arith.cmpi eq, %arg0, %eq3A : i32
    %jit3A = arith.constant 29 : i32
    %jit3A_28 = arith.constant 11 : i32
    %select_n3A = arith.select %eq3A_27, %jit3A, %jit3A_28 : i32
    %dma_start3A = arith.constant 0 : i32
    %dma_start3A_29 = arith.constant 0 : i32
    %dma_start3A_30 = tpu.memref_slice %arg6[%dma_start3A, %dma_start3A_29] : memref<58x256xi32, #tpu.memory_space<vmem>> -> memref<1x256xi32, #tpu.memory_space<vmem>>
    %dma_start3A_31 = tpu.memref_squeeze %dma_start3A_30 : memref<1x256xi32, #tpu.memory_space<vmem>> -> memref<256xi32, #tpu.memory_space<vmem>>
    %dma_start3A_32 = arith.constant 0 : i32
    %dma_start3A_33 = arith.constant 0 : i32
    %dma_start3A_34 = tpu.memref_slice %arg2[%dma_start3A_32, %dma_start3A_33] : memref<10240x64xf32, #tpu.memory_space<hbm>> -> memref<10240x64xf32, #tpu.memory_space<hbm>>
    tpu.enqueue_indirect_dma source(%dma_start3A_34 : memref<10240x64xf32, #tpu.memory_space<hbm>>) target(%arg10 : memref<256x64xf32, #tpu.memory_space<vmem>>) offsets(%dma_start3A_31 : memref<256xi32, #tpu.memory_space<vmem>>) semaphore(%arg12 : memref<!tpu.dma_semaphore, #tpu.memory_space<semaphore_mem>>)
    %dma_start3A_35 = arith.constant 1 : i32
    %dma_start3A_36 = arith.constant 0 : i32
    %dma_start3A_37 = tpu.memref_slice %arg6[%dma_start3A_35, %dma_start3A_36] : memref<58x256xi32, #tpu.memory_space<vmem>> -> memref<1x256xi32, #tpu.memory_space<vmem>>
    %dma_start3A_38 = tpu.memref_squeeze %dma_start3A_37 : memref<1x256xi32, #tpu.memory_space<vmem>> -> memref<256xi32, #tpu.memory_space<vmem>>
    %dma_start3A_39 = arith.constant 0 : i32
    %dma_start3A_40 = arith.constant 0 : i32
    %dma_start3A_41 = tpu.memref_slice %arg2[%dma_start3A_39, %dma_start3A_40] : memref<10240x64xf32, #tpu.memory_space<hbm>> -> memref<10240x64xf32, #tpu.memory_space<hbm>>
    tpu.enqueue_indirect_dma source(%dma_start3A_41 : memref<10240x64xf32, #tpu.memory_space<hbm>>) target(%arg11 : memref<256x64xf32, #tpu.memory_space<vmem>>) offsets(%dma_start3A_38 : memref<256xi32, #tpu.memory_space<vmem>>) semaphore(%arg13 : memref<!tpu.dma_semaphore, #tpu.memory_space<semaphore_mem>>)
    %while3A = arith.constant 0 : i32
    %while3A_42 = arith.constant 0 : i32
    %while3A_43 = arith.subi %select_n3A, %while3A : i32
    %while3A_44 = arith.addi %while3A, %while3A_43 : i32
    %while3A_45 = arith.constant 1 : i32
    %while3A_46 = arith.divsi %while3A_43, %while3A_45 : i32
    %while3A_47 = arith.muli %while3A_46, %while3A_45 : i32
    %while3A_48 = arith.addi %while3A, %while3A_47 : i32
    %while3A_49 = arith.constant 1 : i32
    %while3A_50 = scf.for %while3A_116 = %while3A to %while3A_48 step %while3A_49 iter_args(%while3A_117 = %while3A_42) -> (i32)  : i32 {
      %mul3A_118 = arith.constant 2 : i32
      %mul3A_119 = arith.muli %while3A_116, %mul3A_118 : i32
      %add3A_120 = arith.constant 0 : i32
      %add3A_121 = arith.addi %mul3A_119, %add3A_120 : i32
      %dma_wait3A_122 = arith.constant 0 : i32
      %dma_wait3A_123 = tpu.memref_slice %arg6[%add3A_121, %dma_wait3A_122] : memref<58x256xi32, #tpu.memory_space<vmem>> -> memref<1x256xi32, #tpu.memory_space<vmem>>
      %dma_wait3A_124 = tpu.memref_squeeze %dma_wait3A_123 : memref<1x256xi32, #tpu.memory_space<vmem>> -> memref<256xi32, #tpu.memory_space<vmem>>
      %dma_wait3A_125 = arith.constant 0 : i32
      %dma_wait3A_126 = arith.constant 0 : i32
      %dma_wait3A_127 = tpu.memref_slice %arg2[%dma_wait3A_125, %dma_wait3A_126] : memref<10240x64xf32, #tpu.memory_space<hbm>> -> memref<10240x64xf32, #tpu.memory_space<hbm>>
      tpu.wait_indirect_dma semaphore(%arg12 : memref<!tpu.dma_semaphore, #tpu.memory_space<semaphore_mem>>) src(%dma_wait3A_127 : memref<10240x64xf32, #tpu.memory_space<hbm>>) dst(%arg10 : memref<256x64xf32, #tpu.memory_space<vmem>>)
      %add3A_128 = arith.constant 0 : i32
      %add3A_129 = arith.addi %mul3A_119, %add3A_128 : i32
      %mul3A_130 = arith.constant 2 : i32
      %mul3A_131 = arith.muli %mul3A_130, %add3A_129 : i32
      %dma_start3A_132 = arith.constant 0 : i32
      %dma_start3A_133 = arith.constant 0 : i32
      %dma_start3A_134 = tpu.memref_slice %arg10[%dma_start3A_132, %dma_start3A_133] : memref<256x64xf32, #tpu.memory_space<vmem>> -> memref<128x64xf32, #tpu.memory_space<vmem>>
      %dma_start3A_135 = arith.constant 0 : i32
      %dma_start3A_136 = tpu.memref_slice %arg7[%mul3A_131, %dma_start3A_135] : memref<116x128xi32, #tpu.memory_space<vmem>> -> memref<1x128xi32, #tpu.memory_space<vmem>>
      %dma_start3A_137 = tpu.memref_squeeze %dma_start3A_136 : memref<1x128xi32, #tpu.memory_space<vmem>> -> memref<128xi32, #tpu.memory_space<vmem>>
      %dma_start3A_138 = arith.constant 0 : i32
      %dma_start3A_139 = arith.constant 0 : i32
      %dma_start3A_140 = tpu.memref_slice %arg9[%dma_start3A_138, %dma_start3A_139] : memref<10240x64xf32, #tpu.memory_space<vmem_shared>> -> memref<10240x64xf32, #tpu.memory_space<vmem_shared>>
      tpu.enqueue_indirect_dma source(%dma_start3A_134 : memref<128x64xf32, #tpu.memory_space<vmem>>) target(%dma_start3A_140 : memref<10240x64xf32, #tpu.memory_space<vmem_shared>>) offsets(%dma_start3A_137 : memref<128xi32, #tpu.memory_space<vmem>>) semaphore(%arg14 : memref<!tpu.dma_semaphore, #tpu.memory_space<semaphore_mem>>) {add = true}
      %mul3A_141 = arith.constant 2 : i32
      %mul3A_142 = arith.muli %mul3A_141, %add3A_129 : i32
      %add3A_143 = arith.constant 1 : i32
      %add3A_144 = arith.addi %mul3A_142, %add3A_143 : i32
      %dma_start3A_145 = arith.constant 128 : i32
      %dma_start3A_146 = arith.constant 0 : i32
      %dma_start3A_147 = tpu.memref_slice %arg10[%dma_start3A_145, %dma_start3A_146] : memref<256x64xf32, #tpu.memory_space<vmem>> -> memref<128x64xf32, #tpu.memory_space<vmem>>
      %dma_start3A_148 = arith.constant 0 : i32
      %dma_start3A_149 = tpu.memref_slice %arg7[%add3A_144, %dma_start3A_148] : memref<116x128xi32, #tpu.memory_space<vmem>> -> memref<1x128xi32, #tpu.memory_space<vmem>>
      %dma_start3A_150 = tpu.memref_squeeze %dma_start3A_149 : memref<1x128xi32, #tpu.memory_space<vmem>> -> memref<128xi32, #tpu.memory_space<vmem>>
      %dma_start3A_151 = arith.constant 0 : i32
      %dma_start3A_152 = arith.constant 0 : i32
      %dma_start3A_153 = tpu.memref_slice %arg9[%dma_start3A_151, %dma_start3A_152] : memref<10240x64xf32, #tpu.memory_space<vmem_shared>> -> memref<10240x64xf32, #tpu.memory_space<vmem_shared>>
      tpu.enqueue_indirect_dma source(%dma_start3A_147 : memref<128x64xf32, #tpu.memory_space<vmem>>) target(%dma_start3A_153 : memref<10240x64xf32, #tpu.memory_space<vmem_shared>>) offsets(%dma_start3A_150 : memref<128xi32, #tpu.memory_space<vmem>>) semaphore(%arg14 : memref<!tpu.dma_semaphore, #tpu.memory_space<semaphore_mem>>) {add = true}
      %add3A_154 = arith.constant 1 : i32
      %add3A_155 = arith.addi %mul3A_119, %add3A_154 : i32
      %dma_wait3A_156 = arith.constant 0 : i32
      %dma_wait3A_157 = tpu.memref_slice %arg6[%add3A_155, %dma_wait3A_156] : memref<58x256xi32, #tpu.memory_space<vmem>> -> memref<1x256xi32, #tpu.memory_space<vmem>>
      %dma_wait3A_158 = tpu.memref_squeeze %dma_wait3A_157 : memref<1x256xi32, #tpu.memory_space<vmem>> -> memref<256xi32, #tpu.memory_space<vmem>>
      %dma_wait3A_159 = arith.constant 0 : i32
      %dma_wait3A_160 = arith.constant 0 : i32
      %dma_wait3A_161 = tpu.memref_slice %arg2[%dma_wait3A_159, %dma_wait3A_160] : memref<10240x64xf32, #tpu.memory_space<hbm>> -> memref<10240x64xf32, #tpu.memory_space<hbm>>
      tpu.wait_indirect_dma semaphore(%arg13 : memref<!tpu.dma_semaphore, #tpu.memory_space<semaphore_mem>>) src(%dma_wait3A_161 : memref<10240x64xf32, #tpu.memory_space<hbm>>) dst(%arg11 : memref<256x64xf32, #tpu.memory_space<vmem>>)
      %add3A_162 = arith.constant 1 : i32
      %add3A_163 = arith.addi %mul3A_119, %add3A_162 : i32
      %mul3A_164 = arith.constant 2 : i32
      %mul3A_165 = arith.muli %mul3A_164, %add3A_163 : i32
      %dma_start3A_166 = arith.constant 0 : i32
      %dma_start3A_167 = arith.constant 0 : i32
      %dma_start3A_168 = tpu.memref_slice %arg11[%dma_start3A_166, %dma_start3A_167] : memref<256x64xf32, #tpu.memory_space<vmem>> -> memref<128x64xf32, #tpu.memory_space<vmem>>
      %dma_start3A_169 = arith.constant 0 : i32
      %dma_start3A_170 = tpu.memref_slice %arg7[%mul3A_165, %dma_start3A_169] : memref<116x128xi32, #tpu.memory_space<vmem>> -> memref<1x128xi32, #tpu.memory_space<vmem>>
      %dma_start3A_171 = tpu.memref_squeeze %dma_start3A_170 : memref<1x128xi32, #tpu.memory_space<vmem>> -> memref<128xi32, #tpu.memory_space<vmem>>
      %dma_start3A_172 = arith.constant 0 : i32
      %dma_start3A_173 = arith.constant 0 : i32
      %dma_start3A_174 = tpu.memref_slice %arg9[%dma_start3A_172, %dma_start3A_173] : memref<10240x64xf32, #tpu.memory_space<vmem_shared>> -> memref<10240x64xf32, #tpu.memory_space<vmem_shared>>
      tpu.enqueue_indirect_dma source(%dma_start3A_168 : memref<128x64xf32, #tpu.memory_space<vmem>>) target(%dma_start3A_174 : memref<10240x64xf32, #tpu.memory_space<vmem_shared>>) offsets(%dma_start3A_171 : memref<128xi32, #tpu.memory_space<vmem>>) semaphore(%arg15 : memref<!tpu.dma_semaphore, #tpu.memory_space<semaphore_mem>>) {add = true}
      %mul3A_175 = arith.constant 2 : i32
      %mul3A_176 = arith.muli %mul3A_175, %add3A_163 : i32
      %add3A_177 = arith.constant 1 : i32
      %add3A_178 = arith.addi %mul3A_176, %add3A_177 : i32
      %dma_start3A_179 = arith.constant 128 : i32
      %dma_start3A_180 = arith.constant 0 : i32
      %dma_start3A_181 = tpu.memref_slice %arg11[%dma_start3A_179, %dma_start3A_180] : memref<256x64xf32, #tpu.memory_space<vmem>> -> memref<128x64xf32, #tpu.memory_space<vmem>>
      %dma_start3A_182 = arith.constant 0 : i32
      %dma_start3A_183 = tpu.memref_slice %arg7[%add3A_178, %dma_start3A_182] : memref<116x128xi32, #tpu.memory_space<vmem>> -> memref<1x128xi32, #tpu.memory_space<vmem>>
      %dma_start3A_184 = tpu.memref_squeeze %dma_start3A_183 : memref<1x128xi32, #tpu.memory_space<vmem>> -> memref<128xi32, #tpu.memory_space<vmem>>
      %dma_start3A_185 = arith.constant 0 : i32
      %dma_start3A_186 = arith.constant 0 : i32
      %dma_start3A_187 = tpu.memref_slice %arg9[%dma_start3A_185, %dma_start3A_186] : memref<10240x64xf32, #tpu.memory_space<vmem_shared>> -> memref<10240x64xf32, #tpu.memory_space<vmem_shared>>
      tpu.enqueue_indirect_dma source(%dma_start3A_181 : memref<128x64xf32, #tpu.memory_space<vmem>>) target(%dma_start3A_187 : memref<10240x64xf32, #tpu.memory_space<vmem_shared>>) offsets(%dma_start3A_184 : memref<128xi32, #tpu.memory_space<vmem>>) semaphore(%arg15 : memref<!tpu.dma_semaphore, #tpu.memory_space<semaphore_mem>>) {add = true}
      %sub3A_188 = arith.constant 1 : i32
      %sub3A_189 = arith.subi %select_n3A, %sub3A_188 : i32
      %lt3A = arith.cmpi slt, %while3A_116, %sub3A_189 : i32
      %convert_element_type3A = arith.extui %lt3A : i1 to i32
      %cond3A = arith.constant 0 : i32
      %cond3A_190 = arith.cmpi ne, %convert_element_type3A, %cond3A : i32
      scf.if %cond3A_190 {
        %add3A_198 = arith.constant 0 : i32
        %add3A_199 = arith.addi %mul3A_119, %add3A_198 : i32
        %mul3A_200 = arith.constant 2 : i32
        %mul3A_201 = arith.muli %mul3A_200, %add3A_199 : i32
        %dma_wait3A_202 = arith.constant 0 : i32
        %dma_wait3A_203 = arith.constant 0 : i32
        %dma_wait3A_204 = tpu.memref_slice %arg10[%dma_wait3A_202, %dma_wait3A_203] : memref<256x64xf32, #tpu.memory_space<vmem>> -> memref<128x64xf32, #tpu.memory_space<vmem>>
        %dma_wait3A_205 = arith.constant 0 : i32
        %dma_wait3A_206 = tpu.memref_slice %arg7[%mul3A_201, %dma_wait3A_205] : memref<116x128xi32, #tpu.memory_space<vmem>> -> memref<1x128xi32, #tpu.memory_space<vmem>>
        %dma_wait3A_207 = tpu.memref_squeeze %dma_wait3A_206 : memref<1x128xi32, #tpu.memory_space<vmem>> -> memref<128xi32, #tpu.memory_space<vmem>>
        %dma_wait3A_208 = arith.constant 0 : i32
        %dma_wait3A_209 = arith.constant 0 : i32
        %dma_wait3A_210 = tpu.memref_slice %arg9[%dma_wait3A_208, %dma_wait3A_209] : memref<10240x64xf32, #tpu.memory_space<vmem_shared>> -> memref<10240x64xf32, #tpu.memory_space<vmem_shared>>
        tpu.wait_indirect_dma semaphore(%arg14 : memref<!tpu.dma_semaphore, #tpu.memory_space<semaphore_mem>>) src(%dma_wait3A_204 : memref<128x64xf32, #tpu.memory_space<vmem>>) dst(%dma_wait3A_210 : memref<10240x64xf32, #tpu.memory_space<vmem_shared>>)
        %mul3A_211 = arith.constant 2 : i32
        %mul3A_212 = arith.muli %mul3A_211, %add3A_199 : i32
        %add3A_213 = arith.constant 1 : i32
        %add3A_214 = arith.addi %mul3A_212, %add3A_213 : i32
        %dma_wait3A_215 = arith.constant 128 : i32
        %dma_wait3A_216 = arith.constant 0 : i32
        %dma_wait3A_217 = tpu.memref_slice %arg10[%dma_wait3A_215, %dma_wait3A_216] : memref<256x64xf32, #tpu.memory_space<vmem>> -> memref<128x64xf32, #tpu.memory_space<vmem>>
        %dma_wait3A_218 = arith.constant 0 : i32
        %dma_wait3A_219 = tpu.memref_slice %arg7[%add3A_214, %dma_wait3A_218] : memref<116x128xi32, #tpu.memory_space<vmem>> -> memref<1x128xi32, #tpu.memory_space<vmem>>
        %dma_wait3A_220 = tpu.memref_squeeze %dma_wait3A_219 : memref<1x128xi32, #tpu.memory_space<vmem>> -> memref<128xi32, #tpu.memory_space<vmem>>
        %dma_wait3A_221 = arith.constant 0 : i32
        %dma_wait3A_222 = arith.constant 0 : i32
        %dma_wait3A_223 = tpu.memref_slice %arg9[%dma_wait3A_221, %dma_wait3A_222] : memref<10240x64xf32, #tpu.memory_space<vmem_shared>> -> memref<10240x64xf32, #tpu.memory_space<vmem_shared>>
        tpu.wait_indirect_dma semaphore(%arg14 : memref<!tpu.dma_semaphore, #tpu.memory_space<semaphore_mem>>) src(%dma_wait3A_217 : memref<128x64xf32, #tpu.memory_space<vmem>>) dst(%dma_wait3A_223 : memref<10240x64xf32, #tpu.memory_space<vmem_shared>>)
        %add3A_224 = arith.constant 2 : i32
        %add3A_225 = arith.addi %mul3A_119, %add3A_224 : i32
        %add3A_226 = arith.constant 0 : i32
        %add3A_227 = arith.addi %add3A_225, %add3A_226 : i32
        %dma_start3A_228 = arith.constant 0 : i32
        %dma_start3A_229 = tpu.memref_slice %arg6[%add3A_227, %dma_start3A_228] : memref<58x256xi32, #tpu.memory_space<vmem>> -> memref<1x256xi32, #tpu.memory_space<vmem>>
        %dma_start3A_230 = tpu.memref_squeeze %dma_start3A_229 : memref<1x256xi32, #tpu.memory_space<vmem>> -> memref<256xi32, #tpu.memory_space<vmem>>
        %dma_start3A_231 = arith.constant 0 : i32
        %dma_start3A_232 = arith.constant 0 : i32
        %dma_start3A_233 = tpu.memref_slice %arg2[%dma_start3A_231, %dma_start3A_232] : memref<10240x64xf32, #tpu.memory_space<hbm>> -> memref<10240x64xf32, #tpu.memory_space<hbm>>
        tpu.enqueue_indirect_dma source(%dma_start3A_233 : memref<10240x64xf32, #tpu.memory_space<hbm>>) target(%arg10 : memref<256x64xf32, #tpu.memory_space<vmem>>) offsets(%dma_start3A_230 : memref<256xi32, #tpu.memory_space<vmem>>) semaphore(%arg12 : memref<!tpu.dma_semaphore, #tpu.memory_space<semaphore_mem>>)
      } else {
      }
      %sub3A_191 = arith.constant 1 : i32
      %sub3A_192 = arith.subi %select_n3A, %sub3A_191 : i32
      %lt3A_193 = arith.cmpi slt, %while3A_116, %sub3A_192 : i32
      %convert_element_type3A_194 = arith.extui %lt3A_193 : i1 to i32
      %cond3A_195 = arith.constant 0 : i32
      %cond3A_196 = arith.cmpi ne, %convert_element_type3A_194, %cond3A_195 : i32
      scf.if %cond3A_196 {
        %add3A_198 = arith.constant 1 : i32
        %add3A_199 = arith.addi %mul3A_119, %add3A_198 : i32
        %mul3A_200 = arith.constant 2 : i32
        %mul3A_201 = arith.muli %mul3A_200, %add3A_199 : i32
        %dma_wait3A_202 = arith.constant 0 : i32
        %dma_wait3A_203 = arith.constant 0 : i32
        %dma_wait3A_204 = tpu.memref_slice %arg11[%dma_wait3A_202, %dma_wait3A_203] : memref<256x64xf32, #tpu.memory_space<vmem>> -> memref<128x64xf32, #tpu.memory_space<vmem>>
        %dma_wait3A_205 = arith.constant 0 : i32
        %dma_wait3A_206 = tpu.memref_slice %arg7[%mul3A_201, %dma_wait3A_205] : memref<116x128xi32, #tpu.memory_space<vmem>> -> memref<1x128xi32, #tpu.memory_space<vmem>>
        %dma_wait3A_207 = tpu.memref_squeeze %dma_wait3A_206 : memref<1x128xi32, #tpu.memory_space<vmem>> -> memref<128xi32, #tpu.memory_space<vmem>>
        %dma_wait3A_208 = arith.constant 0 : i32
        %dma_wait3A_209 = arith.constant 0 : i32
        %dma_wait3A_210 = tpu.memref_slice %arg9[%dma_wait3A_208, %dma_wait3A_209] : memref<10240x64xf32, #tpu.memory_space<vmem_shared>> -> memref<10240x64xf32, #tpu.memory_space<vmem_shared>>
        tpu.wait_indirect_dma semaphore(%arg15 : memref<!tpu.dma_semaphore, #tpu.memory_space<semaphore_mem>>) src(%dma_wait3A_204 : memref<128x64xf32, #tpu.memory_space<vmem>>) dst(%dma_wait3A_210 : memref<10240x64xf32, #tpu.memory_space<vmem_shared>>)
        %mul3A_211 = arith.constant 2 : i32
        %mul3A_212 = arith.muli %mul3A_211, %add3A_199 : i32
        %add3A_213 = arith.constant 1 : i32
        %add3A_214 = arith.addi %mul3A_212, %add3A_213 : i32
        %dma_wait3A_215 = arith.constant 128 : i32
        %dma_wait3A_216 = arith.constant 0 : i32
        %dma_wait3A_217 = tpu.memref_slice %arg11[%dma_wait3A_215, %dma_wait3A_216] : memref<256x64xf32, #tpu.memory_space<vmem>> -> memref<128x64xf32, #tpu.memory_space<vmem>>
        %dma_wait3A_218 = arith.constant 0 : i32
        %dma_wait3A_219 = tpu.memref_slice %arg7[%add3A_214, %dma_wait3A_218] : memref<116x128xi32, #tpu.memory_space<vmem>> -> memref<1x128xi32, #tpu.memory_space<vmem>>
        %dma_wait3A_220 = tpu.memref_squeeze %dma_wait3A_219 : memref<1x128xi32, #tpu.memory_space<vmem>> -> memref<128xi32, #tpu.memory_space<vmem>>
        %dma_wait3A_221 = arith.constant 0 : i32
        %dma_wait3A_222 = arith.constant 0 : i32
        %dma_wait3A_223 = tpu.memref_slice %arg9[%dma_wait3A_221, %dma_wait3A_222] : memref<10240x64xf32, #tpu.memory_space<vmem_shared>> -> memref<10240x64xf32, #tpu.memory_space<vmem_shared>>
        tpu.wait_indirect_dma semaphore(%arg15 : memref<!tpu.dma_semaphore, #tpu.memory_space<semaphore_mem>>) src(%dma_wait3A_217 : memref<128x64xf32, #tpu.memory_space<vmem>>) dst(%dma_wait3A_223 : memref<10240x64xf32, #tpu.memory_space<vmem_shared>>)
        %add3A_224 = arith.constant 2 : i32
        %add3A_225 = arith.addi %mul3A_119, %add3A_224 : i32
        %add3A_226 = arith.constant 1 : i32
        %add3A_227 = arith.addi %add3A_225, %add3A_226 : i32
        %dma_start3A_228 = arith.constant 0 : i32
        %dma_start3A_229 = tpu.memref_slice %arg6[%add3A_227, %dma_start3A_228] : memref<58x256xi32, #tpu.memory_space<vmem>> -> memref<1x256xi32, #tpu.memory_space<vmem>>
        %dma_start3A_230 = tpu.memref_squeeze %dma_start3A_229 : memref<1x256xi32, #tpu.memory_space<vmem>> -> memref<256xi32, #tpu.memory_space<vmem>>
        %dma_start3A_231 = arith.constant 0 : i32
        %dma_start3A_232 = arith.constant 0 : i32
        %dma_start3A_233 = tpu.memref_slice %arg2[%dma_start3A_231, %dma_start3A_232] : memref<10240x64xf32, #tpu.memory_space<hbm>> -> memref<10240x64xf32, #tpu.memory_space<hbm>>
        tpu.enqueue_indirect_dma source(%dma_start3A_233 : memref<10240x64xf32, #tpu.memory_space<hbm>>) target(%arg11 : memref<256x64xf32, #tpu.memory_space<vmem>>) offsets(%dma_start3A_230 : memref<256xi32, #tpu.memory_space<vmem>>) semaphore(%arg13 : memref<!tpu.dma_semaphore, #tpu.memory_space<semaphore_mem>>)
      } else {
      }
      %while3A_197 = arith.constant 0 : i32
      scf.yield %while3A_197 : i32
    }
    %while3A_51 = arith.constant 1 : i32
    %while3A_52 = scf.for %while3A_116 = %while3A_48 to %while3A_44 step %while3A_51 iter_args(%while3A_117 = %while3A_50) -> (i32)  : i32 {
      %mul3A_118 = arith.constant 2 : i32
      %mul3A_119 = arith.muli %while3A_116, %mul3A_118 : i32
      %add3A_120 = arith.constant 0 : i32
      %add3A_121 = arith.addi %mul3A_119, %add3A_120 : i32
      %dma_wait3A_122 = arith.constant 0 : i32
      %dma_wait3A_123 = tpu.memref_slice %arg6[%add3A_121, %dma_wait3A_122] : memref<58x256xi32, #tpu.memory_space<vmem>> -> memref<1x256xi32, #tpu.memory_space<vmem>>
      %dma_wait3A_124 = tpu.memref_squeeze %dma_wait3A_123 : memref<1x256xi32, #tpu.memory_space<vmem>> -> memref<256xi32, #tpu.memory_space<vmem>>
      %dma_wait3A_125 = arith.constant 0 : i32
      %dma_wait3A_126 = arith.constant 0 : i32
      %dma_wait3A_127 = tpu.memref_slice %arg2[%dma_wait3A_125, %dma_wait3A_126] : memref<10240x64xf32, #tpu.memory_space<hbm>> -> memref<10240x64xf32, #tpu.memory_space<hbm>>
      tpu.wait_indirect_dma semaphore(%arg12 : memref<!tpu.dma_semaphore, #tpu.memory_space<semaphore_mem>>) src(%dma_wait3A_127 : memref<10240x64xf32, #tpu.memory_space<hbm>>) dst(%arg10 : memref<256x64xf32, #tpu.memory_space<vmem>>)
      %add3A_128 = arith.constant 0 : i32
      %add3A_129 = arith.addi %mul3A_119, %add3A_128 : i32
      %mul3A_130 = arith.constant 2 : i32
      %mul3A_131 = arith.muli %mul3A_130, %add3A_129 : i32
      %dma_start3A_132 = arith.constant 0 : i32
      %dma_start3A_133 = arith.constant 0 : i32
      %dma_start3A_134 = tpu.memref_slice %arg10[%dma_start3A_132, %dma_start3A_133] : memref<256x64xf32, #tpu.memory_space<vmem>> -> memref<128x64xf32, #tpu.memory_space<vmem>>
      %dma_start3A_135 = arith.constant 0 : i32
      %dma_start3A_136 = tpu.memref_slice %arg7[%mul3A_131, %dma_start3A_135] : memref<116x128xi32, #tpu.memory_space<vmem>> -> memref<1x128xi32, #tpu.memory_space<vmem>>
      %dma_start3A_137 = tpu.memref_squeeze %dma_start3A_136 : memref<1x128xi32, #tpu.memory_space<vmem>> -> memref<128xi32, #tpu.memory_space<vmem>>
      %dma_start3A_138 = arith.constant 0 : i32
      %dma_start3A_139 = arith.constant 0 : i32
      %dma_start3A_140 = tpu.memref_slice %arg9[%dma_start3A_138, %dma_start3A_139] : memref<10240x64xf32, #tpu.memory_space<vmem_shared>> -> memref<10240x64xf32, #tpu.memory_space<vmem_shared>>
      tpu.enqueue_indirect_dma source(%dma_start3A_134 : memref<128x64xf32, #tpu.memory_space<vmem>>) target(%dma_start3A_140 : memref<10240x64xf32, #tpu.memory_space<vmem_shared>>) offsets(%dma_start3A_137 : memref<128xi32, #tpu.memory_space<vmem>>) semaphore(%arg14 : memref<!tpu.dma_semaphore, #tpu.memory_space<semaphore_mem>>) {add = true}
      %mul3A_141 = arith.constant 2 : i32
      %mul3A_142 = arith.muli %mul3A_141, %add3A_129 : i32
      %add3A_143 = arith.constant 1 : i32
      %add3A_144 = arith.addi %mul3A_142, %add3A_143 : i32
      %dma_start3A_145 = arith.constant 128 : i32
      %dma_start3A_146 = arith.constant 0 : i32
      %dma_start3A_147 = tpu.memref_slice %arg10[%dma_start3A_145, %dma_start3A_146] : memref<256x64xf32, #tpu.memory_space<vmem>> -> memref<128x64xf32, #tpu.memory_space<vmem>>
      %dma_start3A_148 = arith.constant 0 : i32
      %dma_start3A_149 = tpu.memref_slice %arg7[%add3A_144, %dma_start3A_148] : memref<116x128xi32, #tpu.memory_space<vmem>> -> memref<1x128xi32, #tpu.memory_space<vmem>>
      %dma_start3A_150 = tpu.memref_squeeze %dma_start3A_149 : memref<1x128xi32, #tpu.memory_space<vmem>> -> memref<128xi32, #tpu.memory_space<vmem>>
      %dma_start3A_151 = arith.constant 0 : i32
      %dma_start3A_152 = arith.constant 0 : i32
      %dma_start3A_153 = tpu.memref_slice %arg9[%dma_start3A_151, %dma_start3A_152] : memref<10240x64xf32, #tpu.memory_space<vmem_shared>> -> memref<10240x64xf32, #tpu.memory_space<vmem_shared>>
      tpu.enqueue_indirect_dma source(%dma_start3A_147 : memref<128x64xf32, #tpu.memory_space<vmem>>) target(%dma_start3A_153 : memref<10240x64xf32, #tpu.memory_space<vmem_shared>>) offsets(%dma_start3A_150 : memref<128xi32, #tpu.memory_space<vmem>>) semaphore(%arg14 : memref<!tpu.dma_semaphore, #tpu.memory_space<semaphore_mem>>) {add = true}
      %add3A_154 = arith.constant 1 : i32
      %add3A_155 = arith.addi %mul3A_119, %add3A_154 : i32
      %dma_wait3A_156 = arith.constant 0 : i32
      %dma_wait3A_157 = tpu.memref_slice %arg6[%add3A_155, %dma_wait3A_156] : memref<58x256xi32, #tpu.memory_space<vmem>> -> memref<1x256xi32, #tpu.memory_space<vmem>>
      %dma_wait3A_158 = tpu.memref_squeeze %dma_wait3A_157 : memref<1x256xi32, #tpu.memory_space<vmem>> -> memref<256xi32, #tpu.memory_space<vmem>>
      %dma_wait3A_159 = arith.constant 0 : i32
      %dma_wait3A_160 = arith.constant 0 : i32
      %dma_wait3A_161 = tpu.memref_slice %arg2[%dma_wait3A_159, %dma_wait3A_160] : memref<10240x64xf32, #tpu.memory_space<hbm>> -> memref<10240x64xf32, #tpu.memory_space<hbm>>
      tpu.wait_indirect_dma semaphore(%arg13 : memref<!tpu.dma_semaphore, #tpu.memory_space<semaphore_mem>>) src(%dma_wait3A_161 : memref<10240x64xf32, #tpu.memory_space<hbm>>) dst(%arg11 : memref<256x64xf32, #tpu.memory_space<vmem>>)
      %add3A_162 = arith.constant 1 : i32
      %add3A_163 = arith.addi %mul3A_119, %add3A_162 : i32
      %mul3A_164 = arith.constant 2 : i32
      %mul3A_165 = arith.muli %mul3A_164, %add3A_163 : i32
      %dma_start3A_166 = arith.constant 0 : i32
      %dma_start3A_167 = arith.constant 0 : i32
      %dma_start3A_168 = tpu.memref_slice %arg11[%dma_start3A_166, %dma_start3A_167] : memref<256x64xf32, #tpu.memory_space<vmem>> -> memref<128x64xf32, #tpu.memory_space<vmem>>
      %dma_start3A_169 = arith.constant 0 : i32
      %dma_start3A_170 = tpu.memref_slice %arg7[%mul3A_165, %dma_start3A_169] : memref<116x128xi32, #tpu.memory_space<vmem>> -> memref<1x128xi32, #tpu.memory_space<vmem>>
      %dma_start3A_171 = tpu.memref_squeeze %dma_start3A_170 : memref<1x128xi32, #tpu.memory_space<vmem>> -> memref<128xi32, #tpu.memory_space<vmem>>
      %dma_start3A_172 = arith.constant 0 : i32
      %dma_start3A_173 = arith.constant 0 : i32
      %dma_start3A_174 = tpu.memref_slice %arg9[%dma_start3A_172, %dma_start3A_173] : memref<10240x64xf32, #tpu.memory_space<vmem_shared>> -> memref<10240x64xf32, #tpu.memory_space<vmem_shared>>
      tpu.enqueue_indirect_dma source(%dma_start3A_168 : memref<128x64xf32, #tpu.memory_space<vmem>>) target(%dma_start3A_174 : memref<10240x64xf32, #tpu.memory_space<vmem_shared>>) offsets(%dma_start3A_171 : memref<128xi32, #tpu.memory_space<vmem>>) semaphore(%arg15 : memref<!tpu.dma_semaphore, #tpu.memory_space<semaphore_mem>>) {add = true}
      %mul3A_175 = arith.constant 2 : i32
      %mul3A_176 = arith.muli %mul3A_175, %add3A_163 : i32
      %add3A_177 = arith.constant 1 : i32
      %add3A_178 = arith.addi %mul3A_176, %add3A_177 : i32
      %dma_start3A_179 = arith.constant 128 : i32
      %dma_start3A_180 = arith.constant 0 : i32
      %dma_start3A_181 = tpu.memref_slice %arg11[%dma_start3A_179, %dma_start3A_180] : memref<256x64xf32, #tpu.memory_space<vmem>> -> memref<128x64xf32, #tpu.memory_space<vmem>>
      %dma_start3A_182 = arith.constant 0 : i32
      %dma_start3A_183 = tpu.memref_slice %arg7[%add3A_178, %dma_start3A_182] : memref<116x128xi32, #tpu.memory_space<vmem>> -> memref<1x128xi32, #tpu.memory_space<vmem>>
      %dma_start3A_184 = tpu.memref_squeeze %dma_start3A_183 : memref<1x128xi32, #tpu.memory_space<vmem>> -> memref<128xi32, #tpu.memory_space<vmem>>
      %dma_start3A_185 = arith.constant 0 : i32
      %dma_start3A_186 = arith.constant 0 : i32
      %dma_start3A_187 = tpu.memref_slice %arg9[%dma_start3A_185, %dma_start3A_186] : memref<10240x64xf32, #tpu.memory_space<vmem_shared>> -> memref<10240x64xf32, #tpu.memory_space<vmem_shared>>
      tpu.enqueue_indirect_dma source(%dma_start3A_181 : memref<128x64xf32, #tpu.memory_space<vmem>>) target(%dma_start3A_187 : memref<10240x64xf32, #tpu.memory_space<vmem_shared>>) offsets(%dma_start3A_184 : memref<128xi32, #tpu.memory_space<vmem>>) semaphore(%arg15 : memref<!tpu.dma_semaphore, #tpu.memory_space<semaphore_mem>>) {add = true}
      %sub3A_188 = arith.constant 1 : i32
      %sub3A_189 = arith.subi %select_n3A, %sub3A_188 : i32
      %lt3A = arith.cmpi slt, %while3A_116, %sub3A_189 : i32
      %convert_element_type3A = arith.extui %lt3A : i1 to i32
      %cond3A = arith.constant 0 : i32
      %cond3A_190 = arith.cmpi ne, %convert_element_type3A, %cond3A : i32
      scf.if %cond3A_190 {
        %add3A_198 = arith.constant 0 : i32
        %add3A_199 = arith.addi %mul3A_119, %add3A_198 : i32
        %mul3A_200 = arith.constant 2 : i32
        %mul3A_201 = arith.muli %mul3A_200, %add3A_199 : i32
        %dma_wait3A_202 = arith.constant 0 : i32
        %dma_wait3A_203 = arith.constant 0 : i32
        %dma_wait3A_204 = tpu.memref_slice %arg10[%dma_wait3A_202, %dma_wait3A_203] : memref<256x64xf32, #tpu.memory_space<vmem>> -> memref<128x64xf32, #tpu.memory_space<vmem>>
        %dma_wait3A_205 = arith.constant 0 : i32
        %dma_wait3A_206 = tpu.memref_slice %arg7[%mul3A_201, %dma_wait3A_205] : memref<116x128xi32, #tpu.memory_space<vmem>> -> memref<1x128xi32, #tpu.memory_space<vmem>>
        %dma_wait3A_207 = tpu.memref_squeeze %dma_wait3A_206 : memref<1x128xi32, #tpu.memory_space<vmem>> -> memref<128xi32, #tpu.memory_space<vmem>>
        %dma_wait3A_208 = arith.constant 0 : i32
        %dma_wait3A_209 = arith.constant 0 : i32
        %dma_wait3A_210 = tpu.memref_slice %arg9[%dma_wait3A_208, %dma_wait3A_209] : memref<10240x64xf32, #tpu.memory_space<vmem_shared>> -> memref<10240x64xf32, #tpu.memory_space<vmem_shared>>
        tpu.wait_indirect_dma semaphore(%arg14 : memref<!tpu.dma_semaphore, #tpu.memory_space<semaphore_mem>>) src(%dma_wait3A_204 : memref<128x64xf32, #tpu.memory_space<vmem>>) dst(%dma_wait3A_210 : memref<10240x64xf32, #tpu.memory_space<vmem_shared>>)
        %mul3A_211 = arith.constant 2 : i32
        %mul3A_212 = arith.muli %mul3A_211, %add3A_199 : i32
        %add3A_213 = arith.constant 1 : i32
        %add3A_214 = arith.addi %mul3A_212, %add3A_213 : i32
        %dma_wait3A_215 = arith.constant 128 : i32
        %dma_wait3A_216 = arith.constant 0 : i32
        %dma_wait3A_217 = tpu.memref_slice %arg10[%dma_wait3A_215, %dma_wait3A_216] : memref<256x64xf32, #tpu.memory_space<vmem>> -> memref<128x64xf32, #tpu.memory_space<vmem>>
        %dma_wait3A_218 = arith.constant 0 : i32
        %dma_wait3A_219 = tpu.memref_slice %arg7[%add3A_214, %dma_wait3A_218] : memref<116x128xi32, #tpu.memory_space<vmem>> -> memref<1x128xi32, #tpu.memory_space<vmem>>
        %dma_wait3A_220 = tpu.memref_squeeze %dma_wait3A_219 : memref<1x128xi32, #tpu.memory_space<vmem>> -> memref<128xi32, #tpu.memory_space<vmem>>
        %dma_wait3A_221 = arith.constant 0 : i32
        %dma_wait3A_222 = arith.constant 0 : i32
        %dma_wait3A_223 = tpu.memref_slice %arg9[%dma_wait3A_221, %dma_wait3A_222] : memref<10240x64xf32, #tpu.memory_space<vmem_shared>> -> memref<10240x64xf32, #tpu.memory_space<vmem_shared>>
        tpu.wait_indirect_dma semaphore(%arg14 : memref<!tpu.dma_semaphore, #tpu.memory_space<semaphore_mem>>) src(%dma_wait3A_217 : memref<128x64xf32, #tpu.memory_space<vmem>>) dst(%dma_wait3A_223 : memref<10240x64xf32, #tpu.memory_space<vmem_shared>>)
        %add3A_224 = arith.constant 2 : i32
        %add3A_225 = arith.addi %mul3A_119, %add3A_224 : i32
        %add3A_226 = arith.constant 0 : i32
        %add3A_227 = arith.addi %add3A_225, %add3A_226 : i32
        %dma_start3A_228 = arith.constant 0 : i32
        %dma_start3A_229 = tpu.memref_slice %arg6[%add3A_227, %dma_start3A_228] : memref<58x256xi32, #tpu.memory_space<vmem>> -> memref<1x256xi32, #tpu.memory_space<vmem>>
        %dma_start3A_230 = tpu.memref_squeeze %dma_start3A_229 : memref<1x256xi32, #tpu.memory_space<vmem>> -> memref<256xi32, #tpu.memory_space<vmem>>
        %dma_start3A_231 = arith.constant 0 : i32
        %dma_start3A_232 = arith.constant 0 : i32
        %dma_start3A_233 = tpu.memref_slice %arg2[%dma_start3A_231, %dma_start3A_232] : memref<10240x64xf32, #tpu.memory_space<hbm>> -> memref<10240x64xf32, #tpu.memory_space<hbm>>
        tpu.enqueue_indirect_dma source(%dma_start3A_233 : memref<10240x64xf32, #tpu.memory_space<hbm>>) target(%arg10 : memref<256x64xf32, #tpu.memory_space<vmem>>) offsets(%dma_start3A_230 : memref<256xi32, #tpu.memory_space<vmem>>) semaphore(%arg12 : memref<!tpu.dma_semaphore, #tpu.memory_space<semaphore_mem>>)
      } else {
      }
      %sub3A_191 = arith.constant 1 : i32
      %sub3A_192 = arith.subi %select_n3A, %sub3A_191 : i32
      %lt3A_193 = arith.cmpi slt, %while3A_116, %sub3A_192 : i32
      %convert_element_type3A_194 = arith.extui %lt3A_193 : i1 to i32
      %cond3A_195 = arith.constant 0 : i32
      %cond3A_196 = arith.cmpi ne, %convert_element_type3A_194, %cond3A_195 : i32
      scf.if %cond3A_196 {
        %add3A_198 = arith.constant 1 : i32
        %add3A_199 = arith.addi %mul3A_119, %add3A_198 : i32
        %mul3A_200 = arith.constant 2 : i32
        %mul3A_201 = arith.muli %mul3A_200, %add3A_199 : i32
        %dma_wait3A_202 = arith.constant 0 : i32
        %dma_wait3A_203 = arith.constant 0 : i32
        %dma_wait3A_204 = tpu.memref_slice %arg11[%dma_wait3A_202, %dma_wait3A_203] : memref<256x64xf32, #tpu.memory_space<vmem>> -> memref<128x64xf32, #tpu.memory_space<vmem>>
        %dma_wait3A_205 = arith.constant 0 : i32
        %dma_wait3A_206 = tpu.memref_slice %arg7[%mul3A_201, %dma_wait3A_205] : memref<116x128xi32, #tpu.memory_space<vmem>> -> memref<1x128xi32, #tpu.memory_space<vmem>>
        %dma_wait3A_207 = tpu.memref_squeeze %dma_wait3A_206 : memref<1x128xi32, #tpu.memory_space<vmem>> -> memref<128xi32, #tpu.memory_space<vmem>>
        %dma_wait3A_208 = arith.constant 0 : i32
        %dma_wait3A_209 = arith.constant 0 : i32
        %dma_wait3A_210 = tpu.memref_slice %arg9[%dma_wait3A_208, %dma_wait3A_209] : memref<10240x64xf32, #tpu.memory_space<vmem_shared>> -> memref<10240x64xf32, #tpu.memory_space<vmem_shared>>
        tpu.wait_indirect_dma semaphore(%arg15 : memref<!tpu.dma_semaphore, #tpu.memory_space<semaphore_mem>>) src(%dma_wait3A_204 : memref<128x64xf32, #tpu.memory_space<vmem>>) dst(%dma_wait3A_210 : memref<10240x64xf32, #tpu.memory_space<vmem_shared>>)
        %mul3A_211 = arith.constant 2 : i32
        %mul3A_212 = arith.muli %mul3A_211, %add3A_199 : i32
        %add3A_213 = arith.constant 1 : i32
        %add3A_214 = arith.addi %mul3A_212, %add3A_213 : i32
        %dma_wait3A_215 = arith.constant 128 : i32
        %dma_wait3A_216 = arith.constant 0 : i32
        %dma_wait3A_217 = tpu.memref_slice %arg11[%dma_wait3A_215, %dma_wait3A_216] : memref<256x64xf32, #tpu.memory_space<vmem>> -> memref<128x64xf32, #tpu.memory_space<vmem>>
        %dma_wait3A_218 = arith.constant 0 : i32
        %dma_wait3A_219 = tpu.memref_slice %arg7[%add3A_214, %dma_wait3A_218] : memref<116x128xi32, #tpu.memory_space<vmem>> -> memref<1x128xi32, #tpu.memory_space<vmem>>
        %dma_wait3A_220 = tpu.memref_squeeze %dma_wait3A_219 : memref<1x128xi32, #tpu.memory_space<vmem>> -> memref<128xi32, #tpu.memory_space<vmem>>
        %dma_wait3A_221 = arith.constant 0 : i32
        %dma_wait3A_222 = arith.constant 0 : i32
        %dma_wait3A_223 = tpu.memref_slice %arg9[%dma_wait3A_221, %dma_wait3A_222] : memref<10240x64xf32, #tpu.memory_space<vmem_shared>> -> memref<10240x64xf32, #tpu.memory_space<vmem_shared>>
        tpu.wait_indirect_dma semaphore(%arg15 : memref<!tpu.dma_semaphore, #tpu.memory_space<semaphore_mem>>) src(%dma_wait3A_217 : memref<128x64xf32, #tpu.memory_space<vmem>>) dst(%dma_wait3A_223 : memref<10240x64xf32, #tpu.memory_space<vmem_shared>>)
        %add3A_224 = arith.constant 2 : i32
        %add3A_225 = arith.addi %mul3A_119, %add3A_224 : i32
        %add3A_226 = arith.constant 1 : i32
        %add3A_227 = arith.addi %add3A_225, %add3A_226 : i32
        %dma_start3A_228 = arith.constant 0 : i32
        %dma_start3A_229 = tpu.memref_slice %arg6[%add3A_227, %dma_start3A_228] : memref<58x256xi32, #tpu.memory_space<vmem>> -> memref<1x256xi32, #tpu.memory_space<vmem>>
        %dma_start3A_230 = tpu.memref_squeeze %dma_start3A_229 : memref<1x256xi32, #tpu.memory_space<vmem>> -> memref<256xi32, #tpu.memory_space<vmem>>
        %dma_start3A_231 = arith.constant 0 : i32
        %dma_start3A_232 = arith.constant 0 : i32
        %dma_start3A_233 = tpu.memref_slice %arg2[%dma_start3A_231, %dma_start3A_232] : memref<10240x64xf32, #tpu.memory_space<hbm>> -> memref<10240x64xf32, #tpu.memory_space<hbm>>
        tpu.enqueue_indirect_dma source(%dma_start3A_233 : memref<10240x64xf32, #tpu.memory_space<hbm>>) target(%arg11 : memref<256x64xf32, #tpu.memory_space<vmem>>) offsets(%dma_start3A_230 : memref<256xi32, #tpu.memory_space<vmem>>) semaphore(%arg13 : memref<!tpu.dma_semaphore, #tpu.memory_space<semaphore_mem>>)
      } else {
      }
      %while3A_197 = arith.constant 0 : i32
      scf.yield %while3A_197 : i32
    }
    %sub3A = arith.constant 1 : i32
    %sub3A_53 = arith.subi %select_n3A, %sub3A : i32
    %mul3A_54 = arith.constant 2 : i32
    %mul3A_55 = arith.muli %sub3A_53, %mul3A_54 : i32
    %add3A_56 = arith.constant 0 : i32
    %add3A_57 = arith.addi %mul3A_55, %add3A_56 : i32
    %mul3A_58 = arith.constant 2 : i32
    %mul3A_59 = arith.muli %mul3A_58, %add3A_57 : i32
    %dma_wait3A = arith.constant 0 : i32
    %dma_wait3A_60 = arith.constant 0 : i32
    %dma_wait3A_61 = tpu.memref_slice %arg10[%dma_wait3A, %dma_wait3A_60] : memref<256x64xf32, #tpu.memory_space<vmem>> -> memref<128x64xf32, #tpu.memory_space<vmem>>
    %dma_wait3A_62 = arith.constant 0 : i32
    %dma_wait3A_63 = tpu.memref_slice %arg7[%mul3A_59, %dma_wait3A_62] : memref<116x128xi32, #tpu.memory_space<vmem>> -> memref<1x128xi32, #tpu.memory_space<vmem>>
    %dma_wait3A_64 = tpu.memref_squeeze %dma_wait3A_63 : memref<1x128xi32, #tpu.memory_space<vmem>> -> memref<128xi32, #tpu.memory_space<vmem>>
    %dma_wait3A_65 = arith.constant 0 : i32
    %dma_wait3A_66 = arith.constant 0 : i32
    %dma_wait3A_67 = tpu.memref_slice %arg9[%dma_wait3A_65, %dma_wait3A_66] : memref<10240x64xf32, #tpu.memory_space<vmem_shared>> -> memref<10240x64xf32, #tpu.memory_space<vmem_shared>>
    tpu.wait_indirect_dma semaphore(%arg14 : memref<!tpu.dma_semaphore, #tpu.memory_space<semaphore_mem>>) src(%dma_wait3A_61 : memref<128x64xf32, #tpu.memory_space<vmem>>) dst(%dma_wait3A_67 : memref<10240x64xf32, #tpu.memory_space<vmem_shared>>)
    %mul3A_68 = arith.constant 2 : i32
    %mul3A_69 = arith.muli %mul3A_68, %add3A_57 : i32
    %add3A_70 = arith.constant 1 : i32
    %add3A_71 = arith.addi %mul3A_69, %add3A_70 : i32
    %dma_wait3A_72 = arith.constant 128 : i32
    %dma_wait3A_73 = arith.constant 0 : i32
    %dma_wait3A_74 = tpu.memref_slice %arg10[%dma_wait3A_72, %dma_wait3A_73] : memref<256x64xf32, #tpu.memory_space<vmem>> -> memref<128x64xf32, #tpu.memory_space<vmem>>
    %dma_wait3A_75 = arith.constant 0 : i32
    %dma_wait3A_76 = tpu.memref_slice %arg7[%add3A_71, %dma_wait3A_75] : memref<116x128xi32, #tpu.memory_space<vmem>> -> memref<1x128xi32, #tpu.memory_space<vmem>>
    %dma_wait3A_77 = tpu.memref_squeeze %dma_wait3A_76 : memref<1x128xi32, #tpu.memory_space<vmem>> -> memref<128xi32, #tpu.memory_space<vmem>>
    %dma_wait3A_78 = arith.constant 0 : i32
    %dma_wait3A_79 = arith.constant 0 : i32
    %dma_wait3A_80 = tpu.memref_slice %arg9[%dma_wait3A_78, %dma_wait3A_79] : memref<10240x64xf32, #tpu.memory_space<vmem_shared>> -> memref<10240x64xf32, #tpu.memory_space<vmem_shared>>
    tpu.wait_indirect_dma semaphore(%arg14 : memref<!tpu.dma_semaphore, #tpu.memory_space<semaphore_mem>>) src(%dma_wait3A_74 : memref<128x64xf32, #tpu.memory_space<vmem>>) dst(%dma_wait3A_80 : memref<10240x64xf32, #tpu.memory_space<vmem_shared>>)
    %sub3A_81 = arith.constant 1 : i32
    %sub3A_82 = arith.subi %select_n3A, %sub3A_81 : i32
    %mul3A_83 = arith.constant 2 : i32
    %mul3A_84 = arith.muli %sub3A_82, %mul3A_83 : i32
    %add3A_85 = arith.constant 1 : i32
    %add3A_86 = arith.addi %mul3A_84, %add3A_85 : i32
    %mul3A_87 = arith.constant 2 : i32
    %mul3A_88 = arith.muli %mul3A_87, %add3A_86 : i32
    %dma_wait3A_89 = arith.constant 0 : i32
    %dma_wait3A_90 = arith.constant 0 : i32
    %dma_wait3A_91 = tpu.memref_slice %arg11[%dma_wait3A_89, %dma_wait3A_90] : memref<256x64xf32, #tpu.memory_space<vmem>> -> memref<128x64xf32, #tpu.memory_space<vmem>>
    %dma_wait3A_92 = arith.constant 0 : i32
    %dma_wait3A_93 = tpu.memref_slice %arg7[%mul3A_88, %dma_wait3A_92] : memref<116x128xi32, #tpu.memory_space<vmem>> -> memref<1x128xi32, #tpu.memory_space<vmem>>
    %dma_wait3A_94 = tpu.memref_squeeze %dma_wait3A_93 : memref<1x128xi32, #tpu.memory_space<vmem>> -> memref<128xi32, #tpu.memory_space<vmem>>
    %dma_wait3A_95 = arith.constant 0 : i32
    %dma_wait3A_96 = arith.constant 0 : i32
    %dma_wait3A_97 = tpu.memref_slice %arg9[%dma_wait3A_95, %dma_wait3A_96] : memref<10240x64xf32, #tpu.memory_space<vmem_shared>> -> memref<10240x64xf32, #tpu.memory_space<vmem_shared>>
    tpu.wait_indirect_dma semaphore(%arg15 : memref<!tpu.dma_semaphore, #tpu.memory_space<semaphore_mem>>) src(%dma_wait3A_91 : memref<128x64xf32, #tpu.memory_space<vmem>>) dst(%dma_wait3A_97 : memref<10240x64xf32, #tpu.memory_space<vmem_shared>>)
    %mul3A_98 = arith.constant 2 : i32
    %mul3A_99 = arith.muli %mul3A_98, %add3A_86 : i32
    %add3A_100 = arith.constant 1 : i32
    %add3A_101 = arith.addi %mul3A_99, %add3A_100 : i32
    %dma_wait3A_102 = arith.constant 128 : i32
    %dma_wait3A_103 = arith.constant 0 : i32
    %dma_wait3A_104 = tpu.memref_slice %arg11[%dma_wait3A_102, %dma_wait3A_103] : memref<256x64xf32, #tpu.memory_space<vmem>> -> memref<128x64xf32, #tpu.memory_space<vmem>>
    %dma_wait3A_105 = arith.constant 0 : i32
    %dma_wait3A_106 = tpu.memref_slice %arg7[%add3A_101, %dma_wait3A_105] : memref<116x128xi32, #tpu.memory_space<vmem>> -> memref<1x128xi32, #tpu.memory_space<vmem>>
    %dma_wait3A_107 = tpu.memref_squeeze %dma_wait3A_106 : memref<1x128xi32, #tpu.memory_space<vmem>> -> memref<128xi32, #tpu.memory_space<vmem>>
    %dma_wait3A_108 = arith.constant 0 : i32
    %dma_wait3A_109 = arith.constant 0 : i32
    %dma_wait3A_110 = tpu.memref_slice %arg9[%dma_wait3A_108, %dma_wait3A_109] : memref<10240x64xf32, #tpu.memory_space<vmem_shared>> -> memref<10240x64xf32, #tpu.memory_space<vmem_shared>>
    tpu.wait_indirect_dma semaphore(%arg15 : memref<!tpu.dma_semaphore, #tpu.memory_space<semaphore_mem>>) src(%dma_wait3A_104 : memref<128x64xf32, #tpu.memory_space<vmem>>) dst(%dma_wait3A_110 : memref<10240x64xf32, #tpu.memory_space<vmem_shared>>)
    %barrier3A_111 = arith.constant 0 : index
    tpu.barrier barrier_id(%barrier3A_111)
    %mul3A_112 = arith.constant 640 : i32
    %mul3A_113 = arith.muli %arg1, %mul3A_112 : i32
    %mul3A_114 = arith.constant 640 : i32
    %mul3A_115 = arith.muli %arg1, %mul3A_114 : i32
    "tpu.region"() ({
      %run_scoped3A = tpu.sem_alloc : memref<!tpu.dma_semaphore, #tpu.memory_space<semaphore_mem>>
      %dma_start3A_116 = arith.constant 0 : i32
      %dma_start3A_117 = tpu.memref_slice %arg5[%arg0, %mul3A_115, %dma_start3A_116] : memref<2x10240x64xf32, #tpu.memory_space<hbm>> -> memref<1x640x64xf32, #tpu.memory_space<hbm>>
      %dma_start3A_118 = tpu.memref_squeeze %dma_start3A_117 : memref<1x640x64xf32, #tpu.memory_space<hbm>> -> memref<640x64xf32, #tpu.memory_space<hbm>>
      %dma_start3A_119 = arith.constant 0 : i32
      %dma_start3A_120 = tpu.memref_slice %arg9[%mul3A_113, %dma_start3A_119] : memref<10240x64xf32, #tpu.memory_space<vmem_shared>> -> memref<640x64xf32, #tpu.memory_space<vmem_shared>>
      tpu.enqueue_dma source(%dma_start3A_120 : memref<640x64xf32, #tpu.memory_space<vmem_shared>>) target(%dma_start3A_118 : memref<640x64xf32, #tpu.memory_space<hbm>>) target_semaphore(%run_scoped3A : memref<!tpu.dma_semaphore, #tpu.memory_space<semaphore_mem>>)
      %dma_wait3A_121 = arith.constant 0 : i32
      %dma_wait3A_122 = tpu.memref_slice %arg5[%arg0, %mul3A_115, %dma_wait3A_121] : memref<2x10240x64xf32, #tpu.memory_space<hbm>> -> memref<1x640x64xf32, #tpu.memory_space<hbm>>
      %dma_wait3A_123 = tpu.memref_squeeze %dma_wait3A_122 : memref<1x640x64xf32, #tpu.memory_space<hbm>> -> memref<640x64xf32, #tpu.memory_space<hbm>>
      %dma_wait3A_124 = arith.constant 0 : i32
      %dma_wait3A_125 = tpu.memref_slice %arg9[%mul3A_113, %dma_wait3A_124] : memref<10240x64xf32, #tpu.memory_space<vmem_shared>> -> memref<640x64xf32, #tpu.memory_space<vmem_shared>>
      tpu.wait_dma2 semaphore(%run_scoped3A : memref<!tpu.dma_semaphore, #tpu.memory_space<semaphore_mem>>) src(%dma_wait3A_125 : memref<640x64xf32, #tpu.memory_space<vmem_shared>>) dst(%dma_wait3A_123 : memref<640x64xf32, #tpu.memory_space<hbm>>)
      tpu.yield
    }) : () -> ()
    return
  }
}

#map = affine_map<(d0, d1) -> (0, 0)>
#map1 = affine_map<(d0, d1) -> (0, 0, 0)>
module attributes {stable_mosaic.version = 14 : i64} {
  func.func @_scatter_body(%arg0: i32, %arg1: i32, %arg2: memref<10240x64xf32, #tpu.memory_space<hbm>>, %arg3: memref<32x58x256xi32, #tpu.memory_space<hbm>>, %arg4: memref<32x116x128xi32, #tpu.memory_space<hbm>>, %arg5: memref<2x10240x64xf32, #tpu.memory_space<hbm>>, %arg6: memref<58x256xi32, #tpu.memory_space<vmem>>, %arg7: memref<116x128xi32, #tpu.memory_space<vmem>>, %arg8: memref<128x64xf32, #tpu.memory_space<vmem>>, %arg9: memref<10240x64xf32, #tpu.memory_space<vmem_shared>>, %arg10: memref<256x64xf32, #tpu.memory_space<vmem>>, %arg11: memref<256x64xf32, #tpu.memory_space<vmem>>, %arg12: memref<!tpu.dma_semaphore, #tpu.memory_space<semaphore_mem>>, %arg13: memref<!tpu.dma_semaphore, #tpu.memory_space<semaphore_mem>>, %arg14: memref<!tpu.dma_semaphore, #tpu.memory_space<semaphore_mem>>, %arg15: memref<!tpu.dma_semaphore, #tpu.memory_space<semaphore_mem>>) attributes {dimension_semantics = [#tpu.dimension_semantics<core_parallel>, #tpu.dimension_semantics<subcore_parallel>], iteration_bounds = array<i64: 2, 16>, scalar_prefetch = 0 : i64, scratch_operands = 10 : i64, tpu.core_type = #tpu.core_type<sc_vector_subcore>, window_params = [{transform_indices = #map}, {transform_indices = #map1}, {transform_indices = #map1}, {transform_indices = #map1}]} {
    %mul3A = arith.constant 2 : i32
    %mul3A_0 = arith.muli %arg1, %mul3A : i32
    %add3A = arith.addi %mul3A_0, %arg0 : i32
    %scan3A = arith.constant 0 : i32
    %scan3A_1 = arith.constant 0 : i32
    %scan3A_2 = arith.constant 512 : i32
    %scan3A_3 = arith.addi %scan3A_1, %scan3A_2 : i32
    %scan3A_4 = arith.constant 1 : i32
    %scan3A_5 = scf.for %scan3A_116 = %scan3A_1 to %scan3A_3 step %scan3A_4 iter_args(%scan3A_117 = %scan3A) -> (i32)  : i32 {
      %broadcast_in_dim3A = arith.constant 0.000000e+00 : f32
      %broadcast_in_dim3A_118 = vector.broadcast %broadcast_in_dim3A : f32 to vector<16xf32>
      %jit3A_119 = arith.constant 4 : i32
      %div3A = arith.divsi %scan3A_116, %jit3A_119 : i32
      %sign3A = arith.constant 0 : i32
      %sign3A_120 = arith.cmpi sgt, %scan3A_116, %sign3A : i32
      %sign3A_121 = arith.extui %sign3A_120 : i1 to i32
      %sign3A_122 = arith.constant 0 : i32
      %sign3A_123 = arith.cmpi slt, %scan3A_116, %sign3A_122 : i32
      %sign3A_124 = arith.extui %sign3A_123 : i1 to i32
      %sign3A_125 = arith.subi %sign3A_121, %sign3A_124 : i32
      %sign3A_126 = arith.constant 0 : i32
      %sign3A_127 = arith.cmpi sgt, %jit3A_119, %sign3A_126 : i32
      %sign3A_128 = arith.extui %sign3A_127 : i1 to i32
      %sign3A_129 = arith.constant 0 : i32
      %sign3A_130 = arith.cmpi slt, %jit3A_119, %sign3A_129 : i32
      %sign3A_131 = arith.extui %sign3A_130 : i1 to i32
      %sign3A_132 = arith.subi %sign3A_128, %sign3A_131 : i32
      %ne3A = arith.cmpi ne, %sign3A_125, %sign3A_132 : i32
      %rem3A = arith.remsi %scan3A_116, %jit3A_119 : i32
      %ne3A_133 = arith.constant 0 : i32
      %ne3A_134 = arith.cmpi ne, %rem3A, %ne3A_133 : i32
      %and3A = arith.andi %ne3A, %ne3A_134 : i1
      %sub3A_135 = arith.constant 1 : i32
      %sub3A_136 = arith.subi %div3A, %sub3A_135 : i32
      %select_n3A_137 = arith.select %and3A, %sub3A_136, %div3A : i32
      %jit3A_138 = arith.constant 4 : i32
      %eq3A_139 = arith.constant 0 : i32
      %eq3A_140 = arith.cmpi eq, %jit3A_138, %eq3A_139 : i32
      %jit3A_141 = arith.constant 1 : i32
      %select_n3A_142 = arith.select %eq3A_140, %jit3A_141, %jit3A_138 : i32
      %rem3A_143 = arith.remsi %scan3A_116, %select_n3A_142 : i32
      %ne3A_144 = arith.constant 0 : i32
      %ne3A_145 = arith.cmpi ne, %rem3A_143, %ne3A_144 : i32
      %lt3A = arith.constant 0 : i32
      %lt3A_146 = arith.cmpi slt, %rem3A_143, %lt3A : i32
      %lt3A_147 = arith.constant 0 : i32
      %lt3A_148 = arith.cmpi slt, %select_n3A_142, %lt3A_147 : i32
      %ne3A_149 = arith.xori %lt3A_146, %lt3A_148 : i1
      %and3A_150 = arith.andi %ne3A_149, %ne3A_145 : i1
      %add3A_151 = arith.addi %rem3A_143, %select_n3A_142 : i32
      %select_n3A_152 = arith.select %and3A_150, %add3A_151, %rem3A_143 : i32
      %mul3A_153 = arith.constant 16 : i32
      %mul3A_154 = arith.muli %select_n3A_152, %mul3A_153 : i32
      %swap3A = arith.index_cast %select_n3A_137 : i32 to index
      %swap3A_155 = arith.index_cast %mul3A_154 : i32 to index
      %swap3A_156 = tpu.vector_load %arg8[%swap3A, %swap3A_155] {strides = array<i32>} : memref<128x64xf32, #tpu.memory_space<vmem>>, vector<1x16xf32>,
      %swap3A_157 = vector.shape_cast %swap3A_156 : vector<1x16xf32> to vector<16xf32>
      %swap3A_158 = vector.shape_cast %broadcast_in_dim3A_118 : vector<16xf32> to vector<1x16xf32>
      tpu.vector_store %arg8[%swap3A, %swap3A_155], %swap3A_158 {strides = array<i32>} : memref<128x64xf32, #tpu.memory_space<vmem>>, vector<1x16xf32>,
      %scan3A_159 = arith.constant 0 : i32
      scf.yield %scan3A_159 : i32
    }
    %scan3A_6 = arith.constant 512 : i32
    %mul3A_7 = arith.constant 640 : i32
    %mul3A_8 = arith.muli %arg1, %mul3A_7 : i32
    %add3A_9 = arith.constant 0 : i32
    %add3A_10 = arith.addi %mul3A_8, %add3A_9 : i32
    "tpu.region"() ({
      %run_scoped3A = tpu.sem_alloc : memref<!tpu.dma_semaphore, #tpu.memory_space<semaphore_mem>>
      %dma_start3A_116 = arith.constant 0 : i32
      %dma_start3A_117 = tpu.memref_slice %arg9[%add3A_10, %dma_start3A_116] : memref<10240x64xf32, #tpu.memory_space<vmem_shared>> -> memref<128x64xf32, #tpu.memory_space<vmem_shared>>
      %dma_start3A_118 = arith.constant 0 : i32
      %dma_start3A_119 = tpu.memref_slice %arg9[%add3A_10, %dma_start3A_118] : memref<10240x64xf32, #tpu.memory_space<vmem_shared>> -> memref<128x64xf32, #tpu.memory_space<vmem_shared>>
      tpu.enqueue_dma source(%arg8 : memref<128x64xf32, #tpu.memory_space<vmem>>) target(%dma_start3A_119 : memref<128x64xf32, #tpu.memory_space<vmem_shared>>) target_semaphore(%run_scoped3A : memref<!tpu.dma_semaphore, #tpu.memory_space<semaphore_mem>>)
      %dma_wait3A_120 = arith.constant 0 : i32
      %dma_wait3A_121 = tpu.memref_slice %arg9[%add3A_10, %dma_wait3A_120] : memref<10240x64xf32, #tpu.memory_space<vmem_shared>> -> memref<128x64xf32, #tpu.memory_space<vmem_shared>>
      %dma_wait3A_122 = arith.constant 0 : i32
      %dma_wait3A_123 = tpu.memref_slice %arg9[%add3A_10, %dma_wait3A_122] : memref<10240x64xf32, #tpu.memory_space<vmem_shared>> -> memref<128x64xf32, #tpu.memory_space<vmem_shared>>
      tpu.wait_dma2 semaphore(%run_scoped3A : memref<!tpu.dma_semaphore, #tpu.memory_space<semaphore_mem>>) src(%arg8 : memref<128x64xf32, #tpu.memory_space<vmem>>) dst(%dma_wait3A_123 : memref<128x64xf32, #tpu.memory_space<vmem_shared>>)
      tpu.yield
    }) : () -> ()
    %mul3A_11 = arith.constant 640 : i32
    %mul3A_12 = arith.muli %arg1, %mul3A_11 : i32
    %add3A_13 = arith.constant 128 : i32
    %add3A_14 = arith.addi %mul3A_12, %add3A_13 : i32
    "tpu.region"() ({
      %run_scoped3A = tpu.sem_alloc : memref<!tpu.dma_semaphore, #tpu.memory_space<semaphore_mem>>
      %dma_start3A_116 = arith.constant 0 : i32
      %dma_start3A_117 = tpu.memref_slice %arg9[%add3A_14, %dma_start3A_116] : memref<10240x64xf32, #tpu.memory_space<vmem_shared>> -> memref<128x64xf32, #tpu.memory_space<vmem_shared>>
      %dma_start3A_118 = arith.constant 0 : i32
      %dma_start3A_119 = tpu.memref_slice %arg9[%add3A_14, %dma_start3A_118] : memref<10240x64xf32, #tpu.memory_space<vmem_shared>> -> memref<128x64xf32, #tpu.memory_space<vmem_shared>>
      tpu.enqueue_dma source(%arg8 : memref<128x64xf32, #tpu.memory_space<vmem>>) target(%dma_start3A_119 : memref<128x64xf32, #tpu.memory_space<vmem_shared>>) target_semaphore(%run_scoped3A : memref<!tpu.dma_semaphore, #tpu.memory_space<semaphore_mem>>)
      %dma_wait3A_120 = arith.constant 0 : i32
      %dma_wait3A_121 = tpu.memref_slice %arg9[%add3A_14, %dma_wait3A_120] : memref<10240x64xf32, #tpu.memory_space<vmem_shared>> -> memref<128x64xf32, #tpu.memory_space<vmem_shared>>
      %dma_wait3A_122 = arith.constant 0 : i32
      %dma_wait3A_123 = tpu.memref_slice %arg9[%add3A_14, %dma_wait3A_122] : memref<10240x64xf32, #tpu.memory_space<vmem_shared>> -> memref<128x64xf32, #tpu.memory_space<vmem_shared>>
      tpu.wait_dma2 semaphore(%run_scoped3A : memref<!tpu.dma_semaphore, #tpu.memory_space<semaphore_mem>>) src(%arg8 : memref<128x64xf32, #tpu.memory_space<vmem>>) dst(%dma_wait3A_123 : memref<128x64xf32, #tpu.memory_space<vmem_shared>>)
      tpu.yield
    }) : () -> ()
    %mul3A_15 = arith.constant 640 : i32
    %mul3A_16 = arith.muli %arg1, %mul3A_15 : i32
    %add3A_17 = arith.constant 256 : i32
    %add3A_18 = arith.addi %mul3A_16, %add3A_17 : i32
    "tpu.region"() ({
      %run_scoped3A = tpu.sem_alloc : memref<!tpu.dma_semaphore, #tpu.memory_space<semaphore_mem>>
      %dma_start3A_116 = arith.constant 0 : i32
      %dma_start3A_117 = tpu.memref_slice %arg9[%add3A_18, %dma_start3A_116] : memref<10240x64xf32, #tpu.memory_space<vmem_shared>> -> memref<128x64xf32, #tpu.memory_space<vmem_shared>>
      %dma_start3A_118 = arith.constant 0 : i32
      %dma_start3A_119 = tpu.memref_slice %arg9[%add3A_18, %dma_start3A_118] : memref<10240x64xf32, #tpu.memory_space<vmem_shared>> -> memref<128x64xf32, #tpu.memory_space<vmem_shared>>
      tpu.enqueue_dma source(%arg8 : memref<128x64xf32, #tpu.memory_space<vmem>>) target(%dma_start3A_119 : memref<128x64xf32, #tpu.memory_space<vmem_shared>>) target_semaphore(%run_scoped3A : memref<!tpu.dma_semaphore, #tpu.memory_space<semaphore_mem>>)
      %dma_wait3A_120 = arith.constant 0 : i32
      %dma_wait3A_121 = tpu.memref_slice %arg9[%add3A_18, %dma_wait3A_120] : memref<10240x64xf32, #tpu.memory_space<vmem_shared>> -> memref<128x64xf32, #tpu.memory_space<vmem_shared>>
      %dma_wait3A_122 = arith.constant 0 : i32
      %dma_wait3A_123 = tpu.memref_slice %arg9[%add3A_18, %dma_wait3A_122] : memref<10240x64xf32, #tpu.memory_space<vmem_shared>> -> memref<128x64xf32, #tpu.memory_space<vmem_shared>>
      tpu.wait_dma2 semaphore(%run_scoped3A : memref<!tpu.dma_semaphore, #tpu.memory_space<semaphore_mem>>) src(%arg8 : memref<128x64xf32, #tpu.memory_space<vmem>>) dst(%dma_wait3A_123 : memref<128x64xf32, #tpu.memory_space<vmem_shared>>)
      tpu.yield
    }) : () -> ()
    %mul3A_19 = arith.constant 640 : i32
    %mul3A_20 = arith.muli %arg1, %mul3A_19 : i32
    %add3A_21 = arith.constant 384 : i32
    %add3A_22 = arith.addi %mul3A_20, %add3A_21 : i32
    "tpu.region"() ({
      %run_scoped3A = tpu.sem_alloc : memref<!tpu.dma_semaphore, #tpu.memory_space<semaphore_mem>>
      %dma_start3A_116 = arith.constant 0 : i32
      %dma_start3A_117 = tpu.memref_slice %arg9[%add3A_22, %dma_start3A_116] : memref<10240x64xf32, #tpu.memory_space<vmem_shared>> -> memref<128x64xf32, #tpu.memory_space<vmem_shared>>
      %dma_start3A_118 = arith.constant 0 : i32
      %dma_start3A_119 = tpu.memref_slice %arg9[%add3A_22, %dma_start3A_118] : memref<10240x64xf32, #tpu.memory_space<vmem_shared>> -> memref<128x64xf32, #tpu.memory_space<vmem_shared>>
      tpu.enqueue_dma source(%arg8 : memref<128x64xf32, #tpu.memory_space<vmem>>) target(%dma_start3A_119 : memref<128x64xf32, #tpu.memory_space<vmem_shared>>) target_semaphore(%run_scoped3A : memref<!tpu.dma_semaphore, #tpu.memory_space<semaphore_mem>>)
      %dma_wait3A_120 = arith.constant 0 : i32
      %dma_wait3A_121 = tpu.memref_slice %arg9[%add3A_22, %dma_wait3A_120] : memref<10240x64xf32, #tpu.memory_space<vmem_shared>> -> memref<128x64xf32, #tpu.memory_space<vmem_shared>>
      %dma_wait3A_122 = arith.constant 0 : i32
      %dma_wait3A_123 = tpu.memref_slice %arg9[%add3A_22, %dma_wait3A_122] : memref<10240x64xf32, #tpu.memory_space<vmem_shared>> -> memref<128x64xf32, #tpu.memory_space<vmem_shared>>
      tpu.wait_dma2 semaphore(%run_scoped3A : memref<!tpu.dma_semaphore, #tpu.memory_space<semaphore_mem>>) src(%arg8 : memref<128x64xf32, #tpu.memory_space<vmem>>) dst(%dma_wait3A_123 : memref<128x64xf32, #tpu.memory_space<vmem_shared>>)
      tpu.yield
    }) : () -> ()
    %mul3A_23 = arith.constant 640 : i32
    %mul3A_24 = arith.muli %arg1, %mul3A_23 : i32
    %add3A_25 = arith.constant 512 : i32
    %add3A_26 = arith.addi %mul3A_24, %add3A_25 : i32
    "tpu.region"() ({
      %run_scoped3A = tpu.sem_alloc : memref<!tpu.dma_semaphore, #tpu.memory_space<semaphore_mem>>
      %dma_start3A_116 = arith.constant 0 : i32
      %dma_start3A_117 = tpu.memref_slice %arg9[%add3A_26, %dma_start3A_116] : memref<10240x64xf32, #tpu.memory_space<vmem_shared>> -> memref<128x64xf32, #tpu.memory_space<vmem_shared>>
      %dma_start3A_118 = arith.constant 0 : i32
      %dma_start3A_119 = tpu.memref_slice %arg9[%add3A_26, %dma_start3A_118] : memref<10240x64xf32, #tpu.memory_space<vmem_shared>> -> memref<128x64xf32, #tpu.memory_space<vmem_shared>>
      tpu.enqueue_dma source(%arg8 : memref<128x64xf32, #tpu.memory_space<vmem>>) target(%dma_start3A_119 : memref<128x64xf32, #tpu.memory_space<vmem_shared>>) target_semaphore(%run_scoped3A : memref<!tpu.dma_semaphore, #tpu.memory_space<semaphore_mem>>)
      %dma_wait3A_120 = arith.constant 0 : i32
      %dma_wait3A_121 = tpu.memref_slice %arg9[%add3A_26, %dma_wait3A_120] : memref<10240x64xf32, #tpu.memory_space<vmem_shared>> -> memref<128x64xf32, #tpu.memory_space<vmem_shared>>
      %dma_wait3A_122 = arith.constant 0 : i32
      %dma_wait3A_123 = tpu.memref_slice %arg9[%add3A_26, %dma_wait3A_122] : memref<10240x64xf32, #tpu.memory_space<vmem_shared>> -> memref<128x64xf32, #tpu.memory_space<vmem_shared>>
      tpu.wait_dma2 semaphore(%run_scoped3A : memref<!tpu.dma_semaphore, #tpu.memory_space<semaphore_mem>>) src(%arg8 : memref<128x64xf32, #tpu.memory_space<vmem>>) dst(%dma_wait3A_123 : memref<128x64xf32, #tpu.memory_space<vmem_shared>>)
      tpu.yield
    }) : () -> ()
    "tpu.region"() ({
      %run_scoped3A = tpu.sem_alloc : memref<!tpu.dma_semaphore, #tpu.memory_space<semaphore_mem>>
      %dma_start3A_116 = arith.constant 0 : i32
      %dma_start3A_117 = arith.constant 0 : i32
      %dma_start3A_118 = tpu.memref_slice %arg3[%add3A, %dma_start3A_116, %dma_start3A_117] : memref<32x58x256xi32, #tpu.memory_space<hbm>> -> memref<1x58x256xi32, #tpu.memory_space<hbm>>
      %dma_start3A_119 = tpu.memref_squeeze %dma_start3A_118 : memref<1x58x256xi32, #tpu.memory_space<hbm>> -> memref<58x256xi32, #tpu.memory_space<hbm>>
      %dma_start3A_120 = arith.constant 0 : i32
      %dma_start3A_121 = arith.constant 0 : i32
      %dma_start3A_122 = tpu.memref_slice %arg3[%add3A, %dma_start3A_120, %dma_start3A_121] : memref<32x58x256xi32, #tpu.memory_space<hbm>> -> memref<1x58x256xi32, #tpu.memory_space<hbm>>
      %dma_start3A_123 = tpu.memref_squeeze %dma_start3A_122 : memref<1x58x256xi32, #tpu.memory_space<hbm>> -> memref<58x256xi32, #tpu.memory_space<hbm>>
      tpu.enqueue_dma source(%dma_start3A_123 : memref<58x256xi32, #tpu.memory_space<hbm>>) target(%arg6 : memref<58x256xi32, #tpu.memory_space<vmem>>) target_semaphore(%run_scoped3A : memref<!tpu.dma_semaphore, #tpu.memory_space<semaphore_mem>>)
      %dma_wait3A_124 = arith.constant 0 : i32
      %dma_wait3A_125 = arith.constant 0 : i32
      %dma_wait3A_126 = tpu.memref_slice %arg3[%add3A, %dma_wait3A_124, %dma_wait3A_125] : memref<32x58x256xi32, #tpu.memory_space<hbm>> -> memref<1x58x256xi32, #tpu.memory_space<hbm>>
      %dma_wait3A_127 = tpu.memref_squeeze %dma_wait3A_126 : memref<1x58x256xi32, #tpu.memory_space<hbm>> -> memref<58x256xi32, #tpu.memory_space<hbm>>
      %dma_wait3A_128 = arith.constant 0 : i32
      %dma_wait3A_129 = arith.constant 0 : i32
      %dma_wait3A_130 = tpu.memref_slice %arg3[%add3A, %dma_wait3A_128, %dma_wait3A_129] : memref<32x58x256xi32, #tpu.memory_space<hbm>> -> memref<1x58x256xi32, #tpu.memory_space<hbm>>
      %dma_wait3A_131 = tpu.memref_squeeze %dma_wait3A_130 : memref<1x58x256xi32, #tpu.memory_space<hbm>> -> memref<58x256xi32, #tpu.memory_space<hbm>>
      tpu.wait_dma2 semaphore(%run_scoped3A : memref<!tpu.dma_semaphore, #tpu.memory_space<semaphore_mem>>) src(%dma_wait3A_131 : memref<58x256xi32, #tpu.memory_space<hbm>>) dst(%arg6 : memref<58x256xi32, #tpu.memory_space<vmem>>)
      tpu.yield
    }) : () -> ()
    "tpu.region"() ({
      %run_scoped3A = tpu.sem_alloc : memref<!tpu.dma_semaphore, #tpu.memory_space<semaphore_mem>>
      %dma_start3A_116 = arith.constant 0 : i32
      %dma_start3A_117 = arith.constant 0 : i32
      %dma_start3A_118 = tpu.memref_slice %arg4[%add3A, %dma_start3A_116, %dma_start3A_117] : memref<32x116x128xi32, #tpu.memory_space<hbm>> -> memref<1x116x128xi32, #tpu.memory_space<hbm>>
      %dma_start3A_119 = tpu.memref_squeeze %dma_start3A_118 : memref<1x116x128xi32, #tpu.memory_space<hbm>> -> memref<116x128xi32, #tpu.memory_space<hbm>>
      %dma_start3A_120 = arith.constant 0 : i32
      %dma_start3A_121 = arith.constant 0 : i32
      %dma_start3A_122 = tpu.memref_slice %arg4[%add3A, %dma_start3A_120, %dma_start3A_121] : memref<32x116x128xi32, #tpu.memory_space<hbm>> -> memref<1x116x128xi32, #tpu.memory_space<hbm>>
      %dma_start3A_123 = tpu.memref_squeeze %dma_start3A_122 : memref<1x116x128xi32, #tpu.memory_space<hbm>> -> memref<116x128xi32, #tpu.memory_space<hbm>>
      tpu.enqueue_dma source(%dma_start3A_123 : memref<116x128xi32, #tpu.memory_space<hbm>>) target(%arg7 : memref<116x128xi32, #tpu.memory_space<vmem>>) target_semaphore(%run_scoped3A : memref<!tpu.dma_semaphore, #tpu.memory_space<semaphore_mem>>)
      %dma_wait3A_124 = arith.constant 0 : i32
      %dma_wait3A_125 = arith.constant 0 : i32
      %dma_wait3A_126 = tpu.memref_slice %arg4[%add3A, %dma_wait3A_124, %dma_wait3A_125] : memref<32x116x128xi32, #tpu.memory_space<hbm>> -> memref<1x116x128xi32, #tpu.memory_space<hbm>>
      %dma_wait3A_127 = tpu.memref_squeeze %dma_wait3A_126 : memref<1x116x128xi32, #tpu.memory_space<hbm>> -> memref<116x128xi32, #tpu.memory_space<hbm>>
      %dma_wait3A_128 = arith.constant 0 : i32
      %dma_wait3A_129 = arith.constant 0 : i32
      %dma_wait3A_130 = tpu.memref_slice %arg4[%add3A, %dma_wait3A_128, %dma_wait3A_129] : memref<32x116x128xi32, #tpu.memory_space<hbm>> -> memref<1x116x128xi32, #tpu.memory_space<hbm>>
      %dma_wait3A_131 = tpu.memref_squeeze %dma_wait3A_130 : memref<1x116x128xi32, #tpu.memory_space<hbm>> -> memref<116x128xi32, #tpu.memory_space<hbm>>
      tpu.wait_dma2 semaphore(%run_scoped3A : memref<!tpu.dma_semaphore, #tpu.memory_space<semaphore_mem>>) src(%dma_wait3A_131 : memref<116x128xi32, #tpu.memory_space<hbm>>) dst(%arg7 : memref<116x128xi32, #tpu.memory_space<vmem>>)
      tpu.yield
    }) : () -> ()
    %barrier3A = arith.constant 0 : index
    tpu.barrier barrier_id(%barrier3A)
    %eq3A = arith.constant 0 : i32
    %eq3A_27 = arith.cmpi eq, %arg0, %eq3A : i32
    %jit3A = arith.constant 29 : i32
    %jit3A_28 = arith.constant 11 : i32
    %select_n3A = arith.select %eq3A_27, %jit3A, %jit3A_28 : i32
    %dma_start3A = arith.constant 0 : i32
    %dma_start3A_29 = arith.constant 0 : i32
    %dma_start3A_30 = tpu.memref_slice %arg6[%dma_start3A, %dma_start3A_29] : memref<58x256xi32, #tpu.memory_space<vmem>> -> memref<1x256xi32, #tpu.memory_space<vmem>>
    %dma_start3A_31 = tpu.memref_squeeze %dma_start3A_30 : memref<1x256xi32, #tpu.memory_space<vmem>> -> memref<256xi32, #tpu.memory_space<vmem>>
    %dma_start3A_32 = arith.constant 0 : i32
    %dma_start3A_33 = arith.constant 0 : i32
    %dma_start3A_34 = tpu.memref_slice %arg2[%dma_start3A_32, %dma_start3A_33] : memref<10240x64xf32, #tpu.memory_space<hbm>> -> memref<10240x64xf32, #tpu.memory_space<hbm>>
    tpu.enqueue_indirect_dma source(%dma_start3A_34 : memref<10240x64xf32, #tpu.memory_space<hbm>>) target(%arg10 : memref<256x64xf32, #tpu.memory_space<vmem>>) offsets(%dma_start3A_31 : memref<256xi32, #tpu.memory_space<vmem>>) semaphore(%arg12 : memref<!tpu.dma_semaphore, #tpu.memory_space<semaphore_mem>>)
    %dma_start3A_35 = arith.constant 1 : i32
    %dma_start3A_36 = arith.constant 0 : i32
    %dma_start3A_37 = tpu.memref_slice %arg6[%dma_start3A_35, %dma_start3A_36] : memref<58x256xi32, #tpu.memory_space<vmem>> -> memref<1x256xi32, #tpu.memory_space<vmem>>
    %dma_start3A_38 = tpu.memref_squeeze %dma_start3A_37 : memref<1x256xi32, #tpu.memory_space<vmem>> -> memref<256xi32, #tpu.memory_space<vmem>>
    %dma_start3A_39 = arith.constant 0 : i32
    %dma_start3A_40 = arith.constant 0 : i32
    %dma_start3A_41 = tpu.memref_slice %arg2[%dma_start3A_39, %dma_start3A_40] : memref<10240x64xf32, #tpu.memory_space<hbm>> -> memref<10240x64xf32, #tpu.memory_space<hbm>>
    tpu.enqueue_indirect_dma source(%dma_start3A_41 : memref<10240x64xf32, #tpu.memory_space<hbm>>) target(%arg11 : memref<256x64xf32, #tpu.memory_space<vmem>>) offsets(%dma_start3A_38 : memref<256xi32, #tpu.memory_space<vmem>>) semaphore(%arg13 : memref<!tpu.dma_semaphore, #tpu.memory_space<semaphore_mem>>)
    %while3A = arith.constant 0 : i32
    %while3A_42 = arith.constant 0 : i32
    %while3A_43 = arith.subi %select_n3A, %while3A : i32
    %while3A_44 = arith.addi %while3A, %while3A_43 : i32
    %while3A_45 = arith.constant 1 : i32
    %while3A_46 = arith.divsi %while3A_43, %while3A_45 : i32
    %while3A_47 = arith.muli %while3A_46, %while3A_45 : i32
    %while3A_48 = arith.addi %while3A, %while3A_47 : i32
    %while3A_49 = arith.constant 1 : i32
    %while3A_50 = scf.for %while3A_116 = %while3A to %while3A_48 step %while3A_49 iter_args(%while3A_117 = %while3A_42) -> (i32)  : i32 {
      %mul3A_118 = arith.constant 2 : i32
      %mul3A_119 = arith.muli %while3A_116, %mul3A_118 : i32
      %add3A_120 = arith.constant 0 : i32
      %add3A_121 = arith.addi %mul3A_119, %add3A_120 : i32
      %dma_wait3A_122 = arith.constant 0 : i32
      %dma_wait3A_123 = tpu.memref_slice %arg6[%add3A_121, %dma_wait3A_122] : memref<58x256xi32, #tpu.memory_space<vmem>> -> memref<1x256xi32, #tpu.memory_space<vmem>>
      %dma_wait3A_124 = tpu.memref_squeeze %dma_wait3A_123 : memref<1x256xi32, #tpu.memory_space<vmem>> -> memref<256xi32, #tpu.memory_space<vmem>>
      %dma_wait3A_125 = arith.constant 0 : i32
      %dma_wait3A_126 = arith.constant 0 : i32
      %dma_wait3A_127 = tpu.memref_slice %arg2[%dma_wait3A_125, %dma_wait3A_126] : memref<10240x64xf32, #tpu.memory_space<hbm>> -> memref<10240x64xf32, #tpu.memory_space<hbm>>
      tpu.wait_indirect_dma semaphore(%arg12 : memref<!tpu.dma_semaphore, #tpu.memory_space<semaphore_mem>>) src(%dma_wait3A_127 : memref<10240x64xf32, #tpu.memory_space<hbm>>) dst(%arg10 : memref<256x64xf32, #tpu.memory_space<vmem>>)
      %add3A_128 = arith.constant 0 : i32
      %add3A_129 = arith.addi %mul3A_119, %add3A_128 : i32
      %mul3A_130 = arith.constant 2 : i32
      %mul3A_131 = arith.muli %mul3A_130, %add3A_129 : i32
      %dma_start3A_132 = arith.constant 0 : i32
      %dma_start3A_133 = arith.constant 0 : i32
      %dma_start3A_134 = tpu.memref_slice %arg10[%dma_start3A_132, %dma_start3A_133] : memref<256x64xf32, #tpu.memory_space<vmem>> -> memref<128x64xf32, #tpu.memory_space<vmem>>
      %dma_start3A_135 = arith.constant 0 : i32
      %dma_start3A_136 = tpu.memref_slice %arg7[%mul3A_131, %dma_start3A_135] : memref<116x128xi32, #tpu.memory_space<vmem>> -> memref<1x128xi32, #tpu.memory_space<vmem>>
      %dma_start3A_137 = tpu.memref_squeeze %dma_start3A_136 : memref<1x128xi32, #tpu.memory_space<vmem>> -> memref<128xi32, #tpu.memory_space<vmem>>
      %dma_start3A_138 = arith.constant 0 : i32
      %dma_start3A_139 = arith.constant 0 : i32
      %dma_start3A_140 = tpu.memref_slice %arg9[%dma_start3A_138, %dma_start3A_139] : memref<10240x64xf32, #tpu.memory_space<vmem_shared>> -> memref<10240x64xf32, #tpu.memory_space<vmem_shared>>
      tpu.enqueue_indirect_dma source(%dma_start3A_134 : memref<128x64xf32, #tpu.memory_space<vmem>>) target(%dma_start3A_140 : memref<10240x64xf32, #tpu.memory_space<vmem_shared>>) offsets(%dma_start3A_137 : memref<128xi32, #tpu.memory_space<vmem>>) semaphore(%arg14 : memref<!tpu.dma_semaphore, #tpu.memory_space<semaphore_mem>>) {add = true}
      %mul3A_141 = arith.constant 2 : i32
      %mul3A_142 = arith.muli %mul3A_141, %add3A_129 : i32
      %add3A_143 = arith.constant 1 : i32
      %add3A_144 = arith.addi %mul3A_142, %add3A_143 : i32
      %dma_start3A_145 = arith.constant 128 : i32
      %dma_start3A_146 = arith.constant 0 : i32
      %dma_start3A_147 = tpu.memref_slice %arg10[%dma_start3A_145, %dma_start3A_146] : memref<256x64xf32, #tpu.memory_space<vmem>> -> memref<128x64xf32, #tpu.memory_space<vmem>>
      %dma_start3A_148 = arith.constant 0 : i32
      %dma_start3A_149 = tpu.memref_slice %arg7[%add3A_144, %dma_start3A_148] : memref<116x128xi32, #tpu.memory_space<vmem>> -> memref<1x128xi32, #tpu.memory_space<vmem>>
      %dma_start3A_150 = tpu.memref_squeeze %dma_start3A_149 : memref<1x128xi32, #tpu.memory_space<vmem>> -> memref<128xi32, #tpu.memory_space<vmem>>
      %dma_start3A_151 = arith.constant 0 : i32
      %dma_start3A_152 = arith.constant 0 : i32
      %dma_start3A_153 = tpu.memref_slice %arg9[%dma_start3A_151, %dma_start3A_152] : memref<10240x64xf32, #tpu.memory_space<vmem_shared>> -> memref<10240x64xf32, #tpu.memory_space<vmem_shared>>
      tpu.enqueue_indirect_dma source(%dma_start3A_147 : memref<128x64xf32, #tpu.memory_space<vmem>>) target(%dma_start3A_153 : memref<10240x64xf32, #tpu.memory_space<vmem_shared>>) offsets(%dma_start3A_150 : memref<128xi32, #tpu.memory_space<vmem>>) semaphore(%arg14 : memref<!tpu.dma_semaphore, #tpu.memory_space<semaphore_mem>>) {add = true}
      %add3A_154 = arith.constant 1 : i32
      %add3A_155 = arith.addi %mul3A_119, %add3A_154 : i32
      %dma_wait3A_156 = arith.constant 0 : i32
      %dma_wait3A_157 = tpu.memref_slice %arg6[%add3A_155, %dma_wait3A_156] : memref<58x256xi32, #tpu.memory_space<vmem>> -> memref<1x256xi32, #tpu.memory_space<vmem>>
      %dma_wait3A_158 = tpu.memref_squeeze %dma_wait3A_157 : memref<1x256xi32, #tpu.memory_space<vmem>> -> memref<256xi32, #tpu.memory_space<vmem>>
      %dma_wait3A_159 = arith.constant 0 : i32
      %dma_wait3A_160 = arith.constant 0 : i32
      %dma_wait3A_161 = tpu.memref_slice %arg2[%dma_wait3A_159, %dma_wait3A_160] : memref<10240x64xf32, #tpu.memory_space<hbm>> -> memref<10240x64xf32, #tpu.memory_space<hbm>>
      tpu.wait_indirect_dma semaphore(%arg13 : memref<!tpu.dma_semaphore, #tpu.memory_space<semaphore_mem>>) src(%dma_wait3A_161 : memref<10240x64xf32, #tpu.memory_space<hbm>>) dst(%arg11 : memref<256x64xf32, #tpu.memory_space<vmem>>)
      %add3A_162 = arith.constant 1 : i32
      %add3A_163 = arith.addi %mul3A_119, %add3A_162 : i32
      %mul3A_164 = arith.constant 2 : i32
      %mul3A_165 = arith.muli %mul3A_164, %add3A_163 : i32
      %dma_start3A_166 = arith.constant 0 : i32
      %dma_start3A_167 = arith.constant 0 : i32
      %dma_start3A_168 = tpu.memref_slice %arg11[%dma_start3A_166, %dma_start3A_167] : memref<256x64xf32, #tpu.memory_space<vmem>> -> memref<128x64xf32, #tpu.memory_space<vmem>>
      %dma_start3A_169 = arith.constant 0 : i32
      %dma_start3A_170 = tpu.memref_slice %arg7[%mul3A_165, %dma_start3A_169] : memref<116x128xi32, #tpu.memory_space<vmem>> -> memref<1x128xi32, #tpu.memory_space<vmem>>
      %dma_start3A_171 = tpu.memref_squeeze %dma_start3A_170 : memref<1x128xi32, #tpu.memory_space<vmem>> -> memref<128xi32, #tpu.memory_space<vmem>>
      %dma_start3A_172 = arith.constant 0 : i32
      %dma_start3A_173 = arith.constant 0 : i32
      %dma_start3A_174 = tpu.memref_slice %arg9[%dma_start3A_172, %dma_start3A_173] : memref<10240x64xf32, #tpu.memory_space<vmem_shared>> -> memref<10240x64xf32, #tpu.memory_space<vmem_shared>>
      tpu.enqueue_indirect_dma source(%dma_start3A_168 : memref<128x64xf32, #tpu.memory_space<vmem>>) target(%dma_start3A_174 : memref<10240x64xf32, #tpu.memory_space<vmem_shared>>) offsets(%dma_start3A_171 : memref<128xi32, #tpu.memory_space<vmem>>) semaphore(%arg15 : memref<!tpu.dma_semaphore, #tpu.memory_space<semaphore_mem>>) {add = true}
      %mul3A_175 = arith.constant 2 : i32
      %mul3A_176 = arith.muli %mul3A_175, %add3A_163 : i32
      %add3A_177 = arith.constant 1 : i32
      %add3A_178 = arith.addi %mul3A_176, %add3A_177 : i32
      %dma_start3A_179 = arith.constant 128 : i32
      %dma_start3A_180 = arith.constant 0 : i32
      %dma_start3A_181 = tpu.memref_slice %arg11[%dma_start3A_179, %dma_start3A_180] : memref<256x64xf32, #tpu.memory_space<vmem>> -> memref<128x64xf32, #tpu.memory_space<vmem>>
      %dma_start3A_182 = arith.constant 0 : i32
      %dma_start3A_183 = tpu.memref_slice %arg7[%add3A_178, %dma_start3A_182] : memref<116x128xi32, #tpu.memory_space<vmem>> -> memref<1x128xi32, #tpu.memory_space<vmem>>
      %dma_start3A_184 = tpu.memref_squeeze %dma_start3A_183 : memref<1x128xi32, #tpu.memory_space<vmem>> -> memref<128xi32, #tpu.memory_space<vmem>>
      %dma_start3A_185 = arith.constant 0 : i32
      %dma_start3A_186 = arith.constant 0 : i32
      %dma_start3A_187 = tpu.memref_slice %arg9[%dma_start3A_185, %dma_start3A_186] : memref<10240x64xf32, #tpu.memory_space<vmem_shared>> -> memref<10240x64xf32, #tpu.memory_space<vmem_shared>>
      tpu.enqueue_indirect_dma source(%dma_start3A_181 : memref<128x64xf32, #tpu.memory_space<vmem>>) target(%dma_start3A_187 : memref<10240x64xf32, #tpu.memory_space<vmem_shared>>) offsets(%dma_start3A_184 : memref<128xi32, #tpu.memory_space<vmem>>) semaphore(%arg15 : memref<!tpu.dma_semaphore, #tpu.memory_space<semaphore_mem>>) {add = true}
      %sub3A_188 = arith.constant 1 : i32
      %sub3A_189 = arith.subi %select_n3A, %sub3A_188 : i32
      %lt3A = arith.cmpi slt, %while3A_116, %sub3A_189 : i32
      %convert_element_type3A = arith.extui %lt3A : i1 to i32
      %cond3A = arith.constant 0 : i32
      %cond3A_190 = arith.cmpi ne, %convert_element_type3A, %cond3A : i32
      scf.if %cond3A_190 {
        %add3A_198 = arith.constant 0 : i32
        %add3A_199 = arith.addi %mul3A_119, %add3A_198 : i32
        %mul3A_200 = arith.constant 2 : i32
        %mul3A_201 = arith.muli %mul3A_200, %add3A_199 : i32
        %dma_wait3A_202 = arith.constant 0 : i32
        %dma_wait3A_203 = arith.constant 0 : i32
        %dma_wait3A_204 = tpu.memref_slice %arg10[%dma_wait3A_202, %dma_wait3A_203] : memref<256x64xf32, #tpu.memory_space<vmem>> -> memref<128x64xf32, #tpu.memory_space<vmem>>
        %dma_wait3A_205 = arith.constant 0 : i32
        %dma_wait3A_206 = tpu.memref_slice %arg7[%mul3A_201, %dma_wait3A_205] : memref<116x128xi32, #tpu.memory_space<vmem>> -> memref<1x128xi32, #tpu.memory_space<vmem>>
        %dma_wait3A_207 = tpu.memref_squeeze %dma_wait3A_206 : memref<1x128xi32, #tpu.memory_space<vmem>> -> memref<128xi32, #tpu.memory_space<vmem>>
        %dma_wait3A_208 = arith.constant 0 : i32
        %dma_wait3A_209 = arith.constant 0 : i32
        %dma_wait3A_210 = tpu.memref_slice %arg9[%dma_wait3A_208, %dma_wait3A_209] : memref<10240x64xf32, #tpu.memory_space<vmem_shared>> -> memref<10240x64xf32, #tpu.memory_space<vmem_shared>>
        tpu.wait_indirect_dma semaphore(%arg14 : memref<!tpu.dma_semaphore, #tpu.memory_space<semaphore_mem>>) src(%dma_wait3A_204 : memref<128x64xf32, #tpu.memory_space<vmem>>) dst(%dma_wait3A_210 : memref<10240x64xf32, #tpu.memory_space<vmem_shared>>)
        %mul3A_211 = arith.constant 2 : i32
        %mul3A_212 = arith.muli %mul3A_211, %add3A_199 : i32
        %add3A_213 = arith.constant 1 : i32
        %add3A_214 = arith.addi %mul3A_212, %add3A_213 : i32
        %dma_wait3A_215 = arith.constant 128 : i32
        %dma_wait3A_216 = arith.constant 0 : i32
        %dma_wait3A_217 = tpu.memref_slice %arg10[%dma_wait3A_215, %dma_wait3A_216] : memref<256x64xf32, #tpu.memory_space<vmem>> -> memref<128x64xf32, #tpu.memory_space<vmem>>
        %dma_wait3A_218 = arith.constant 0 : i32
        %dma_wait3A_219 = tpu.memref_slice %arg7[%add3A_214, %dma_wait3A_218] : memref<116x128xi32, #tpu.memory_space<vmem>> -> memref<1x128xi32, #tpu.memory_space<vmem>>
        %dma_wait3A_220 = tpu.memref_squeeze %dma_wait3A_219 : memref<1x128xi32, #tpu.memory_space<vmem>> -> memref<128xi32, #tpu.memory_space<vmem>>
        %dma_wait3A_221 = arith.constant 0 : i32
        %dma_wait3A_222 = arith.constant 0 : i32
        %dma_wait3A_223 = tpu.memref_slice %arg9[%dma_wait3A_221, %dma_wait3A_222] : memref<10240x64xf32, #tpu.memory_space<vmem_shared>> -> memref<10240x64xf32, #tpu.memory_space<vmem_shared>>
        tpu.wait_indirect_dma semaphore(%arg14 : memref<!tpu.dma_semaphore, #tpu.memory_space<semaphore_mem>>) src(%dma_wait3A_217 : memref<128x64xf32, #tpu.memory_space<vmem>>) dst(%dma_wait3A_223 : memref<10240x64xf32, #tpu.memory_space<vmem_shared>>)
        %add3A_224 = arith.constant 2 : i32
        %add3A_225 = arith.addi %mul3A_119, %add3A_224 : i32
        %add3A_226 = arith.constant 0 : i32
        %add3A_227 = arith.addi %add3A_225, %add3A_226 : i32
        %dma_start3A_228 = arith.constant 0 : i32
        %dma_start3A_229 = tpu.memref_slice %arg6[%add3A_227, %dma_start3A_228] : memref<58x256xi32, #tpu.memory_space<vmem>> -> memref<1x256xi32, #tpu.memory_space<vmem>>
        %dma_start3A_230 = tpu.memref_squeeze %dma_start3A_229 : memref<1x256xi32, #tpu.memory_space<vmem>> -> memref<256xi32, #tpu.memory_space<vmem>>
        %dma_start3A_231 = arith.constant 0 : i32
        %dma_start3A_232 = arith.constant 0 : i32
        %dma_start3A_233 = tpu.memref_slice %arg2[%dma_start3A_231, %dma_start3A_232] : memref<10240x64xf32, #tpu.memory_space<hbm>> -> memref<10240x64xf32, #tpu.memory_space<hbm>>
        tpu.enqueue_indirect_dma source(%dma_start3A_233 : memref<10240x64xf32, #tpu.memory_space<hbm>>) target(%arg10 : memref<256x64xf32, #tpu.memory_space<vmem>>) offsets(%dma_start3A_230 : memref<256xi32, #tpu.memory_space<vmem>>) semaphore(%arg12 : memref<!tpu.dma_semaphore, #tpu.memory_space<semaphore_mem>>)
      } else {
      }
      %sub3A_191 = arith.constant 1 : i32
      %sub3A_192 = arith.subi %select_n3A, %sub3A_191 : i32
      %lt3A_193 = arith.cmpi slt, %while3A_116, %sub3A_192 : i32
      %convert_element_type3A_194 = arith.extui %lt3A_193 : i1 to i32
      %cond3A_195 = arith.constant 0 : i32
      %cond3A_196 = arith.cmpi ne, %convert_element_type3A_194, %cond3A_195 : i32
      scf.if %cond3A_196 {
        %add3A_198 = arith.constant 1 : i32
        %add3A_199 = arith.addi %mul3A_119, %add3A_198 : i32
        %mul3A_200 = arith.constant 2 : i32
        %mul3A_201 = arith.muli %mul3A_200, %add3A_199 : i32
        %dma_wait3A_202 = arith.constant 0 : i32
        %dma_wait3A_203 = arith.constant 0 : i32
        %dma_wait3A_204 = tpu.memref_slice %arg11[%dma_wait3A_202, %dma_wait3A_203] : memref<256x64xf32, #tpu.memory_space<vmem>> -> memref<128x64xf32, #tpu.memory_space<vmem>>
        %dma_wait3A_205 = arith.constant 0 : i32
        %dma_wait3A_206 = tpu.memref_slice %arg7[%mul3A_201, %dma_wait3A_205] : memref<116x128xi32, #tpu.memory_space<vmem>> -> memref<1x128xi32, #tpu.memory_space<vmem>>
        %dma_wait3A_207 = tpu.memref_squeeze %dma_wait3A_206 : memref<1x128xi32, #tpu.memory_space<vmem>> -> memref<128xi32, #tpu.memory_space<vmem>>
        %dma_wait3A_208 = arith.constant 0 : i32
        %dma_wait3A_209 = arith.constant 0 : i32
        %dma_wait3A_210 = tpu.memref_slice %arg9[%dma_wait3A_208, %dma_wait3A_209] : memref<10240x64xf32, #tpu.memory_space<vmem_shared>> -> memref<10240x64xf32, #tpu.memory_space<vmem_shared>>
        tpu.wait_indirect_dma semaphore(%arg15 : memref<!tpu.dma_semaphore, #tpu.memory_space<semaphore_mem>>) src(%dma_wait3A_204 : memref<128x64xf32, #tpu.memory_space<vmem>>) dst(%dma_wait3A_210 : memref<10240x64xf32, #tpu.memory_space<vmem_shared>>)
        %mul3A_211 = arith.constant 2 : i32
        %mul3A_212 = arith.muli %mul3A_211, %add3A_199 : i32
        %add3A_213 = arith.constant 1 : i32
        %add3A_214 = arith.addi %mul3A_212, %add3A_213 : i32
        %dma_wait3A_215 = arith.constant 128 : i32
        %dma_wait3A_216 = arith.constant 0 : i32
        %dma_wait3A_217 = tpu.memref_slice %arg11[%dma_wait3A_215, %dma_wait3A_216] : memref<256x64xf32, #tpu.memory_space<vmem>> -> memref<128x64xf32, #tpu.memory_space<vmem>>
        %dma_wait3A_218 = arith.constant 0 : i32
        %dma_wait3A_219 = tpu.memref_slice %arg7[%add3A_214, %dma_wait3A_218] : memref<116x128xi32, #tpu.memory_space<vmem>> -> memref<1x128xi32, #tpu.memory_space<vmem>>
        %dma_wait3A_220 = tpu.memref_squeeze %dma_wait3A_219 : memref<1x128xi32, #tpu.memory_space<vmem>> -> memref<128xi32, #tpu.memory_space<vmem>>
        %dma_wait3A_221 = arith.constant 0 : i32
        %dma_wait3A_222 = arith.constant 0 : i32
        %dma_wait3A_223 = tpu.memref_slice %arg9[%dma_wait3A_221, %dma_wait3A_222] : memref<10240x64xf32, #tpu.memory_space<vmem_shared>> -> memref<10240x64xf32, #tpu.memory_space<vmem_shared>>
        tpu.wait_indirect_dma semaphore(%arg15 : memref<!tpu.dma_semaphore, #tpu.memory_space<semaphore_mem>>) src(%dma_wait3A_217 : memref<128x64xf32, #tpu.memory_space<vmem>>) dst(%dma_wait3A_223 : memref<10240x64xf32, #tpu.memory_space<vmem_shared>>)
        %add3A_224 = arith.constant 2 : i32
        %add3A_225 = arith.addi %mul3A_119, %add3A_224 : i32
        %add3A_226 = arith.constant 1 : i32
        %add3A_227 = arith.addi %add3A_225, %add3A_226 : i32
        %dma_start3A_228 = arith.constant 0 : i32
        %dma_start3A_229 = tpu.memref_slice %arg6[%add3A_227, %dma_start3A_228] : memref<58x256xi32, #tpu.memory_space<vmem>> -> memref<1x256xi32, #tpu.memory_space<vmem>>
        %dma_start3A_230 = tpu.memref_squeeze %dma_start3A_229 : memref<1x256xi32, #tpu.memory_space<vmem>> -> memref<256xi32, #tpu.memory_space<vmem>>
        %dma_start3A_231 = arith.constant 0 : i32
        %dma_start3A_232 = arith.constant 0 : i32
        %dma_start3A_233 = tpu.memref_slice %arg2[%dma_start3A_231, %dma_start3A_232] : memref<10240x64xf32, #tpu.memory_space<hbm>> -> memref<10240x64xf32, #tpu.memory_space<hbm>>
        tpu.enqueue_indirect_dma source(%dma_start3A_233 : memref<10240x64xf32, #tpu.memory_space<hbm>>) target(%arg11 : memref<256x64xf32, #tpu.memory_space<vmem>>) offsets(%dma_start3A_230 : memref<256xi32, #tpu.memory_space<vmem>>) semaphore(%arg13 : memref<!tpu.dma_semaphore, #tpu.memory_space<semaphore_mem>>)
      } else {
      }
      %while3A_197 = arith.constant 0 : i32
      scf.yield %while3A_197 : i32
    }
    %while3A_51 = arith.constant 1 : i32
    %while3A_52 = scf.for %while3A_116 = %while3A_48 to %while3A_44 step %while3A_51 iter_args(%while3A_117 = %while3A_50) -> (i32)  : i32 {
      %mul3A_118 = arith.constant 2 : i32
      %mul3A_119 = arith.muli %while3A_116, %mul3A_118 : i32
      %add3A_120 = arith.constant 0 : i32
      %add3A_121 = arith.addi %mul3A_119, %add3A_120 : i32
      %dma_wait3A_122 = arith.constant 0 : i32
      %dma_wait3A_123 = tpu.memref_slice %arg6[%add3A_121, %dma_wait3A_122] : memref<58x256xi32, #tpu.memory_space<vmem>> -> memref<1x256xi32, #tpu.memory_space<vmem>>
      %dma_wait3A_124 = tpu.memref_squeeze %dma_wait3A_123 : memref<1x256xi32, #tpu.memory_space<vmem>> -> memref<256xi32, #tpu.memory_space<vmem>>
      %dma_wait3A_125 = arith.constant 0 : i32
      %dma_wait3A_126 = arith.constant 0 : i32
      %dma_wait3A_127 = tpu.memref_slice %arg2[%dma_wait3A_125, %dma_wait3A_126] : memref<10240x64xf32, #tpu.memory_space<hbm>> -> memref<10240x64xf32, #tpu.memory_space<hbm>>
      tpu.wait_indirect_dma semaphore(%arg12 : memref<!tpu.dma_semaphore, #tpu.memory_space<semaphore_mem>>) src(%dma_wait3A_127 : memref<10240x64xf32, #tpu.memory_space<hbm>>) dst(%arg10 : memref<256x64xf32, #tpu.memory_space<vmem>>)
      %add3A_128 = arith.constant 0 : i32
      %add3A_129 = arith.addi %mul3A_119, %add3A_128 : i32
      %mul3A_130 = arith.constant 2 : i32
      %mul3A_131 = arith.muli %mul3A_130, %add3A_129 : i32
      %dma_start3A_132 = arith.constant 0 : i32
      %dma_start3A_133 = arith.constant 0 : i32
      %dma_start3A_134 = tpu.memref_slice %arg10[%dma_start3A_132, %dma_start3A_133] : memref<256x64xf32, #tpu.memory_space<vmem>> -> memref<128x64xf32, #tpu.memory_space<vmem>>
      %dma_start3A_135 = arith.constant 0 : i32
      %dma_start3A_136 = tpu.memref_slice %arg7[%mul3A_131, %dma_start3A_135] : memref<116x128xi32, #tpu.memory_space<vmem>> -> memref<1x128xi32, #tpu.memory_space<vmem>>
      %dma_start3A_137 = tpu.memref_squeeze %dma_start3A_136 : memref<1x128xi32, #tpu.memory_space<vmem>> -> memref<128xi32, #tpu.memory_space<vmem>>
      %dma_start3A_138 = arith.constant 0 : i32
      %dma_start3A_139 = arith.constant 0 : i32
      %dma_start3A_140 = tpu.memref_slice %arg9[%dma_start3A_138, %dma_start3A_139] : memref<10240x64xf32, #tpu.memory_space<vmem_shared>> -> memref<10240x64xf32, #tpu.memory_space<vmem_shared>>
      tpu.enqueue_indirect_dma source(%dma_start3A_134 : memref<128x64xf32, #tpu.memory_space<vmem>>) target(%dma_start3A_140 : memref<10240x64xf32, #tpu.memory_space<vmem_shared>>) offsets(%dma_start3A_137 : memref<128xi32, #tpu.memory_space<vmem>>) semaphore(%arg14 : memref<!tpu.dma_semaphore, #tpu.memory_space<semaphore_mem>>) {add = true}
      %mul3A_141 = arith.constant 2 : i32
      %mul3A_142 = arith.muli %mul3A_141, %add3A_129 : i32
      %add3A_143 = arith.constant 1 : i32
      %add3A_144 = arith.addi %mul3A_142, %add3A_143 : i32
      %dma_start3A_145 = arith.constant 128 : i32
      %dma_start3A_146 = arith.constant 0 : i32
      %dma_start3A_147 = tpu.memref_slice %arg10[%dma_start3A_145, %dma_start3A_146] : memref<256x64xf32, #tpu.memory_space<vmem>> -> memref<128x64xf32, #tpu.memory_space<vmem>>
      %dma_start3A_148 = arith.constant 0 : i32
      %dma_start3A_149 = tpu.memref_slice %arg7[%add3A_144, %dma_start3A_148] : memref<116x128xi32, #tpu.memory_space<vmem>> -> memref<1x128xi32, #tpu.memory_space<vmem>>
      %dma_start3A_150 = tpu.memref_squeeze %dma_start3A_149 : memref<1x128xi32, #tpu.memory_space<vmem>> -> memref<128xi32, #tpu.memory_space<vmem>>
      %dma_start3A_151 = arith.constant 0 : i32
      %dma_start3A_152 = arith.constant 0 : i32
      %dma_start3A_153 = tpu.memref_slice %arg9[%dma_start3A_151, %dma_start3A_152] : memref<10240x64xf32, #tpu.memory_space<vmem_shared>> -> memref<10240x64xf32, #tpu.memory_space<vmem_shared>>
      tpu.enqueue_indirect_dma source(%dma_start3A_147 : memref<128x64xf32, #tpu.memory_space<vmem>>) target(%dma_start3A_153 : memref<10240x64xf32, #tpu.memory_space<vmem_shared>>) offsets(%dma_start3A_150 : memref<128xi32, #tpu.memory_space<vmem>>) semaphore(%arg14 : memref<!tpu.dma_semaphore, #tpu.memory_space<semaphore_mem>>) {add = true}
      %add3A_154 = arith.constant 1 : i32
      %add3A_155 = arith.addi %mul3A_119, %add3A_154 : i32
      %dma_wait3A_156 = arith.constant 0 : i32
      %dma_wait3A_157 = tpu.memref_slice %arg6[%add3A_155, %dma_wait3A_156] : memref<58x256xi32, #tpu.memory_space<vmem>> -> memref<1x256xi32, #tpu.memory_space<vmem>>
      %dma_wait3A_158 = tpu.memref_squeeze %dma_wait3A_157 : memref<1x256xi32, #tpu.memory_space<vmem>> -> memref<256xi32, #tpu.memory_space<vmem>>
      %dma_wait3A_159 = arith.constant 0 : i32
      %dma_wait3A_160 = arith.constant 0 : i32
      %dma_wait3A_161 = tpu.memref_slice %arg2[%dma_wait3A_159, %dma_wait3A_160] : memref<10240x64xf32, #tpu.memory_space<hbm>> -> memref<10240x64xf32, #tpu.memory_space<hbm>>
      tpu.wait_indirect_dma semaphore(%arg13 : memref<!tpu.dma_semaphore, #tpu.memory_space<semaphore_mem>>) src(%dma_wait3A_161 : memref<10240x64xf32, #tpu.memory_space<hbm>>) dst(%arg11 : memref<256x64xf32, #tpu.memory_space<vmem>>)
      %add3A_162 = arith.constant 1 : i32
      %add3A_163 = arith.addi %mul3A_119, %add3A_162 : i32
      %mul3A_164 = arith.constant 2 : i32
      %mul3A_165 = arith.muli %mul3A_164, %add3A_163 : i32
      %dma_start3A_166 = arith.constant 0 : i32
      %dma_start3A_167 = arith.constant 0 : i32
      %dma_start3A_168 = tpu.memref_slice %arg11[%dma_start3A_166, %dma_start3A_167] : memref<256x64xf32, #tpu.memory_space<vmem>> -> memref<128x64xf32, #tpu.memory_space<vmem>>
      %dma_start3A_169 = arith.constant 0 : i32
      %dma_start3A_170 = tpu.memref_slice %arg7[%mul3A_165, %dma_start3A_169] : memref<116x128xi32, #tpu.memory_space<vmem>> -> memref<1x128xi32, #tpu.memory_space<vmem>>
      %dma_start3A_171 = tpu.memref_squeeze %dma_start3A_170 : memref<1x128xi32, #tpu.memory_space<vmem>> -> memref<128xi32, #tpu.memory_space<vmem>>
      %dma_start3A_172 = arith.constant 0 : i32
      %dma_start3A_173 = arith.constant 0 : i32
      %dma_start3A_174 = tpu.memref_slice %arg9[%dma_start3A_172, %dma_start3A_173] : memref<10240x64xf32, #tpu.memory_space<vmem_shared>> -> memref<10240x64xf32, #tpu.memory_space<vmem_shared>>
      tpu.enqueue_indirect_dma source(%dma_start3A_168 : memref<128x64xf32, #tpu.memory_space<vmem>>) target(%dma_start3A_174 : memref<10240x64xf32, #tpu.memory_space<vmem_shared>>) offsets(%dma_start3A_171 : memref<128xi32, #tpu.memory_space<vmem>>) semaphore(%arg15 : memref<!tpu.dma_semaphore, #tpu.memory_space<semaphore_mem>>) {add = true}
      %mul3A_175 = arith.constant 2 : i32
      %mul3A_176 = arith.muli %mul3A_175, %add3A_163 : i32
      %add3A_177 = arith.constant 1 : i32
      %add3A_178 = arith.addi %mul3A_176, %add3A_177 : i32
      %dma_start3A_179 = arith.constant 128 : i32
      %dma_start3A_180 = arith.constant 0 : i32
      %dma_start3A_181 = tpu.memref_slice %arg11[%dma_start3A_179, %dma_start3A_180] : memref<256x64xf32, #tpu.memory_space<vmem>> -> memref<128x64xf32, #tpu.memory_space<vmem>>
      %dma_start3A_182 = arith.constant 0 : i32
      %dma_start3A_183 = tpu.memref_slice %arg7[%add3A_178, %dma_start3A_182] : memref<116x128xi32, #tpu.memory_space<vmem>> -> memref<1x128xi32, #tpu.memory_space<vmem>>
      %dma_start3A_184 = tpu.memref_squeeze %dma_start3A_183 : memref<1x128xi32, #tpu.memory_space<vmem>> -> memref<128xi32, #tpu.memory_space<vmem>>
      %dma_start3A_185 = arith.constant 0 : i32
      %dma_start3A_186 = arith.constant 0 : i32
      %dma_start3A_187 = tpu.memref_slice %arg9[%dma_start3A_185, %dma_start3A_186] : memref<10240x64xf32, #tpu.memory_space<vmem_shared>> -> memref<10240x64xf32, #tpu.memory_space<vmem_shared>>
      tpu.enqueue_indirect_dma source(%dma_start3A_181 : memref<128x64xf32, #tpu.memory_space<vmem>>) target(%dma_start3A_187 : memref<10240x64xf32, #tpu.memory_space<vmem_shared>>) offsets(%dma_start3A_184 : memref<128xi32, #tpu.memory_space<vmem>>) semaphore(%arg15 : memref<!tpu.dma_semaphore, #tpu.memory_space<semaphore_mem>>) {add = true}
      %sub3A_188 = arith.constant 1 : i32
      %sub3A_189 = arith.subi %select_n3A, %sub3A_188 : i32
      %lt3A = arith.cmpi slt, %while3A_116, %sub3A_189 : i32
      %convert_element_type3A = arith.extui %lt3A : i1 to i32
      %cond3A = arith.constant 0 : i32
      %cond3A_190 = arith.cmpi ne, %convert_element_type3A, %cond3A : i32
      scf.if %cond3A_190 {
        %add3A_198 = arith.constant 0 : i32
        %add3A_199 = arith.addi %mul3A_119, %add3A_198 : i32
        %mul3A_200 = arith.constant 2 : i32
        %mul3A_201 = arith.muli %mul3A_200, %add3A_199 : i32
        %dma_wait3A_202 = arith.constant 0 : i32
        %dma_wait3A_203 = arith.constant 0 : i32
        %dma_wait3A_204 = tpu.memref_slice %arg10[%dma_wait3A_202, %dma_wait3A_203] : memref<256x64xf32, #tpu.memory_space<vmem>> -> memref<128x64xf32, #tpu.memory_space<vmem>>
        %dma_wait3A_205 = arith.constant 0 : i32
        %dma_wait3A_206 = tpu.memref_slice %arg7[%mul3A_201, %dma_wait3A_205] : memref<116x128xi32, #tpu.memory_space<vmem>> -> memref<1x128xi32, #tpu.memory_space<vmem>>
        %dma_wait3A_207 = tpu.memref_squeeze %dma_wait3A_206 : memref<1x128xi32, #tpu.memory_space<vmem>> -> memref<128xi32, #tpu.memory_space<vmem>>
        %dma_wait3A_208 = arith.constant 0 : i32
        %dma_wait3A_209 = arith.constant 0 : i32
        %dma_wait3A_210 = tpu.memref_slice %arg9[%dma_wait3A_208, %dma_wait3A_209] : memref<10240x64xf32, #tpu.memory_space<vmem_shared>> -> memref<10240x64xf32, #tpu.memory_space<vmem_shared>>
        tpu.wait_indirect_dma semaphore(%arg14 : memref<!tpu.dma_semaphore, #tpu.memory_space<semaphore_mem>>) src(%dma_wait3A_204 : memref<128x64xf32, #tpu.memory_space<vmem>>) dst(%dma_wait3A_210 : memref<10240x64xf32, #tpu.memory_space<vmem_shared>>)
        %mul3A_211 = arith.constant 2 : i32
        %mul3A_212 = arith.muli %mul3A_211, %add3A_199 : i32
        %add3A_213 = arith.constant 1 : i32
        %add3A_214 = arith.addi %mul3A_212, %add3A_213 : i32
        %dma_wait3A_215 = arith.constant 128 : i32
        %dma_wait3A_216 = arith.constant 0 : i32
        %dma_wait3A_217 = tpu.memref_slice %arg10[%dma_wait3A_215, %dma_wait3A_216] : memref<256x64xf32, #tpu.memory_space<vmem>> -> memref<128x64xf32, #tpu.memory_space<vmem>>
        %dma_wait3A_218 = arith.constant 0 : i32
        %dma_wait3A_219 = tpu.memref_slice %arg7[%add3A_214, %dma_wait3A_218] : memref<116x128xi32, #tpu.memory_space<vmem>> -> memref<1x128xi32, #tpu.memory_space<vmem>>
        %dma_wait3A_220 = tpu.memref_squeeze %dma_wait3A_219 : memref<1x128xi32, #tpu.memory_space<vmem>> -> memref<128xi32, #tpu.memory_space<vmem>>
        %dma_wait3A_221 = arith.constant 0 : i32
        %dma_wait3A_222 = arith.constant 0 : i32
        %dma_wait3A_223 = tpu.memref_slice %arg9[%dma_wait3A_221, %dma_wait3A_222] : memref<10240x64xf32, #tpu.memory_space<vmem_shared>> -> memref<10240x64xf32, #tpu.memory_space<vmem_shared>>
        tpu.wait_indirect_dma semaphore(%arg14 : memref<!tpu.dma_semaphore, #tpu.memory_space<semaphore_mem>>) src(%dma_wait3A_217 : memref<128x64xf32, #tpu.memory_space<vmem>>) dst(%dma_wait3A_223 : memref<10240x64xf32, #tpu.memory_space<vmem_shared>>)
        %add3A_224 = arith.constant 2 : i32
        %add3A_225 = arith.addi %mul3A_119, %add3A_224 : i32
        %add3A_226 = arith.constant 0 : i32
        %add3A_227 = arith.addi %add3A_225, %add3A_226 : i32
        %dma_start3A_228 = arith.constant 0 : i32
        %dma_start3A_229 = tpu.memref_slice %arg6[%add3A_227, %dma_start3A_228] : memref<58x256xi32, #tpu.memory_space<vmem>> -> memref<1x256xi32, #tpu.memory_space<vmem>>
        %dma_start3A_230 = tpu.memref_squeeze %dma_start3A_229 : memref<1x256xi32, #tpu.memory_space<vmem>> -> memref<256xi32, #tpu.memory_space<vmem>>
        %dma_start3A_231 = arith.constant 0 : i32
        %dma_start3A_232 = arith.constant 0 : i32
        %dma_start3A_233 = tpu.memref_slice %arg2[%dma_start3A_231, %dma_start3A_232] : memref<10240x64xf32, #tpu.memory_space<hbm>> -> memref<10240x64xf32, #tpu.memory_space<hbm>>
        tpu.enqueue_indirect_dma source(%dma_start3A_233 : memref<10240x64xf32, #tpu.memory_space<hbm>>) target(%arg10 : memref<256x64xf32, #tpu.memory_space<vmem>>) offsets(%dma_start3A_230 : memref<256xi32, #tpu.memory_space<vmem>>) semaphore(%arg12 : memref<!tpu.dma_semaphore, #tpu.memory_space<semaphore_mem>>)
      } else {
      }
      %sub3A_191 = arith.constant 1 : i32
      %sub3A_192 = arith.subi %select_n3A, %sub3A_191 : i32
      %lt3A_193 = arith.cmpi slt, %while3A_116, %sub3A_192 : i32
      %convert_element_type3A_194 = arith.extui %lt3A_193 : i1 to i32
      %cond3A_195 = arith.constant 0 : i32
      %cond3A_196 = arith.cmpi ne, %convert_element_type3A_194, %cond3A_195 : i32
      scf.if %cond3A_196 {
        %add3A_198 = arith.constant 1 : i32
        %add3A_199 = arith.addi %mul3A_119, %add3A_198 : i32
        %mul3A_200 = arith.constant 2 : i32
        %mul3A_201 = arith.muli %mul3A_200, %add3A_199 : i32
        %dma_wait3A_202 = arith.constant 0 : i32
        %dma_wait3A_203 = arith.constant 0 : i32
        %dma_wait3A_204 = tpu.memref_slice %arg11[%dma_wait3A_202, %dma_wait3A_203] : memref<256x64xf32, #tpu.memory_space<vmem>> -> memref<128x64xf32, #tpu.memory_space<vmem>>
        %dma_wait3A_205 = arith.constant 0 : i32
        %dma_wait3A_206 = tpu.memref_slice %arg7[%mul3A_201, %dma_wait3A_205] : memref<116x128xi32, #tpu.memory_space<vmem>> -> memref<1x128xi32, #tpu.memory_space<vmem>>
        %dma_wait3A_207 = tpu.memref_squeeze %dma_wait3A_206 : memref<1x128xi32, #tpu.memory_space<vmem>> -> memref<128xi32, #tpu.memory_space<vmem>>
        %dma_wait3A_208 = arith.constant 0 : i32
        %dma_wait3A_209 = arith.constant 0 : i32
        %dma_wait3A_210 = tpu.memref_slice %arg9[%dma_wait3A_208, %dma_wait3A_209] : memref<10240x64xf32, #tpu.memory_space<vmem_shared>> -> memref<10240x64xf32, #tpu.memory_space<vmem_shared>>
        tpu.wait_indirect_dma semaphore(%arg15 : memref<!tpu.dma_semaphore, #tpu.memory_space<semaphore_mem>>) src(%dma_wait3A_204 : memref<128x64xf32, #tpu.memory_space<vmem>>) dst(%dma_wait3A_210 : memref<10240x64xf32, #tpu.memory_space<vmem_shared>>)
        %mul3A_211 = arith.constant 2 : i32
        %mul3A_212 = arith.muli %mul3A_211, %add3A_199 : i32
        %add3A_213 = arith.constant 1 : i32
        %add3A_214 = arith.addi %mul3A_212, %add3A_213 : i32
        %dma_wait3A_215 = arith.constant 128 : i32
        %dma_wait3A_216 = arith.constant 0 : i32
        %dma_wait3A_217 = tpu.memref_slice %arg11[%dma_wait3A_215, %dma_wait3A_216] : memref<256x64xf32, #tpu.memory_space<vmem>> -> memref<128x64xf32, #tpu.memory_space<vmem>>
        %dma_wait3A_218 = arith.constant 0 : i32
        %dma_wait3A_219 = tpu.memref_slice %arg7[%add3A_214, %dma_wait3A_218] : memref<116x128xi32, #tpu.memory_space<vmem>> -> memref<1x128xi32, #tpu.memory_space<vmem>>
        %dma_wait3A_220 = tpu.memref_squeeze %dma_wait3A_219 : memref<1x128xi32, #tpu.memory_space<vmem>> -> memref<128xi32, #tpu.memory_space<vmem>>
        %dma_wait3A_221 = arith.constant 0 : i32
        %dma_wait3A_222 = arith.constant 0 : i32
        %dma_wait3A_223 = tpu.memref_slice %arg9[%dma_wait3A_221, %dma_wait3A_222] : memref<10240x64xf32, #tpu.memory_space<vmem_shared>> -> memref<10240x64xf32, #tpu.memory_space<vmem_shared>>
        tpu.wait_indirect_dma semaphore(%arg15 : memref<!tpu.dma_semaphore, #tpu.memory_space<semaphore_mem>>) src(%dma_wait3A_217 : memref<128x64xf32, #tpu.memory_space<vmem>>) dst(%dma_wait3A_223 : memref<10240x64xf32, #tpu.memory_space<vmem_shared>>)
        %add3A_224 = arith.constant 2 : i32
        %add3A_225 = arith.addi %mul3A_119, %add3A_224 : i32
        %add3A_226 = arith.constant 1 : i32
        %add3A_227 = arith.addi %add3A_225, %add3A_226 : i32
        %dma_start3A_228 = arith.constant 0 : i32
        %dma_start3A_229 = tpu.memref_slice %arg6[%add3A_227, %dma_start3A_228] : memref<58x256xi32, #tpu.memory_space<vmem>> -> memref<1x256xi32, #tpu.memory_space<vmem>>
        %dma_start3A_230 = tpu.memref_squeeze %dma_start3A_229 : memref<1x256xi32, #tpu.memory_space<vmem>> -> memref<256xi32, #tpu.memory_space<vmem>>
        %dma_start3A_231 = arith.constant 0 : i32
        %dma_start3A_232 = arith.constant 0 : i32
        %dma_start3A_233 = tpu.memref_slice %arg2[%dma_start3A_231, %dma_start3A_232] : memref<10240x64xf32, #tpu.memory_space<hbm>> -> memref<10240x64xf32, #tpu.memory_space<hbm>>
        tpu.enqueue_indirect_dma source(%dma_start3A_233 : memref<10240x64xf32, #tpu.memory_space<hbm>>) target(%arg11 : memref<256x64xf32, #tpu.memory_space<vmem>>) offsets(%dma_start3A_230 : memref<256xi32, #tpu.memory_space<vmem>>) semaphore(%arg13 : memref<!tpu.dma_semaphore, #tpu.memory_space<semaphore_mem>>)
      } else {
      }
      %while3A_197 = arith.constant 0 : i32
      scf.yield %while3A_197 : i32
    }
    %sub3A = arith.constant 1 : i32
    %sub3A_53 = arith.subi %select_n3A, %sub3A : i32
    %mul3A_54 = arith.constant 2 : i32
    %mul3A_55 = arith.muli %sub3A_53, %mul3A_54 : i32
    %add3A_56 = arith.constant 0 : i32
    %add3A_57 = arith.addi %mul3A_55, %add3A_56 : i32
    %mul3A_58 = arith.constant 2 : i32
    %mul3A_59 = arith.muli %mul3A_58, %add3A_57 : i32
    %dma_wait3A = arith.constant 0 : i32
    %dma_wait3A_60 = arith.constant 0 : i32
    %dma_wait3A_61 = tpu.memref_slice %arg10[%dma_wait3A, %dma_wait3A_60] : memref<256x64xf32, #tpu.memory_space<vmem>> -> memref<128x64xf32, #tpu.memory_space<vmem>>
    %dma_wait3A_62 = arith.constant 0 : i32
    %dma_wait3A_63 = tpu.memref_slice %arg7[%mul3A_59, %dma_wait3A_62] : memref<116x128xi32, #tpu.memory_space<vmem>> -> memref<1x128xi32, #tpu.memory_space<vmem>>
    %dma_wait3A_64 = tpu.memref_squeeze %dma_wait3A_63 : memref<1x128xi32, #tpu.memory_space<vmem>> -> memref<128xi32, #tpu.memory_space<vmem>>
    %dma_wait3A_65 = arith.constant 0 : i32
    %dma_wait3A_66 = arith.constant 0 : i32
    %dma_wait3A_67 = tpu.memref_slice %arg9[%dma_wait3A_65, %dma_wait3A_66] : memref<10240x64xf32, #tpu.memory_space<vmem_shared>> -> memref<10240x64xf32, #tpu.memory_space<vmem_shared>>
    tpu.wait_indirect_dma semaphore(%arg14 : memref<!tpu.dma_semaphore, #tpu.memory_space<semaphore_mem>>) src(%dma_wait3A_61 : memref<128x64xf32, #tpu.memory_space<vmem>>) dst(%dma_wait3A_67 : memref<10240x64xf32, #tpu.memory_space<vmem_shared>>)
    %mul3A_68 = arith.constant 2 : i32
    %mul3A_69 = arith.muli %mul3A_68, %add3A_57 : i32
    %add3A_70 = arith.constant 1 : i32
    %add3A_71 = arith.addi %mul3A_69, %add3A_70 : i32
    %dma_wait3A_72 = arith.constant 128 : i32
    %dma_wait3A_73 = arith.constant 0 : i32
    %dma_wait3A_74 = tpu.memref_slice %arg10[%dma_wait3A_72, %dma_wait3A_73] : memref<256x64xf32, #tpu.memory_space<vmem>> -> memref<128x64xf32, #tpu.memory_space<vmem>>
    %dma_wait3A_75 = arith.constant 0 : i32
    %dma_wait3A_76 = tpu.memref_slice %arg7[%add3A_71, %dma_wait3A_75] : memref<116x128xi32, #tpu.memory_space<vmem>> -> memref<1x128xi32, #tpu.memory_space<vmem>>
    %dma_wait3A_77 = tpu.memref_squeeze %dma_wait3A_76 : memref<1x128xi32, #tpu.memory_space<vmem>> -> memref<128xi32, #tpu.memory_space<vmem>>
    %dma_wait3A_78 = arith.constant 0 : i32
    %dma_wait3A_79 = arith.constant 0 : i32
    %dma_wait3A_80 = tpu.memref_slice %arg9[%dma_wait3A_78, %dma_wait3A_79] : memref<10240x64xf32, #tpu.memory_space<vmem_shared>> -> memref<10240x64xf32, #tpu.memory_space<vmem_shared>>
    tpu.wait_indirect_dma semaphore(%arg14 : memref<!tpu.dma_semaphore, #tpu.memory_space<semaphore_mem>>) src(%dma_wait3A_74 : memref<128x64xf32, #tpu.memory_space<vmem>>) dst(%dma_wait3A_80 : memref<10240x64xf32, #tpu.memory_space<vmem_shared>>)
    %sub3A_81 = arith.constant 1 : i32
    %sub3A_82 = arith.subi %select_n3A, %sub3A_81 : i32
    %mul3A_83 = arith.constant 2 : i32
    %mul3A_84 = arith.muli %sub3A_82, %mul3A_83 : i32
    %add3A_85 = arith.constant 1 : i32
    %add3A_86 = arith.addi %mul3A_84, %add3A_85 : i32
    %mul3A_87 = arith.constant 2 : i32
    %mul3A_88 = arith.muli %mul3A_87, %add3A_86 : i32
    %dma_wait3A_89 = arith.constant 0 : i32
    %dma_wait3A_90 = arith.constant 0 : i32
    %dma_wait3A_91 = tpu.memref_slice %arg11[%dma_wait3A_89, %dma_wait3A_90] : memref<256x64xf32, #tpu.memory_space<vmem>> -> memref<128x64xf32, #tpu.memory_space<vmem>>
    %dma_wait3A_92 = arith.constant 0 : i32
    %dma_wait3A_93 = tpu.memref_slice %arg7[%mul3A_88, %dma_wait3A_92] : memref<116x128xi32, #tpu.memory_space<vmem>> -> memref<1x128xi32, #tpu.memory_space<vmem>>
    %dma_wait3A_94 = tpu.memref_squeeze %dma_wait3A_93 : memref<1x128xi32, #tpu.memory_space<vmem>> -> memref<128xi32, #tpu.memory_space<vmem>>
    %dma_wait3A_95 = arith.constant 0 : i32
    %dma_wait3A_96 = arith.constant 0 : i32
    %dma_wait3A_97 = tpu.memref_slice %arg9[%dma_wait3A_95, %dma_wait3A_96] : memref<10240x64xf32, #tpu.memory_space<vmem_shared>> -> memref<10240x64xf32, #tpu.memory_space<vmem_shared>>
    tpu.wait_indirect_dma semaphore(%arg15 : memref<!tpu.dma_semaphore, #tpu.memory_space<semaphore_mem>>) src(%dma_wait3A_91 : memref<128x64xf32, #tpu.memory_space<vmem>>) dst(%dma_wait3A_97 : memref<10240x64xf32, #tpu.memory_space<vmem_shared>>)
    %mul3A_98 = arith.constant 2 : i32
    %mul3A_99 = arith.muli %mul3A_98, %add3A_86 : i32
    %add3A_100 = arith.constant 1 : i32
    %add3A_101 = arith.addi %mul3A_99, %add3A_100 : i32
    %dma_wait3A_102 = arith.constant 128 : i32
    %dma_wait3A_103 = arith.constant 0 : i32
    %dma_wait3A_104 = tpu.memref_slice %arg11[%dma_wait3A_102, %dma_wait3A_103] : memref<256x64xf32, #tpu.memory_space<vmem>> -> memref<128x64xf32, #tpu.memory_space<vmem>>
    %dma_wait3A_105 = arith.constant 0 : i32
    %dma_wait3A_106 = tpu.memref_slice %arg7[%add3A_101, %dma_wait3A_105] : memref<116x128xi32, #tpu.memory_space<vmem>> -> memref<1x128xi32, #tpu.memory_space<vmem>>
    %dma_wait3A_107 = tpu.memref_squeeze %dma_wait3A_106 : memref<1x128xi32, #tpu.memory_space<vmem>> -> memref<128xi32, #tpu.memory_space<vmem>>
    %dma_wait3A_108 = arith.constant 0 : i32
    %dma_wait3A_109 = arith.constant 0 : i32
    %dma_wait3A_110 = tpu.memref_slice %arg9[%dma_wait3A_108, %dma_wait3A_109] : memref<10240x64xf32, #tpu.memory_space<vmem_shared>> -> memref<10240x64xf32, #tpu.memory_space<vmem_shared>>
    tpu.wait_indirect_dma semaphore(%arg15 : memref<!tpu.dma_semaphore, #tpu.memory_space<semaphore_mem>>) src(%dma_wait3A_104 : memref<128x64xf32, #tpu.memory_space<vmem>>) dst(%dma_wait3A_110 : memref<10240x64xf32, #tpu.memory_space<vmem_shared>>)
    %barrier3A_111 = arith.constant 0 : index
    tpu.barrier barrier_id(%barrier3A_111)
    %mul3A_112 = arith.constant 640 : i32
    %mul3A_113 = arith.muli %arg1, %mul3A_112 : i32
    %mul3A_114 = arith.constant 640 : i32
    %mul3A_115 = arith.muli %arg1, %mul3A_114 : i32
    "tpu.region"() ({
      %run_scoped3A = tpu.sem_alloc : memref<!tpu.dma_semaphore, #tpu.memory_space<semaphore_mem>>
      %dma_start3A_116 = arith.constant 0 : i32
      %dma_start3A_117 = tpu.memref_slice %arg5[%arg0, %mul3A_115, %dma_start3A_116] : memref<2x10240x64xf32, #tpu.memory_space<hbm>> -> memref<1x640x64xf32, #tpu.memory_space<hbm>>
      %dma_start3A_118 = tpu.memref_squeeze %dma_start3A_117 : memref<1x640x64xf32, #tpu.memory_space<hbm>> -> memref<640x64xf32, #tpu.memory_space<hbm>>
      %dma_start3A_119 = arith.constant 0 : i32
      %dma_start3A_120 = tpu.memref_slice %arg9[%mul3A_113, %dma_start3A_119] : memref<10240x64xf32, #tpu.memory_space<vmem_shared>> -> memref<640x64xf32, #tpu.memory_space<vmem_shared>>
      tpu.enqueue_dma source(%dma_start3A_120 : memref<640x64xf32, #tpu.memory_space<vmem_shared>>) target(%dma_start3A_118 : memref<640x64xf32, #tpu.memory_space<hbm>>) target_semaphore(%run_scoped3A : memref<!tpu.dma_semaphore, #tpu.memory_space<semaphore_mem>>)
      %dma_wait3A_121 = arith.constant 0 : i32
      %dma_wait3A_122 = tpu.memref_slice %arg5[%arg0, %mul3A_115, %dma_wait3A_121] : memref<2x10240x64xf32, #tpu.memory_space<hbm>> -> memref<1x640x64xf32, #tpu.memory_space<hbm>>
      %dma_wait3A_123 = tpu.memref_squeeze %dma_wait3A_122 : memref<1x640x64xf32, #tpu.memory_space<hbm>> -> memref<640x64xf32, #tpu.memory_space<hbm>>
      %dma_wait3A_124 = arith.constant 0 : i32
      %dma_wait3A_125 = tpu.memref_slice %arg9[%mul3A_113, %dma_wait3A_124] : memref<10240x64xf32, #tpu.memory_space<vmem_shared>> -> memref<640x64xf32, #tpu.memory_space<vmem_shared>>
      tpu.wait_dma2 semaphore(%run_scoped3A : memref<!tpu.dma_semaphore, #tpu.memory_space<semaphore_mem>>) src(%dma_wait3A_125 : memref<640x64xf32, #tpu.memory_space<vmem_shared>>) dst(%dma_wait3A_123 : memref<640x64xf32, #tpu.memory_space<hbm>>)
      tpu.yield
    }) : () -> ()
    return
  }
}

#map = affine_map<(d0, d1) -> (0, 0)>
#map1 = affine_map<(d0, d1) -> (0)>
#map2 = affine_map<(d0, d1) -> (0, 0, 0)>
module attributes {stable_mosaic.version = 14 : i64} {
  func.func @_pool_body(%arg0: i32, %arg1: i32, %arg2: memref<10240x64xf32, #tpu.memory_space<hbm>>, %arg3: memref<10240xi32, #tpu.memory_space<hbm>>, %arg4: memref<32x256x64xf32, #tpu.memory_space<hbm>>, %arg5: memref<32x256x64xf32, #tpu.memory_space<hbm>>, %arg6: memref<32x256xf32, #tpu.memory_space<hbm>>, %arg7: memref<320x64xf32, #tpu.memory_space<vmem>>, %arg8: memref<336xi32, #tpu.memory_space<vmem>>, %arg9: memref<256x64xf32, #tpu.memory_space<vmem>>, %arg10: memref<256x64xf32, #tpu.memory_space<vmem>>, %arg11: memref<256xf32, #tpu.memory_space<vmem>>) attributes {dimension_semantics = [#tpu.dimension_semantics<core_parallel>, #tpu.dimension_semantics<subcore_parallel>], iteration_bounds = array<i64: 2, 16>, scalar_prefetch = 0 : i64, scratch_operands = 5 : i64, tpu.core_type = #tpu.core_type<sc_vector_subcore>, window_params = [{transform_indices = #map}, {transform_indices = #map1}, {transform_indices = #map2}, {transform_indices = #map2}, {transform_indices = #map}]} {
    %mul3A = arith.constant 2 : i32
    %mul3A_0 = arith.muli %arg1, %mul3A : i32
    %add3A = arith.addi %mul3A_0, %arg0 : i32
    %mul3A_1 = arith.constant 320 : i32
    %mul3A_2 = arith.muli %add3A, %mul3A_1 : i32
    "tpu.region"() ({
      %run_scoped3A = tpu.sem_alloc : memref<!tpu.dma_semaphore, #tpu.memory_space<semaphore_mem>>
      %dma_start3A = arith.constant 0 : i32
      %dma_start3A_63 = tpu.memref_slice %arg2[%mul3A_2, %dma_start3A] : memref<10240x64xf32, #tpu.memory_space<hbm>> -> memref<320x64xf32, #tpu.memory_space<hbm>>
      %dma_start3A_64 = arith.constant 0 : i32
      %dma_start3A_65 = tpu.memref_slice %arg2[%mul3A_2, %dma_start3A_64] : memref<10240x64xf32, #tpu.memory_space<hbm>> -> memref<320x64xf32, #tpu.memory_space<hbm>>
      tpu.enqueue_dma source(%dma_start3A_65 : memref<320x64xf32, #tpu.memory_space<hbm>>) target(%arg7 : memref<320x64xf32, #tpu.memory_space<vmem>>) target_semaphore(%run_scoped3A : memref<!tpu.dma_semaphore, #tpu.memory_space<semaphore_mem>>)
      %dma_wait3A = arith.constant 0 : i32
      %dma_wait3A_66 = tpu.memref_slice %arg2[%mul3A_2, %dma_wait3A] : memref<10240x64xf32, #tpu.memory_space<hbm>> -> memref<320x64xf32, #tpu.memory_space<hbm>>
      %dma_wait3A_67 = arith.constant 0 : i32
      %dma_wait3A_68 = tpu.memref_slice %arg2[%mul3A_2, %dma_wait3A_67] : memref<10240x64xf32, #tpu.memory_space<hbm>> -> memref<320x64xf32, #tpu.memory_space<hbm>>
      tpu.wait_dma2 semaphore(%run_scoped3A : memref<!tpu.dma_semaphore, #tpu.memory_space<semaphore_mem>>) src(%dma_wait3A_68 : memref<320x64xf32, #tpu.memory_space<hbm>>) dst(%arg7 : memref<320x64xf32, #tpu.memory_space<vmem>>)
      tpu.yield
    }) : () -> ()
    "tpu.region"() ({
      %run_scoped3A = tpu.sem_alloc : memref<!tpu.dma_semaphore, #tpu.memory_space<semaphore_mem>>
      %dma_start3A = arith.constant 0 : i32
      %dma_start3A_63 = tpu.memref_slice %arg8[%dma_start3A] : memref<336xi32, #tpu.memory_space<vmem>> -> memref<320xi32, #tpu.memory_space<vmem>>
      %dma_start3A_64 = tpu.memref_slice %arg3[%mul3A_2] : memref<10240xi32, #tpu.memory_space<hbm>> -> memref<320xi32, #tpu.memory_space<hbm>>
      %dma_start3A_65 = arith.constant 0 : i32
      %dma_start3A_66 = tpu.memref_slice %arg8[%dma_start3A_65] : memref<336xi32, #tpu.memory_space<vmem>> -> memref<320xi32, #tpu.memory_space<vmem>>
      %dma_start3A_67 = tpu.memref_slice %arg3[%mul3A_2] : memref<10240xi32, #tpu.memory_space<hbm>> -> memref<320xi32, #tpu.memory_space<hbm>>
      tpu.enqueue_dma source(%dma_start3A_67 : memref<320xi32, #tpu.memory_space<hbm>>) target(%dma_start3A_66 : memref<320xi32, #tpu.memory_space<vmem>>) target_semaphore(%run_scoped3A : memref<!tpu.dma_semaphore, #tpu.memory_space<semaphore_mem>>)
      %dma_wait3A = arith.constant 0 : i32
      %dma_wait3A_68 = tpu.memref_slice %arg8[%dma_wait3A] : memref<336xi32, #tpu.memory_space<vmem>> -> memref<320xi32, #tpu.memory_space<vmem>>
      %dma_wait3A_69 = tpu.memref_slice %arg3[%mul3A_2] : memref<10240xi32, #tpu.memory_space<hbm>> -> memref<320xi32, #tpu.memory_space<hbm>>
      %dma_wait3A_70 = arith.constant 0 : i32
      %dma_wait3A_71 = tpu.memref_slice %arg8[%dma_wait3A_70] : memref<336xi32, #tpu.memory_space<vmem>> -> memref<320xi32, #tpu.memory_space<vmem>>
      %dma_wait3A_72 = tpu.memref_slice %arg3[%mul3A_2] : memref<10240xi32, #tpu.memory_space<hbm>> -> memref<320xi32, #tpu.memory_space<hbm>>
      tpu.wait_dma2 semaphore(%run_scoped3A : memref<!tpu.dma_semaphore, #tpu.memory_space<semaphore_mem>>) src(%dma_wait3A_72 : memref<320xi32, #tpu.memory_space<hbm>>) dst(%dma_wait3A_71 : memref<320xi32, #tpu.memory_space<vmem>>)
      tpu.yield
    }) : () -> ()
    %broadcast_in_dim3A = arith.constant 0xFF800000 : f32
    %broadcast_in_dim3A_3 = vector.broadcast %broadcast_in_dim3A : f32 to vector<16xf32>
    %broadcast_in_dim3A_4 = arith.constant 0.000000e+00 : f32
    %broadcast_in_dim3A_5 = vector.broadcast %broadcast_in_dim3A_4 : f32 to vector<16xf32>
    %scan3A = arith.constant 0 : i32
    %scan3A_6 = arith.constant 0 : i32
    %scan3A_7 = arith.constant 1024 : i32
    %scan3A_8 = arith.addi %scan3A_6, %scan3A_7 : i32
    %scan3A_9 = arith.constant 1 : i32
    %scan3A_10 = scf.for %scan3A_63 = %scan3A_6 to %scan3A_8 step %scan3A_9 iter_args(%scan3A_64 = %scan3A) -> (i32)  : i32 {
      %jit3A_65 = arith.constant 4 : i32
      %div3A_66 = arith.divsi %scan3A_63, %jit3A_65 : i32
      %sign3A_67 = arith.constant 0 : i32
      %sign3A_68 = arith.cmpi sgt, %scan3A_63, %sign3A_67 : i32
      %sign3A_69 = arith.extui %sign3A_68 : i1 to i32
      %sign3A_70 = arith.constant 0 : i32
      %sign3A_71 = arith.cmpi slt, %scan3A_63, %sign3A_70 : i32
      %sign3A_72 = arith.extui %sign3A_71 : i1 to i32
      %sign3A_73 = arith.subi %sign3A_69, %sign3A_72 : i32
      %sign3A_74 = arith.constant 0 : i32
      %sign3A_75 = arith.cmpi sgt, %jit3A_65, %sign3A_74 : i32
      %sign3A_76 = arith.extui %sign3A_75 : i1 to i32
      %sign3A_77 = arith.constant 0 : i32
      %sign3A_78 = arith.cmpi slt, %jit3A_65, %sign3A_77 : i32
      %sign3A_79 = arith.extui %sign3A_78 : i1 to i32
      %sign3A_80 = arith.subi %sign3A_76, %sign3A_79 : i32
      %ne3A_81 = arith.cmpi ne, %sign3A_73, %sign3A_80 : i32
      %rem3A_82 = arith.remsi %scan3A_63, %jit3A_65 : i32
      %ne3A_83 = arith.constant 0 : i32
      %ne3A_84 = arith.cmpi ne, %rem3A_82, %ne3A_83 : i32
      %and3A_85 = arith.andi %ne3A_81, %ne3A_84 : i1
      %sub3A_86 = arith.constant 1 : i32
      %sub3A_87 = arith.subi %div3A_66, %sub3A_86 : i32
      %select_n3A_88 = arith.select %and3A_85, %sub3A_87, %div3A_66 : i32
      %jit3A_89 = arith.constant 4 : i32
      %eq3A = arith.constant 0 : i32
      %eq3A_90 = arith.cmpi eq, %jit3A_89, %eq3A : i32
      %jit3A_91 = arith.constant 1 : i32
      %select_n3A_92 = arith.select %eq3A_90, %jit3A_91, %jit3A_89 : i32
      %rem3A_93 = arith.remsi %scan3A_63, %select_n3A_92 : i32
      %ne3A_94 = arith.constant 0 : i32
      %ne3A_95 = arith.cmpi ne, %rem3A_93, %ne3A_94 : i32
      %lt3A = arith.constant 0 : i32
      %lt3A_96 = arith.cmpi slt, %rem3A_93, %lt3A : i32
      %lt3A_97 = arith.constant 0 : i32
      %lt3A_98 = arith.cmpi slt, %select_n3A_92, %lt3A_97 : i32
      %ne3A_99 = arith.xori %lt3A_96, %lt3A_98 : i1
      %and3A_100 = arith.andi %ne3A_99, %ne3A_95 : i1
      %add3A_101 = arith.addi %rem3A_93, %select_n3A_92 : i32
      %select_n3A_102 = arith.select %and3A_100, %add3A_101, %rem3A_93 : i32
      %mul3A_103 = arith.constant 16 : i32
      %mul3A_104 = arith.muli %select_n3A_102, %mul3A_103 : i32
      %swap3A = arith.index_cast %select_n3A_88 : i32 to index
      %swap3A_105 = arith.index_cast %mul3A_104 : i32 to index
      %swap3A_106 = tpu.vector_load %arg9[%swap3A, %swap3A_105] {strides = array<i32>} : memref<256x64xf32, #tpu.memory_space<vmem>>, vector<16xf32>,
      tpu.vector_store %arg9[%swap3A, %swap3A_105], %broadcast_in_dim3A_5 {strides = array<i32>} : memref<256x64xf32, #tpu.memory_space<vmem>>, vector<16xf32>,
      %jit3A_107 = arith.constant 4 : i32
      %div3A_108 = arith.divsi %scan3A_63, %jit3A_107 : i32
      %sign3A_109 = arith.constant 0 : i32
      %sign3A_110 = arith.cmpi sgt, %scan3A_63, %sign3A_109 : i32
      %sign3A_111 = arith.extui %sign3A_110 : i1 to i32
      %sign3A_112 = arith.constant 0 : i32
      %sign3A_113 = arith.cmpi slt, %scan3A_63, %sign3A_112 : i32
      %sign3A_114 = arith.extui %sign3A_113 : i1 to i32
      %sign3A_115 = arith.subi %sign3A_111, %sign3A_114 : i32
      %sign3A_116 = arith.constant 0 : i32
      %sign3A_117 = arith.cmpi sgt, %jit3A_107, %sign3A_116 : i32
      %sign3A_118 = arith.extui %sign3A_117 : i1 to i32
      %sign3A_119 = arith.constant 0 : i32
      %sign3A_120 = arith.cmpi slt, %jit3A_107, %sign3A_119 : i32
      %sign3A_121 = arith.extui %sign3A_120 : i1 to i32
      %sign3A_122 = arith.subi %sign3A_118, %sign3A_121 : i32
      %ne3A_123 = arith.cmpi ne, %sign3A_115, %sign3A_122 : i32
      %rem3A_124 = arith.remsi %scan3A_63, %jit3A_107 : i32
      %ne3A_125 = arith.constant 0 : i32
      %ne3A_126 = arith.cmpi ne, %rem3A_124, %ne3A_125 : i32
      %and3A_127 = arith.andi %ne3A_123, %ne3A_126 : i1
      %sub3A_128 = arith.constant 1 : i32
      %sub3A_129 = arith.subi %div3A_108, %sub3A_128 : i32
      %select_n3A_130 = arith.select %and3A_127, %sub3A_129, %div3A_108 : i32
      %jit3A_131 = arith.constant 4 : i32
      %eq3A_132 = arith.constant 0 : i32
      %eq3A_133 = arith.cmpi eq, %jit3A_131, %eq3A_132 : i32
      %jit3A_134 = arith.constant 1 : i32
      %select_n3A_135 = arith.select %eq3A_133, %jit3A_134, %jit3A_131 : i32
      %rem3A_136 = arith.remsi %scan3A_63, %select_n3A_135 : i32
      %ne3A_137 = arith.constant 0 : i32
      %ne3A_138 = arith.cmpi ne, %rem3A_136, %ne3A_137 : i32
      %lt3A_139 = arith.constant 0 : i32
      %lt3A_140 = arith.cmpi slt, %rem3A_136, %lt3A_139 : i32
      %lt3A_141 = arith.constant 0 : i32
      %lt3A_142 = arith.cmpi slt, %select_n3A_135, %lt3A_141 : i32
      %ne3A_143 = arith.xori %lt3A_140, %lt3A_142 : i1
      %and3A_144 = arith.andi %ne3A_143, %ne3A_138 : i1
      %add3A_145 = arith.addi %rem3A_136, %select_n3A_135 : i32
      %select_n3A_146 = arith.select %and3A_144, %add3A_145, %rem3A_136 : i32
      %mul3A_147 = arith.constant 16 : i32
      %mul3A_148 = arith.muli %select_n3A_146, %mul3A_147 : i32
      %swap3A_149 = arith.index_cast %select_n3A_130 : i32 to index
      %swap3A_150 = arith.index_cast %mul3A_148 : i32 to index
      %swap3A_151 = tpu.vector_load %arg10[%swap3A_149, %swap3A_150] {strides = array<i32>} : memref<256x64xf32, #tpu.memory_space<vmem>>, vector<16xf32>,
      tpu.vector_store %arg10[%swap3A_149, %swap3A_150], %broadcast_in_dim3A_3 {strides = array<i32>} : memref<256x64xf32, #tpu.memory_space<vmem>>, vector<16xf32>,
      %scan3A_152 = arith.constant 0 : i32
      scf.yield %scan3A_152 : i32
    }
    %scan3A_11 = arith.constant 1024 : i32
    %scan3A_12 = arith.constant 0 : i32
    %scan3A_13 = arith.constant 0 : i32
    %scan3A_14 = arith.constant 16 : i32
    %scan3A_15 = arith.addi %scan3A_13, %scan3A_14 : i32
    %scan3A_16 = arith.constant 1 : i32
    %scan3A_17 = scf.for %scan3A_63 = %scan3A_13 to %scan3A_15 step %scan3A_16 iter_args(%scan3A_64 = %scan3A_12) -> (i32)  : i32 {
      %mul3A_65 = arith.constant 16 : i32
      %mul3A_66 = arith.muli %scan3A_63, %mul3A_65 : i32
      %swap3A = arith.index_cast %mul3A_66 : i32 to index
      %swap3A_67 = tpu.vector_load %arg11[%swap3A] {strides = array<i32>} : memref<256xf32, #tpu.memory_space<vmem>>, vector<16xf32>,
      tpu.vector_store %arg11[%swap3A], %broadcast_in_dim3A_5 {strides = array<i32>} : memref<256xf32, #tpu.memory_space<vmem>>, vector<16xf32>,
      %scan3A_68 = arith.constant 0 : i32
      scf.yield %scan3A_68 : i32
    }
    %scan3A_18 = arith.constant 16 : i32
    %sub3A = arith.constant 10000 : i32
    %sub3A_19 = arith.subi %sub3A, %mul3A_2 : i32
    %min3A = arith.constant 320 : i32
    %min3A_20 = arith.minsi %min3A, %sub3A_19 : i32
    %broadcast_in_dim3A_21 = arith.constant 1.000000e+00 : f32
    %broadcast_in_dim3A_22 = vector.broadcast %broadcast_in_dim3A_21 : f32 to vector<16xf32>
    %jit3A = arith.constant 16 : i32
    %div3A = arith.divsi %min3A_20, %jit3A : i32
    %sign3A = arith.constant 0 : i32
    %sign3A_23 = arith.cmpi sgt, %min3A_20, %sign3A : i32
    %sign3A_24 = arith.extui %sign3A_23 : i1 to i32
    %sign3A_25 = arith.constant 0 : i32
    %sign3A_26 = arith.cmpi slt, %min3A_20, %sign3A_25 : i32
    %sign3A_27 = arith.extui %sign3A_26 : i1 to i32
    %sign3A_28 = arith.subi %sign3A_24, %sign3A_27 : i32
    %sign3A_29 = arith.constant 0 : i32
    %sign3A_30 = arith.cmpi sgt, %jit3A, %sign3A_29 : i32
    %sign3A_31 = arith.extui %sign3A_30 : i1 to i32
    %sign3A_32 = arith.constant 0 : i32
    %sign3A_33 = arith.cmpi slt, %jit3A, %sign3A_32 : i32
    %sign3A_34 = arith.extui %sign3A_33 : i1 to i32
    %sign3A_35 = arith.subi %sign3A_31, %sign3A_34 : i32
    %ne3A = arith.cmpi ne, %sign3A_28, %sign3A_35 : i32
    %rem3A = arith.remsi %min3A_20, %jit3A : i32
    %ne3A_36 = arith.constant 0 : i32
    %ne3A_37 = arith.cmpi ne, %rem3A, %ne3A_36 : i32
    %and3A = arith.andi %ne3A, %ne3A_37 : i1
    %sub3A_38 = arith.constant 1 : i32
    %sub3A_39 = arith.subi %div3A, %sub3A_38 : i32
    %select_n3A = arith.select %and3A, %sub3A_39, %div3A : i32
    %while3A = arith.constant 0 : i32
    %while3A_40 = arith.constant 0 : i32
    %while3A_41 = arith.subi %select_n3A, %while3A : i32
    %while3A_42 = arith.addi %while3A, %while3A_41 : i32
    %while3A_43 = arith.constant 1 : i32
    %while3A_44 = arith.divsi %while3A_41, %while3A_43 : i32
    %while3A_45 = arith.muli %while3A_44, %while3A_43 : i32
    %while3A_46 = arith.addi %while3A, %while3A_45 : i32
    %while3A_47 = arith.constant 1 : i32
    %while3A_48 = scf.for %while3A_63 = %while3A to %while3A_46 step %while3A_47 iter_args(%while3A_64 = %while3A_40) -> (i32)  : i32 {
      %mul3A_65 = arith.constant 16 : i32
      %mul3A_66 = arith.muli %while3A_63, %mul3A_65 : i32
      %get3A = arith.index_cast %mul3A_66 : i32 to index
      %get3A_67 = tpu.vector_load %arg8[%get3A] {strides = array<i32>} : memref<336xi32, #tpu.memory_space<vmem>>, vector<16xi32>,
      tpu.vector_store_idx %arg11[%get3A_67], %broadcast_in_dim3A_22 {add = true} : memref<256xf32, #tpu.memory_space<vmem>>[vector<16xi32>], vector<16xf32>,
      %while3A_68 = arith.constant 0 : i32
      scf.yield %while3A_68 : i32
    }
    %while3A_49 = arith.constant 1 : i32
    %while3A_50 = scf.for %while3A_63 = %while3A_46 to %while3A_42 step %while3A_49 iter_args(%while3A_64 = %while3A_48) -> (i32)  : i32 {
      %mul3A_65 = arith.constant 16 : i32
      %mul3A_66 = arith.muli %while3A_63, %mul3A_65 : i32
      %get3A = arith.index_cast %mul3A_66 : i32 to index
      %get3A_67 = tpu.vector_load %arg8[%get3A] {strides = array<i32>} : memref<336xi32, #tpu.memory_space<vmem>>, vector<16xi32>,
      tpu.vector_store_idx %arg11[%get3A_67], %broadcast_in_dim3A_22 {add = true} : memref<256xf32, #tpu.memory_space<vmem>>[vector<16xi32>], vector<16xf32>,
      %while3A_68 = arith.constant 0 : i32
      scf.yield %while3A_68 : i32
    }
    %while3A_51 = arith.constant 0 : i32
    %while3A_52 = arith.constant 0 : i32
    %while3A_53 = arith.subi %min3A_20, %while3A_51 : i32
    %while3A_54 = arith.addi %while3A_51, %while3A_53 : i32
    %while3A_55 = arith.constant 1 : i32
    %while3A_56 = arith.divsi %while3A_53, %while3A_55 : i32
    %while3A_57 = arith.muli %while3A_56, %while3A_55 : i32
    %while3A_58 = arith.addi %while3A_51, %while3A_57 : i32
    %while3A_59 = arith.constant 1 : i32
    %while3A_60 = scf.for %while3A_63 = %while3A_51 to %while3A_58 step %while3A_59 iter_args(%while3A_64 = %while3A_52) -> (i32)  : i32 {
      %get3A = arith.index_cast %while3A_63 : i32 to index
      %get3A_65 = tpu.vector_load %arg8[%get3A] {strides = array<i32>} : memref<336xi32, #tpu.memory_space<vmem>>, vector<16xi32>,
      %slice3A = vector.extract_strided_slice %get3A_65 {offsets = [0], sizes = [1], strides = [1]} : vector<16xi32> to vector<1xi32>
      %squeeze3A = vector.extract %slice3A[0] : i32 from vector<1xi32>
      %get3A_66 = arith.index_cast %while3A_63 : i32 to index
      %get3A_67 = arith.constant 0 : index
      %get3A_68 = tpu.vector_load %arg7[%get3A_66, %get3A_67] {strides = array<i32>} : memref<320x64xf32, #tpu.memory_space<vmem>>, vector<16xf32>,
      %get3A_69 = arith.index_cast %squeeze3A : i32 to index
      %get3A_70 = arith.constant 0 : index
      %get3A_71 = tpu.vector_load %arg10[%get3A_69, %get3A_70] {strides = array<i32>} : memref<256x64xf32, #tpu.memory_space<vmem>>, vector<16xf32>,
      %max3A = arith.maximumf %get3A_71, %get3A_68 : vector<16xf32>
      %swap3A = arith.index_cast %squeeze3A : i32 to index
      %swap3A_72 = arith.constant 0 : index
      %swap3A_73 = tpu.vector_load %arg10[%swap3A, %swap3A_72] {strides = array<i32>} : memref<256x64xf32, #tpu.memory_space<vmem>>, vector<16xf32>,
      tpu.vector_store %arg10[%swap3A, %swap3A_72], %max3A {strides = array<i32>} : memref<256x64xf32, #tpu.memory_space<vmem>>, vector<16xf32>,
      %get3A_74 = arith.index_cast %squeeze3A : i32 to index
      %get3A_75 = arith.constant 0 : index
      %get3A_76 = tpu.vector_load %arg9[%get3A_74, %get3A_75] {strides = array<i32>} : memref<256x64xf32, #tpu.memory_space<vmem>>, vector<16xf32>,
      %add3A_77 = arith.addf %get3A_76, %get3A_68 : vector<16xf32>
      %swap3A_78 = arith.index_cast %squeeze3A : i32 to index
      %swap3A_79 = arith.constant 0 : index
      %swap3A_80 = tpu.vector_load %arg9[%swap3A_78, %swap3A_79] {strides = array<i32>} : memref<256x64xf32, #tpu.memory_space<vmem>>, vector<16xf32>,
      tpu.vector_store %arg9[%swap3A_78, %swap3A_79], %add3A_77 {strides = array<i32>} : memref<256x64xf32, #tpu.memory_space<vmem>>, vector<16xf32>,
      %get3A_81 = arith.index_cast %while3A_63 : i32 to index
      %get3A_82 = arith.constant 16 : index
      %get3A_83 = tpu.vector_load %arg7[%get3A_81, %get3A_82] {strides = array<i32>} : memref<320x64xf32, #tpu.memory_space<vmem>>, vector<16xf32>,
      %get3A_84 = arith.index_cast %squeeze3A : i32 to index
      %get3A_85 = arith.constant 16 : index
      %get3A_86 = tpu.vector_load %arg10[%get3A_84, %get3A_85] {strides = array<i32>} : memref<256x64xf32, #tpu.memory_space<vmem>>, vector<16xf32>,
      %max3A_87 = arith.maximumf %get3A_86, %get3A_83 : vector<16xf32>
      %swap3A_88 = arith.index_cast %squeeze3A : i32 to index
      %swap3A_89 = arith.constant 16 : index
      %swap3A_90 = tpu.vector_load %arg10[%swap3A_88, %swap3A_89] {strides = array<i32>} : memref<256x64xf32, #tpu.memory_space<vmem>>, vector<16xf32>,
      tpu.vector_store %arg10[%swap3A_88, %swap3A_89], %max3A_87 {strides = array<i32>} : memref<256x64xf32, #tpu.memory_space<vmem>>, vector<16xf32>,
      %get3A_91 = arith.index_cast %squeeze3A : i32 to index
      %get3A_92 = arith.constant 16 : index
      %get3A_93 = tpu.vector_load %arg9[%get3A_91, %get3A_92] {strides = array<i32>} : memref<256x64xf32, #tpu.memory_space<vmem>>, vector<16xf32>,
      %add3A_94 = arith.addf %get3A_93, %get3A_83 : vector<16xf32>
      %swap3A_95 = arith.index_cast %squeeze3A : i32 to index
      %swap3A_96 = arith.constant 16 : index
      %swap3A_97 = tpu.vector_load %arg9[%swap3A_95, %swap3A_96] {strides = array<i32>} : memref<256x64xf32, #tpu.memory_space<vmem>>, vector<16xf32>,
      tpu.vector_store %arg9[%swap3A_95, %swap3A_96], %add3A_94 {strides = array<i32>} : memref<256x64xf32, #tpu.memory_space<vmem>>, vector<16xf32>,
      %get3A_98 = arith.index_cast %while3A_63 : i32 to index
      %get3A_99 = arith.constant 32 : index
      %get3A_100 = tpu.vector_load %arg7[%get3A_98, %get3A_99] {strides = array<i32>} : memref<320x64xf32, #tpu.memory_space<vmem>>, vector<16xf32>,
      %get3A_101 = arith.index_cast %squeeze3A : i32 to index
      %get3A_102 = arith.constant 32 : index
      %get3A_103 = tpu.vector_load %arg10[%get3A_101, %get3A_102] {strides = array<i32>} : memref<256x64xf32, #tpu.memory_space<vmem>>, vector<16xf32>,
      %max3A_104 = arith.maximumf %get3A_103, %get3A_100 : vector<16xf32>
      %swap3A_105 = arith.index_cast %squeeze3A : i32 to index
      %swap3A_106 = arith.constant 32 : index
      %swap3A_107 = tpu.vector_load %arg10[%swap3A_105, %swap3A_106] {strides = array<i32>} : memref<256x64xf32, #tpu.memory_space<vmem>>, vector<16xf32>,
      tpu.vector_store %arg10[%swap3A_105, %swap3A_106], %max3A_104 {strides = array<i32>} : memref<256x64xf32, #tpu.memory_space<vmem>>, vector<16xf32>,
      %get3A_108 = arith.index_cast %squeeze3A : i32 to index
      %get3A_109 = arith.constant 32 : index
      %get3A_110 = tpu.vector_load %arg9[%get3A_108, %get3A_109] {strides = array<i32>} : memref<256x64xf32, #tpu.memory_space<vmem>>, vector<16xf32>,
      %add3A_111 = arith.addf %get3A_110, %get3A_100 : vector<16xf32>
      %swap3A_112 = arith.index_cast %squeeze3A : i32 to index
      %swap3A_113 = arith.constant 32 : index
      %swap3A_114 = tpu.vector_load %arg9[%swap3A_112, %swap3A_113] {strides = array<i32>} : memref<256x64xf32, #tpu.memory_space<vmem>>, vector<16xf32>,
      tpu.vector_store %arg9[%swap3A_112, %swap3A_113], %add3A_111 {strides = array<i32>} : memref<256x64xf32, #tpu.memory_space<vmem>>, vector<16xf32>,
      %get3A_115 = arith.index_cast %while3A_63 : i32 to index
      %get3A_116 = arith.constant 48 : index
      %get3A_117 = tpu.vector_load %arg7[%get3A_115, %get3A_116] {strides = array<i32>} : memref<320x64xf32, #tpu.memory_space<vmem>>, vector<16xf32>,
      %get3A_118 = arith.index_cast %squeeze3A : i32 to index
      %get3A_119 = arith.constant 48 : index
      %get3A_120 = tpu.vector_load %arg10[%get3A_118, %get3A_119] {strides = array<i32>} : memref<256x64xf32, #tpu.memory_space<vmem>>, vector<16xf32>,
      %max3A_121 = arith.maximumf %get3A_120, %get3A_117 : vector<16xf32>
      %swap3A_122 = arith.index_cast %squeeze3A : i32 to index
      %swap3A_123 = arith.constant 48 : index
      %swap3A_124 = tpu.vector_load %arg10[%swap3A_122, %swap3A_123] {strides = array<i32>} : memref<256x64xf32, #tpu.memory_space<vmem>>, vector<16xf32>,
      tpu.vector_store %arg10[%swap3A_122, %swap3A_123], %max3A_121 {strides = array<i32>} : memref<256x64xf32, #tpu.memory_space<vmem>>, vector<16xf32>,
      %get3A_125 = arith.index_cast %squeeze3A : i32 to index
      %get3A_126 = arith.constant 48 : index
      %get3A_127 = tpu.vector_load %arg9[%get3A_125, %get3A_126] {strides = array<i32>} : memref<256x64xf32, #tpu.memory_space<vmem>>, vector<16xf32>,
      %add3A_128 = arith.addf %get3A_127, %get3A_117 : vector<16xf32>
      %swap3A_129 = arith.index_cast %squeeze3A : i32 to index
      %swap3A_130 = arith.constant 48 : index
      %swap3A_131 = tpu.vector_load %arg9[%swap3A_129, %swap3A_130] {strides = array<i32>} : memref<256x64xf32, #tpu.memory_space<vmem>>, vector<16xf32>,
      tpu.vector_store %arg9[%swap3A_129, %swap3A_130], %add3A_128 {strides = array<i32>} : memref<256x64xf32, #tpu.memory_space<vmem>>, vector<16xf32>,
      %while3A_132 = arith.constant 0 : i32
      scf.yield %while3A_132 : i32
    }
    %while3A_61 = arith.constant 1 : i32
    %while3A_62 = scf.for %while3A_63 = %while3A_58 to %while3A_54 step %while3A_61 iter_args(%while3A_64 = %while3A_60) -> (i32)  : i32 {
      %get3A = arith.index_cast %while3A_63 : i32 to index
      %get3A_65 = tpu.vector_load %arg8[%get3A] {strides = array<i32>} : memref<336xi32, #tpu.memory_space<vmem>>, vector<16xi32>,
      %slice3A = vector.extract_strided_slice %get3A_65 {offsets = [0], sizes = [1], strides = [1]} : vector<16xi32> to vector<1xi32>
      %squeeze3A = vector.extract %slice3A[0] : i32 from vector<1xi32>
      %get3A_66 = arith.index_cast %while3A_63 : i32 to index
      %get3A_67 = arith.constant 0 : index
      %get3A_68 = tpu.vector_load %arg7[%get3A_66, %get3A_67] {strides = array<i32>} : memref<320x64xf32, #tpu.memory_space<vmem>>, vector<16xf32>,
      %get3A_69 = arith.index_cast %squeeze3A : i32 to index
      %get3A_70 = arith.constant 0 : index
      %get3A_71 = tpu.vector_load %arg10[%get3A_69, %get3A_70] {strides = array<i32>} : memref<256x64xf32, #tpu.memory_space<vmem>>, vector<16xf32>,
      %max3A = arith.maximumf %get3A_71, %get3A_68 : vector<16xf32>
      %swap3A = arith.index_cast %squeeze3A : i32 to index
      %swap3A_72 = arith.constant 0 : index
      %swap3A_73 = tpu.vector_load %arg10[%swap3A, %swap3A_72] {strides = array<i32>} : memref<256x64xf32, #tpu.memory_space<vmem>>, vector<16xf32>,
      tpu.vector_store %arg10[%swap3A, %swap3A_72], %max3A {strides = array<i32>} : memref<256x64xf32, #tpu.memory_space<vmem>>, vector<16xf32>,
      %get3A_74 = arith.index_cast %squeeze3A : i32 to index
      %get3A_75 = arith.constant 0 : index
      %get3A_76 = tpu.vector_load %arg9[%get3A_74, %get3A_75] {strides = array<i32>} : memref<256x64xf32, #tpu.memory_space<vmem>>, vector<16xf32>,
      %add3A_77 = arith.addf %get3A_76, %get3A_68 : vector<16xf32>
      %swap3A_78 = arith.index_cast %squeeze3A : i32 to index
      %swap3A_79 = arith.constant 0 : index
      %swap3A_80 = tpu.vector_load %arg9[%swap3A_78, %swap3A_79] {strides = array<i32>} : memref<256x64xf32, #tpu.memory_space<vmem>>, vector<16xf32>,
      tpu.vector_store %arg9[%swap3A_78, %swap3A_79], %add3A_77 {strides = array<i32>} : memref<256x64xf32, #tpu.memory_space<vmem>>, vector<16xf32>,
      %get3A_81 = arith.index_cast %while3A_63 : i32 to index
      %get3A_82 = arith.constant 16 : index
      %get3A_83 = tpu.vector_load %arg7[%get3A_81, %get3A_82] {strides = array<i32>} : memref<320x64xf32, #tpu.memory_space<vmem>>, vector<16xf32>,
      %get3A_84 = arith.index_cast %squeeze3A : i32 to index
      %get3A_85 = arith.constant 16 : index
      %get3A_86 = tpu.vector_load %arg10[%get3A_84, %get3A_85] {strides = array<i32>} : memref<256x64xf32, #tpu.memory_space<vmem>>, vector<16xf32>,
      %max3A_87 = arith.maximumf %get3A_86, %get3A_83 : vector<16xf32>
      %swap3A_88 = arith.index_cast %squeeze3A : i32 to index
      %swap3A_89 = arith.constant 16 : index
      %swap3A_90 = tpu.vector_load %arg10[%swap3A_88, %swap3A_89] {strides = array<i32>} : memref<256x64xf32, #tpu.memory_space<vmem>>, vector<16xf32>,
      tpu.vector_store %arg10[%swap3A_88, %swap3A_89], %max3A_87 {strides = array<i32>} : memref<256x64xf32, #tpu.memory_space<vmem>>, vector<16xf32>,
      %get3A_91 = arith.index_cast %squeeze3A : i32 to index
      %get3A_92 = arith.constant 16 : index
      %get3A_93 = tpu.vector_load %arg9[%get3A_91, %get3A_92] {strides = array<i32>} : memref<256x64xf32, #tpu.memory_space<vmem>>, vector<16xf32>,
      %add3A_94 = arith.addf %get3A_93, %get3A_83 : vector<16xf32>
      %swap3A_95 = arith.index_cast %squeeze3A : i32 to index
      %swap3A_96 = arith.constant 16 : index
      %swap3A_97 = tpu.vector_load %arg9[%swap3A_95, %swap3A_96] {strides = array<i32>} : memref<256x64xf32, #tpu.memory_space<vmem>>, vector<16xf32>,
      tpu.vector_store %arg9[%swap3A_95, %swap3A_96], %add3A_94 {strides = array<i32>} : memref<256x64xf32, #tpu.memory_space<vmem>>, vector<16xf32>,
      %get3A_98 = arith.index_cast %while3A_63 : i32 to index
      %get3A_99 = arith.constant 32 : index
      %get3A_100 = tpu.vector_load %arg7[%get3A_98, %get3A_99] {strides = array<i32>} : memref<320x64xf32, #tpu.memory_space<vmem>>, vector<16xf32>,
      %get3A_101 = arith.index_cast %squeeze3A : i32 to index
      %get3A_102 = arith.constant 32 : index
      %get3A_103 = tpu.vector_load %arg10[%get3A_101, %get3A_102] {strides = array<i32>} : memref<256x64xf32, #tpu.memory_space<vmem>>, vector<16xf32>,
      %max3A_104 = arith.maximumf %get3A_103, %get3A_100 : vector<16xf32>
      %swap3A_105 = arith.index_cast %squeeze3A : i32 to index
      %swap3A_106 = arith.constant 32 : index
      %swap3A_107 = tpu.vector_load %arg10[%swap3A_105, %swap3A_106] {strides = array<i32>} : memref<256x64xf32, #tpu.memory_space<vmem>>, vector<16xf32>,
      tpu.vector_store %arg10[%swap3A_105, %swap3A_106], %max3A_104 {strides = array<i32>} : memref<256x64xf32, #tpu.memory_space<vmem>>, vector<16xf32>,
      %get3A_108 = arith.index_cast %squeeze3A : i32 to index
      %get3A_109 = arith.constant 32 : index
      %get3A_110 = tpu.vector_load %arg9[%get3A_108, %get3A_109] {strides = array<i32>} : memref<256x64xf32, #tpu.memory_space<vmem>>, vector<16xf32>,
      %add3A_111 = arith.addf %get3A_110, %get3A_100 : vector<16xf32>
      %swap3A_112 = arith.index_cast %squeeze3A : i32 to index
      %swap3A_113 = arith.constant 32 : index
      %swap3A_114 = tpu.vector_load %arg9[%swap3A_112, %swap3A_113] {strides = array<i32>} : memref<256x64xf32, #tpu.memory_space<vmem>>, vector<16xf32>,
      tpu.vector_store %arg9[%swap3A_112, %swap3A_113], %add3A_111 {strides = array<i32>} : memref<256x64xf32, #tpu.memory_space<vmem>>, vector<16xf32>,
      %get3A_115 = arith.index_cast %while3A_63 : i32 to index
      %get3A_116 = arith.constant 48 : index
      %get3A_117 = tpu.vector_load %arg7[%get3A_115, %get3A_116] {strides = array<i32>} : memref<320x64xf32, #tpu.memory_space<vmem>>, vector<16xf32>,
      %get3A_118 = arith.index_cast %squeeze3A : i32 to index
      %get3A_119 = arith.constant 48 : index
      %get3A_120 = tpu.vector_load %arg10[%get3A_118, %get3A_119] {strides = array<i32>} : memref<256x64xf32, #tpu.memory_space<vmem>>, vector<16xf32>,
      %max3A_121 = arith.maximumf %get3A_120, %get3A_117 : vector<16xf32>
      %swap3A_122 = arith.index_cast %squeeze3A : i32 to index
      %swap3A_123 = arith.constant 48 : index
      %swap3A_124 = tpu.vector_load %arg10[%swap3A_122, %swap3A_123] {strides = array<i32>} : memref<256x64xf32, #tpu.memory_space<vmem>>, vector<16xf32>,
      tpu.vector_store %arg10[%swap3A_122, %swap3A_123], %max3A_121 {strides = array<i32>} : memref<256x64xf32, #tpu.memory_space<vmem>>, vector<16xf32>,
      %get3A_125 = arith.index_cast %squeeze3A : i32 to index
      %get3A_126 = arith.constant 48 : index
      %get3A_127 = tpu.vector_load %arg9[%get3A_125, %get3A_126] {strides = array<i32>} : memref<256x64xf32, #tpu.memory_space<vmem>>, vector<16xf32>,
      %add3A_128 = arith.addf %get3A_127, %get3A_117 : vector<16xf32>
      %swap3A_129 = arith.index_cast %squeeze3A : i32 to index
      %swap3A_130 = arith.constant 48 : index
      %swap3A_131 = tpu.vector_load %arg9[%swap3A_129, %swap3A_130] {strides = array<i32>} : memref<256x64xf32, #tpu.memory_space<vmem>>, vector<16xf32>,
      tpu.vector_store %arg9[%swap3A_129, %swap3A_130], %add3A_128 {strides = array<i32>} : memref<256x64xf32, #tpu.memory_space<vmem>>, vector<16xf32>,
      %while3A_132 = arith.constant 0 : i32
      scf.yield %while3A_132 : i32
    }
    "tpu.region"() ({
      %run_scoped3A = tpu.sem_alloc : memref<!tpu.dma_semaphore, #tpu.memory_space<semaphore_mem>>
      %dma_start3A = arith.constant 0 : i32
      %dma_start3A_63 = arith.constant 0 : i32
      %dma_start3A_64 = tpu.memref_slice %arg4[%add3A, %dma_start3A, %dma_start3A_63] : memref<32x256x64xf32, #tpu.memory_space<hbm>> -> memref<1x256x64xf32, #tpu.memory_space<hbm>>
      %dma_start3A_65 = tpu.memref_squeeze %dma_start3A_64 : memref<1x256x64xf32, #tpu.memory_space<hbm>> -> memref<256x64xf32, #tpu.memory_space<hbm>>
      %dma_start3A_66 = arith.constant 0 : i32
      %dma_start3A_67 = arith.constant 0 : i32
      %dma_start3A_68 = tpu.memref_slice %arg4[%add3A, %dma_start3A_66, %dma_start3A_67] : memref<32x256x64xf32, #tpu.memory_space<hbm>> -> memref<1x256x64xf32, #tpu.memory_space<hbm>>
      %dma_start3A_69 = tpu.memref_squeeze %dma_start3A_68 : memref<1x256x64xf32, #tpu.memory_space<hbm>> -> memref<256x64xf32, #tpu.memory_space<hbm>>
      tpu.enqueue_dma source(%arg9 : memref<256x64xf32, #tpu.memory_space<vmem>>) target(%dma_start3A_69 : memref<256x64xf32, #tpu.memory_space<hbm>>) target_semaphore(%run_scoped3A : memref<!tpu.dma_semaphore, #tpu.memory_space<semaphore_mem>>)
      %dma_wait3A = arith.constant 0 : i32
      %dma_wait3A_70 = arith.constant 0 : i32
      %dma_wait3A_71 = tpu.memref_slice %arg4[%add3A, %dma_wait3A, %dma_wait3A_70] : memref<32x256x64xf32, #tpu.memory_space<hbm>> -> memref<1x256x64xf32, #tpu.memory_space<hbm>>
      %dma_wait3A_72 = tpu.memref_squeeze %dma_wait3A_71 : memref<1x256x64xf32, #tpu.memory_space<hbm>> -> memref<256x64xf32, #tpu.memory_space<hbm>>
      %dma_wait3A_73 = arith.constant 0 : i32
      %dma_wait3A_74 = arith.constant 0 : i32
      %dma_wait3A_75 = tpu.memref_slice %arg4[%add3A, %dma_wait3A_73, %dma_wait3A_74] : memref<32x256x64xf32, #tpu.memory_space<hbm>> -> memref<1x256x64xf32, #tpu.memory_space<hbm>>
      %dma_wait3A_76 = tpu.memref_squeeze %dma_wait3A_75 : memref<1x256x64xf32, #tpu.memory_space<hbm>> -> memref<256x64xf32, #tpu.memory_space<hbm>>
      tpu.wait_dma2 semaphore(%run_scoped3A : memref<!tpu.dma_semaphore, #tpu.memory_space<semaphore_mem>>) src(%arg9 : memref<256x64xf32, #tpu.memory_space<vmem>>) dst(%dma_wait3A_76 : memref<256x64xf32, #tpu.memory_space<hbm>>)
      tpu.yield
    }) : () -> ()
    "tpu.region"() ({
      %run_scoped3A = tpu.sem_alloc : memref<!tpu.dma_semaphore, #tpu.memory_space<semaphore_mem>>
      %dma_start3A = arith.constant 0 : i32
      %dma_start3A_63 = arith.constant 0 : i32
      %dma_start3A_64 = tpu.memref_slice %arg5[%add3A, %dma_start3A, %dma_start3A_63] : memref<32x256x64xf32, #tpu.memory_space<hbm>> -> memref<1x256x64xf32, #tpu.memory_space<hbm>>
      %dma_start3A_65 = tpu.memref_squeeze %dma_start3A_64 : memref<1x256x64xf32, #tpu.memory_space<hbm>> -> memref<256x64xf32, #tpu.memory_space<hbm>>
      %dma_start3A_66 = arith.constant 0 : i32
      %dma_start3A_67 = arith.constant 0 : i32
      %dma_start3A_68 = tpu.memref_slice %arg5[%add3A, %dma_start3A_66, %dma_start3A_67] : memref<32x256x64xf32, #tpu.memory_space<hbm>> -> memref<1x256x64xf32, #tpu.memory_space<hbm>>
      %dma_start3A_69 = tpu.memref_squeeze %dma_start3A_68 : memref<1x256x64xf32, #tpu.memory_space<hbm>> -> memref<256x64xf32, #tpu.memory_space<hbm>>
      tpu.enqueue_dma source(%arg10 : memref<256x64xf32, #tpu.memory_space<vmem>>) target(%dma_start3A_69 : memref<256x64xf32, #tpu.memory_space<hbm>>) target_semaphore(%run_scoped3A : memref<!tpu.dma_semaphore, #tpu.memory_space<semaphore_mem>>)
      %dma_wait3A = arith.constant 0 : i32
      %dma_wait3A_70 = arith.constant 0 : i32
      %dma_wait3A_71 = tpu.memref_slice %arg5[%add3A, %dma_wait3A, %dma_wait3A_70] : memref<32x256x64xf32, #tpu.memory_space<hbm>> -> memref<1x256x64xf32, #tpu.memory_space<hbm>>
      %dma_wait3A_72 = tpu.memref_squeeze %dma_wait3A_71 : memref<1x256x64xf32, #tpu.memory_space<hbm>> -> memref<256x64xf32, #tpu.memory_space<hbm>>
      %dma_wait3A_73 = arith.constant 0 : i32
      %dma_wait3A_74 = arith.constant 0 : i32
      %dma_wait3A_75 = tpu.memref_slice %arg5[%add3A, %dma_wait3A_73, %dma_wait3A_74] : memref<32x256x64xf32, #tpu.memory_space<hbm>> -> memref<1x256x64xf32, #tpu.memory_space<hbm>>
      %dma_wait3A_76 = tpu.memref_squeeze %dma_wait3A_75 : memref<1x256x64xf32, #tpu.memory_space<hbm>> -> memref<256x64xf32, #tpu.memory_space<hbm>>
      tpu.wait_dma2 semaphore(%run_scoped3A : memref<!tpu.dma_semaphore, #tpu.memory_space<semaphore_mem>>) src(%arg10 : memref<256x64xf32, #tpu.memory_space<vmem>>) dst(%dma_wait3A_76 : memref<256x64xf32, #tpu.memory_space<hbm>>)
      tpu.yield
    }) : () -> ()
    "tpu.region"() ({
      %run_scoped3A = tpu.sem_alloc : memref<!tpu.dma_semaphore, #tpu.memory_space<semaphore_mem>>
      %dma_start3A = arith.constant 0 : i32
      %dma_start3A_63 = tpu.memref_slice %arg6[%add3A, %dma_start3A] : memref<32x256xf32, #tpu.memory_space<hbm>> -> memref<1x256xf32, #tpu.memory_space<hbm>>
      %dma_start3A_64 = tpu.memref_squeeze %dma_start3A_63 : memref<1x256xf32, #tpu.memory_space<hbm>> -> memref<256xf32, #tpu.memory_space<hbm>>
      %dma_start3A_65 = arith.constant 0 : i32
      %dma_start3A_66 = tpu.memref_slice %arg6[%add3A, %dma_start3A_65] : memref<32x256xf32, #tpu.memory_space<hbm>> -> memref<1x256xf32, #tpu.memory_space<hbm>>
      %dma_start3A_67 = tpu.memref_squeeze %dma_start3A_66 : memref<1x256xf32, #tpu.memory_space<hbm>> -> memref<256xf32, #tpu.memory_space<hbm>>
      tpu.enqueue_dma source(%arg11 : memref<256xf32, #tpu.memory_space<vmem>>) target(%dma_start3A_67 : memref<256xf32, #tpu.memory_space<hbm>>) target_semaphore(%run_scoped3A : memref<!tpu.dma_semaphore, #tpu.memory_space<semaphore_mem>>)
      %dma_wait3A = arith.constant 0 : i32
      %dma_wait3A_68 = tpu.memref_slice %arg6[%add3A, %dma_wait3A] : memref<32x256xf32, #tpu.memory_space<hbm>> -> memref<1x256xf32, #tpu.memory_space<hbm>>
      %dma_wait3A_69 = tpu.memref_squeeze %dma_wait3A_68 : memref<1x256xf32, #tpu.memory_space<hbm>> -> memref<256xf32, #tpu.memory_space<hbm>>
      %dma_wait3A_70 = arith.constant 0 : i32
      %dma_wait3A_71 = tpu.memref_slice %arg6[%add3A, %dma_wait3A_70] : memref<32x256xf32, #tpu.memory_space<hbm>> -> memref<1x256xf32, #tpu.memory_space<hbm>>
      %dma_wait3A_72 = tpu.memref_squeeze %dma_wait3A_71 : memref<1x256xf32, #tpu.memory_space<hbm>> -> memref<256xf32, #tpu.memory_space<hbm>>
      tpu.wait_dma2 semaphore(%run_scoped3A : memref<!tpu.dma_semaphore, #tpu.memory_space<semaphore_mem>>) src(%arg11 : memref<256xf32, #tpu.memory_space<vmem>>) dst(%dma_wait3A_72 : memref<256xf32, #tpu.memory_space<hbm>>)
      tpu.yield
    }) : () -> ()
    return
  }
}

module attributes {stable_mosaic.version = 14 : i64} {
  func.func @_tc1_body(%arg0: i32, %arg1: memref<32x1280xf32, #tpu.memory_space<vmem>>, %arg2: memref<1280x128xf32, #tpu.memory_space<vmem>>, %arg3: memref<128x64xf32, #tpu.memory_space<vmem>>, %arg4: memref<1280x64xf32, #tpu.memory_space<vmem>>, %arg5: memref<1280x1xf32, #tpu.memory_space<vmem>>) attributes {dimension_semantics = [#tpu.dimension_semantics<arbitrary>], iteration_bounds = array<i64: 8>, scalar_prefetch = 0 : i64, scratch_operands = 0 : i64, tpu.core_type = #tpu.core_type<tc>, window_params = [{transform_indices = @transform_0, window_bounds = array<i64: 32, 1280>}, {transform_indices = @transform_1, window_bounds = array<i64: 1280, 128>}, {pipeline_mode = #tpu.pipeline_mode<synchronous>, transform_indices = @transform_2, window_bounds = array<i64: 128, 64>}, {transform_indices = @transform_3, window_bounds = array<i64: 1280, 64>}, {transform_indices = @transform_4, window_bounds = array<i64: 1280, 1>}]} {
    %get3A = arith.constant 0 : index
    %get3A_0 = arith.constant 0 : index
    %get3A_1 = vector.load %arg1[%get3A, %get3A_0] : memref<32x1280xf32, #tpu.memory_space<vmem>>, vector<32x1280xf32>
    %reduce_sum3A = arith.constant dense<0.000000e+00> : vector<1280xf32>
    %reduce_sum3A_2 = vector.multi_reduction <add>, %get3A_1, %reduce_sum3A [0] : vector<32x1280xf32> to vector<1280xf32>
    %add3A = arith.constant 1.000000e+00 : f32
    %add3A_3 = vector.broadcast %add3A : f32 to vector<1280xf32>
    %add3A_4 = arith.addf %reduce_sum3A_2, %add3A_3 : vector<1280xf32>
    %rsqrt3A = math.rsqrt %add3A_4 : vector<1280xf32>
    %broadcast_in_dim3A = vector.shape_cast %rsqrt3A : vector<1280xf32> to vector<1280x1xf32>
    %swap3A = arith.constant 0 : index
    %swap3A_5 = arith.constant 0 : index
    %swap3A_6 = vector.load %arg5[%swap3A, %swap3A_5] : memref<1280x1xf32, #tpu.memory_space<vmem>>, vector<1280x1xf32>
    tpu.vector_store %arg5[%swap3A, %swap3A_5], %broadcast_in_dim3A {strides = array<i32>} : memref<1280x1xf32, #tpu.memory_space<vmem>>, vector<1280x1xf32>,
    %get3A_7 = arith.constant 0 : index
    %get3A_8 = arith.constant 0 : index
    %get3A_9 = vector.load %arg2[%get3A_7, %get3A_8] : memref<1280x128xf32, #tpu.memory_space<vmem>>, vector<1280x128xf32>
    %get3A_10 = arith.constant 0 : index
    %get3A_11 = arith.constant 0 : index
    %get3A_12 = vector.load %arg3[%get3A_10, %get3A_11] : memref<128x64xf32, #tpu.memory_space<vmem>>, vector<128x64xf32>
    %dot_general3A = arith.constant dense<0.000000e+00> : vector<1280x64xf32>
    %dot_general3A_13 = tpu.matmul %get3A_9, %get3A_12, %dot_general3A {dimension_numbers = #tpu.dot_dimension_numbers<[1], [0], [0], [1], [0, 0, 1, 1], [], []>, transpose_lhs_hint = false} : vector<1280x128xf32>, vector<128x64xf32>, vector<1280x64xf32> -> vector<1280x64xf32>
    %broadcast_in_dim3A_14 = vector.shape_cast %rsqrt3A : vector<1280xf32> to vector<1280x1xf32>
    %mul3A = vector.broadcast %broadcast_in_dim3A_14 : vector<1280x1xf32> to vector<1280x64xf32>
    %mul3A_15 = arith.mulf %dot_general3A_13, %mul3A : vector<1280x64xf32>
    %swap3A_16 = arith.constant 0 : index
    %swap3A_17 = arith.constant 0 : index
    %swap3A_18 = vector.load %arg4[%swap3A_16, %swap3A_17] : memref<1280x64xf32, #tpu.memory_space<vmem>>, vector<1280x64xf32>
    tpu.vector_store %arg4[%swap3A_16, %swap3A_17], %mul3A_15 {strides = array<i32>} : memref<1280x64xf32, #tpu.memory_space<vmem>>, vector<1280x64xf32>,
    return
  }
  func.func @transform_0(%arg0: i32) -> (i32, i32) {
    %c0_i32 = arith.constant 0 : i32
    %c0_i32_0 = arith.constant 0 : i32
    return %c0_i32, %arg0 : i32, i32
  }
  func.func @transform_1(%arg0: i32) -> (i32, i32) {
    %c0_i32 = arith.constant 0 : i32
    %c0_i32_0 = arith.constant 0 : i32
    return %arg0, %c0_i32 : i32, i32
  }
  func.func @transform_2(%arg0: i32) -> (i32, i32) {
    %c0_i32 = arith.constant 0 : i32
    %c0_i32_0 = arith.constant 0 : i32
    %c0_i32_1 = arith.constant 0 : i32
    return %c0_i32, %c0_i32_0 : i32, i32
  }
  func.func @transform_3(%arg0: i32) -> (i32, i32) {
    %c0_i32 = arith.constant 0 : i32
    %c0_i32_0 = arith.constant 0 : i32
    return %arg0, %c0_i32 : i32, i32
  }
  func.func @transform_4(%arg0: i32) -> (i32, i32) {
    %c0_i32 = arith.constant 0 : i32
    %c0_i32_0 = arith.constant 0 : i32
    return %arg0, %c0_i32 : i32, i32
  }
}

module attributes {stable_mosaic.version = 14 : i64} {
  func.func @_tcmid_body(%arg0: i32, %arg1: memref<2x1280x64xf32, #tpu.memory_space<vmem>>, %arg2: memref<1280x64xf32, #tpu.memory_space<vmem>>, %arg3: memref<1280x1xf32, #tpu.memory_space<vmem>>, %arg4: memref<64x64xf32, #tpu.memory_space<vmem>>, %arg5: memref<1x64xf32, #tpu.memory_space<vmem>>, %arg6: memref<1280x64xf32, #tpu.memory_space<vmem>>) attributes {dimension_semantics = [#tpu.dimension_semantics<arbitrary>], iteration_bounds = array<i64: 8>, scalar_prefetch = 0 : i64, scratch_operands = 0 : i64, tpu.core_type = #tpu.core_type<tc>, window_params = [{transform_indices = @transform_0, window_bounds = array<i64: 2, 1280, 64>}, {transform_indices = @transform_1, window_bounds = array<i64: 1280, 64>}, {transform_indices = @transform_2, window_bounds = array<i64: 1280, 1>}, {pipeline_mode = #tpu.pipeline_mode<synchronous>, transform_indices = @transform_3, window_bounds = array<i64: 64, 64>}, {pipeline_mode = #tpu.pipeline_mode<synchronous>, transform_indices = @transform_4, window_bounds = array<i64: 1, 64>}, {transform_indices = @transform_5, window_bounds = array<i64: 1280, 64>}]} {
    %get3A = arith.constant 0 : index
    %get3A_0 = arith.constant 0 : index
    %get3A_1 = arith.constant 0 : index
    %get3A_2 = vector.load %arg1[%get3A, %get3A_0, %get3A_1] : memref<2x1280x64xf32, #tpu.memory_space<vmem>>, vector<1x1280x64xf32>
    %get3A_3 = vector.shape_cast %get3A_2 : vector<1x1280x64xf32> to vector<1280x64xf32>
    %get3A_4 = arith.constant 1 : index
    %get3A_5 = arith.constant 0 : index
    %get3A_6 = arith.constant 0 : index
    %get3A_7 = vector.load %arg1[%get3A_4, %get3A_5, %get3A_6] : memref<2x1280x64xf32, #tpu.memory_space<vmem>>, vector<1x1280x64xf32>
    %get3A_8 = vector.shape_cast %get3A_7 : vector<1x1280x64xf32> to vector<1280x64xf32>
    %add3A = arith.addf %get3A_3, %get3A_8 : vector<1280x64xf32>
    %get3A_9 = arith.constant 0 : index
    %get3A_10 = arith.constant 0 : index
    %get3A_11 = vector.load %arg2[%get3A_9, %get3A_10] : memref<1280x64xf32, #tpu.memory_space<vmem>>, vector<1280x64xf32>
    %add3A_12 = arith.addf %add3A, %get3A_11 : vector<1280x64xf32>
    %get3A_13 = arith.constant 0 : index
    %get3A_14 = arith.constant 0 : index
    %get3A_15 = vector.load %arg3[%get3A_13, %get3A_14] : memref<1280x1xf32, #tpu.memory_space<vmem>>, vector<1280x1xf32>
    %mul3A = vector.broadcast %get3A_15 : vector<1280x1xf32> to vector<1280x64xf32>
    %mul3A_16 = arith.mulf %add3A_12, %mul3A : vector<1280x64xf32>
    %get3A_17 = arith.constant 0 : index
    %get3A_18 = arith.constant 0 : index
    %get3A_19 = vector.load %arg5[%get3A_17, %get3A_18] : memref<1x64xf32, #tpu.memory_space<vmem>>, vector<1x64xf32>
    %add3A_20 = vector.broadcast %get3A_19 : vector<1x64xf32> to vector<1280x64xf32>
    %add3A_21 = arith.addf %mul3A_16, %add3A_20 : vector<1280x64xf32>
    %max3A = arith.constant 0.000000e+00 : f32
    %max3A_22 = vector.broadcast %max3A : f32 to vector<1280x64xf32>
    %max3A_23 = arith.maximumf %add3A_21, %max3A_22 : vector<1280x64xf32>
    %get3A_24 = arith.constant 0 : index
    %get3A_25 = arith.constant 0 : index
    %get3A_26 = vector.load %arg4[%get3A_24, %get3A_25] : memref<64x64xf32, #tpu.memory_space<vmem>>, vector<64x64xf32>
    %dot_general3A = arith.constant dense<0.000000e+00> : vector<1280x64xf32>
    %dot_general3A_27 = tpu.matmul %max3A_23, %get3A_26, %dot_general3A {dimension_numbers = #tpu.dot_dimension_numbers<[1], [0], [0], [1], [0, 0, 1, 1], [], []>, transpose_lhs_hint = false} : vector<1280x64xf32>, vector<64x64xf32>, vector<1280x64xf32> -> vector<1280x64xf32>
    %get3A_28 = arith.constant 0 : index
    %get3A_29 = arith.constant 0 : index
    %get3A_30 = vector.load %arg3[%get3A_28, %get3A_29] : memref<1280x1xf32, #tpu.memory_space<vmem>>, vector<1280x1xf32>
    %mul3A_31 = vector.broadcast %get3A_30 : vector<1280x1xf32> to vector<1280x64xf32>
    %mul3A_32 = arith.mulf %dot_general3A_27, %mul3A_31 : vector<1280x64xf32>
    %swap3A = arith.constant 0 : index
    %swap3A_33 = arith.constant 0 : index
    %swap3A_34 = vector.load %arg6[%swap3A, %swap3A_33] : memref<1280x64xf32, #tpu.memory_space<vmem>>, vector<1280x64xf32>
    tpu.vector_store %arg6[%swap3A, %swap3A_33], %mul3A_32 {strides = array<i32>} : memref<1280x64xf32, #tpu.memory_space<vmem>>, vector<1280x64xf32>,
    return
  }
  func.func @transform_0(%arg0: i32) -> (i32, i32, i32) {
    %c0_i32 = arith.constant 0 : i32
    %c0_i32_0 = arith.constant 0 : i32
    %c0_i32_1 = arith.constant 0 : i32
    return %c0_i32, %arg0, %c0_i32_0 : i32, i32, i32
  }
  func.func @transform_1(%arg0: i32) -> (i32, i32) {
    %c0_i32 = arith.constant 0 : i32
    %c0_i32_0 = arith.constant 0 : i32
    return %arg0, %c0_i32 : i32, i32
  }
  func.func @transform_2(%arg0: i32) -> (i32, i32) {
    %c0_i32 = arith.constant 0 : i32
    %c0_i32_0 = arith.constant 0 : i32
    return %arg0, %c0_i32 : i32, i32
  }
  func.func @transform_3(%arg0: i32) -> (i32, i32) {
    %c0_i32 = arith.constant 0 : i32
    %c0_i32_0 = arith.constant 0 : i32
    %c0_i32_1 = arith.constant 0 : i32
    return %c0_i32, %c0_i32_0 : i32, i32
  }
  func.func @transform_4(%arg0: i32) -> (i32, i32) {
    %c0_i32 = arith.constant 0 : i32
    %c0_i32_0 = arith.constant 0 : i32
    %c0_i32_1 = arith.constant 0 : i32
    return %c0_i32, %c0_i32_0 : i32, i32
  }
  func.func @transform_5(%arg0: i32) -> (i32, i32) {
    %c0_i32 = arith.constant 0 : i32
    %c0_i32_0 = arith.constant 0 : i32
    return %arg0, %c0_i32 : i32, i32
  }
}

module attributes {stable_mosaic.version = 14 : i64} {
  func.func @_tclast_body(%arg0: i32, %arg1: memref<2x1280x64xf32, #tpu.memory_space<vmem>>, %arg2: memref<1280x64xf32, #tpu.memory_space<vmem>>, %arg3: memref<1280x1xf32, #tpu.memory_space<vmem>>, %arg4: memref<1x64xf32, #tpu.memory_space<vmem>>, %arg5: memref<1280x64xf32, #tpu.memory_space<vmem>>) attributes {dimension_semantics = [#tpu.dimension_semantics<arbitrary>], iteration_bounds = array<i64: 8>, scalar_prefetch = 0 : i64, scratch_operands = 0 : i64, tpu.core_type = #tpu.core_type<tc>, window_params = [{transform_indices = @transform_0, window_bounds = array<i64: 2, 1280, 64>}, {transform_indices = @transform_1, window_bounds = array<i64: 1280, 64>}, {transform_indices = @transform_2, window_bounds = array<i64: 1280, 1>}, {pipeline_mode = #tpu.pipeline_mode<synchronous>, transform_indices = @transform_3, window_bounds = array<i64: 1, 64>}, {transform_indices = @transform_4, window_bounds = array<i64: 1280, 64>}]} {
    %get3A = arith.constant 0 : index
    %get3A_0 = arith.constant 0 : index
    %get3A_1 = arith.constant 0 : index
    %get3A_2 = vector.load %arg1[%get3A, %get3A_0, %get3A_1] : memref<2x1280x64xf32, #tpu.memory_space<vmem>>, vector<1x1280x64xf32>
    %get3A_3 = vector.shape_cast %get3A_2 : vector<1x1280x64xf32> to vector<1280x64xf32>
    %get3A_4 = arith.constant 1 : index
    %get3A_5 = arith.constant 0 : index
    %get3A_6 = arith.constant 0 : index
    %get3A_7 = vector.load %arg1[%get3A_4, %get3A_5, %get3A_6] : memref<2x1280x64xf32, #tpu.memory_space<vmem>>, vector<1x1280x64xf32>
    %get3A_8 = vector.shape_cast %get3A_7 : vector<1x1280x64xf32> to vector<1280x64xf32>
    %add3A = arith.addf %get3A_3, %get3A_8 : vector<1280x64xf32>
    %get3A_9 = arith.constant 0 : index
    %get3A_10 = arith.constant 0 : index
    %get3A_11 = vector.load %arg2[%get3A_9, %get3A_10] : memref<1280x64xf32, #tpu.memory_space<vmem>>, vector<1280x64xf32>
    %add3A_12 = arith.addf %add3A, %get3A_11 : vector<1280x64xf32>
    %get3A_13 = arith.constant 0 : index
    %get3A_14 = arith.constant 0 : index
    %get3A_15 = vector.load %arg3[%get3A_13, %get3A_14] : memref<1280x1xf32, #tpu.memory_space<vmem>>, vector<1280x1xf32>
    %mul3A = vector.broadcast %get3A_15 : vector<1280x1xf32> to vector<1280x64xf32>
    %mul3A_16 = arith.mulf %add3A_12, %mul3A : vector<1280x64xf32>
    %get3A_17 = arith.constant 0 : index
    %get3A_18 = arith.constant 0 : index
    %get3A_19 = vector.load %arg4[%get3A_17, %get3A_18] : memref<1x64xf32, #tpu.memory_space<vmem>>, vector<1x64xf32>
    %add3A_20 = vector.broadcast %get3A_19 : vector<1x64xf32> to vector<1280x64xf32>
    %add3A_21 = arith.addf %mul3A_16, %add3A_20 : vector<1280x64xf32>
    %max3A = arith.constant 0.000000e+00 : f32
    %max3A_22 = vector.broadcast %max3A : f32 to vector<1280x64xf32>
    %max3A_23 = arith.maximumf %add3A_21, %max3A_22 : vector<1280x64xf32>
    %swap3A = arith.constant 0 : index
    %swap3A_24 = arith.constant 0 : index
    %swap3A_25 = vector.load %arg5[%swap3A, %swap3A_24] : memref<1280x64xf32, #tpu.memory_space<vmem>>, vector<1280x64xf32>
    tpu.vector_store %arg5[%swap3A, %swap3A_24], %max3A_23 {strides = array<i32>} : memref<1280x64xf32, #tpu.memory_space<vmem>>, vector<1280x64xf32>,
    return
  }
  func.func @transform_0(%arg0: i32) -> (i32, i32, i32) {
    %c0_i32 = arith.constant 0 : i32
    %c0_i32_0 = arith.constant 0 : i32
    %c0_i32_1 = arith.constant 0 : i32
    return %c0_i32, %arg0, %c0_i32_0 : i32, i32, i32
  }
  func.func @transform_1(%arg0: i32) -> (i32, i32) {
    %c0_i32 = arith.constant 0 : i32
    %c0_i32_0 = arith.constant 0 : i32
    return %arg0, %c0_i32 : i32, i32
  }
  func.func @transform_2(%arg0: i32) -> (i32, i32) {
    %c0_i32 = arith.constant 0 : i32
    %c0_i32_0 = arith.constant 0 : i32
    return %arg0, %c0_i32 : i32, i32
  }
  func.func @transform_3(%arg0: i32) -> (i32, i32) {
    %c0_i32 = arith.constant 0 : i32
    %c0_i32_0 = arith.constant 0 : i32
    %c0_i32_1 = arith.constant 0 : i32
    return %c0_i32, %c0_i32_0 : i32, i32
  }
  func.func @transform_4(%arg0: i32) -> (i32, i32) {
    %c0_i32 = arith.constant 0 : i32
    %c0_i32_0 = arith.constant 0 : i32
    return %arg0, %c0_i32 : i32, i32
  }
}

module attributes {stable_mosaic.version = 14 : i64} {
  func.func @_readout_body(%arg0: memref<32x256x64xf32, #tpu.memory_space<vmem>>, %arg1: memref<32x256x64xf32, #tpu.memory_space<vmem>>, %arg2: memref<32x256xf32, #tpu.memory_space<vmem>>, %arg3: memref<128x1xf32, #tpu.memory_space<vmem>>, %arg4: memref<1x1xf32, #tpu.memory_space<vmem>>, %arg5: memref<256x1xf32, #tpu.memory_space<vmem>>, %arg6: memref<256x128xf32, #tpu.memory_space<vmem>>) attributes {dimension_semantics = [], scalar_prefetch = 0 : i64, scratch_operands = 0 : i64, tpu.core_type = #tpu.core_type<tc>} {
    %broadcast_in_dim3A = arith.constant 0.000000e+00 : f32
    %broadcast_in_dim3A_0 = vector.broadcast %broadcast_in_dim3A : f32 to vector<256x64xf32>
    %broadcast_in_dim3A_1 = arith.constant 0xFF800000 : f32
    %broadcast_in_dim3A_2 = vector.broadcast %broadcast_in_dim3A_1 : f32 to vector<256x64xf32>
    %get3A = arith.constant 0 : index
    %get3A_3 = arith.constant 0 : index
    %get3A_4 = arith.constant 0 : index
    %get3A_5 = vector.load %arg0[%get3A, %get3A_3, %get3A_4] : memref<32x256x64xf32, #tpu.memory_space<vmem>>, vector<1x256x64xf32>
    %get3A_6 = vector.shape_cast %get3A_5 : vector<1x256x64xf32> to vector<256x64xf32>
    %add3A = arith.addf %broadcast_in_dim3A_0, %get3A_6 : vector<256x64xf32>
    %get3A_7 = arith.constant 0 : index
    %get3A_8 = arith.constant 0 : index
    %get3A_9 = arith.constant 0 : index
    %get3A_10 = vector.load %arg1[%get3A_7, %get3A_8, %get3A_9] : memref<32x256x64xf32, #tpu.memory_space<vmem>>, vector<1x256x64xf32>
    %get3A_11 = vector.shape_cast %get3A_10 : vector<1x256x64xf32> to vector<256x64xf32>
    %max3A = arith.maximumf %broadcast_in_dim3A_2, %get3A_11 : vector<256x64xf32>
    %get3A_12 = arith.constant 1 : index
    %get3A_13 = arith.constant 0 : index
    %get3A_14 = arith.constant 0 : index
    %get3A_15 = vector.load %arg0[%get3A_12, %get3A_13, %get3A_14] : memref<32x256x64xf32, #tpu.memory_space<vmem>>, vector<1x256x64xf32>
    %get3A_16 = vector.shape_cast %get3A_15 : vector<1x256x64xf32> to vector<256x64xf32>
    %add3A_17 = arith.addf %add3A, %get3A_16 : vector<256x64xf32>
    %get3A_18 = arith.constant 1 : index
    %get3A_19 = arith.constant 0 : index
    %get3A_20 = arith.constant 0 : index
    %get3A_21 = vector.load %arg1[%get3A_18, %get3A_19, %get3A_20] : memref<32x256x64xf32, #tpu.memory_space<vmem>>, vector<1x256x64xf32>
    %get3A_22 = vector.shape_cast %get3A_21 : vector<1x256x64xf32> to vector<256x64xf32>
    %max3A_23 = arith.maximumf %max3A, %get3A_22 : vector<256x64xf32>
    %get3A_24 = arith.constant 2 : index
    %get3A_25 = arith.constant 0 : index
    %get3A_26 = arith.constant 0 : index
    %get3A_27 = vector.load %arg0[%get3A_24, %get3A_25, %get3A_26] : memref<32x256x64xf32, #tpu.memory_space<vmem>>, vector<1x256x64xf32>
    %get3A_28 = vector.shape_cast %get3A_27 : vector<1x256x64xf32> to vector<256x64xf32>
    %add3A_29 = arith.addf %add3A_17, %get3A_28 : vector<256x64xf32>
    %get3A_30 = arith.constant 2 : index
    %get3A_31 = arith.constant 0 : index
    %get3A_32 = arith.constant 0 : index
    %get3A_33 = vector.load %arg1[%get3A_30, %get3A_31, %get3A_32] : memref<32x256x64xf32, #tpu.memory_space<vmem>>, vector<1x256x64xf32>
    %get3A_34 = vector.shape_cast %get3A_33 : vector<1x256x64xf32> to vector<256x64xf32>
    %max3A_35 = arith.maximumf %max3A_23, %get3A_34 : vector<256x64xf32>
    %get3A_36 = arith.constant 3 : index
    %get3A_37 = arith.constant 0 : index
    %get3A_38 = arith.constant 0 : index
    %get3A_39 = vector.load %arg0[%get3A_36, %get3A_37, %get3A_38] : memref<32x256x64xf32, #tpu.memory_space<vmem>>, vector<1x256x64xf32>
    %get3A_40 = vector.shape_cast %get3A_39 : vector<1x256x64xf32> to vector<256x64xf32>
    %add3A_41 = arith.addf %add3A_29, %get3A_40 : vector<256x64xf32>
    %get3A_42 = arith.constant 3 : index
    %get3A_43 = arith.constant 0 : index
    %get3A_44 = arith.constant 0 : index
    %get3A_45 = vector.load %arg1[%get3A_42, %get3A_43, %get3A_44] : memref<32x256x64xf32, #tpu.memory_space<vmem>>, vector<1x256x64xf32>
    %get3A_46 = vector.shape_cast %get3A_45 : vector<1x256x64xf32> to vector<256x64xf32>
    %max3A_47 = arith.maximumf %max3A_35, %get3A_46 : vector<256x64xf32>
    %get3A_48 = arith.constant 4 : index
    %get3A_49 = arith.constant 0 : index
    %get3A_50 = arith.constant 0 : index
    %get3A_51 = vector.load %arg0[%get3A_48, %get3A_49, %get3A_50] : memref<32x256x64xf32, #tpu.memory_space<vmem>>, vector<1x256x64xf32>
    %get3A_52 = vector.shape_cast %get3A_51 : vector<1x256x64xf32> to vector<256x64xf32>
    %add3A_53 = arith.addf %add3A_41, %get3A_52 : vector<256x64xf32>
    %get3A_54 = arith.constant 4 : index
    %get3A_55 = arith.constant 0 : index
    %get3A_56 = arith.constant 0 : index
    %get3A_57 = vector.load %arg1[%get3A_54, %get3A_55, %get3A_56] : memref<32x256x64xf32, #tpu.memory_space<vmem>>, vector<1x256x64xf32>
    %get3A_58 = vector.shape_cast %get3A_57 : vector<1x256x64xf32> to vector<256x64xf32>
    %max3A_59 = arith.maximumf %max3A_47, %get3A_58 : vector<256x64xf32>
    %get3A_60 = arith.constant 5 : index
    %get3A_61 = arith.constant 0 : index
    %get3A_62 = arith.constant 0 : index
    %get3A_63 = vector.load %arg0[%get3A_60, %get3A_61, %get3A_62] : memref<32x256x64xf32, #tpu.memory_space<vmem>>, vector<1x256x64xf32>
    %get3A_64 = vector.shape_cast %get3A_63 : vector<1x256x64xf32> to vector<256x64xf32>
    %add3A_65 = arith.addf %add3A_53, %get3A_64 : vector<256x64xf32>
    %get3A_66 = arith.constant 5 : index
    %get3A_67 = arith.constant 0 : index
    %get3A_68 = arith.constant 0 : index
    %get3A_69 = vector.load %arg1[%get3A_66, %get3A_67, %get3A_68] : memref<32x256x64xf32, #tpu.memory_space<vmem>>, vector<1x256x64xf32>
    %get3A_70 = vector.shape_cast %get3A_69 : vector<1x256x64xf32> to vector<256x64xf32>
    %max3A_71 = arith.maximumf %max3A_59, %get3A_70 : vector<256x64xf32>
    %get3A_72 = arith.constant 6 : index
    %get3A_73 = arith.constant 0 : index
    %get3A_74 = arith.constant 0 : index
    %get3A_75 = vector.load %arg0[%get3A_72, %get3A_73, %get3A_74] : memref<32x256x64xf32, #tpu.memory_space<vmem>>, vector<1x256x64xf32>
    %get3A_76 = vector.shape_cast %get3A_75 : vector<1x256x64xf32> to vector<256x64xf32>
    %add3A_77 = arith.addf %add3A_65, %get3A_76 : vector<256x64xf32>
    %get3A_78 = arith.constant 6 : index
    %get3A_79 = arith.constant 0 : index
    %get3A_80 = arith.constant 0 : index
    %get3A_81 = vector.load %arg1[%get3A_78, %get3A_79, %get3A_80] : memref<32x256x64xf32, #tpu.memory_space<vmem>>, vector<1x256x64xf32>
    %get3A_82 = vector.shape_cast %get3A_81 : vector<1x256x64xf32> to vector<256x64xf32>
    %max3A_83 = arith.maximumf %max3A_71, %get3A_82 : vector<256x64xf32>
    %get3A_84 = arith.constant 7 : index
    %get3A_85 = arith.constant 0 : index
    %get3A_86 = arith.constant 0 : index
    %get3A_87 = vector.load %arg0[%get3A_84, %get3A_85, %get3A_86] : memref<32x256x64xf32, #tpu.memory_space<vmem>>, vector<1x256x64xf32>
    %get3A_88 = vector.shape_cast %get3A_87 : vector<1x256x64xf32> to vector<256x64xf32>
    %add3A_89 = arith.addf %add3A_77, %get3A_88 : vector<256x64xf32>
    %get3A_90 = arith.constant 7 : index
    %get3A_91 = arith.constant 0 : index
    %get3A_92 = arith.constant 0 : index
    %get3A_93 = vector.load %arg1[%get3A_90, %get3A_91, %get3A_92] : memref<32x256x64xf32, #tpu.memory_space<vmem>>, vector<1x256x64xf32>
    %get3A_94 = vector.shape_cast %get3A_93 : vector<1x256x64xf32> to vector<256x64xf32>
    %max3A_95 = arith.maximumf %max3A_83, %get3A_94 : vector<256x64xf32>
    %get3A_96 = arith.constant 8 : index
    %get3A_97 = arith.constant 0 : index
    %get3A_98 = arith.constant 0 : index
    %get3A_99 = vector.load %arg0[%get3A_96, %get3A_97, %get3A_98] : memref<32x256x64xf32, #tpu.memory_space<vmem>>, vector<1x256x64xf32>
    %get3A_100 = vector.shape_cast %get3A_99 : vector<1x256x64xf32> to vector<256x64xf32>
    %add3A_101 = arith.addf %add3A_89, %get3A_100 : vector<256x64xf32>
    %get3A_102 = arith.constant 8 : index
    %get3A_103 = arith.constant 0 : index
    %get3A_104 = arith.constant 0 : index
    %get3A_105 = vector.load %arg1[%get3A_102, %get3A_103, %get3A_104] : memref<32x256x64xf32, #tpu.memory_space<vmem>>, vector<1x256x64xf32>
    %get3A_106 = vector.shape_cast %get3A_105 : vector<1x256x64xf32> to vector<256x64xf32>
    %max3A_107 = arith.maximumf %max3A_95, %get3A_106 : vector<256x64xf32>
    %get3A_108 = arith.constant 9 : index
    %get3A_109 = arith.constant 0 : index
    %get3A_110 = arith.constant 0 : index
    %get3A_111 = vector.load %arg0[%get3A_108, %get3A_109, %get3A_110] : memref<32x256x64xf32, #tpu.memory_space<vmem>>, vector<1x256x64xf32>
    %get3A_112 = vector.shape_cast %get3A_111 : vector<1x256x64xf32> to vector<256x64xf32>
    %add3A_113 = arith.addf %add3A_101, %get3A_112 : vector<256x64xf32>
    %get3A_114 = arith.constant 9 : index
    %get3A_115 = arith.constant 0 : index
    %get3A_116 = arith.constant 0 : index
    %get3A_117 = vector.load %arg1[%get3A_114, %get3A_115, %get3A_116] : memref<32x256x64xf32, #tpu.memory_space<vmem>>, vector<1x256x64xf32>
    %get3A_118 = vector.shape_cast %get3A_117 : vector<1x256x64xf32> to vector<256x64xf32>
    %max3A_119 = arith.maximumf %max3A_107, %get3A_118 : vector<256x64xf32>
    %get3A_120 = arith.constant 10 : index
    %get3A_121 = arith.constant 0 : index
    %get3A_122 = arith.constant 0 : index
    %get3A_123 = vector.load %arg0[%get3A_120, %get3A_121, %get3A_122] : memref<32x256x64xf32, #tpu.memory_space<vmem>>, vector<1x256x64xf32>
    %get3A_124 = vector.shape_cast %get3A_123 : vector<1x256x64xf32> to vector<256x64xf32>
    %add3A_125 = arith.addf %add3A_113, %get3A_124 : vector<256x64xf32>
    %get3A_126 = arith.constant 10 : index
    %get3A_127 = arith.constant 0 : index
    %get3A_128 = arith.constant 0 : index
    %get3A_129 = vector.load %arg1[%get3A_126, %get3A_127, %get3A_128] : memref<32x256x64xf32, #tpu.memory_space<vmem>>, vector<1x256x64xf32>
    %get3A_130 = vector.shape_cast %get3A_129 : vector<1x256x64xf32> to vector<256x64xf32>
    %max3A_131 = arith.maximumf %max3A_119, %get3A_130 : vector<256x64xf32>
    %get3A_132 = arith.constant 11 : index
    %get3A_133 = arith.constant 0 : index
    %get3A_134 = arith.constant 0 : index
    %get3A_135 = vector.load %arg0[%get3A_132, %get3A_133, %get3A_134] : memref<32x256x64xf32, #tpu.memory_space<vmem>>, vector<1x256x64xf32>
    %get3A_136 = vector.shape_cast %get3A_135 : vector<1x256x64xf32> to vector<256x64xf32>
    %add3A_137 = arith.addf %add3A_125, %get3A_136 : vector<256x64xf32>
    %get3A_138 = arith.constant 11 : index
    %get3A_139 = arith.constant 0 : index
    %get3A_140 = arith.constant 0 : index
    %get3A_141 = vector.load %arg1[%get3A_138, %get3A_139, %get3A_140] : memref<32x256x64xf32, #tpu.memory_space<vmem>>, vector<1x256x64xf32>
    %get3A_142 = vector.shape_cast %get3A_141 : vector<1x256x64xf32> to vector<256x64xf32>
    %max3A_143 = arith.maximumf %max3A_131, %get3A_142 : vector<256x64xf32>
    %get3A_144 = arith.constant 12 : index
    %get3A_145 = arith.constant 0 : index
    %get3A_146 = arith.constant 0 : index
    %get3A_147 = vector.load %arg0[%get3A_144, %get3A_145, %get3A_146] : memref<32x256x64xf32, #tpu.memory_space<vmem>>, vector<1x256x64xf32>
    %get3A_148 = vector.shape_cast %get3A_147 : vector<1x256x64xf32> to vector<256x64xf32>
    %add3A_149 = arith.addf %add3A_137, %get3A_148 : vector<256x64xf32>
    %get3A_150 = arith.constant 12 : index
    %get3A_151 = arith.constant 0 : index
    %get3A_152 = arith.constant 0 : index
    %get3A_153 = vector.load %arg1[%get3A_150, %get3A_151, %get3A_152] : memref<32x256x64xf32, #tpu.memory_space<vmem>>, vector<1x256x64xf32>
    %get3A_154 = vector.shape_cast %get3A_153 : vector<1x256x64xf32> to vector<256x64xf32>
    %max3A_155 = arith.maximumf %max3A_143, %get3A_154 : vector<256x64xf32>
    %get3A_156 = arith.constant 13 : index
    %get3A_157 = arith.constant 0 : index
    %get3A_158 = arith.constant 0 : index
    %get3A_159 = vector.load %arg0[%get3A_156, %get3A_157, %get3A_158] : memref<32x256x64xf32, #tpu.memory_space<vmem>>, vector<1x256x64xf32>
    %get3A_160 = vector.shape_cast %get3A_159 : vector<1x256x64xf32> to vector<256x64xf32>
    %add3A_161 = arith.addf %add3A_149, %get3A_160 : vector<256x64xf32>
    %get3A_162 = arith.constant 13 : index
    %get3A_163 = arith.constant 0 : index
    %get3A_164 = arith.constant 0 : index
    %get3A_165 = vector.load %arg1[%get3A_162, %get3A_163, %get3A_164] : memref<32x256x64xf32, #tpu.memory_space<vmem>>, vector<1x256x64xf32>
    %get3A_166 = vector.shape_cast %get3A_165 : vector<1x256x64xf32> to vector<256x64xf32>
    %max3A_167 = arith.maximumf %max3A_155, %get3A_166 : vector<256x64xf32>
    %get3A_168 = arith.constant 14 : index
    %get3A_169 = arith.constant 0 : index
    %get3A_170 = arith.constant 0 : index
    %get3A_171 = vector.load %arg0[%get3A_168, %get3A_169, %get3A_170] : memref<32x256x64xf32, #tpu.memory_space<vmem>>, vector<1x256x64xf32>
    %get3A_172 = vector.shape_cast %get3A_171 : vector<1x256x64xf32> to vector<256x64xf32>
    %add3A_173 = arith.addf %add3A_161, %get3A_172 : vector<256x64xf32>
    %get3A_174 = arith.constant 14 : index
    %get3A_175 = arith.constant 0 : index
    %get3A_176 = arith.constant 0 : index
    %get3A_177 = vector.load %arg1[%get3A_174, %get3A_175, %get3A_176] : memref<32x256x64xf32, #tpu.memory_space<vmem>>, vector<1x256x64xf32>
    %get3A_178 = vector.shape_cast %get3A_177 : vector<1x256x64xf32> to vector<256x64xf32>
    %max3A_179 = arith.maximumf %max3A_167, %get3A_178 : vector<256x64xf32>
    %get3A_180 = arith.constant 15 : index
    %get3A_181 = arith.constant 0 : index
    %get3A_182 = arith.constant 0 : index
    %get3A_183 = vector.load %arg0[%get3A_180, %get3A_181, %get3A_182] : memref<32x256x64xf32, #tpu.memory_space<vmem>>, vector<1x256x64xf32>
    %get3A_184 = vector.shape_cast %get3A_183 : vector<1x256x64xf32> to vector<256x64xf32>
    %add3A_185 = arith.addf %add3A_173, %get3A_184 : vector<256x64xf32>
    %get3A_186 = arith.constant 15 : index
    %get3A_187 = arith.constant 0 : index
    %get3A_188 = arith.constant 0 : index
    %get3A_189 = vector.load %arg1[%get3A_186, %get3A_187, %get3A_188] : memref<32x256x64xf32, #tpu.memory_space<vmem>>, vector<1x256x64xf32>
    %get3A_190 = vector.shape_cast %get3A_189 : vector<1x256x64xf32> to vector<256x64xf32>
    %max3A_191 = arith.maximumf %max3A_179, %get3A_190 : vector<256x64xf32>
    %get3A_192 = arith.constant 16 : index
    %get3A_193 = arith.constant 0 : index
    %get3A_194 = arith.constant 0 : index
    %get3A_195 = vector.load %arg0[%get3A_192, %get3A_193, %get3A_194] : memref<32x256x64xf32, #tpu.memory_space<vmem>>, vector<1x256x64xf32>
    %get3A_196 = vector.shape_cast %get3A_195 : vector<1x256x64xf32> to vector<256x64xf32>
    %add3A_197 = arith.addf %add3A_185, %get3A_196 : vector<256x64xf32>
    %get3A_198 = arith.constant 16 : index
    %get3A_199 = arith.constant 0 : index
    %get3A_200 = arith.constant 0 : index
    %get3A_201 = vector.load %arg1[%get3A_198, %get3A_199, %get3A_200] : memref<32x256x64xf32, #tpu.memory_space<vmem>>, vector<1x256x64xf32>
    %get3A_202 = vector.shape_cast %get3A_201 : vector<1x256x64xf32> to vector<256x64xf32>
    %max3A_203 = arith.maximumf %max3A_191, %get3A_202 : vector<256x64xf32>
    %get3A_204 = arith.constant 17 : index
    %get3A_205 = arith.constant 0 : index
    %get3A_206 = arith.constant 0 : index
    %get3A_207 = vector.load %arg0[%get3A_204, %get3A_205, %get3A_206] : memref<32x256x64xf32, #tpu.memory_space<vmem>>, vector<1x256x64xf32>
    %get3A_208 = vector.shape_cast %get3A_207 : vector<1x256x64xf32> to vector<256x64xf32>
    %add3A_209 = arith.addf %add3A_197, %get3A_208 : vector<256x64xf32>
    %get3A_210 = arith.constant 17 : index
    %get3A_211 = arith.constant 0 : index
    %get3A_212 = arith.constant 0 : index
    %get3A_213 = vector.load %arg1[%get3A_210, %get3A_211, %get3A_212] : memref<32x256x64xf32, #tpu.memory_space<vmem>>, vector<1x256x64xf32>
    %get3A_214 = vector.shape_cast %get3A_213 : vector<1x256x64xf32> to vector<256x64xf32>
    %max3A_215 = arith.maximumf %max3A_203, %get3A_214 : vector<256x64xf32>
    %get3A_216 = arith.constant 18 : index
    %get3A_217 = arith.constant 0 : index
    %get3A_218 = arith.constant 0 : index
    %get3A_219 = vector.load %arg0[%get3A_216, %get3A_217, %get3A_218] : memref<32x256x64xf32, #tpu.memory_space<vmem>>, vector<1x256x64xf32>
    %get3A_220 = vector.shape_cast %get3A_219 : vector<1x256x64xf32> to vector<256x64xf32>
    %add3A_221 = arith.addf %add3A_209, %get3A_220 : vector<256x64xf32>
    %get3A_222 = arith.constant 18 : index
    %get3A_223 = arith.constant 0 : index
    %get3A_224 = arith.constant 0 : index
    %get3A_225 = vector.load %arg1[%get3A_222, %get3A_223, %get3A_224] : memref<32x256x64xf32, #tpu.memory_space<vmem>>, vector<1x256x64xf32>
    %get3A_226 = vector.shape_cast %get3A_225 : vector<1x256x64xf32> to vector<256x64xf32>
    %max3A_227 = arith.maximumf %max3A_215, %get3A_226 : vector<256x64xf32>
    %get3A_228 = arith.constant 19 : index
    %get3A_229 = arith.constant 0 : index
    %get3A_230 = arith.constant 0 : index
    %get3A_231 = vector.load %arg0[%get3A_228, %get3A_229, %get3A_230] : memref<32x256x64xf32, #tpu.memory_space<vmem>>, vector<1x256x64xf32>
    %get3A_232 = vector.shape_cast %get3A_231 : vector<1x256x64xf32> to vector<256x64xf32>
    %add3A_233 = arith.addf %add3A_221, %get3A_232 : vector<256x64xf32>
    %get3A_234 = arith.constant 19 : index
    %get3A_235 = arith.constant 0 : index
    %get3A_236 = arith.constant 0 : index
    %get3A_237 = vector.load %arg1[%get3A_234, %get3A_235, %get3A_236] : memref<32x256x64xf32, #tpu.memory_space<vmem>>, vector<1x256x64xf32>
    %get3A_238 = vector.shape_cast %get3A_237 : vector<1x256x64xf32> to vector<256x64xf32>
    %max3A_239 = arith.maximumf %max3A_227, %get3A_238 : vector<256x64xf32>
    %get3A_240 = arith.constant 20 : index
    %get3A_241 = arith.constant 0 : index
    %get3A_242 = arith.constant 0 : index
    %get3A_243 = vector.load %arg0[%get3A_240, %get3A_241, %get3A_242] : memref<32x256x64xf32, #tpu.memory_space<vmem>>, vector<1x256x64xf32>
    %get3A_244 = vector.shape_cast %get3A_243 : vector<1x256x64xf32> to vector<256x64xf32>
    %add3A_245 = arith.addf %add3A_233, %get3A_244 : vector<256x64xf32>
    %get3A_246 = arith.constant 20 : index
    %get3A_247 = arith.constant 0 : index
    %get3A_248 = arith.constant 0 : index
    %get3A_249 = vector.load %arg1[%get3A_246, %get3A_247, %get3A_248] : memref<32x256x64xf32, #tpu.memory_space<vmem>>, vector<1x256x64xf32>
    %get3A_250 = vector.shape_cast %get3A_249 : vector<1x256x64xf32> to vector<256x64xf32>
    %max3A_251 = arith.maximumf %max3A_239, %get3A_250 : vector<256x64xf32>
    %get3A_252 = arith.constant 21 : index
    %get3A_253 = arith.constant 0 : index
    %get3A_254 = arith.constant 0 : index
    %get3A_255 = vector.load %arg0[%get3A_252, %get3A_253, %get3A_254] : memref<32x256x64xf32, #tpu.memory_space<vmem>>, vector<1x256x64xf32>
    %get3A_256 = vector.shape_cast %get3A_255 : vector<1x256x64xf32> to vector<256x64xf32>
    %add3A_257 = arith.addf %add3A_245, %get3A_256 : vector<256x64xf32>
    %get3A_258 = arith.constant 21 : index
    %get3A_259 = arith.constant 0 : index
    %get3A_260 = arith.constant 0 : index
    %get3A_261 = vector.load %arg1[%get3A_258, %get3A_259, %get3A_260] : memref<32x256x64xf32, #tpu.memory_space<vmem>>, vector<1x256x64xf32>
    %get3A_262 = vector.shape_cast %get3A_261 : vector<1x256x64xf32> to vector<256x64xf32>
    %max3A_263 = arith.maximumf %max3A_251, %get3A_262 : vector<256x64xf32>
    %get3A_264 = arith.constant 22 : index
    %get3A_265 = arith.constant 0 : index
    %get3A_266 = arith.constant 0 : index
    %get3A_267 = vector.load %arg0[%get3A_264, %get3A_265, %get3A_266] : memref<32x256x64xf32, #tpu.memory_space<vmem>>, vector<1x256x64xf32>
    %get3A_268 = vector.shape_cast %get3A_267 : vector<1x256x64xf32> to vector<256x64xf32>
    %add3A_269 = arith.addf %add3A_257, %get3A_268 : vector<256x64xf32>
    %get3A_270 = arith.constant 22 : index
    %get3A_271 = arith.constant 0 : index
    %get3A_272 = arith.constant 0 : index
    %get3A_273 = vector.load %arg1[%get3A_270, %get3A_271, %get3A_272] : memref<32x256x64xf32, #tpu.memory_space<vmem>>, vector<1x256x64xf32>
    %get3A_274 = vector.shape_cast %get3A_273 : vector<1x256x64xf32> to vector<256x64xf32>
    %max3A_275 = arith.maximumf %max3A_263, %get3A_274 : vector<256x64xf32>
    %get3A_276 = arith.constant 23 : index
    %get3A_277 = arith.constant 0 : index
    %get3A_278 = arith.constant 0 : index
    %get3A_279 = vector.load %arg0[%get3A_276, %get3A_277, %get3A_278] : memref<32x256x64xf32, #tpu.memory_space<vmem>>, vector<1x256x64xf32>
    %get3A_280 = vector.shape_cast %get3A_279 : vector<1x256x64xf32> to vector<256x64xf32>
    %add3A_281 = arith.addf %add3A_269, %get3A_280 : vector<256x64xf32>
    %get3A_282 = arith.constant 23 : index
    %get3A_283 = arith.constant 0 : index
    %get3A_284 = arith.constant 0 : index
    %get3A_285 = vector.load %arg1[%get3A_282, %get3A_283, %get3A_284] : memref<32x256x64xf32, #tpu.memory_space<vmem>>, vector<1x256x64xf32>
    %get3A_286 = vector.shape_cast %get3A_285 : vector<1x256x64xf32> to vector<256x64xf32>
    %max3A_287 = arith.maximumf %max3A_275, %get3A_286 : vector<256x64xf32>
    %get3A_288 = arith.constant 24 : index
    %get3A_289 = arith.constant 0 : index
    %get3A_290 = arith.constant 0 : index
    %get3A_291 = vector.load %arg0[%get3A_288, %get3A_289, %get3A_290] : memref<32x256x64xf32, #tpu.memory_space<vmem>>, vector<1x256x64xf32>
    %get3A_292 = vector.shape_cast %get3A_291 : vector<1x256x64xf32> to vector<256x64xf32>
    %add3A_293 = arith.addf %add3A_281, %get3A_292 : vector<256x64xf32>
    %get3A_294 = arith.constant 24 : index
    %get3A_295 = arith.constant 0 : index
    %get3A_296 = arith.constant 0 : index
    %get3A_297 = vector.load %arg1[%get3A_294, %get3A_295, %get3A_296] : memref<32x256x64xf32, #tpu.memory_space<vmem>>, vector<1x256x64xf32>
    %get3A_298 = vector.shape_cast %get3A_297 : vector<1x256x64xf32> to vector<256x64xf32>
    %max3A_299 = arith.maximumf %max3A_287, %get3A_298 : vector<256x64xf32>
    %get3A_300 = arith.constant 25 : index
    %get3A_301 = arith.constant 0 : index
    %get3A_302 = arith.constant 0 : index
    %get3A_303 = vector.load %arg0[%get3A_300, %get3A_301, %get3A_302] : memref<32x256x64xf32, #tpu.memory_space<vmem>>, vector<1x256x64xf32>
    %get3A_304 = vector.shape_cast %get3A_303 : vector<1x256x64xf32> to vector<256x64xf32>
    %add3A_305 = arith.addf %add3A_293, %get3A_304 : vector<256x64xf32>
    %get3A_306 = arith.constant 25 : index
    %get3A_307 = arith.constant 0 : index
    %get3A_308 = arith.constant 0 : index
    %get3A_309 = vector.load %arg1[%get3A_306, %get3A_307, %get3A_308] : memref<32x256x64xf32, #tpu.memory_space<vmem>>, vector<1x256x64xf32>
    %get3A_310 = vector.shape_cast %get3A_309 : vector<1x256x64xf32> to vector<256x64xf32>
    %max3A_311 = arith.maximumf %max3A_299, %get3A_310 : vector<256x64xf32>
    %get3A_312 = arith.constant 26 : index
    %get3A_313 = arith.constant 0 : index
    %get3A_314 = arith.constant 0 : index
    %get3A_315 = vector.load %arg0[%get3A_312, %get3A_313, %get3A_314] : memref<32x256x64xf32, #tpu.memory_space<vmem>>, vector<1x256x64xf32>
    %get3A_316 = vector.shape_cast %get3A_315 : vector<1x256x64xf32> to vector<256x64xf32>
    %add3A_317 = arith.addf %add3A_305, %get3A_316 : vector<256x64xf32>
    %get3A_318 = arith.constant 26 : index
    %get3A_319 = arith.constant 0 : index
    %get3A_320 = arith.constant 0 : index
    %get3A_321 = vector.load %arg1[%get3A_318, %get3A_319, %get3A_320] : memref<32x256x64xf32, #tpu.memory_space<vmem>>, vector<1x256x64xf32>
    %get3A_322 = vector.shape_cast %get3A_321 : vector<1x256x64xf32> to vector<256x64xf32>
    %max3A_323 = arith.maximumf %max3A_311, %get3A_322 : vector<256x64xf32>
    %get3A_324 = arith.constant 27 : index
    %get3A_325 = arith.constant 0 : index
    %get3A_326 = arith.constant 0 : index
    %get3A_327 = vector.load %arg0[%get3A_324, %get3A_325, %get3A_326] : memref<32x256x64xf32, #tpu.memory_space<vmem>>, vector<1x256x64xf32>
    %get3A_328 = vector.shape_cast %get3A_327 : vector<1x256x64xf32> to vector<256x64xf32>
    %add3A_329 = arith.addf %add3A_317, %get3A_328 : vector<256x64xf32>
    %get3A_330 = arith.constant 27 : index
    %get3A_331 = arith.constant 0 : index
    %get3A_332 = arith.constant 0 : index
    %get3A_333 = vector.load %arg1[%get3A_330, %get3A_331, %get3A_332] : memref<32x256x64xf32, #tpu.memory_space<vmem>>, vector<1x256x64xf32>
    %get3A_334 = vector.shape_cast %get3A_333 : vector<1x256x64xf32> to vector<256x64xf32>
    %max3A_335 = arith.maximumf %max3A_323, %get3A_334 : vector<256x64xf32>
    %get3A_336 = arith.constant 28 : index
    %get3A_337 = arith.constant 0 : index
    %get3A_338 = arith.constant 0 : index
    %get3A_339 = vector.load %arg0[%get3A_336, %get3A_337, %get3A_338] : memref<32x256x64xf32, #tpu.memory_space<vmem>>, vector<1x256x64xf32>
    %get3A_340 = vector.shape_cast %get3A_339 : vector<1x256x64xf32> to vector<256x64xf32>
    %add3A_341 = arith.addf %add3A_329, %get3A_340 : vector<256x64xf32>
    %get3A_342 = arith.constant 28 : index
    %get3A_343 = arith.constant 0 : index
    %get3A_344 = arith.constant 0 : index
    %get3A_345 = vector.load %arg1[%get3A_342, %get3A_343, %get3A_344] : memref<32x256x64xf32, #tpu.memory_space<vmem>>, vector<1x256x64xf32>
    %get3A_346 = vector.shape_cast %get3A_345 : vector<1x256x64xf32> to vector<256x64xf32>
    %max3A_347 = arith.maximumf %max3A_335, %get3A_346 : vector<256x64xf32>
    %get3A_348 = arith.constant 29 : index
    %get3A_349 = arith.constant 0 : index
    %get3A_350 = arith.constant 0 : index
    %get3A_351 = vector.load %arg0[%get3A_348, %get3A_349, %get3A_350] : memref<32x256x64xf32, #tpu.memory_space<vmem>>, vector<1x256x64xf32>
    %get3A_352 = vector.shape_cast %get3A_351 : vector<1x256x64xf32> to vector<256x64xf32>
    %add3A_353 = arith.addf %add3A_341, %get3A_352 : vector<256x64xf32>
    %get3A_354 = arith.constant 29 : index
    %get3A_355 = arith.constant 0 : index
    %get3A_356 = arith.constant 0 : index
    %get3A_357 = vector.load %arg1[%get3A_354, %get3A_355, %get3A_356] : memref<32x256x64xf32, #tpu.memory_space<vmem>>, vector<1x256x64xf32>
    %get3A_358 = vector.shape_cast %get3A_357 : vector<1x256x64xf32> to vector<256x64xf32>
    %max3A_359 = arith.maximumf %max3A_347, %get3A_358 : vector<256x64xf32>
    %get3A_360 = arith.constant 30 : index
    %get3A_361 = arith.constant 0 : index
    %get3A_362 = arith.constant 0 : index
    %get3A_363 = vector.load %arg0[%get3A_360, %get3A_361, %get3A_362] : memref<32x256x64xf32, #tpu.memory_space<vmem>>, vector<1x256x64xf32>
    %get3A_364 = vector.shape_cast %get3A_363 : vector<1x256x64xf32> to vector<256x64xf32>
    %add3A_365 = arith.addf %add3A_353, %get3A_364 : vector<256x64xf32>
    %get3A_366 = arith.constant 30 : index
    %get3A_367 = arith.constant 0 : index
    %get3A_368 = arith.constant 0 : index
    %get3A_369 = vector.load %arg1[%get3A_366, %get3A_367, %get3A_368] : memref<32x256x64xf32, #tpu.memory_space<vmem>>, vector<1x256x64xf32>
    %get3A_370 = vector.shape_cast %get3A_369 : vector<1x256x64xf32> to vector<256x64xf32>
    %max3A_371 = arith.maximumf %max3A_359, %get3A_370 : vector<256x64xf32>
    %get3A_372 = arith.constant 31 : index
    %get3A_373 = arith.constant 0 : index
    %get3A_374 = arith.constant 0 : index
    %get3A_375 = vector.load %arg0[%get3A_372, %get3A_373, %get3A_374] : memref<32x256x64xf32, #tpu.memory_space<vmem>>, vector<1x256x64xf32>
    %get3A_376 = vector.shape_cast %get3A_375 : vector<1x256x64xf32> to vector<256x64xf32>
    %add3A_377 = arith.addf %add3A_365, %get3A_376 : vector<256x64xf32>
    %get3A_378 = arith.constant 31 : index
    %get3A_379 = arith.constant 0 : index
    %get3A_380 = arith.constant 0 : index
    %get3A_381 = vector.load %arg1[%get3A_378, %get3A_379, %get3A_380] : memref<32x256x64xf32, #tpu.memory_space<vmem>>, vector<1x256x64xf32>
    %get3A_382 = vector.shape_cast %get3A_381 : vector<1x256x64xf32> to vector<256x64xf32>
    %max3A_383 = arith.maximumf %max3A_371, %get3A_382 : vector<256x64xf32>
    %get3A_384 = arith.constant 0 : index
    %get3A_385 = arith.constant 0 : index
    %get3A_386 = vector.load %arg2[%get3A_384, %get3A_385] : memref<32x256xf32, #tpu.memory_space<vmem>>, vector<32x256xf32>
    %reduce_sum3A = arith.constant dense<0.000000e+00> : vector<256xf32>
    %reduce_sum3A_387 = vector.multi_reduction <add>, %get3A_386, %reduce_sum3A [0] : vector<32x256xf32> to vector<256xf32>
    %max3A_388 = arith.constant 1.000000e+00 : f32
    %max3A_389 = vector.broadcast %max3A_388 : f32 to vector<256xf32>
    %max3A_390 = arith.maximumf %reduce_sum3A_387, %max3A_389 : vector<256xf32>
    %broadcast_in_dim3A_391 = vector.shape_cast %max3A_390 : vector<256xf32> to vector<256x1xf32>
    %div3A = vector.broadcast %broadcast_in_dim3A_391 : vector<256x1xf32> to vector<256x64xf32>
    %div3A_392 = arith.divf %add3A_377, %div3A : vector<256x64xf32>
    %concatenate3A = tpu.concatenate %div3A_392, %max3A_383 in 1 : vector<256x64xf32>, vector<256x64xf32> -> vector<256x128xf32>
    %swap3A = arith.constant 0 : index
    %swap3A_393 = arith.constant 0 : index
    %swap3A_394 = vector.load %arg6[%swap3A, %swap3A_393] : memref<256x128xf32, #tpu.memory_space<vmem>>, vector<256x128xf32>
    tpu.vector_store %arg6[%swap3A, %swap3A_393], %concatenate3A {strides = array<i32>} : memref<256x128xf32, #tpu.memory_space<vmem>>, vector<256x128xf32>,
    %get3A_395 = arith.constant 0 : index
    %get3A_396 = arith.constant 0 : index
    %get3A_397 = vector.load %arg3[%get3A_395, %get3A_396] : memref<128x1xf32, #tpu.memory_space<vmem>>, vector<128x1xf32>
    %dot_general3A = arith.constant dense<0.000000e+00> : vector<256x1xf32>
    %dot_general3A_398 = tpu.matmul %concatenate3A, %get3A_397, %dot_general3A {dimension_numbers = #tpu.dot_dimension_numbers<[1], [0], [0], [1], [0, 0, 1, 1], [], []>, transpose_lhs_hint = false} : vector<256x128xf32>, vector<128x1xf32>, vector<256x1xf32> -> vector<256x1xf32>
    %get3A_399 = arith.constant 0 : index
    %get3A_400 = arith.constant 0 : index
    %get3A_401 = vector.load %arg4[%get3A_399, %get3A_400] : memref<1x1xf32, #tpu.memory_space<vmem>>, vector<1x1xf32>
    %add3A_402 = vector.broadcast %get3A_401 : vector<1x1xf32> to vector<256x1xf32>
    %add3A_403 = arith.addf %dot_general3A_398, %add3A_402 : vector<256x1xf32>
    %swap3A_404 = arith.constant 0 : index
    %swap3A_405 = arith.constant 0 : index
    %swap3A_406 = vector.load %arg5[%swap3A_404, %swap3A_405] : memref<256x1xf32, #tpu.memory_space<vmem>>, vector<256x1xf32>
    tpu.vector_store %arg5[%swap3A_404, %swap3A_405], %add3A_403 {strides = array<i32>} : memref<256x1xf32, #tpu.memory_space<vmem>>, vector<256x1xf32>,
    return
  }
}

</mosaic_0001>

<sc_bundles>
// kernel: kernel.14.cloned.1.call-start
scs
__scs_entry_jumppad:
0x0: {  	(pc) =	sbr.rel $0x88, $3  }
0x1: {  	(tag) =	ssettag $0x0;
	lr =	simm.s32 $0x1  }
0x2: {  	[smem:$0x3F94] =	sst lr;
	_ =	strace $0xD0000000  }
0x3: {  	_ = 	snop  }
0x4: {  	_ = 	snop  }
0x5: {  	_ = 	snop  }
0x6: {  	_ = 	snop  }
0x7: {  	_ = 	snop  }
__scs_overlays_trampoline_lowered:
0x8: {  	[smem:$0x3FA3] =	sst s0  }
0x9: {  	[smem:$0x3FA4] =	sst s1  }
0xa: {  	[smem:$0x3FA5] =	sst s2  }
0xb: {  	[smem:$0x3FA6] =	sst s3  }
0xc: {  	[smem:$0x3FA7] =	sst s4  }
0xd: {  	[smem:$0x3FA8] =	sst s5  }
0xe: {  	[smem:$0x3FA9] =	sst s6  }
0xf: {  	[smem:$0x3FAA] =	sst s7  }
0x10: {  	[smem:$0x3FAB] =	sst s8  }
0x11: {  	[smem:$0x3FAC] =	sst s9;
	s0 =	simm.s32 @!p0 $0x0  }
0x12: {  	s1 =	sld [smem:$0x3F92];
	s0 =	simm.s32 @p0 $0x1  }
0x13: {  	[smem:$0x3FAD] =	sst s0;
	s0 =	simm.s32 @!p1 $0x0  }
0x14: {  	s2 =	sld [smem:$0x3F91];
	s0 =	simm.s32 @p1 $0x1  }
0x15: {  	[smem:$0x3FAE] =	sst s0;
	s0 =	simm.s32 @!p2 $0x0  }
0x16: {  	s3 =	sld [smem:$0x3FDB];
	s0 =	simm.s32 @p2 $0x1  }
0x17: {  	s4 =	simm.s32 $0x1BF5;
	[smem:$0x3FB0] =	sst s0  }
0x18: {  	s0 =	sld [smem:$0x3F93];
	_ =	swait.ge [sflag:s4], $0x0  }
0x19: {  	s7 =	sld [smem:$0x3F94]  }
0x1a: {  	s8 =	sadd.s32 $0xFFFFE003, lr  }
0x1b: {  	s9 =	sadd.s32 $0xFFFFFEF7, lr;
	s5 =	simm.s32 $0xFFFFFFFF;
	p2 =	slt.u32 s8, $0xFFFFF086  }
0x1c: {  	p1 =	slt.u32 s9, $0xF7A;
	s5 =	simm.s32 @!p2 $0x0  }
0x1d: {  	s5 =	simm.s32 @p1 $0x1;
	p0 =	seq.s32 s7, s2  }
0x1e: {  	s7 =	smul.u32 @!p0 $0xF7A, s2;
	p2 =	seq.s32 @!p0 s5, $0x0  }
0x1f: {  	s9 =	smul.u32 $0xF7A, s1;
	s8 =	simm.s32 @!p0 $0x1BF5;
	p2 =	por !p2, p0  }
0x20: {  	[sflag:s8] =	ssyncset.s32 @!p0 $0xFFFFF086;
	s6 =	sadd.s32 @!p0 s3, s7;
	s7 =	simm.s32 @!p0 $0x108  }
0x21: {  	s3 =	sadd.s32 s3, s9;
	s6 =	sadd.s32 @!p0 $0x88, s6;
	s7 =	simm.s32 @p2 $0x1082  }
0x22: {  	[simem:s7], [sflag:s8] =	dma.local @!p0 [hbm:s6], $0xF7A  }
0x23: {  	s9 =	sor.u32 $0xD0000000, s2;
	s6 =	simm.s32 $0x108;
	_ =	swait.ge @!p0 [sflag:s8], $0x0  }
0x24: {  	s3 =	sadd.s32 $0x88, s3;
	s6 =	simm.s32 @!p1 $0x1082;
	[sflag:s4] =	ssyncset.s32 $0xFFFFF086  }
0x25: {  	[simem:s6], [sflag:s4] =	dma.local [hbm:s3], $0xF7A  }
0x26: {  	[smem:$0x3F94] =	sst s1;
	(tag) =	ssettag s2;
	_ =	strace s9  }
0x27: {  	s1 =	sld [smem:$0x3FA4]  }
0x28: {  	s2 =	sld [smem:$0x3FA5]  }
0x29: {  	s4 =	sld [smem:$0x3FA7]  }
0x2a: {  	p0 =	seq.s32 s5, $0x0;
	s5 =	sld [smem:$0x3FA8]  }
0x2b: {  	s6 =	sld [smem:$0x3FA9]  }
0x2c: {  	s7 =	sld [smem:$0x3FAA]  }
0x2d: {  	s3 =	simm.s32 $0x108;
	s8 =	sld [smem:$0x3FAB]  }
0x2e: {  	s3 =	simm.s32 @!p0 $0x1082;
	s9 =	sld [smem:$0x3FAC]  }
0x2f: {  	lr =	sadd.s32 s0, s3;
	s0 =	sld [smem:$0x3FA3]  }
0x30: {  	s3 =	sld [smem:$0x3FA6]  }
0x31: {  	[smem:$0x3FAF] =	sst s10  }
0x32: {  	s10 =	sld [smem:$0x3FAD];
	_ =	sdelay $0x3  }
0x33: {  	p0 =	seq.s32 s10, $0x1;
	s10 =	sld [smem:$0x3FAF];
	_ =	sdelay $0x3  }
0x34: {  	[smem:$0x3FAF] =	sst s10  }
0x35: {  	s10 =	sld [smem:$0x3FAE];
	_ =	sdelay $0x3  }
0x36: {  	p1 =	seq.s32 s10, $0x1;
	s10 =	sld [smem:$0x3FAF];
	_ =	sdelay $0x3  }
0x37: {  	[smem:$0x3FAF] =	sst s10  }
0x38: {  	s10 =	sld [smem:$0x3FB0]  }
0x39: {  	_ = 	snop;
	(pc) =	sbr.ind lr, $3  }
0x3a: {  	_ = 	snop  }
0x3b: {  	_ = 	snop  }
0x3c: {  	p2 =	seq.s32 s10, $0x1;
	s10 =	sld [smem:$0x3FAF]  }
0x3d: {  	_ =	shalt  }
0x3e: {  	_ =	shalt  }
0x3f: {  	_ =	shalt  }
0x40: {  	_ =	shalt  }
0x41: {  	_ =	shalt  }
0x42: {  	_ =	shalt  }
0x43: {  	_ =	shalt  }
0x44: {  	_ =	shalt  }
0x45: {  	_ =	shalt  }
0x46: {  	_ =	shalt  }
0x47: {  	_ =	shalt  }
0x48: {  	_ =	shalt  }
0x49: {  	_ =	shalt  }
0x4a: {  	_ =	shalt  }
0x4b: {  	_ =	shalt  }
0x4c: {  	_ =	shalt  }
0x4d: {  	_ =	shalt  }
0x4e: {  	_ =	shalt  }
0x4f: {  	_ =	shalt  }
0x50: {  	_ =	shalt  }
0x51: {  	_ =	shalt  }
0x52: {  	_ =	shalt  }
0x53: {  	_ =	shalt  }
0x54: {  	_ =	shalt  }
0x55: {  	_ =	shalt  }
0x56: {  	_ =	shalt  }
0x57: {  	_ =	shalt  }
0x58: {  	_ =	shalt  }
0x59: {  	_ =	shalt  }
0x5a: {  	_ =	shalt  }
0x5b: {  	_ =	shalt  }
0x5c: {  	_ =	shalt  }
0x5d: {  	_ =	shalt  }
0x5e: {  	_ =	shalt  }
0x5f: {  	_ =	shalt  }
0x60: {  	_ =	shalt  }
0x61: {  	_ =	shalt  }
0x62: {  	_ =	shalt  }
0x63: {  	_ =	shalt  }
0x64: {  	_ =	shalt  }
0x65: {  	_ =	shalt  }
0x66: {  	_ =	shalt  }
0x67: {  	_ =	shalt  }
0x68: {  	_ =	shalt  }
0x69: {  	_ =	shalt  }
0x6a: {  	_ =	shalt  }
0x6b: {  	_ =	shalt  }
0x6c: {  	_ =	shalt  }
0x6d: {  	_ =	shalt  }
0x6e: {  	_ =	shalt  }
0x6f: {  	_ =	shalt  }
0x70: {  	_ =	shalt  }
0x71: {  	_ =	shalt  }
0x72: {  	_ =	shalt  }
0x73: {  	_ =	shalt  }
0x74: {  	_ =	shalt  }
0x75: {  	_ =	shalt  }
0x76: {  	_ =	shalt  }
0x77: {  	_ =	shalt  }
0x78: {  	_ =	shalt  }
0x79: {  	_ =	shalt  }
0x7a: {  	_ =	shalt  }
0x7b: {  	_ =	shalt  }
0x7c: {  	_ =	shalt  }
0x7d: {  	_ =	shalt  }
0x7e: {  	_ =	shalt  }
0x7f: {  	_ =	shalt  }
0x80: {  	_ =	shalt  }
0x81: {  	_ =	shalt  }
0x82: {  	_ =	shalt  }
0x83: {  	_ =	shalt  }
0x84: {  	_ =	shalt  }
0x85: {  	_ =	shalt  }
0x86: {  	_ =	shalt  }
0x87: {  	_ =	shalt  }
.Lfunc_end0:
.L_simem_size_0:
called_computation_lowered:
.L_overlay_start_0:
0x88: {  	s2 =	sld [smem:$0x3FD9]  }
0x89: {  	s3 =	sld [smem:$0x3FFE];
	_ =	sdelay $0x1  }
0x8a: {  	s1 =	srdreg.scid  }
0x8b: {  	s0 =	sand.u32 $0x1, s1  }
0x8c: {  	s16 =	sshll.u32 s0, $0xA;
	s2 =	sadd.s32 s3, s2  }
0x8d: {  	s2 =	sadd.s32 s2, s16  }
0x8e: {  	[smem:$0x3FBB] =	sst s2  }
0x8f: {  	_ = 	snop  }
0x90: {  	(tm) =	ssettm $0x1  }
0x91: {  	s17 =	sld [smem:$0x3FFB];
	_ =	sdelay $0x3  }
0x92: {  	_ =	strace s17  }
0x93: {  	s2 =	sld [smem:$0x3FFC];
	_ =	sdelay $0x3  }
0x94: {  	_ =	strace s2  }
0x95: {  	s2 =	sld [smem:$0x3FFD];
	_ =	sdelay $0x3  }
0x96: {  	_ =	strace s2  }
0x97: {  	_ =	strace $0x8FFFFFFF  }
0x98: {  	s18 =	sld [smem:$0x3FDB];
	_ =	sdelay $0x1  }
0x99: {  	s19 =	simm.s32 $_scs_section_size  }
0x9a: {  	s4 =	simm.s32 $_size__tile_overlayer_lowered;
	s5 =	simm.s32 $_tile_overlayer_lowered  }
0x9b: {  	s22 =	simm.s32 $0x1BFF;
	s21 =	sshll.u32 s5, $0x1;
	s2 =	sadd.s32 s19, s18  }
0x9c: {  	s6 =	simm.s32 $0x0;
	s20 =	sshll.u32 s4, $0x1;
	s4 =	sadd.s32 s21, s2  }
0x9d: {  	[timem:s6], [sflag:s22] =	dma.local [hbm:s4], s20  }
0x9e: {  	_ =	swait.ge [sflag:s22], s20  }
0x9f: {  	s3 =	ssub.s32 $0x0, s20;
	[sflag:s22] =	ssyncset.done $0x0  }
0xa0: {  	[sflag:s22] =	ssyncadd.s32 s3;
	_ =	sdelay $0x1  }
0xa1: {  	s23 =	simm.s32 $0x1B8B  }
0xa2: {  	_ =	swait.ge [sflag:s23], $0x1  }
0xa3: {  	[sflag:s23] =	ssyncset.done $0x0  }
0xa4: {  	s25 =	simm.s32 $0x1B8E;
	s24 =	sld [smem:$0x3FFE];
	[sflag:s23] =	ssyncadd.s32 $0xFFFFFFFF  }
0xa5: {  	s26 =	simm.s32 $execute0_lowered;
	[smem:$0x3FD2] =	sst s25  }
0xa6: {  	s4 =	sshll.u32 s26, $0x1;
	_ =	strace $0x80000046;
	[dreg:$0x1] =	wrdreg $0xFFFFFFFF  }
0xa7: {  	s28 =	simm.s32 $_size_execute0_lowered;
	s2 =	sadd.s32 s2, s4;
	[dreg:$0x0] =	wrdreg $0x0  }
0xa8: {  	s4 =	sshll.u32 s28, $0x1;
	[dreg:$0x2] =	wrdreg s2  }
0xa9: {  	[dreg:$0x3] =	wrdreg s4  }
0xaa: {  	[dreg:$0x4] =	wrdreg $0xC0  }
0xab: {  	_ =	task [dreg:s6], $0x5FFFF  }
0xac: {  	[dreg:$0x1] =	wrdreg $0xFFFFFFFF  }
0xad: {  	[dreg:$0x0] =	wrdreg $0x60  }
0xae: {  	[dreg:$0x2] =	wrdreg s24  }
0xaf: {  	[dreg:$0x3] =	wrdreg $0x9  }
0xb0: {  	_ =	task.clear_ibuf [dreg:s6], $0x4FFFF;
	_ =	strace $0x90000046  }
0xb1: {  	s29 =	simm.s32 $0x9;
	_ =	strace $0x80000048  }
0xb2: {  	_ =	swait.ge [sflag:s29], $0x1  }
0xb3: {  	[sflag:s29] =	ssyncadd.s32 $0xFFFFFFFF  }
0xb4: {  	_ =	strace $0x90000048  }
0xb5: {  	_ =	sfence  }
0xb6: {  	s30 =	sld [smem:$0x0];
	_ =	sdelay $0x2  }
0xb7: {  	s31 =	sshll.u32 s1, $0xD;
	s1 =	sshrl.u32 s1, $0x2  }
0xb8: {  	s3 =	sand.u32 $0x4000, s31;
	s1 =	sadd.s32 s1, s30  }
0xb9: {  	s0 =	sor.u32 s3, s0;
	s1 =	sshll.u32 s1, $0x11  }
0xba: {  	s0 =	sor.u32 s1, s0  }
0xbb: {  	s0 =	sadd.s32 $0x8F2B, s0  }
0xbc: {  	[sflag:s0] =	ssyncadd.remote.s32 $0x1  }
0xbd: {  	_ =	sfence.sel $0xFFFF  }
0xbe: {  	[dreg:$0x0] =	wrdreg $0xFFFFFFFF;
	(pc) =	sbr.abs _section_cstart, $3  }
0xbf: {  	[dreg:$0x1] =	wrdreg $0xFFFFFFFF  }
0xc0: {  	_ =	task.clear_ibuf [dreg:s6], $0x2FFFF;
	_ =	strace $0x9FFFFFFF  }
0xc1: {  	(tm) =	ssettm $0x7FFFFFFF  }
tec
execute0_lowered:
.L_overlay_start_1:
0x0: {  	(tag) =	ssettag $0x1  }
0x1: {  	s1 =	srdreg.scid;
	s0 =	stileid.u32  }
0x2: {  	s3 =	rddreg [dreg:$0x0];
	s8 =	simm.s32 $0x80;
	s9 =	simm.s32 $0x400  }
0x3: {  	s4 =	sand.u32 $0x1, s1;
	s2 =	sshll.u32 s0, $0x1;
	s1 =	rddreg [dreg:$0x1]  }
0x4: {  	s6 =	sshrl.u32 s0, $0x2;
	s5 =	sor.u32 s4, s2;
	s2 =	simm.s32 $0x0  }
0x5: {  	s6 =	smul.u32 $0x14000, s6;
	s4 =	ssub.s32 $0x2, s4;
	s7 =	sshll.u32 s5, $0x7  }
0x6: {  	[smem:$0x7FF] =	sst s2;
	s5 =	smul.u32 $0x780, s5;
	s7 =	sand.u32 $0x380, s7  }
0x7: {  	s31 =	sshrl.u32 s4, $0x1;
	_ =	strace $0x80000047;
	s6 =	sor.u32 s6, s7  }
0x8: {  	s5 =	sadd.s32 s5, s3;
	s7 =	ssub.s32 s4, s31;
	s6 =	sshrl.u32 s6, $0x3  }
0x9: {  	s6 =	sadd.s32 s6, s3;
	s3 =	sadd.s32 $0x3E00, s5;
	s5 =	smax.u32 s7, $0x1  }
0xa: {  	v0 =	vimm.f32 $0.0e+00;
	v1 =	vimm.f32 $1.000000000e+00;
	s7 =	simm.s32 $0x3C00;
	s4 =	sadd.s32 $0x12E00, s6;
	s6 =	simm.s32 $0x1  }
.LBB2_1:
0xb: {  	s10 =	simm.s32 $0x40;
	s11 =	simm.s32 $0x0  }
.LBB2_2:
0xc: {  	p0 =	sne.s32 s10, $0x9FC0;
	[tilespmem:s11+$0x3C00] =	vst v0;
	s11 =	smov.u32 s10;
	s10 =	sadd.s32 $0x40, s10  }
.Ltmp0:
0xd: {  	(pc) =	sbr.rel @p0 .LBB2_2-.Ltmp0, $2  }
0xe: {  	_ =	sdelay $0x2  }
0xf: {  	s11 =	sshra.s32 s11, $0x2  }
0x10: {  	[tilespmem:s11+$0x3C00] =	vst v0;
	s10 =	simm.s32 $0x0  }
0x11: {  	[tilespmem:s10], [sflag:$0x1] =	stream.linear.gather [hbm4b:s3+s10], $0x3A00, $0x38;
	[tilespmem:$0x6400] =	vst v63  }
0x12: {  	s31 =	sand.u32 $0xFE00, s10;
	_ =	swait.ge [sflag:s6], $0x3A00  }
0x13: {  	s10 =	sand.u32 $0x70, s10;
	s11 =	sshrl.u32 s31, $0x2;
	[sflag:s6] =	ssyncset.done $0x0  }
0x14: {  	s10 =	sor.u32 s10, s11;
	[sflag:s6] =	ssyncadd.s32 $0xFFFFC600  }
0x15: {  	v2 =	vld [tilespmem:s10+$0x0];
	_ =	sdelay $0x4  }
0x16: {  	s12 =	simm.s32 $0x40  }
0x17: {  	s12 =	sand.u32 $0xFE00, s12;
	s11 =	simm.s32 $0x80;
	s10 =	simm.s32 $0x10  }
.LBB2_4:
0x18: {  	p0 =	sne.s32 s11, $0xE7C0;
	s13 =	sand.u32 $0x70, s10;
	s12 =	sshrl.u32 s12, $0x2  }
0x19: {  	s12 =	sor.u32 s13, s12;
	[tilespmem:v2+s7+$0x0] =	vst.idx.add.f32.msk $0xffff, v1  }
0x1a: {  	v2 =	vld [tilespmem:s12+$0x0];
	_ =	sdelay $0x1  }
.Ltmp1:
0x1b: {  	(pc) =	sbr.rel @p0 .LBB2_4-.Ltmp1, $2  }
0x1c: {  	_ =	sdelay $0x2  }
0x1d: {  	s10 =	sadd.s32 $0x10, s10;
	s12 =	sand.u32 $0xFE00, s11;
	s11 =	sadd.s32 $0x40, s11  }
0x1e: {  	_ =	sdelay $0x2  }
0x1f: {  	s10 =	sand.u32 $0x70, s10;
	s11 =	sshrl.u32 s12, $0x2  }
0x20: {  	[tilespmem:v2+s7+$0x0] =	vst.idx.add.f32.msk $0xffff, v1;
	s10 =	sor.u32 s10, s11  }
0x21: {  	v2 =	vld [tilespmem:s10+$0x0];
	_ =	sdelay $0x5  }
0x22: {  	s2 =	sadd.s32 $0x1, s2  }
0x23: {  	p0 =	sne.s32 s2, s5  }
.Ltmp2:
0x24: {  	[tilespmem:v2+s7+$0x0] =	vst.idx.add.f32.msk $0xffff, v1;
	(pc) =	sbr.rel @p0 .LBB2_1-.Ltmp2, $4  }
0x25: {  	[hbm4b:s4+s8] =	stream.strided.scatter [tilespmem:s7], [sflag:$0x1], $0x2800, s9, s8, $0x38;
	[tilespmem:$0x6400] =	vst v63  }
0x26: {  	_ =	swait.ge [sflag:s6], $0x2800  }
0x27: {  	[sflag:s6] =	ssyncset.done $0x0  }
0x28: {  	[sflag:s6] =	ssyncadd.s32 $0xFFFFD800  }
0x29: {  	_ =	sfence.sel $0x180000  }
0x2a: {  	[bflag:$0x0] =	sbarrier.arrive $0xFFFF  }
0x2b: {  	p0 =	sne.s32 s0, $0x0;
	_ =	strace $0x90000047  }
0x2c: {  	s0 =	sadd.s32 @!p0 $0x100000, s1;
	[bflag:$0x2] =	sbarrier.arrive $0xFFFF  }
0x2d: {  	[sflag:s0] =	ssyncadd.tile.s32 @!p0 $0x1;
	_ =	shalt  }
.Lfunc_end2:
_tile_overlayer_lowered:
.L_overlay_start_2:
0x2e: {  	(tag) =	ssettag $0x2  }
0x2f: {  	s0 =	rddreg [dreg:$0x0];
	s2 =	stileid.u32  }
0x30: {  	s1 =	rddreg [dreg:$0x1];
	p0 =	sne.s32 s2, $0x0  }
0x31: {  	s3 =	rddreg [dreg:$0x2];
	[bflag:$0x3] =	sbarrier.arrive $0xFFFF;
	s2 =	simm.s32 @!p0 $0x1C01  }
0x32: {  	[timem:s3], [sflag:s2] =	dma.local @!p0 [hbm:s0], s1  }
0x33: {  	s0 =	simm.s32 @!p0 $0x1  }
0x34: {  	_ =	swait.ge @!p0 [sflag:s0], s1  }
0x35: {  	s1 =	ssub.s32 @!p0 $0x0, s1;
	[sflag:s0] =	ssyncset.done @!p0 $0x0  }
0x36: {  	[sflag:s0] =	ssyncadd.s32 @!p0 s1  }
0x37: {  	[bflag:$0x3] =	sbarrier.arrive $0xFFFF  }
0x38: {  	_ =	shalt  }

// kernel: kernel.17.cloned.1.call-start
scs
__scs_entry_jumppad:
0x0: {  	(pc) =	sbr.rel $0x88, $3  }
0x1: {  	(tag) =	ssettag $0x0;
	lr =	simm.s32 $0x1  }
0x2: {  	[smem:$0x3F94] =	sst lr;
	_ =	strace $0xD0000000  }
0x3: {  	_ = 	snop  }
0x4: {  	_ = 	snop  }
0x5: {  	_ = 	snop  }
0x6: {  	_ = 	snop  }
0x7: {  	_ = 	snop  }
__scs_overlays_trampoline_lowered:
0x8: {  	[smem:$0x3FA3] =	sst s0  }
0x9: {  	[smem:$0x3FA4] =	sst s1  }
0xa: {  	[smem:$0x3FA5] =	sst s2  }
0xb: {  	[smem:$0x3FA6] =	sst s3  }
0xc: {  	[smem:$0x3FA7] =	sst s4  }
0xd: {  	[smem:$0x3FA8] =	sst s5  }
0xe: {  	[smem:$0x3FA9] =	sst s6  }
0xf: {  	[smem:$0x3FAA] =	sst s7  }
0x10: {  	[smem:$0x3FAB] =	sst s8  }
0x11: {  	[smem:$0x3FAC] =	sst s9;
	s0 =	simm.s32 @!p0 $0x0  }
0x12: {  	s1 =	sld [smem:$0x3F92];
	s0 =	simm.s32 @p0 $0x1  }
0x13: {  	[smem:$0x3FAD] =	sst s0;
	s0 =	simm.s32 @!p1 $0x0  }
0x14: {  	s2 =	sld [smem:$0x3F91];
	s0 =	simm.s32 @p1 $0x1  }
0x15: {  	[smem:$0x3FAE] =	sst s0;
	s0 =	simm.s32 @!p2 $0x0  }
0x16: {  	s3 =	sld [smem:$0x3FDB];
	s0 =	simm.s32 @p2 $0x1  }
0x17: {  	s4 =	simm.s32 $0x1BF5;
	[smem:$0x3FB0] =	sst s0  }
0x18: {  	s0 =	sld [smem:$0x3F93];
	_ =	swait.ge [sflag:s4], $0x0  }
0x19: {  	s7 =	sld [smem:$0x3F94]  }
0x1a: {  	s8 =	sadd.s32 $0xFFFFE003, lr  }
0x1b: {  	s9 =	sadd.s32 $0xFFFFFEF7, lr;
	s5 =	simm.s32 $0xFFFFFFFF;
	p2 =	slt.u32 s8, $0xFFFFF086  }
0x1c: {  	p1 =	slt.u32 s9, $0xF7A;
	s5 =	simm.s32 @!p2 $0x0  }
0x1d: {  	s5 =	simm.s32 @p1 $0x1;
	p0 =	seq.s32 s7, s2  }
0x1e: {  	s7 =	smul.u32 @!p0 $0xF7A, s2;
	p2 =	seq.s32 @!p0 s5, $0x0  }
0x1f: {  	s9 =	smul.u32 $0xF7A, s1;
	s8 =	simm.s32 @!p0 $0x1BF5;
	p2 =	por !p2, p0  }
0x20: {  	[sflag:s8] =	ssyncset.s32 @!p0 $0xFFFFF086;
	s6 =	sadd.s32 @!p0 s3, s7;
	s7 =	simm.s32 @!p0 $0x108  }
0x21: {  	s3 =	sadd.s32 s3, s9;
	s6 =	sadd.s32 @!p0 $0x88, s6;
	s7 =	simm.s32 @p2 $0x1082  }
0x22: {  	[simem:s7], [sflag:s8] =	dma.local @!p0 [hbm:s6], $0xF7A  }
0x23: {  	s9 =	sor.u32 $0xD0000000, s2;
	s6 =	simm.s32 $0x108;
	_ =	swait.ge @!p0 [sflag:s8], $0x0  }
0x24: {  	s3 =	sadd.s32 $0x88, s3;
	s6 =	simm.s32 @!p1 $0x1082;
	[sflag:s4] =	ssyncset.s32 $0xFFFFF086  }
0x25: {  	[simem:s6], [sflag:s4] =	dma.local [hbm:s3], $0xF7A  }
0x26: {  	[smem:$0x3F94] =	sst s1;
	(tag) =	ssettag s2;
	_ =	strace s9  }
0x27: {  	s1 =	sld [smem:$0x3FA4]  }
0x28: {  	s2 =	sld [smem:$0x3FA5]  }
0x29: {  	s4 =	sld [smem:$0x3FA7]  }
0x2a: {  	p0 =	seq.s32 s5, $0x0;
	s5 =	sld [smem:$0x3FA8]  }
0x2b: {  	s6 =	sld [smem:$0x3FA9]  }
0x2c: {  	s7 =	sld [smem:$0x3FAA]  }
0x2d: {  	s3 =	simm.s32 $0x108;
	s8 =	sld [smem:$0x3FAB]  }
0x2e: {  	s3 =	simm.s32 @!p0 $0x1082;
	s9 =	sld [smem:$0x3FAC]  }
0x2f: {  	lr =	sadd.s32 s0, s3;
	s0 =	sld [smem:$0x3FA3]  }
0x30: {  	s3 =	sld [smem:$0x3FA6]  }
0x31: {  	[smem:$0x3FAF] =	sst s10  }
0x32: {  	s10 =	sld [smem:$0x3FAD];
	_ =	sdelay $0x3  }
0x33: {  	p0 =	seq.s32 s10, $0x1;
	s10 =	sld [smem:$0x3FAF];
	_ =	sdelay $0x3  }
0x34: {  	[smem:$0x3FAF] =	sst s10  }
0x35: {  	s10 =	sld [smem:$0x3FAE];
	_ =	sdelay $0x3  }
0x36: {  	p1 =	seq.s32 s10, $0x1;
	s10 =	sld [smem:$0x3FAF];
	_ =	sdelay $0x3  }
0x37: {  	[smem:$0x3FAF] =	sst s10  }
0x38: {  	s10 =	sld [smem:$0x3FB0]  }
0x39: {  	_ = 	snop;
	(pc) =	sbr.ind lr, $3  }
0x3a: {  	_ = 	snop  }
0x3b: {  	_ = 	snop  }
0x3c: {  	p2 =	seq.s32 s10, $0x1;
	s10 =	sld [smem:$0x3FAF]  }
0x3d: {  	_ =	shalt  }
0x3e: {  	_ =	shalt  }
0x3f: {  	_ =	shalt  }
0x40: {  	_ =	shalt  }
0x41: {  	_ =	shalt  }
0x42: {  	_ =	shalt  }
0x43: {  	_ =	shalt  }
0x44: {  	_ =	shalt  }
0x45: {  	_ =	shalt  }
0x46: {  	_ =	shalt  }
0x47: {  	_ =	shalt  }
0x48: {  	_ =	shalt  }
0x49: {  	_ =	shalt  }
0x4a: {  	_ =	shalt  }
0x4b: {  	_ =	shalt  }
0x4c: {  	_ =	shalt  }
0x4d: {  	_ =	shalt  }
0x4e: {  	_ =	shalt  }
0x4f: {  	_ =	shalt  }
0x50: {  	_ =	shalt  }
0x51: {  	_ =	shalt  }
0x52: {  	_ =	shalt  }
0x53: {  	_ =	shalt  }
0x54: {  	_ =	shalt  }
0x55: {  	_ =	shalt  }
0x56: {  	_ =	shalt  }
0x57: {  	_ =	shalt  }
0x58: {  	_ =	shalt  }
0x59: {  	_ =	shalt  }
0x5a: {  	_ =	shalt  }
0x5b: {  	_ =	shalt  }
0x5c: {  	_ =	shalt  }
0x5d: {  	_ =	shalt  }
0x5e: {  	_ =	shalt  }
0x5f: {  	_ =	shalt  }
0x60: {  	_ =	shalt  }
0x61: {  	_ =	shalt  }
0x62: {  	_ =	shalt  }
0x63: {  	_ =	shalt  }
0x64: {  	_ =	shalt  }
0x65: {  	_ =	shalt  }
0x66: {  	_ =	shalt  }
0x67: {  	_ =	shalt  }
0x68: {  	_ =	shalt  }
0x69: {  	_ =	shalt  }
0x6a: {  	_ =	shalt  }
0x6b: {  	_ =	shalt  }
0x6c: {  	_ =	shalt  }
0x6d: {  	_ =	shalt  }
0x6e: {  	_ =	shalt  }
0x6f: {  	_ =	shalt  }
0x70: {  	_ =	shalt  }
0x71: {  	_ =	shalt  }
0x72: {  	_ =	shalt  }
0x73: {  	_ =	shalt  }
0x74: {  	_ =	shalt  }
0x75: {  	_ =	shalt  }
0x76: {  	_ =	shalt  }
0x77: {  	_ =	shalt  }
0x78: {  	_ =	shalt  }
0x79: {  	_ =	shalt  }
0x7a: {  	_ =	shalt  }
0x7b: {  	_ =	shalt  }
0x7c: {  	_ =	shalt  }
0x7d: {  	_ =	shalt  }
0x7e: {  	_ =	shalt  }
0x7f: {  	_ =	shalt  }
0x80: {  	_ =	shalt  }
0x81: {  	_ =	shalt  }
0x82: {  	_ =	shalt  }
0x83: {  	_ =	shalt  }
0x84: {  	_ =	shalt  }
0x85: {  	_ =	shalt  }
0x86: {  	_ =	shalt  }
0x87: {  	_ =	shalt  }
.Lfunc_end0:
.L_simem_size_0:
called_computation.1_lowered:
.L_overlay_start_0:
0x88: {  	s2 =	sld [smem:$0x3FD9]  }
0x89: {  	s3 =	sld [smem:$0x3FFE];
	_ =	sdelay $0x1  }
0x8a: {  	s1 =	srdreg.scid  }
0x8b: {  	s0 =	sand.u32 $0x1, s1  }
0x8c: {  	s16 =	sshll.u32 s0, $0xA;
	s2 =	sadd.s32 s3, s2  }
0x8d: {  	s2 =	sadd.s32 s2, s16  }
0x8e: {  	[smem:$0x3FBB] =	sst s2  }
0x8f: {  	_ = 	snop  }
0x90: {  	(tm) =	ssettm $0x1  }
0x91: {  	s17 =	sld [smem:$0x3FFB];
	_ =	sdelay $0x3  }
0x92: {  	_ =	strace s17  }
0x93: {  	s2 =	sld [smem:$0x3FFC];
	_ =	sdelay $0x3  }
0x94: {  	_ =	strace s2  }
0x95: {  	s2 =	sld [smem:$0x3FFD];
	_ =	sdelay $0x3  }
0x96: {  	_ =	strace s2  }
0x97: {  	_ =	strace $0x8FFFFFFF  }
0x98: {  	s18 =	sld [smem:$0x3FDB];
	_ =	sdelay $0x1  }
0x99: {  	s19 =	simm.s32 $_scs_section_size  }
0x9a: {  	s4 =	simm.s32 $_size__tile_overlayer_lowered;
	s5 =	simm.s32 $_tile_overlayer_lowered  }
0x9b: {  	s22 =	simm.s32 $0x1BFF;
	s21 =	sshll.u32 s5, $0x1;
	s2 =	sadd.s32 s19, s18  }
0x9c: {  	s6 =	simm.s32 $0x0;
	s20 =	sshll.u32 s4, $0x1;
	s4 =	sadd.s32 s21, s2  }
0x9d: {  	[timem:s6], [sflag:s22] =	dma.local [hbm:s4], s20  }
0x9e: {  	_ =	swait.ge [sflag:s22], s20  }
0x9f: {  	s3 =	ssub.s32 $0x0, s20;
	[sflag:s22] =	ssyncset.done $0x0  }
0xa0: {  	[sflag:s22] =	ssyncadd.s32 s3;
	_ =	sdelay $0x1  }
0xa1: {  	s23 =	simm.s32 $0x1B8B  }
0xa2: {  	_ =	swait.ge [sflag:s23], $0x1  }
0xa3: {  	[sflag:s23] =	ssyncset.done $0x0  }
0xa4: {  	s25 =	simm.s32 $0x1B8E;
	s24 =	sld [smem:$0x3FFE];
	[sflag:s23] =	ssyncadd.s32 $0xFFFFFFFF  }
0xa5: {  	s26 =	simm.s32 $execute0_lowered;
	[smem:$0x3FD2] =	sst s25  }
0xa6: {  	s4 =	sshll.u32 s26, $0x1;
	_ =	strace $0x80000049;
	[dreg:$0x1] =	wrdreg $0xFFFFFFFF  }
0xa7: {  	s28 =	simm.s32 $_size_execute0_lowered;
	s2 =	sadd.s32 s2, s4;
	[dreg:$0x0] =	wrdreg $0x0  }
0xa8: {  	s4 =	sshll.u32 s28, $0x1;
	[dreg:$0x2] =	wrdreg s2  }
0xa9: {  	[dreg:$0x3] =	wrdreg s4  }
0xaa: {  	[dreg:$0x4] =	wrdreg $0xC0  }
0xab: {  	_ =	task [dreg:s6], $0x5FFFF  }
0xac: {  	[dreg:$0x1] =	wrdreg $0xFFFFFFFF  }
0xad: {  	[dreg:$0x0] =	wrdreg $0x60  }
0xae: {  	[dreg:$0x2] =	wrdreg s24  }
0xaf: {  	[dreg:$0x3] =	wrdreg $0x94000  }
0xb0: {  	[dreg:$0x4] =	wrdreg $0x9  }
0xb1: {  	_ =	task.clear_ibuf [dreg:s6], $0x5FFFF;
	_ =	strace $0x90000049  }
0xb2: {  	s29 =	simm.s32 $0x9;
	_ =	strace $0x8000004B  }
0xb3: {  	_ =	swait.ge [sflag:s29], $0x1  }
0xb4: {  	[sflag:s29] =	ssyncadd.s32 $0xFFFFFFFF  }
0xb5: {  	_ =	strace $0x9000004B  }
0xb6: {  	_ =	sfence  }
0xb7: {  	s30 =	sld [smem:$0x0];
	_ =	sdelay $0x2  }
0xb8: {  	s31 =	sshll.u32 s1, $0xD;
	s1 =	sshrl.u32 s1, $0x2  }
0xb9: {  	s3 =	sand.u32 $0x4000, s31;
	s1 =	sadd.s32 s1, s30  }
0xba: {  	s0 =	sor.u32 s3, s0;
	s1 =	sshll.u32 s1, $0x11  }
0xbb: {  	s0 =	sor.u32 s1, s0  }
0xbc: {  	s0 =	sadd.s32 $0x8F2B, s0  }
0xbd: {  	[sflag:s0] =	ssyncadd.remote.s32 $0x1  }
0xbe: {  	_ =	sfence.sel $0xFFFF  }
0xbf: {  	[dreg:$0x0] =	wrdreg $0xFFFFFFFF;
	(pc) =	sbr.abs _section_cstart, $3  }
0xc0: {  	[dreg:$0x1] =	wrdreg $0xFFFFFFFF  }
0xc1: {  	_ =	task.clear_ibuf [dreg:s6], $0x2FFFF;
	_ =	strace $0x9FFFFFFF  }
0xc2: {  	(tm) =	ssettm $0x7FFFFFFF  }
0xc3: {  	_ =	shalt  }
tec
execute0_lowered:
.L_overlay_start_1:
0x0: {  	(tag) =	ssettag $0x1  }
0x1: {  	s0 =	srdreg.scid;
	s5 =	rddreg [dreg:$0x0]  }
0x2: {  	s4 =	stileid.u32;
	s2 =	rddreg [dreg:$0x1]  }
0x3: {  	s3 =	simm.s32 $0x0;
	s16 =	simm.s32 $0x7400;
	s17 =	simm.s32 $0x5  }
0x4: {  	s19 =	simm.s32 $0x100;
	s20 =	simm.s32 $0x13400;
	s21 =	simm.s32 $0x17400  }
0x5: {  	s22 =	simm.s32 $0x1;
	s23 =	simm.s32 $0x80;
	s24 =	simm.s32 $0x15400  }
0x6: {  	s25 =	simm.s32 $0x2;
	s26 =	simm.s32 $0x19400;
	s28 =	simm.s32 $0x3  }
0x7: {  	s29 =	simm.s32 $0x4;
	s30 =	simm.s32 $0x0;
	s0 =	sand.u32 $0x1, s0  }
0x8: {  	s1 =	sshll.u32 s4, $0x1;
	s6 =	smul.u32 $0xA000, s4;
	[smem:$0x7FF] =	sst s3  }
0x9: {  	s8 =	smul.u32 $0x28000, s4;
	s4 =	sadd.s32 $0x3E00, s5;
	s1 =	sor.u32 s0, s1  }
0xa: {  	s7 =	smul.u32 $0xA0000, s0;
	_ =	strace $0x8000004A;
	s9 =	ssub.s32 $0x2, s0  }
0xb: {  	p0 =	seq.s32 s0, $0x0;
	s0 =	simm.s32 $0x1D;
	s1 =	smul.u32 $0x740, s1  }
0xc: {  	s8 =	sshrl.u32 s8, $0x2;
	s31 =	sshrl.u32 s9, $0x1;
	s0 =	simm.s32 @!p0 $0xB  }
0xd: {  	s7 =	sadd.s32 s6, s7;
	s10 =	sadd.s32 s8, s2;
	s14 =	ssub.s32 s9, s31  }
0xe: {  	s12 =	sadd.s32 $0xFFFFFFFF, s0;
	s0 =	sshll.u32 s0, $0xB;
	s1 =	sadd.s32 s1, s5  }
0xf: {  	s7 =	sshrl.u32 s7, $0x3;
	s8 =	sadd.s32 $0x6000, s10;
	s9 =	sadd.s32 $0x8000, s10  }
0x10: {  	s14 =	smax.u32 s14, $0x1;
	s15 =	sadd.s32 $0xFFFFF800, s0;
	s13 =	sadd.s32 s7, s5  }
0x11: {  	s5 =	sadd.s32 s6, s2;
	s6 =	sadd.s32 $0x2000, s10;
	s7 =	sadd.s32 $0x4000, s10  }
0x12: {  	v0 =	vimm.f32 $0.0e+00;
	s10 =	sadd.s32 $0x2B600, s1;
	s11 =	sadd.s32 $0x1CE00, s1;
	s13 =	sadd.s32 $0x39E00, s13  }
.LBB2_1:
0x13: {  	s0 =	sand.u32 $0x7F00, s3  }
0x14: {  	s31 =	sand.u32 $0x30, s3;
	s0 =	sshrl.u32 s0, $0x2  }
0x15: {  	s1 =	simm.s32 $0x40;
	s0 =	sor.u32 s31, s0;
	s31 =	simm.s32 $0x0  }
.LBB2_2:
0x16: {  	p0 =	sne.s32 s1, $0x7FC0  }
0x17: {  	[tilespmem:s0+$0x7400] =	vst v0;
	s31 =	sadd.s32 $0x10, s31;
	s0 =	smov.u32 s1;
	s1 =	sadd.s32 $0x40, s1  }
.Ltmp0:
0x18: {  	(pc) =	sbr.rel @p0 .LBB2_2-.Ltmp0, $4  }
0x19: {  	_ = 	snop  }
0x1a: {  	s0 =	sand.u32 $0x7F00, s0  }
0x1b: {  	s18 =	sand.u32 $0x30, s31;
	s0 =	sshrl.u32 s0, $0x2  }
0x1c: {  	s0 =	sor.u32 s18, s0  }
0x1d: {  	[tilespmem:s0+$0x7400] =	vst v0  }
0x1e: {  	[spmem:s5] =	stream.linear.scatter [tilespmem:s16], [sflag:$0x5], $0x2000, $0x38;
	[tilespmem:$0x1B400] =	vst v63  }
0x1f: {  	_ =	swait.ge [sflag:s17], $0x2000  }
0x20: {  	[sflag:s17] =	ssyncset.done $0x0  }
0x21: {  	[sflag:s17] =	ssyncadd.s32 $0xFFFFE000  }
0x22: {  	[spmem:s6] =	stream.linear.scatter [tilespmem:s16], [sflag:$0x5], $0x2000, $0x38;
	[tilespmem:$0x1B400] =	vst v63  }
0x23: {  	_ =	swait.ge [sflag:s17], $0x2000  }
0x24: {  	[sflag:s17] =	ssyncset.done $0x0  }
0x25: {  	[sflag:s17] =	ssyncadd.s32 $0xFFFFE000  }
0x26: {  	[spmem:s7] =	stream.linear.scatter [tilespmem:s16], [sflag:$0x5], $0x2000, $0x38;
	[tilespmem:$0x1B400] =	vst v63  }
0x27: {  	_ =	swait.ge [sflag:s17], $0x2000  }
0x28: {  	[sflag:s17] =	ssyncset.done $0x0  }
0x29: {  	[sflag:s17] =	ssyncadd.s32 $0xFFFFE000  }
0x2a: {  	[spmem:s8] =	stream.linear.scatter [tilespmem:s16], [sflag:$0x5], $0x2000, $0x38;
	[tilespmem:$0x1B400] =	vst v63  }
0x2b: {  	_ =	swait.ge [sflag:s17], $0x2000  }
0x2c: {  	[sflag:s17] =	ssyncset.done $0x0  }
0x2d: {  	[sflag:s17] =	ssyncadd.s32 $0xFFFFE000  }
0x2e: {  	[spmem:s9] =	stream.linear.scatter [tilespmem:s16], [sflag:$0x5], $0x2000, $0x38;
	[tilespmem:$0x1B400] =	vst v63  }
0x2f: {  	_ =	swait.ge [sflag:s17], $0x2000  }
0x30: {  	[sflag:s17] =	ssyncset.done $0x0  }
0x31: {  	s18 =	simm.s32 $0x0;
	[sflag:s17] =	ssyncadd.s32 $0xFFFFE000  }
0x32: {  	[tilespmem:s18], [sflag:$0x5] =	stream.linear.gather [hbm4b:s10+s18], $0x3A00, $0x38;
	[tilespmem:$0x1B400] =	vst v63  }
0x33: {  	_ =	swait.ge [sflag:s17], $0x3A00  }
0x34: {  	[sflag:s17] =	ssyncset.done $0x0  }
0x35: {  	s1 =	simm.s32 $0x3A00;
	[sflag:s17] =	ssyncadd.s32 $0xFFFFC600  }
0x36: {  	[tilespmem:s1], [sflag:$0x5] =	stream.linear.gather [hbm4b:s11+s18], $0x3A00, $0x38;
	[tilespmem:$0x1B400] =	vst v63  }
0x37: {  	_ =	swait.ge [sflag:s17], $0x3A00  }
0x38: {  	[sflag:s17] =	ssyncset.done $0x0  }
0x39: {  	[sflag:s17] =	ssyncadd.s32 $0xFFFFC600  }
0x3a: {  	[bflag:$0x0] =	sbarrier.arrive $0xFFFF  }
0x3b: {  	[tilespmem:s20], [sflag:$0x1] =	stream.indirect.gather [hbm4b:s4+s19], $0x40, s18, s19, $0xb8;
	[tilespmem:$0x1B400] =	vst v63  }
0x3c: {  	_ = 	snop  }
0x3d: {  	[tilespmem:s21], [sflag:$0x2] =	stream.indirect.gather [hbm4b:s4+s19], $0x40, s19, s19, $0xb8;
	[tilespmem:$0x1B400] =	vst v63  }
0x3e: {  	_ =	swait.ge [sflag:s22], $0x4000  }
0x3f: {  	[sflag:s22] =	ssyncset.done $0x0  }
0x40: {  	s18 =	simm.s32 $0x3A00;
	[sflag:s22] =	ssyncadd.s32 $0xFFFFC000  }
0x41: {  	[spmem:s2] =	stream.indirect.scatter.add.f32 [tilespmem:s20], [sflag:$0x3], $0x40, s18, s23, $0xb8;
	[tilespmem:$0x1B400] =	vst v63  }
0x42: {  	s1 =	simm.s32 $0x3A80  }
0x43: {  	[spmem:s2] =	stream.indirect.scatter.add.f32 [tilespmem:s24], [sflag:$0x3], $0x40, s1, s23, $0xb8;
	[tilespmem:$0x1B400] =	vst v63  }
0x44: {  	_ =	swait.ge [sflag:s25], $0x4000  }
0x45: {  	[sflag:s25] =	ssyncset.done $0x0  }
0x46: {  	s18 =	simm.s32 $0x3B00;
	[sflag:s25] =	ssyncadd.s32 $0xFFFFC000  }
0x47: {  	[spmem:s2] =	stream.indirect.scatter.add.f32 [tilespmem:s21], [sflag:$0x4], $0x40, s18, s23, $0xb8;
	[tilespmem:$0x1B400] =	vst v63  }
0x48: {  	s1 =	simm.s32 $0x3B80  }
0x49: {  	[spmem:s2] =	stream.indirect.scatter.add.f32 [tilespmem:s26], [sflag:$0x4], $0x40, s1, s23, $0xb8;
	[tilespmem:$0x1B400] =	vst v63  }
0x4a: {  	_ =	swait.ge [sflag:s28], $0x2000  }
0x4b: {  	[sflag:s28] =	ssyncset.done $0x0  }
0x4c: {  	[sflag:s28] =	ssyncadd.s32 $0xFFFFE000  }
0x4d: {  	_ =	swait.ge [sflag:s28], $0x2000  }
0x4e: {  	[sflag:s28] =	ssyncset.done $0x0  }
0x4f: {  	s18 =	simm.s32 $0x200;
	[sflag:s28] =	ssyncadd.s32 $0xFFFFE000  }
0x50: {  	[tilespmem:s20], [sflag:$0x1] =	stream.indirect.gather [hbm4b:s4+s19], $0x40, s18, s19, $0xb8;
	[tilespmem:$0x1B400] =	vst v63  }
0x51: {  	p0 =	sne.s32 s15, $0x800;
	_ =	swait.ge [sflag:s29], $0x2000  }
.Ltmp1:
0x52: {  	[sflag:s29] =	ssyncset.done $0x0;
	(pc) =	sbr.rel @!p0 .LBB2_5-.Ltmp1, $4  }
0x53: {  	[sflag:s29] =	ssyncadd.s32 $0xFFFFE000  }
0x54: {  	_ =	swait.ge [sflag:s29], $0x2000  }
0x55: {  	s31 =	simm.s32 $0x800;
	[sflag:s29] =	ssyncset.done $0x0  }
0x56: {  	s0 =	simm.s32 $0x300;
	s1 =	simm.s32 $0x1;
	[sflag:s29] =	ssyncadd.s32 $0xFFFFE000  }
.LBB2_4:
0x57: {  	[tilespmem:s21], [sflag:$0x2] =	stream.indirect.gather [hbm4b:s4+s19], $0x40, s0, s19, $0xb8;
	[tilespmem:$0x1B400] =	vst v63  }
0x58: {  	s0 =	smov.u32 s31;
	s31 =	sadd.s32 $0x800, s31;
	_ =	swait.ge [sflag:s22], $0x4000  }
0x59: {  	s0 =	sshra.s32 s0, $0x2;
	p0 =	sne.s32 s15, s31;
	[sflag:s22] =	ssyncset.done $0x0  }
0x5a: {  	s18 =	sadd.s32 $0x3A00, s0;
	[sflag:s22] =	ssyncadd.s32 $0xFFFFC000  }
0x5b: {  	[spmem:s2] =	stream.indirect.scatter.add.f32 [tilespmem:s20], [sflag:$0x3], $0x40, s18, s23, $0xb8;
	[tilespmem:$0x1B400] =	vst v63  }
0x5c: {  	s18 =	sadd.s32 $0x3A80, s0  }
0x5d: {  	[spmem:s2] =	stream.indirect.scatter.add.f32 [tilespmem:s24], [sflag:$0x3], $0x40, s18, s23, $0xb8;
	[tilespmem:$0x1B400] =	vst v63  }
0x5e: {  	_ =	swait.ge [sflag:s25], $0x4000  }
0x5f: {  	[sflag:s25] =	ssyncset.done $0x0  }
0x60: {  	s18 =	sadd.s32 $0x3B00, s0;
	[sflag:s25] =	ssyncadd.s32 $0xFFFFC000  }
0x61: {  	[spmem:s2] =	stream.indirect.scatter.add.f32 [tilespmem:s21], [sflag:$0x4], $0x40, s18, s23, $0xb8;
	[tilespmem:$0x1B400] =	vst v63  }
0x62: {  	s18 =	sadd.s32 $0x3B80, s0  }
0x63: {  	[spmem:s2] =	stream.indirect.scatter.add.f32 [tilespmem:s26], [sflag:$0x4], $0x40, s18, s23, $0xb8;
	[tilespmem:$0x1B400] =	vst v63  }
0x64: {  	_ =	swait.ge [sflag:s28], $0x2000  }
0x65: {  	[sflag:s28] =	ssyncset.done $0x0  }
0x66: {  	[sflag:s28] =	ssyncadd.s32 $0xFFFFE000  }
0x67: {  	_ =	swait.ge [sflag:s28], $0x2000  }
0x68: {  	[sflag:s28] =	ssyncset.done $0x0  }
0x69: {  	s18 =	sadd.s32 $0x200, s0;
	[sflag:s28] =	ssyncadd.s32 $0xFFFFE000  }
0x6a: {  	[tilespmem:s20], [sflag:$0x1] =	stream.indirect.gather [hbm4b:s4+s19], $0x40, s18, s19, $0xb8;
	[tilespmem:$0x1B400] =	vst v63  }
0x6b: {  	_ =	swait.ge [sflag:s29], $0x2000  }
.Ltmp2:
0x6c: {  	[sflag:s29] =	ssyncset.done $0x0;
	(pc) =	sbr.rel @p0 .LBB2_4-.Ltmp2, $4  }
0x6d: {  	[sflag:s29] =	ssyncadd.s32 $0xFFFFE000  }
0x6e: {  	_ =	swait.ge [sflag:s29], $0x2000  }
0x6f: {  	[sflag:s29] =	ssyncset.done $0x0  }
0x70: {  	s1 =	sadd.s32 $0x1, s1;
	s0 =	sadd.s32 $0x300, s0;
	[sflag:s29] =	ssyncadd.s32 $0xFFFFE000  }
.LBB2_5:
0x71: {  	[tilespmem:s21], [sflag:$0x2] =	stream.indirect.gather [hbm4b:s4+s19], $0x40, s0, s19, $0xb8;
	[tilespmem:$0x1B400] =	vst v63  }
0x72: {  	_ =	swait.ge [sflag:s22], $0x4000  }
0x73: {  	s0 =	sshra.s32 s31, $0x2;
	[sflag:s22] =	ssyncset.done $0x0  }
0x74: {  	s18 =	sadd.s32 $0x3A00, s0;
	[sflag:s22] =	ssyncadd.s32 $0xFFFFC000  }
0x75: {  	[spmem:s2] =	stream.indirect.scatter.add.f32 [tilespmem:s20], [sflag:$0x3], $0x40, s18, s23, $0xb8;
	[tilespmem:$0x1B400] =	vst v63  }
0x76: {  	s18 =	sadd.s32 $0x3A80, s0  }
0x77: {  	[spmem:s2] =	stream.indirect.scatter.add.f32 [tilespmem:s24], [sflag:$0x3], $0x40, s18, s23, $0xb8;
	[tilespmem:$0x1B400] =	vst v63  }
0x78: {  	_ =	swait.ge [sflag:s25], $0x4000  }
0x79: {  	[sflag:s25] =	ssyncset.done $0x0  }
0x7a: {  	s18 =	sadd.s32 $0x3B00, s0;
	[sflag:s25] =	ssyncadd.s32 $0xFFFFC000  }
0x7b: {  	[spmem:s2] =	stream.indirect.scatter.add.f32 [tilespmem:s21], [sflag:$0x4], $0x40, s18, s23, $0xb8;
	[tilespmem:$0x1B400] =	vst v63  }
0x7c: {  	p0 =	sge.u32 s1, s12;
	s0 =	sadd.s32 $0x3B80, s0  }
0x7d: {  	[spmem:s2] =	stream.indirect.scatter.add.f32 [tilespmem:s26], [sflag:$0x4], $0x40, s0, s23, $0xb8;
	[tilespmem:$0x1B400] =	vst v63  }
0x7e: {  	s0 =	simm.s32 @!p0 $0x3  }
0x7f: {  	_ =	swait.ge @!p0 [sflag:s0], $0x2000  }
0x80: {  	[sflag:s0] =	ssyncset.done @!p0 $0x0  }
0x81: {  	[sflag:s0] =	ssyncadd.s32 @!p0 $0xFFFFE000  }
0x82: {  	_ =	swait.ge @!p0 [sflag:s0], $0x2000  }
0x83: {  	[sflag:s0] =	ssyncset.done @!p0 $0x0  }
0x84: {  	[sflag:s0] =	ssyncadd.s32 @!p0 $0xFFFFE000;
	s0 =	sshra.s32 @!p0 s31, $0x2  }
0x85: {  	s18 =	simm.s32 @!p0 $0x100;
	s31 =	simm.s32 @!p0 $0x13400;
	s1 =	sadd.s32 @!p0 $0x200, s0  }
0x86: {  	[tilespmem:s31], [sflag:$0x1] =	stream.indirect.gather @!p0 [hbm4b:s4+s18], $0x40, s1, s18, $0xb8;
	[tilespmem:$0x1B400] =	vst v63  }
0x87: {  	s1 =	simm.s32 @!p0 $0x4  }
0x88: {  	_ =	swait.ge @!p0 [sflag:s1], $0x2000  }
0x89: {  	[sflag:s1] =	ssyncset.done @!p0 $0x0  }
0x8a: {  	[sflag:s1] =	ssyncadd.s32 @!p0 $0xFFFFE000  }
0x8b: {  	_ =	swait.ge @!p0 [sflag:s1], $0x2000  }
0x8c: {  	[sflag:s1] =	ssyncset.done @!p0 $0x0  }
0x8d: {  	s0 =	sadd.s32 @!p0 $0x300, s0;
	[sflag:s1] =	ssyncadd.s32 @!p0 $0xFFFFE000;
	s1 =	simm.s32 @!p0 $0x17400  }
0x8e: {  	[tilespmem:s1], [sflag:$0x2] =	stream.indirect.gather @!p0 [hbm4b:s4+s18], $0x40, s0, s18, $0xb8;
	[tilespmem:$0x1B400] =	vst v63  }
0x8f: {  	_ =	swait.ge [sflag:s28], $0x2000  }
0x90: {  	[sflag:s28] =	ssyncset.done $0x0  }
0x91: {  	[sflag:s28] =	ssyncadd.s32 $0xFFFFE000  }
0x92: {  	_ =	swait.ge [sflag:s28], $0x2000  }
0x93: {  	[sflag:s28] =	ssyncset.done $0x0  }
0x94: {  	[sflag:s28] =	ssyncadd.s32 $0xFFFFE000  }
0x95: {  	_ =	swait.ge [sflag:s29], $0x2000  }
0x96: {  	[sflag:s29] =	ssyncset.done $0x0  }
0x97: {  	[sflag:s29] =	ssyncadd.s32 $0xFFFFE000  }
0x98: {  	s30 =	sadd.s32 $0x1, s30;
	_ =	swait.ge [sflag:s29], $0x2000  }
0x99: {  	s31 =	sshrl.u32 s5, $0x3;
	s18 =	stileid.u32;
	[sflag:s29] =	ssyncset.done $0x0  }
0x9a: {  	p0 =	sne.s32 s30, s14;
	s0 =	sshll.u32 s18, $0x6;
	[sflag:s29] =	ssyncadd.s32 $0xFFFFE000  }
.Ltmp3:
0x9b: {  	s0 =	sor.u32 $0x1C05, s0;
	[bflag:$0x0] =	sbarrier.arrive $0xFFFF;
	(pc) =	sbr.rel @p0 .LBB2_1-.Ltmp3, $4  }
0x9c: {  	[hbm:s13], [sflag:s0] =	dma.local [spmem:s31], $0x1400  }
0x9d: {  	_ =	swait.ge [sflag:s17], $0x1400  }
0x9e: {  	[sflag:s17] =	ssyncset.done $0x0  }
0x9f: {  	[sflag:s17] =	ssyncadd.s32 $0xFFFFEC00  }
0xa0: {  	_ =	sfence.sel $0x180000  }
0xa1: {  	[bflag:$0x0] =	sbarrier.arrive $0xFFFF  }
0xa2: {  	_ =	strace $0x9000004A  }
0xa3: {  	s0 =	stileid.u32;
	[bflag:$0x2] =	sbarrier.arrive $0xFFFF  }
0xa4: {  	p0 =	sne.s32 s0, $0x0;
	s0 =	rddreg [dreg:$0x2]  }
0xa5: {  	s0 =	sadd.s32 @!p0 $0x100000, s0  }
0xa6: {  	[sflag:s0] =	ssyncadd.tile.s32 @!p0 $0x1;
	_ =	shalt  }
.Lfunc_end2:
_tile_overlayer_lowered:
.L_overlay_start_2:
0xa7: {  	(tag) =	ssettag $0x2  }
0xa8: {  	s0 =	rddreg [dreg:$0x0];
	s2 =	stileid.u32  }
0xa9: {  	s1 =	rddreg [dreg:$0x1];
	p0 =	sne.s32 s2, $0x0  }
0xaa: {  	s3 =	rddreg [dreg:$0x2];
	[bflag:$0x3] =	sbarrier.arrive $0xFFFF;
	s2 =	simm.s32 @!p0 $0x1C05  }
0xab: {  	[timem:s3], [sflag:s2] =	dma.local @!p0 [hbm:s0], s1  }
0xac: {  	s0 =	simm.s32 @!p0 $0x5  }
0xad: {  	_ =	swait.ge @!p0 [sflag:s0], s1  }
0xae: {  	s1 =	ssub.s32 @!p0 $0x0, s1;
	[sflag:s0] =	ssyncset.done @!p0 $0x0  }
0xaf: {  	[sflag:s0] =	ssyncadd.s32 @!p0 s1  }
0xb0: {  	[bflag:$0x3] =	sbarrier.arrive $0xFFFF  }
0xb1: {  	_ =	shalt  }

// kernel: kernel.20.cloned.1.call-start
scs
__scs_entry_jumppad:
0x0: {  	(pc) =	sbr.rel $0x88, $3  }
0x1: {  	(tag) =	ssettag $0x0;
	lr =	simm.s32 $0x1  }
0x2: {  	[smem:$0x3F94] =	sst lr;
	_ =	strace $0xD0000000  }
0x3: {  	_ = 	snop  }
0x4: {  	_ = 	snop  }
0x5: {  	_ = 	snop  }
0x6: {  	_ = 	snop  }
0x7: {  	_ = 	snop  }
__scs_overlays_trampoline_lowered:
0x8: {  	[smem:$0x3FA3] =	sst s0  }
0x9: {  	[smem:$0x3FA4] =	sst s1  }
0xa: {  	[smem:$0x3FA5] =	sst s2  }
0xb: {  	[smem:$0x3FA6] =	sst s3  }
0xc: {  	[smem:$0x3FA7] =	sst s4  }
0xd: {  	[smem:$0x3FA8] =	sst s5  }
0xe: {  	[smem:$0x3FA9] =	sst s6  }
0xf: {  	[smem:$0x3FAA] =	sst s7  }
0x10: {  	[smem:$0x3FAB] =	sst s8  }
0x11: {  	[smem:$0x3FAC] =	sst s9;
	s0 =	simm.s32 @!p0 $0x0  }
0x12: {  	s1 =	sld [smem:$0x3F92];
	s0 =	simm.s32 @p0 $0x1  }
0x13: {  	[smem:$0x3FAD] =	sst s0;
	s0 =	simm.s32 @!p1 $0x0  }
0x14: {  	s2 =	sld [smem:$0x3F91];
	s0 =	simm.s32 @p1 $0x1  }
0x15: {  	[smem:$0x3FAE] =	sst s0;
	s0 =	simm.s32 @!p2 $0x0  }
0x16: {  	s3 =	sld [smem:$0x3FDB];
	s0 =	simm.s32 @p2 $0x1  }
0x17: {  	s4 =	simm.s32 $0x1BF5;
	[smem:$0x3FB0] =	sst s0  }
0x18: {  	s0 =	sld [smem:$0x3F93];
	_ =	swait.ge [sflag:s4], $0x0  }
0x19: {  	s7 =	sld [smem:$0x3F94]  }
0x1a: {  	s8 =	sadd.s32 $0xFFFFE003, lr  }
0x1b: {  	s9 =	sadd.s32 $0xFFFFFEF7, lr;
	s5 =	simm.s32 $0xFFFFFFFF;
	p2 =	slt.u32 s8, $0xFFFFF086  }
0x1c: {  	p1 =	slt.u32 s9, $0xF7A;
	s5 =	simm.s32 @!p2 $0x0  }
0x1d: {  	s5 =	simm.s32 @p1 $0x1;
	p0 =	seq.s32 s7, s2  }
0x1e: {  	s7 =	smul.u32 @!p0 $0xF7A, s2;
	p2 =	seq.s32 @!p0 s5, $0x0  }
0x1f: {  	s9 =	smul.u32 $0xF7A, s1;
	s8 =	simm.s32 @!p0 $0x1BF5;
	p2 =	por !p2, p0  }
0x20: {  	[sflag:s8] =	ssyncset.s32 @!p0 $0xFFFFF086;
	s6 =	sadd.s32 @!p0 s3, s7;
	s7 =	simm.s32 @!p0 $0x108  }
0x21: {  	s3 =	sadd.s32 s3, s9;
	s6 =	sadd.s32 @!p0 $0x88, s6;
	s7 =	simm.s32 @p2 $0x1082  }
0x22: {  	[simem:s7], [sflag:s8] =	dma.local @!p0 [hbm:s6], $0xF7A  }
0x23: {  	s9 =	sor.u32 $0xD0000000, s2;
	s6 =	simm.s32 $0x108;
	_ =	swait.ge @!p0 [sflag:s8], $0x0  }
0x24: {  	s3 =	sadd.s32 $0x88, s3;
	s6 =	simm.s32 @!p1 $0x1082;
	[sflag:s4] =	ssyncset.s32 $0xFFFFF086  }
0x25: {  	[simem:s6], [sflag:s4] =	dma.local [hbm:s3], $0xF7A  }
0x26: {  	[smem:$0x3F94] =	sst s1;
	(tag) =	ssettag s2;
	_ =	strace s9  }
0x27: {  	s1 =	sld [smem:$0x3FA4]  }
0x28: {  	s2 =	sld [smem:$0x3FA5]  }
0x29: {  	s4 =	sld [smem:$0x3FA7]  }
0x2a: {  	p0 =	seq.s32 s5, $0x0;
	s5 =	sld [smem:$0x3FA8]  }
0x2b: {  	s6 =	sld [smem:$0x3FA9]  }
0x2c: {  	s7 =	sld [smem:$0x3FAA]  }
0x2d: {  	s3 =	simm.s32 $0x108;
	s8 =	sld [smem:$0x3FAB]  }
0x2e: {  	s3 =	simm.s32 @!p0 $0x1082;
	s9 =	sld [smem:$0x3FAC]  }
0x2f: {  	lr =	sadd.s32 s0, s3;
	s0 =	sld [smem:$0x3FA3]  }
0x30: {  	s3 =	sld [smem:$0x3FA6]  }
0x31: {  	[smem:$0x3FAF] =	sst s10  }
0x32: {  	s10 =	sld [smem:$0x3FAD];
	_ =	sdelay $0x3  }
0x33: {  	p0 =	seq.s32 s10, $0x1;
	s10 =	sld [smem:$0x3FAF];
	_ =	sdelay $0x3  }
0x34: {  	[smem:$0x3FAF] =	sst s10  }
0x35: {  	s10 =	sld [smem:$0x3FAE];
	_ =	sdelay $0x3  }
0x36: {  	p1 =	seq.s32 s10, $0x1;
	s10 =	sld [smem:$0x3FAF];
	_ =	sdelay $0x3  }
0x37: {  	[smem:$0x3FAF] =	sst s10  }
0x38: {  	s10 =	sld [smem:$0x3FB0]  }
0x39: {  	_ = 	snop;
	(pc) =	sbr.ind lr, $3  }
0x3a: {  	_ = 	snop  }
0x3b: {  	_ = 	snop  }
0x3c: {  	p2 =	seq.s32 s10, $0x1;
	s10 =	sld [smem:$0x3FAF]  }
0x3d: {  	_ =	shalt  }
0x3e: {  	_ =	shalt  }
0x3f: {  	_ =	shalt  }
0x40: {  	_ =	shalt  }
0x41: {  	_ =	shalt  }
0x42: {  	_ =	shalt  }
0x43: {  	_ =	shalt  }
0x44: {  	_ =	shalt  }
0x45: {  	_ =	shalt  }
0x46: {  	_ =	shalt  }
0x47: {  	_ =	shalt  }
0x48: {  	_ =	shalt  }
0x49: {  	_ =	shalt  }
0x4a: {  	_ =	shalt  }
0x4b: {  	_ =	shalt  }
0x4c: {  	_ =	shalt  }
0x4d: {  	_ =	shalt  }
0x4e: {  	_ =	shalt  }
0x4f: {  	_ =	shalt  }
0x50: {  	_ =	shalt  }
0x51: {  	_ =	shalt  }
0x52: {  	_ =	shalt  }
0x53: {  	_ =	shalt  }
0x54: {  	_ =	shalt  }
0x55: {  	_ =	shalt  }
0x56: {  	_ =	shalt  }
0x57: {  	_ =	shalt  }
0x58: {  	_ =	shalt  }
0x59: {  	_ =	shalt  }
0x5a: {  	_ =	shalt  }
0x5b: {  	_ =	shalt  }
0x5c: {  	_ =	shalt  }
0x5d: {  	_ =	shalt  }
0x5e: {  	_ =	shalt  }
0x5f: {  	_ =	shalt  }
0x60: {  	_ =	shalt  }
0x61: {  	_ =	shalt  }
0x62: {  	_ =	shalt  }
0x63: {  	_ =	shalt  }
0x64: {  	_ =	shalt  }
0x65: {  	_ =	shalt  }
0x66: {  	_ =	shalt  }
0x67: {  	_ =	shalt  }
0x68: {  	_ =	shalt  }
0x69: {  	_ =	shalt  }
0x6a: {  	_ =	shalt  }
0x6b: {  	_ =	shalt  }
0x6c: {  	_ =	shalt  }
0x6d: {  	_ =	shalt  }
0x6e: {  	_ =	shalt  }
0x6f: {  	_ =	shalt  }
0x70: {  	_ =	shalt  }
0x71: {  	_ =	shalt  }
0x72: {  	_ =	shalt  }
0x73: {  	_ =	shalt  }
0x74: {  	_ =	shalt  }
0x75: {  	_ =	shalt  }
0x76: {  	_ =	shalt  }
0x77: {  	_ =	shalt  }
0x78: {  	_ =	shalt  }
0x79: {  	_ =	shalt  }
0x7a: {  	_ =	shalt  }
0x7b: {  	_ =	shalt  }
0x7c: {  	_ =	shalt  }
0x7d: {  	_ =	shalt  }
0x7e: {  	_ =	shalt  }
0x7f: {  	_ =	shalt  }
0x80: {  	_ =	shalt  }
0x81: {  	_ =	shalt  }
0x82: {  	_ =	shalt  }
0x83: {  	_ =	shalt  }
0x84: {  	_ =	shalt  }
0x85: {  	_ =	shalt  }
0x86: {  	_ =	shalt  }
0x87: {  	_ =	shalt  }
.Lfunc_end0:
.L_simem_size_0:
called_computation.2_lowered:
.L_overlay_start_0:
0x88: {  	s2 =	sld [smem:$0x3FD9]  }
0x89: {  	s3 =	sld [smem:$0x3FFE];
	_ =	sdelay $0x1  }
0x8a: {  	s1 =	srdreg.scid  }
0x8b: {  	s0 =	sand.u32 $0x1, s1  }
0x8c: {  	s16 =	sshll.u32 s0, $0xA;
	s2 =	sadd.s32 s3, s2  }
0x8d: {  	s2 =	sadd.s32 s2, s16  }
0x8e: {  	[smem:$0x3FBB] =	sst s2  }
0x8f: {  	_ = 	snop  }
0x90: {  	(tm) =	ssettm $0x1  }
0x91: {  	s17 =	sld [smem:$0x3FFB];
	_ =	sdelay $0x3  }
0x92: {  	_ =	strace s17  }
0x93: {  	s2 =	sld [smem:$0x3FFC];
	_ =	sdelay $0x3  }
0x94: {  	_ =	strace s2  }
0x95: {  	s2 =	sld [smem:$0x3FFD];
	_ =	sdelay $0x3  }
0x96: {  	_ =	strace s2  }
0x97: {  	_ =	strace $0x8FFFFFFF  }
0x98: {  	s18 =	sld [smem:$0x3FDB];
	_ =	sdelay $0x1  }
0x99: {  	s19 =	simm.s32 $_scs_section_size  }
0x9a: {  	s4 =	simm.s32 $_size__tile_overlayer_lowered;
	s5 =	simm.s32 $_tile_overlayer_lowered  }
0x9b: {  	s22 =	simm.s32 $0x1BFF;
	s21 =	sshll.u32 s5, $0x1;
	s2 =	sadd.s32 s19, s18  }
0x9c: {  	s6 =	simm.s32 $0x0;
	s20 =	sshll.u32 s4, $0x1;
	s4 =	sadd.s32 s21, s2  }
0x9d: {  	[timem:s6], [sflag:s22] =	dma.local [hbm:s4], s20  }
0x9e: {  	_ =	swait.ge [sflag:s22], s20  }
0x9f: {  	s3 =	ssub.s32 $0x0, s20;
	[sflag:s22] =	ssyncset.done $0x0  }
0xa0: {  	[sflag:s22] =	ssyncadd.s32 s3;
	_ =	sdelay $0x1  }
0xa1: {  	s23 =	simm.s32 $0x1B8B  }
0xa2: {  	_ =	swait.ge [sflag:s23], $0x1  }
0xa3: {  	[sflag:s23] =	ssyncset.done $0x0  }
0xa4: {  	s25 =	simm.s32 $0x1B8E;
	s24 =	sld [smem:$0x3FFE];
	[sflag:s23] =	ssyncadd.s32 $0xFFFFFFFF  }
0xa5: {  	s26 =	simm.s32 $execute0_lowered;
	[smem:$0x3FD2] =	sst s25  }
0xa6: {  	s4 =	sshll.u32 s26, $0x1;
	_ =	strace $0x8000004C;
	[dreg:$0x1] =	wrdreg $0xFFFFFFFF  }
0xa7: {  	s28 =	simm.s32 $_size_execute0_lowered;
	s2 =	sadd.s32 s2, s4;
	[dreg:$0x0] =	wrdreg $0x0  }
0xa8: {  	s4 =	sshll.u32 s28, $0x1;
	[dreg:$0x2] =	wrdreg s2  }
0xa9: {  	[dreg:$0x3] =	wrdreg s4  }
0xaa: {  	[dreg:$0x4] =	wrdreg $0xC0  }
0xab: {  	_ =	task [dreg:s6], $0x5FFFF  }
0xac: {  	[dreg:$0x1] =	wrdreg $0xFFFFFFFF  }
0xad: {  	[dreg:$0x0] =	wrdreg $0x60  }
0xae: {  	[dreg:$0x2] =	wrdreg s24  }
0xaf: {  	[dreg:$0x3] =	wrdreg $0x94000  }
0xb0: {  	[dreg:$0x4] =	wrdreg $0x9  }
0xb1: {  	_ =	task.clear_ibuf [dreg:s6], $0x5FFFF;
	_ =	strace $0x9000004C  }
0xb2: {  	s29 =	simm.s32 $0x9;
	_ =	strace $0x8000004E  }
0xb3: {  	_ =	swait.ge [sflag:s29], $0x1  }
0xb4: {  	[sflag:s29] =	ssyncadd.s32 $0xFFFFFFFF  }
0xb5: {  	_ =	strace $0x9000004E  }
0xb6: {  	_ =	sfence  }
0xb7: {  	s30 =	sld [smem:$0x0];
	_ =	sdelay $0x2  }
0xb8: {  	s31 =	sshll.u32 s1, $0xD;
	s1 =	sshrl.u32 s1, $0x2  }
0xb9: {  	s3 =	sand.u32 $0x4000, s31;
	s1 =	sadd.s32 s1, s30  }
0xba: {  	s0 =	sor.u32 s3, s0;
	s1 =	sshll.u32 s1, $0x11  }
0xbb: {  	s0 =	sor.u32 s1, s0  }
0xbc: {  	s0 =	sadd.s32 $0x8F2B, s0  }
0xbd: {  	[sflag:s0] =	ssyncadd.remote.s32 $0x1  }
0xbe: {  	_ =	sfence.sel $0xFFFF  }
0xbf: {  	[dreg:$0x0] =	wrdreg $0xFFFFFFFF;
	(pc) =	sbr.abs _section_cstart, $3  }
0xc0: {  	[dreg:$0x1] =	wrdreg $0xFFFFFFFF  }
0xc1: {  	_ =	task.clear_ibuf [dreg:s6], $0x2FFFF;
	_ =	strace $0x9FFFFFFF  }
0xc2: {  	(tm) =	ssettm $0x7FFFFFFF  }
0xc3: {  	_ =	shalt  }
tec
execute0_lowered:
.L_overlay_start_1:
0x0: {  	(tag) =	ssettag $0x1  }
0x1: {  	s0 =	srdreg.scid;
	s5 =	rddreg [dreg:$0x0]  }
0x2: {  	s4 =	stileid.u32;
	s2 =	rddreg [dreg:$0x1]  }
0x3: {  	s3 =	simm.s32 $0x0;
	s16 =	simm.s32 $0x7400;
	s17 =	simm.s32 $0x5  }
0x4: {  	s19 =	simm.s32 $0x100;
	s20 =	simm.s32 $0x13400;
	s21 =	simm.s32 $0x17400  }
0x5: {  	s22 =	simm.s32 $0x1;
	s23 =	simm.s32 $0x80;
	s24 =	simm.s32 $0x15400  }
0x6: {  	s25 =	simm.s32 $0x2;
	s26 =	simm.s32 $0x19400;
	s28 =	simm.s32 $0x3  }
0x7: {  	s29 =	simm.s32 $0x4;
	s30 =	simm.s32 $0x0;
	s0 =	sand.u32 $0x1, s0  }
0x8: {  	s1 =	sshll.u32 s4, $0x1;
	s6 =	smul.u32 $0xA000, s4;
	[smem:$0x7FF] =	sst s3  }
0x9: {  	s8 =	smul.u32 $0x28000, s4;
	s4 =	sadd.s32 $0x3E00, s5;
	s1 =	sor.u32 s0, s1  }
0xa: {  	s7 =	smul.u32 $0xA0000, s0;
	_ =	strace $0x8000004D;
	s9 =	ssub.s32 $0x2, s0  }
0xb: {  	p0 =	seq.s32 s0, $0x0;
	s0 =	simm.s32 $0x1D;
	s1 =	smul.u32 $0x740, s1  }
0xc: {  	s8 =	sshrl.u32 s8, $0x2;
	s31 =	sshrl.u32 s9, $0x1;
	s0 =	simm.s32 @!p0 $0xB  }
0xd: {  	s7 =	sadd.s32 s6, s7;
	s10 =	sadd.s32 s8, s2;
	s14 =	ssub.s32 s9, s31  }
0xe: {  	s12 =	sadd.s32 $0xFFFFFFFF, s0;
	s0 =	sshll.u32 s0, $0xB;
	s1 =	sadd.s32 s1, s5  }
0xf: {  	s7 =	sshrl.u32 s7, $0x3;
	s8 =	sadd.s32 $0x6000, s10;
	s9 =	sadd.s32 $0x8000, s10  }
0x10: {  	s14 =	smax.u32 s14, $0x1;
	s15 =	sadd.s32 $0xFFFFF800, s0;
	s13 =	sadd.s32 s7, s5  }
0x11: {  	s5 =	sadd.s32 s6, s2;
	s6 =	sadd.s32 $0x2000, s10;
	s7 =	sadd.s32 $0x4000, s10  }
0x12: {  	v0 =	vimm.f32 $0.0e+00;
	s10 =	sadd.s32 $0x2B600, s1;
	s11 =	sadd.s32 $0x1CE00, s1;
	s13 =	sadd.s32 $0x39E00, s13  }
.LBB2_1:
0x13: {  	s0 =	sand.u32 $0x7F00, s3  }
0x14: {  	s31 =	sand.u32 $0x30, s3;
	s0 =	sshrl.u32 s0, $0x2  }
0x15: {  	s1 =	simm.s32 $0x40;
	s0 =	sor.u32 s31, s0;
	s31 =	simm.s32 $0x0  }
.LBB2_2:
0x16: {  	p0 =	sne.s32 s1, $0x7FC0  }
0x17: {  	[tilespmem:s0+$0x7400] =	vst v0;
	s31 =	sadd.s32 $0x10, s31;
	s0 =	smov.u32 s1;
	s1 =	sadd.s32 $0x40, s1  }
.Ltmp0:
0x18: {  	(pc) =	sbr.rel @p0 .LBB2_2-.Ltmp0, $4  }
0x19: {  	_ = 	snop  }
0x1a: {  	s0 =	sand.u32 $0x7F00, s0  }
0x1b: {  	s18 =	sand.u32 $0x30, s31;
	s0 =	sshrl.u32 s0, $0x2  }
0x1c: {  	s0 =	sor.u32 s18, s0  }
0x1d: {  	[tilespmem:s0+$0x7400] =	vst v0  }
0x1e: {  	[spmem:s5] =	stream.linear.scatter [tilespmem:s16], [sflag:$0x5], $0x2000, $0x38;
	[tilespmem:$0x1B400] =	vst v63  }
0x1f: {  	_ =	swait.ge [sflag:s17], $0x2000  }
0x20: {  	[sflag:s17] =	ssyncset.done $0x0  }
0x21: {  	[sflag:s17] =	ssyncadd.s32 $0xFFFFE000  }
0x22: {  	[spmem:s6] =	stream.linear.scatter [tilespmem:s16], [sflag:$0x5], $0x2000, $0x38;
	[tilespmem:$0x1B400] =	vst v63  }
0x23: {  	_ =	swait.ge [sflag:s17], $0x2000  }
0x24: {  	[sflag:s17] =	ssyncset.done $0x0  }
0x25: {  	[sflag:s17] =	ssyncadd.s32 $0xFFFFE000  }
0x26: {  	[spmem:s7] =	stream.linear.scatter [tilespmem:s16], [sflag:$0x5], $0x2000, $0x38;
	[tilespmem:$0x1B400] =	vst v63  }
0x27: {  	_ =	swait.ge [sflag:s17], $0x2000  }
0x28: {  	[sflag:s17] =	ssyncset.done $0x0  }
0x29: {  	[sflag:s17] =	ssyncadd.s32 $0xFFFFE000  }
0x2a: {  	[spmem:s8] =	stream.linear.scatter [tilespmem:s16], [sflag:$0x5], $0x2000, $0x38;
	[tilespmem:$0x1B400] =	vst v63  }
0x2b: {  	_ =	swait.ge [sflag:s17], $0x2000  }
0x2c: {  	[sflag:s17] =	ssyncset.done $0x0  }
0x2d: {  	[sflag:s17] =	ssyncadd.s32 $0xFFFFE000  }
0x2e: {  	[spmem:s9] =	stream.linear.scatter [tilespmem:s16], [sflag:$0x5], $0x2000, $0x38;
	[tilespmem:$0x1B400] =	vst v63  }
0x2f: {  	_ =	swait.ge [sflag:s17], $0x2000  }
0x30: {  	[sflag:s17] =	ssyncset.done $0x0  }
0x31: {  	s18 =	simm.s32 $0x0;
	[sflag:s17] =	ssyncadd.s32 $0xFFFFE000  }
0x32: {  	[tilespmem:s18], [sflag:$0x5] =	stream.linear.gather [hbm4b:s10+s18], $0x3A00, $0x38;
	[tilespmem:$0x1B400] =	vst v63  }
0x33: {  	_ =	swait.ge [sflag:s17], $0x3A00  }
0x34: {  	[sflag:s17] =	ssyncset.done $0x0  }
0x35: {  	s1 =	simm.s32 $0x3A00;
	[sflag:s17] =	ssyncadd.s32 $0xFFFFC600  }
0x36: {  	[tilespmem:s1], [sflag:$0x5] =	stream.linear.gather [hbm4b:s11+s18], $0x3A00, $0x38;
	[tilespmem:$0x1B400] =	vst v63  }
0x37: {  	_ =	swait.ge [sflag:s17], $0x3A00  }
0x38: {  	[sflag:s17] =	ssyncset.done $0x0  }
0x39: {  	[sflag:s17] =	ssyncadd.s32 $0xFFFFC600  }
0x3a: {  	[bflag:$0x0] =	sbarrier.arrive $0xFFFF  }
0x3b: {  	[tilespmem:s20], [sflag:$0x1] =	stream.indirect.gather [hbm4b:s4+s19], $0x40, s18, s19, $0xb8;
	[tilespmem:$0x1B400] =	vst v63  }
0x3c: {  	_ = 	snop  }
0x3d: {  	[tilespmem:s21], [sflag:$0x2] =	stream.indirect.gather [hbm4b:s4+s19], $0x40, s19, s19, $0xb8;
	[tilespmem:$0x1B400] =	vst v63  }
0x3e: {  	_ =	swait.ge [sflag:s22], $0x4000  }
0x3f: {  	[sflag:s22] =	ssyncset.done $0x0  }
0x40: {  	s18 =	simm.s32 $0x3A00;
	[sflag:s22] =	ssyncadd.s32 $0xFFFFC000  }
0x41: {  	[spmem:s2] =	stream.indirect.scatter.add.f32 [tilespmem:s20], [sflag:$0x3], $0x40, s18, s23, $0xb8;
	[tilespmem:$0x1B400] =	vst v63  }
0x42: {  	s1 =	simm.s32 $0x3A80  }
0x43: {  	[spmem:s2] =	stream.indirect.scatter.add.f32 [tilespmem:s24], [sflag:$0x3], $0x40, s1, s23, $0xb8;
	[tilespmem:$0x1B400] =	vst v63  }
0x44: {  	_ =	swait.ge [sflag:s25], $0x4000  }
0x45: {  	[sflag:s25] =	ssyncset.done $0x0  }
0x46: {  	s18 =	simm.s32 $0x3B00;
	[sflag:s25] =	ssyncadd.s32 $0xFFFFC000  }
0x47: {  	[spmem:s2] =	stream.indirect.scatter.add.f32 [tilespmem:s21], [sflag:$0x4], $0x40, s18, s23, $0xb8;
	[tilespmem:$0x1B400] =	vst v63  }
0x48: {  	s1 =	simm.s32 $0x3B80  }
0x49: {  	[spmem:s2] =	stream.indirect.scatter.add.f32 [tilespmem:s26], [sflag:$0x4], $0x40, s1, s23, $0xb8;
	[tilespmem:$0x1B400] =	vst v63  }
0x4a: {  	_ =	swait.ge [sflag:s28], $0x2000  }
0x4b: {  	[sflag:s28] =	ssyncset.done $0x0  }
0x4c: {  	[sflag:s28] =	ssyncadd.s32 $0xFFFFE000  }
0x4d: {  	_ =	swait.ge [sflag:s28], $0x2000  }
0x4e: {  	[sflag:s28] =	ssyncset.done $0x0  }
0x4f: {  	s18 =	simm.s32 $0x200;
	[sflag:s28] =	ssyncadd.s32 $0xFFFFE000  }
0x50: {  	[tilespmem:s20], [sflag:$0x1] =	stream.indirect.gather [hbm4b:s4+s19], $0x40, s18, s19, $0xb8;
	[tilespmem:$0x1B400] =	vst v63  }
0x51: {  	p0 =	sne.s32 s15, $0x800;
	_ =	swait.ge [sflag:s29], $0x2000  }
.Ltmp1:
0x52: {  	[sflag:s29] =	ssyncset.done $0x0;
	(pc) =	sbr.rel @!p0 .LBB2_5-.Ltmp1, $4  }
0x53: {  	[sflag:s29] =	ssyncadd.s32 $0xFFFFE000  }
0x54: {  	_ =	swait.ge [sflag:s29], $0x2000  }
0x55: {  	s31 =	simm.s32 $0x800;
	[sflag:s29] =	ssyncset.done $0x0  }
0x56: {  	s0 =	simm.s32 $0x300;
	s1 =	simm.s32 $0x1;
	[sflag:s29] =	ssyncadd.s32 $0xFFFFE000  }
.LBB2_4:
0x57: {  	[tilespmem:s21], [sflag:$0x2] =	stream.indirect.gather [hbm4b:s4+s19], $0x40, s0, s19, $0xb8;
	[tilespmem:$0x1B400] =	vst v63  }
0x58: {  	s0 =	smov.u32 s31;
	s31 =	sadd.s32 $0x800, s31;
	_ =	swait.ge [sflag:s22], $0x4000  }
0x59: {  	s0 =	sshra.s32 s0, $0x2;
	p0 =	sne.s32 s15, s31;
	[sflag:s22] =	ssyncset.done $0x0  }
0x5a: {  	s18 =	sadd.s32 $0x3A00, s0;
	[sflag:s22] =	ssyncadd.s32 $0xFFFFC000  }
0x5b: {  	[spmem:s2] =	stream.indirect.scatter.add.f32 [tilespmem:s20], [sflag:$0x3], $0x40, s18, s23, $0xb8;
	[tilespmem:$0x1B400] =	vst v63  }
0x5c: {  	s18 =	sadd.s32 $0x3A80, s0  }
0x5d: {  	[spmem:s2] =	stream.indirect.scatter.add.f32 [tilespmem:s24], [sflag:$0x3], $0x40, s18, s23, $0xb8;
	[tilespmem:$0x1B400] =	vst v63  }
0x5e: {  	_ =	swait.ge [sflag:s25], $0x4000  }
0x5f: {  	[sflag:s25] =	ssyncset.done $0x0  }
0x60: {  	s18 =	sadd.s32 $0x3B00, s0;
	[sflag:s25] =	ssyncadd.s32 $0xFFFFC000  }
0x61: {  	[spmem:s2] =	stream.indirect.scatter.add.f32 [tilespmem:s21], [sflag:$0x4], $0x40, s18, s23, $0xb8;
	[tilespmem:$0x1B400] =	vst v63  }
0x62: {  	s18 =	sadd.s32 $0x3B80, s0  }
0x63: {  	[spmem:s2] =	stream.indirect.scatter.add.f32 [tilespmem:s26], [sflag:$0x4], $0x40, s18, s23, $0xb8;
	[tilespmem:$0x1B400] =	vst v63  }
0x64: {  	_ =	swait.ge [sflag:s28], $0x2000  }
0x65: {  	[sflag:s28] =	ssyncset.done $0x0  }
0x66: {  	[sflag:s28] =	ssyncadd.s32 $0xFFFFE000  }
0x67: {  	_ =	swait.ge [sflag:s28], $0x2000  }
0x68: {  	[sflag:s28] =	ssyncset.done $0x0  }
0x69: {  	s18 =	sadd.s32 $0x200, s0;
	[sflag:s28] =	ssyncadd.s32 $0xFFFFE000  }
0x6a: {  	[tilespmem:s20], [sflag:$0x1] =	stream.indirect.gather [hbm4b:s4+s19], $0x40, s18, s19, $0xb8;
	[tilespmem:$0x1B400] =	vst v63  }
0x6b: {  	_ =	swait.ge [sflag:s29], $0x2000  }
.Ltmp2:
0x6c: {  	[sflag:s29] =	ssyncset.done $0x0;
	(pc) =	sbr.rel @p0 .LBB2_4-.Ltmp2, $4  }
0x6d: {  	[sflag:s29] =	ssyncadd.s32 $0xFFFFE000  }
0x6e: {  	_ =	swait.ge [sflag:s29], $0x2000  }
0x6f: {  	[sflag:s29] =	ssyncset.done $0x0  }
0x70: {  	s1 =	sadd.s32 $0x1, s1;
	s0 =	sadd.s32 $0x300, s0;
	[sflag:s29] =	ssyncadd.s32 $0xFFFFE000  }
.LBB2_5:
0x71: {  	[tilespmem:s21], [sflag:$0x2] =	stream.indirect.gather [hbm4b:s4+s19], $0x40, s0, s19, $0xb8;
	[tilespmem:$0x1B400] =	vst v63  }
0x72: {  	_ =	swait.ge [sflag:s22], $0x4000  }
0x73: {  	s0 =	sshra.s32 s31, $0x2;
	[sflag:s22] =	ssyncset.done $0x0  }
0x74: {  	s18 =	sadd.s32 $0x3A00, s0;
	[sflag:s22] =	ssyncadd.s32 $0xFFFFC000  }
0x75: {  	[spmem:s2] =	stream.indirect.scatter.add.f32 [tilespmem:s20], [sflag:$0x3], $0x40, s18, s23, $0xb8;
	[tilespmem:$0x1B400] =	vst v63  }
0x76: {  	s18 =	sadd.s32 $0x3A80, s0  }
0x77: {  	[spmem:s2] =	stream.indirect.scatter.add.f32 [tilespmem:s24], [sflag:$0x3], $0x40, s18, s23, $0xb8;
	[tilespmem:$0x1B400] =	vst v63  }
0x78: {  	_ =	swait.ge [sflag:s25], $0x4000  }
0x79: {  	[sflag:s25] =	ssyncset.done $0x0  }
0x7a: {  	s18 =	sadd.s32 $0x3B00, s0;
	[sflag:s25] =	ssyncadd.s32 $0xFFFFC000  }
0x7b: {  	[spmem:s2] =	stream.indirect.scatter.add.f32 [tilespmem:s21], [sflag:$0x4], $0x40, s18, s23, $0xb8;
	[tilespmem:$0x1B400] =	vst v63  }
0x7c: {  	p0 =	sge.u32 s1, s12;
	s0 =	sadd.s32 $0x3B80, s0  }
0x7d: {  	[spmem:s2] =	stream.indirect.scatter.add.f32 [tilespmem:s26], [sflag:$0x4], $0x40, s0, s23, $0xb8;
	[tilespmem:$0x1B400] =	vst v63  }
0x7e: {  	s0 =	simm.s32 @!p0 $0x3  }
0x7f: {  	_ =	swait.ge @!p0 [sflag:s0], $0x2000  }
0x80: {  	[sflag:s0] =	ssyncset.done @!p0 $0x0  }
0x81: {  	[sflag:s0] =	ssyncadd.s32 @!p0 $0xFFFFE000  }
0x82: {  	_ =	swait.ge @!p0 [sflag:s0], $0x2000  }
0x83: {  	[sflag:s0] =	ssyncset.done @!p0 $0x0  }
0x84: {  	[sflag:s0] =	ssyncadd.s32 @!p0 $0xFFFFE000;
	s0 =	sshra.s32 @!p0 s31, $0x2  }
0x85: {  	s18 =	simm.s32 @!p0 $0x100;
	s31 =	simm.s32 @!p0 $0x13400;
	s1 =	sadd.s32 @!p0 $0x200, s0  }
0x86: {  	[tilespmem:s31], [sflag:$0x1] =	stream.indirect.gather @!p0 [hbm4b:s4+s18], $0x40, s1, s18, $0xb8;
	[tilespmem:$0x1B400] =	vst v63  }
0x87: {  	s1 =	simm.s32 @!p0 $0x4  }
0x88: {  	_ =	swait.ge @!p0 [sflag:s1], $0x2000  }
0x89: {  	[sflag:s1] =	ssyncset.done @!p0 $0x0  }
0x8a: {  	[sflag:s1] =	ssyncadd.s32 @!p0 $0xFFFFE000  }
0x8b: {  	_ =	swait.ge @!p0 [sflag:s1], $0x2000  }
0x8c: {  	[sflag:s1] =	ssyncset.done @!p0 $0x0  }
0x8d: {  	s0 =	sadd.s32 @!p0 $0x300, s0;
	[sflag:s1] =	ssyncadd.s32 @!p0 $0xFFFFE000;
	s1 =	simm.s32 @!p0 $0x17400  }
0x8e: {  	[tilespmem:s1], [sflag:$0x2] =	stream.indirect.gather @!p0 [hbm4b:s4+s18], $0x40, s0, s18, $0xb8;
	[tilespmem:$0x1B400] =	vst v63  }
0x8f: {  	_ =	swait.ge [sflag:s28], $0x2000  }
0x90: {  	[sflag:s28] =	ssyncset.done $0x0  }
0x91: {  	[sflag:s28] =	ssyncadd.s32 $0xFFFFE000  }
0x92: {  	_ =	swait.ge [sflag:s28], $0x2000  }
0x93: {  	[sflag:s28] =	ssyncset.done $0x0  }
0x94: {  	[sflag:s28] =	ssyncadd.s32 $0xFFFFE000  }
0x95: {  	_ =	swait.ge [sflag:s29], $0x2000  }
0x96: {  	[sflag:s29] =	ssyncset.done $0x0  }
0x97: {  	[sflag:s29] =	ssyncadd.s32 $0xFFFFE000  }
0x98: {  	s30 =	sadd.s32 $0x1, s30;
	_ =	swait.ge [sflag:s29], $0x2000  }
0x99: {  	s31 =	sshrl.u32 s5, $0x3;
	s18 =	stileid.u32;
	[sflag:s29] =	ssyncset.done $0x0  }
0x9a: {  	p0 =	sne.s32 s30, s14;
	s0 =	sshll.u32 s18, $0x6;
	[sflag:s29] =	ssyncadd.s32 $0xFFFFE000  }
.Ltmp3:
0x9b: {  	s0 =	sor.u32 $0x1C05, s0;
	[bflag:$0x0] =	sbarrier.arrive $0xFFFF;
	(pc) =	sbr.rel @p0 .LBB2_1-.Ltmp3, $4  }
0x9c: {  	[hbm:s13], [sflag:s0] =	dma.local [spmem:s31], $0x1400  }
0x9d: {  	_ =	swait.ge [sflag:s17], $0x1400  }
0x9e: {  	[sflag:s17] =	ssyncset.done $0x0  }
0x9f: {  	[sflag:s17] =	ssyncadd.s32 $0xFFFFEC00  }
0xa0: {  	_ =	sfence.sel $0x180000  }
0xa1: {  	[bflag:$0x0] =	sbarrier.arrive $0xFFFF  }
0xa2: {  	_ =	strace $0x9000004D  }
0xa3: {  	s0 =	stileid.u32;
	[bflag:$0x2] =	sbarrier.arrive $0xFFFF  }
0xa4: {  	p0 =	sne.s32 s0, $0x0;
	s0 =	rddreg [dreg:$0x2]  }
0xa5: {  	s0 =	sadd.s32 @!p0 $0x100000, s0  }
0xa6: {  	[sflag:s0] =	ssyncadd.tile.s32 @!p0 $0x1;
	_ =	shalt  }
.Lfunc_end2:
_tile_overlayer_lowered:
.L_overlay_start_2:
0xa7: {  	(tag) =	ssettag $0x2  }
0xa8: {  	s0 =	rddreg [dreg:$0x0];
	s2 =	stileid.u32  }
0xa9: {  	s1 =	rddreg [dreg:$0x1];
	p0 =	sne.s32 s2, $0x0  }
0xaa: {  	s3 =	rddreg [dreg:$0x2];
	[bflag:$0x3] =	sbarrier.arrive $0xFFFF;
	s2 =	simm.s32 @!p0 $0x1C05  }
0xab: {  	[timem:s3], [sflag:s2] =	dma.local @!p0 [hbm:s0], s1  }
0xac: {  	s0 =	simm.s32 @!p0 $0x5  }
0xad: {  	_ =	swait.ge @!p0 [sflag:s0], s1  }
0xae: {  	s1 =	ssub.s32 @!p0 $0x0, s1;
	[sflag:s0] =	ssyncset.done @!p0 $0x0  }
0xaf: {  	[sflag:s0] =	ssyncadd.s32 @!p0 s1  }
0xb0: {  	[bflag:$0x3] =	sbarrier.arrive $0xFFFF  }
0xb1: {  	_ =	shalt  }

// kernel: kernel.23.cloned.1.call-start
scs
__scs_entry_jumppad:
0x0: {  	(pc) =	sbr.rel $0x88, $3  }
0x1: {  	(tag) =	ssettag $0x0;
	lr =	simm.s32 $0x1  }
0x2: {  	[smem:$0x3F94] =	sst lr;
	_ =	strace $0xD0000000  }
0x3: {  	_ = 	snop  }
0x4: {  	_ = 	snop  }
0x5: {  	_ = 	snop  }
0x6: {  	_ = 	snop  }
0x7: {  	_ = 	snop  }
__scs_overlays_trampoline_lowered:
0x8: {  	[smem:$0x3FA3] =	sst s0  }
0x9: {  	[smem:$0x3FA4] =	sst s1  }
0xa: {  	[smem:$0x3FA5] =	sst s2  }
0xb: {  	[smem:$0x3FA6] =	sst s3  }
0xc: {  	[smem:$0x3FA7] =	sst s4  }
0xd: {  	[smem:$0x3FA8] =	sst s5  }
0xe: {  	[smem:$0x3FA9] =	sst s6  }
0xf: {  	[smem:$0x3FAA] =	sst s7  }
0x10: {  	[smem:$0x3FAB] =	sst s8  }
0x11: {  	[smem:$0x3FAC] =	sst s9;
	s0 =	simm.s32 @!p0 $0x0  }
0x12: {  	s1 =	sld [smem:$0x3F92];
	s0 =	simm.s32 @p0 $0x1  }
0x13: {  	[smem:$0x3FAD] =	sst s0;
	s0 =	simm.s32 @!p1 $0x0  }
0x14: {  	s2 =	sld [smem:$0x3F91];
	s0 =	simm.s32 @p1 $0x1  }
0x15: {  	[smem:$0x3FAE] =	sst s0;
	s0 =	simm.s32 @!p2 $0x0  }
0x16: {  	s3 =	sld [smem:$0x3FDB];
	s0 =	simm.s32 @p2 $0x1  }
0x17: {  	s4 =	simm.s32 $0x1BF5;
	[smem:$0x3FB0] =	sst s0  }
0x18: {  	s0 =	sld [smem:$0x3F93];
	_ =	swait.ge [sflag:s4], $0x0  }
0x19: {  	s7 =	sld [smem:$0x3F94]  }
0x1a: {  	s8 =	sadd.s32 $0xFFFFE003, lr  }
0x1b: {  	s9 =	sadd.s32 $0xFFFFFEF7, lr;
	s5 =	simm.s32 $0xFFFFFFFF;
	p2 =	slt.u32 s8, $0xFFFFF086  }
0x1c: {  	p1 =	slt.u32 s9, $0xF7A;
	s5 =	simm.s32 @!p2 $0x0  }
0x1d: {  	s5 =	simm.s32 @p1 $0x1;
	p0 =	seq.s32 s7, s2  }
0x1e: {  	s7 =	smul.u32 @!p0 $0xF7A, s2;
	p2 =	seq.s32 @!p0 s5, $0x0  }
0x1f: {  	s9 =	smul.u32 $0xF7A, s1;
	s8 =	simm.s32 @!p0 $0x1BF5;
	p2 =	por !p2, p0  }
0x20: {  	[sflag:s8] =	ssyncset.s32 @!p0 $0xFFFFF086;
	s6 =	sadd.s32 @!p0 s3, s7;
	s7 =	simm.s32 @!p0 $0x108  }
0x21: {  	s3 =	sadd.s32 s3, s9;
	s6 =	sadd.s32 @!p0 $0x88, s6;
	s7 =	simm.s32 @p2 $0x1082  }
0x22: {  	[simem:s7], [sflag:s8] =	dma.local @!p0 [hbm:s6], $0xF7A  }
0x23: {  	s9 =	sor.u32 $0xD0000000, s2;
	s6 =	simm.s32 $0x108;
	_ =	swait.ge @!p0 [sflag:s8], $0x0  }
0x24: {  	s3 =	sadd.s32 $0x88, s3;
	s6 =	simm.s32 @!p1 $0x1082;
	[sflag:s4] =	ssyncset.s32 $0xFFFFF086  }
0x25: {  	[simem:s6], [sflag:s4] =	dma.local [hbm:s3], $0xF7A  }
0x26: {  	[smem:$0x3F94] =	sst s1;
	(tag) =	ssettag s2;
	_ =	strace s9  }
0x27: {  	s1 =	sld [smem:$0x3FA4]  }
0x28: {  	s2 =	sld [smem:$0x3FA5]  }
0x29: {  	s4 =	sld [smem:$0x3FA7]  }
0x2a: {  	p0 =	seq.s32 s5, $0x0;
	s5 =	sld [smem:$0x3FA8]  }
0x2b: {  	s6 =	sld [smem:$0x3FA9]  }
0x2c: {  	s7 =	sld [smem:$0x3FAA]  }
0x2d: {  	s3 =	simm.s32 $0x108;
	s8 =	sld [smem:$0x3FAB]  }
0x2e: {  	s3 =	simm.s32 @!p0 $0x1082;
	s9 =	sld [smem:$0x3FAC]  }
0x2f: {  	lr =	sadd.s32 s0, s3;
	s0 =	sld [smem:$0x3FA3]  }
0x30: {  	s3 =	sld [smem:$0x3FA6]  }
0x31: {  	[smem:$0x3FAF] =	sst s10  }
0x32: {  	s10 =	sld [smem:$0x3FAD];
	_ =	sdelay $0x3  }
0x33: {  	p0 =	seq.s32 s10, $0x1;
	s10 =	sld [smem:$0x3FAF];
	_ =	sdelay $0x3  }
0x34: {  	[smem:$0x3FAF] =	sst s10  }
0x35: {  	s10 =	sld [smem:$0x3FAE];
	_ =	sdelay $0x3  }
0x36: {  	p1 =	seq.s32 s10, $0x1;
	s10 =	sld [smem:$0x3FAF];
	_ =	sdelay $0x3  }
0x37: {  	[smem:$0x3FAF] =	sst s10  }
0x38: {  	s10 =	sld [smem:$0x3FB0]  }
0x39: {  	_ = 	snop;
	(pc) =	sbr.ind lr, $3  }
0x3a: {  	_ = 	snop  }
0x3b: {  	_ = 	snop  }
0x3c: {  	p2 =	seq.s32 s10, $0x1;
	s10 =	sld [smem:$0x3FAF]  }
0x3d: {  	_ =	shalt  }
0x3e: {  	_ =	shalt  }
0x3f: {  	_ =	shalt  }
0x40: {  	_ =	shalt  }
0x41: {  	_ =	shalt  }
0x42: {  	_ =	shalt  }
0x43: {  	_ =	shalt  }
0x44: {  	_ =	shalt  }
0x45: {  	_ =	shalt  }
0x46: {  	_ =	shalt  }
0x47: {  	_ =	shalt  }
0x48: {  	_ =	shalt  }
0x49: {  	_ =	shalt  }
0x4a: {  	_ =	shalt  }
0x4b: {  	_ =	shalt  }
0x4c: {  	_ =	shalt  }
0x4d: {  	_ =	shalt  }
0x4e: {  	_ =	shalt  }
0x4f: {  	_ =	shalt  }
0x50: {  	_ =	shalt  }
0x51: {  	_ =	shalt  }
0x52: {  	_ =	shalt  }
0x53: {  	_ =	shalt  }
0x54: {  	_ =	shalt  }
0x55: {  	_ =	shalt  }
0x56: {  	_ =	shalt  }
0x57: {  	_ =	shalt  }
0x58: {  	_ =	shalt  }
0x59: {  	_ =	shalt  }
0x5a: {  	_ =	shalt  }
0x5b: {  	_ =	shalt  }
0x5c: {  	_ =	shalt  }
0x5d: {  	_ =	shalt  }
0x5e: {  	_ =	shalt  }
0x5f: {  	_ =	shalt  }
0x60: {  	_ =	shalt  }
0x61: {  	_ =	shalt  }
0x62: {  	_ =	shalt  }
0x63: {  	_ =	shalt  }
0x64: {  	_ =	shalt  }
0x65: {  	_ =	shalt  }
0x66: {  	_ =	shalt  }
0x67: {  	_ =	shalt  }
0x68: {  	_ =	shalt  }
0x69: {  	_ =	shalt  }
0x6a: {  	_ =	shalt  }
0x6b: {  	_ =	shalt  }
0x6c: {  	_ =	shalt  }
0x6d: {  	_ =	shalt  }
0x6e: {  	_ =	shalt  }
0x6f: {  	_ =	shalt  }
0x70: {  	_ =	shalt  }
0x71: {  	_ =	shalt  }
0x72: {  	_ =	shalt  }
0x73: {  	_ =	shalt  }
0x74: {  	_ =	shalt  }
0x75: {  	_ =	shalt  }
0x76: {  	_ =	shalt  }
0x77: {  	_ =	shalt  }
0x78: {  	_ =	shalt  }
0x79: {  	_ =	shalt  }
0x7a: {  	_ =	shalt  }
0x7b: {  	_ =	shalt  }
0x7c: {  	_ =	shalt  }
0x7d: {  	_ =	shalt  }
0x7e: {  	_ =	shalt  }
0x7f: {  	_ =	shalt  }
0x80: {  	_ =	shalt  }
0x81: {  	_ =	shalt  }
0x82: {  	_ =	shalt  }
0x83: {  	_ =	shalt  }
0x84: {  	_ =	shalt  }
0x85: {  	_ =	shalt  }
0x86: {  	_ =	shalt  }
0x87: {  	_ =	shalt  }
.Lfunc_end0:
.L_simem_size_0:
called_computation.3_lowered:
.L_overlay_start_0:
0x88: {  	s2 =	sld [smem:$0x3FD9]  }
0x89: {  	s3 =	sld [smem:$0x3FFE];
	_ =	sdelay $0x1  }
0x8a: {  	s1 =	srdreg.scid  }
0x8b: {  	s0 =	sand.u32 $0x1, s1  }
0x8c: {  	s16 =	sshll.u32 s0, $0xA;
	s2 =	sadd.s32 s3, s2  }
0x8d: {  	s2 =	sadd.s32 s2, s16  }
0x8e: {  	[smem:$0x3FBB] =	sst s2  }
0x8f: {  	_ = 	snop  }
0x90: {  	(tm) =	ssettm $0x1  }
0x91: {  	s17 =	sld [smem:$0x3FFB];
	_ =	sdelay $0x3  }
0x92: {  	_ =	strace s17  }
0x93: {  	s2 =	sld [smem:$0x3FFC];
	_ =	sdelay $0x3  }
0x94: {  	_ =	strace s2  }
0x95: {  	s2 =	sld [smem:$0x3FFD];
	_ =	sdelay $0x3  }
0x96: {  	_ =	strace s2  }
0x97: {  	_ =	strace $0x8FFFFFFF  }
0x98: {  	s18 =	sld [smem:$0x3FDB];
	_ =	sdelay $0x1  }
0x99: {  	s19 =	simm.s32 $_scs_section_size  }
0x9a: {  	s4 =	simm.s32 $_size__tile_overlayer_lowered;
	s5 =	simm.s32 $_tile_overlayer_lowered  }
0x9b: {  	s22 =	simm.s32 $0x1BFF;
	s21 =	sshll.u32 s5, $0x1;
	s2 =	sadd.s32 s19, s18  }
0x9c: {  	s6 =	simm.s32 $0x0;
	s20 =	sshll.u32 s4, $0x1;
	s4 =	sadd.s32 s21, s2  }
0x9d: {  	[timem:s6], [sflag:s22] =	dma.local [hbm:s4], s20  }
0x9e: {  	_ =	swait.ge [sflag:s22], s20  }
0x9f: {  	s3 =	ssub.s32 $0x0, s20;
	[sflag:s22] =	ssyncset.done $0x0  }
0xa0: {  	[sflag:s22] =	ssyncadd.s32 s3;
	_ =	sdelay $0x1  }
0xa1: {  	s23 =	simm.s32 $0x1B8B  }
0xa2: {  	_ =	swait.ge [sflag:s23], $0x1  }
0xa3: {  	[sflag:s23] =	ssyncset.done $0x0  }
0xa4: {  	s25 =	simm.s32 $0x1B8E;
	s24 =	sld [smem:$0x3FFE];
	[sflag:s23] =	ssyncadd.s32 $0xFFFFFFFF  }
0xa5: {  	s26 =	simm.s32 $execute0_lowered;
	[smem:$0x3FD2] =	sst s25  }
0xa6: {  	s4 =	sshll.u32 s26, $0x1;
	_ =	strace $0x8000004F;
	[dreg:$0x1] =	wrdreg $0xFFFFFFFF  }
0xa7: {  	s28 =	simm.s32 $_size_execute0_lowered;
	s2 =	sadd.s32 s2, s4;
	[dreg:$0x0] =	wrdreg $0x0  }
0xa8: {  	s4 =	sshll.u32 s28, $0x1;
	[dreg:$0x2] =	wrdreg s2  }
0xa9: {  	[dreg:$0x3] =	wrdreg s4  }
0xaa: {  	[dreg:$0x4] =	wrdreg $0xC0  }
0xab: {  	_ =	task [dreg:s6], $0x5FFFF  }
0xac: {  	[dreg:$0x1] =	wrdreg $0xFFFFFFFF  }
0xad: {  	[dreg:$0x0] =	wrdreg $0x60  }
0xae: {  	[dreg:$0x2] =	wrdreg s24  }
0xaf: {  	[dreg:$0x3] =	wrdreg $0x94000  }
0xb0: {  	[dreg:$0x4] =	wrdreg $0x9  }
0xb1: {  	_ =	task.clear_ibuf [dreg:s6], $0x5FFFF;
	_ =	strace $0x9000004F  }
0xb2: {  	s29 =	simm.s32 $0x9;
	_ =	strace $0x80000051  }
0xb3: {  	_ =	swait.ge [sflag:s29], $0x1  }
0xb4: {  	[sflag:s29] =	ssyncadd.s32 $0xFFFFFFFF  }
0xb5: {  	_ =	strace $0x90000051  }
0xb6: {  	_ =	sfence  }
0xb7: {  	s30 =	sld [smem:$0x0];
	_ =	sdelay $0x2  }
0xb8: {  	s31 =	sshll.u32 s1, $0xD;
	s1 =	sshrl.u32 s1, $0x2  }
0xb9: {  	s3 =	sand.u32 $0x4000, s31;
	s1 =	sadd.s32 s1, s30  }
0xba: {  	s0 =	sor.u32 s3, s0;
	s1 =	sshll.u32 s1, $0x11  }
0xbb: {  	s0 =	sor.u32 s1, s0  }
0xbc: {  	s0 =	sadd.s32 $0x8F2B, s0  }
0xbd: {  	[sflag:s0] =	ssyncadd.remote.s32 $0x1  }
0xbe: {  	_ =	sfence.sel $0xFFFF  }
0xbf: {  	[dreg:$0x0] =	wrdreg $0xFFFFFFFF;
	(pc) =	sbr.abs _section_cstart, $3  }
0xc0: {  	[dreg:$0x1] =	wrdreg $0xFFFFFFFF  }
0xc1: {  	_ =	task.clear_ibuf [dreg:s6], $0x2FFFF;
	_ =	strace $0x9FFFFFFF  }
0xc2: {  	(tm) =	ssettm $0x7FFFFFFF  }
0xc3: {  	_ =	shalt  }
tec
execute0_lowered:
.L_overlay_start_1:
0x0: {  	(tag) =	ssettag $0x1  }
0x1: {  	s0 =	srdreg.scid;
	s5 =	rddreg [dreg:$0x0]  }
0x2: {  	s4 =	stileid.u32;
	s2 =	rddreg [dreg:$0x1]  }
0x3: {  	s3 =	simm.s32 $0x0;
	s16 =	simm.s32 $0x7400;
	s17 =	simm.s32 $0x5  }
0x4: {  	s19 =	simm.s32 $0x100;
	s20 =	simm.s32 $0x13400;
	s21 =	simm.s32 $0x17400  }
0x5: {  	s22 =	simm.s32 $0x1;
	s23 =	simm.s32 $0x80;
	s24 =	simm.s32 $0x15400  }
0x6: {  	s25 =	simm.s32 $0x2;
	s26 =	simm.s32 $0x19400;
	s28 =	simm.s32 $0x3  }
0x7: {  	s29 =	simm.s32 $0x4;
	s30 =	simm.s32 $0x0;
	s0 =	sand.u32 $0x1, s0  }
0x8: {  	s1 =	sshll.u32 s4, $0x1;
	s6 =	smul.u32 $0xA000, s4;
	[smem:$0x7FF] =	sst s3  }
0x9: {  	s8 =	smul.u32 $0x28000, s4;
	s4 =	sadd.s32 $0x3E00, s5;
	s1 =	sor.u32 s0, s1  }
0xa: {  	s7 =	smul.u32 $0xA0000, s0;
	_ =	strace $0x80000050;
	s9 =	ssub.s32 $0x2, s0  }
0xb: {  	p0 =	seq.s32 s0, $0x0;
	s0 =	simm.s32 $0x1D;
	s1 =	smul.u32 $0x740, s1  }
0xc: {  	s8 =	sshrl.u32 s8, $0x2;
	s31 =	sshrl.u32 s9, $0x1;
	s0 =	simm.s32 @!p0 $0xB  }
0xd: {  	s7 =	sadd.s32 s6, s7;
	s10 =	sadd.s32 s8, s2;
	s14 =	ssub.s32 s9, s31  }
0xe: {  	s12 =	sadd.s32 $0xFFFFFFFF, s0;
	s0 =	sshll.u32 s0, $0xB;
	s1 =	sadd.s32 s1, s5  }
0xf: {  	s7 =	sshrl.u32 s7, $0x3;
	s8 =	sadd.s32 $0x6000, s10;
	s9 =	sadd.s32 $0x8000, s10  }
0x10: {  	s14 =	smax.u32 s14, $0x1;
	s15 =	sadd.s32 $0xFFFFF800, s0;
	s13 =	sadd.s32 s7, s5  }
0x11: {  	s5 =	sadd.s32 s6, s2;
	s6 =	sadd.s32 $0x2000, s10;
	s7 =	sadd.s32 $0x4000, s10  }
0x12: {  	v0 =	vimm.f32 $0.0e+00;
	s10 =	sadd.s32 $0x2B600, s1;
	s11 =	sadd.s32 $0x1CE00, s1;
	s13 =	sadd.s32 $0x39E00, s13  }
.LBB2_1:
0x13: {  	s0 =	sand.u32 $0x7F00, s3  }
0x14: {  	s31 =	sand.u32 $0x30, s3;
	s0 =	sshrl.u32 s0, $0x2  }
0x15: {  	s1 =	simm.s32 $0x40;
	s0 =	sor.u32 s31, s0;
	s31 =	simm.s32 $0x0  }
.LBB2_2:
0x16: {  	p0 =	sne.s32 s1, $0x7FC0  }
0x17: {  	[tilespmem:s0+$0x7400] =	vst v0;
	s31 =	sadd.s32 $0x10, s31;
	s0 =	smov.u32 s1;
	s1 =	sadd.s32 $0x40, s1  }
.Ltmp0:
0x18: {  	(pc) =	sbr.rel @p0 .LBB2_2-.Ltmp0, $4  }
0x19: {  	_ = 	snop  }
0x1a: {  	s0 =	sand.u32 $0x7F00, s0  }
0x1b: {  	s18 =	sand.u32 $0x30, s31;
	s0 =	sshrl.u32 s0, $0x2  }
0x1c: {  	s0 =	sor.u32 s18, s0  }
0x1d: {  	[tilespmem:s0+$0x7400] =	vst v0  }
0x1e: {  	[spmem:s5] =	stream.linear.scatter [tilespmem:s16], [sflag:$0x5], $0x2000, $0x38;
	[tilespmem:$0x1B400] =	vst v63  }
0x1f: {  	_ =	swait.ge [sflag:s17], $0x2000  }
0x20: {  	[sflag:s17] =	ssyncset.done $0x0  }
0x21: {  	[sflag:s17] =	ssyncadd.s32 $0xFFFFE000  }
0x22: {  	[spmem:s6] =	stream.linear.scatter [tilespmem:s16], [sflag:$0x5], $0x2000, $0x38;
	[tilespmem:$0x1B400] =	vst v63  }
0x23: {  	_ =	swait.ge [sflag:s17], $0x2000  }
0x24: {  	[sflag:s17] =	ssyncset.done $0x0  }
0x25: {  	[sflag:s17] =	ssyncadd.s32 $0xFFFFE000  }
0x26: {  	[spmem:s7] =	stream.linear.scatter [tilespmem:s16], [sflag:$0x5], $0x2000, $0x38;
	[tilespmem:$0x1B400] =	vst v63  }
0x27: {  	_ =	swait.ge [sflag:s17], $0x2000  }
0x28: {  	[sflag:s17] =	ssyncset.done $0x0  }
0x29: {  	[sflag:s17] =	ssyncadd.s32 $0xFFFFE000  }
0x2a: {  	[spmem:s8] =	stream.linear.scatter [tilespmem:s16], [sflag:$0x5], $0x2000, $0x38;
	[tilespmem:$0x1B400] =	vst v63  }
0x2b: {  	_ =	swait.ge [sflag:s17], $0x2000  }
0x2c: {  	[sflag:s17] =	ssyncset.done $0x0  }
0x2d: {  	[sflag:s17] =	ssyncadd.s32 $0xFFFFE000  }
0x2e: {  	[spmem:s9] =	stream.linear.scatter [tilespmem:s16], [sflag:$0x5], $0x2000, $0x38;
	[tilespmem:$0x1B400] =	vst v63  }
0x2f: {  	_ =	swait.ge [sflag:s17], $0x2000  }
0x30: {  	[sflag:s17] =	ssyncset.done $0x0  }
0x31: {  	s18 =	simm.s32 $0x0;
	[sflag:s17] =	ssyncadd.s32 $0xFFFFE000  }
0x32: {  	[tilespmem:s18], [sflag:$0x5] =	stream.linear.gather [hbm4b:s10+s18], $0x3A00, $0x38;
	[tilespmem:$0x1B400] =	vst v63  }
0x33: {  	_ =	swait.ge [sflag:s17], $0x3A00  }
0x34: {  	[sflag:s17] =	ssyncset.done $0x0  }
0x35: {  	s1 =	simm.s32 $0x3A00;
	[sflag:s17] =	ssyncadd.s32 $0xFFFFC600  }
0x36: {  	[tilespmem:s1], [sflag:$0x5] =	stream.linear.gather [hbm4b:s11+s18], $0x3A00, $0x38;
	[tilespmem:$0x1B400] =	vst v63  }
0x37: {  	_ =	swait.ge [sflag:s17], $0x3A00  }
0x38: {  	[sflag:s17] =	ssyncset.done $0x0  }
0x39: {  	[sflag:s17] =	ssyncadd.s32 $0xFFFFC600  }
0x3a: {  	[bflag:$0x0] =	sbarrier.arrive $0xFFFF  }
0x3b: {  	[tilespmem:s20], [sflag:$0x1] =	stream.indirect.gather [hbm4b:s4+s19], $0x40, s18, s19, $0xb8;
	[tilespmem:$0x1B400] =	vst v63  }
0x3c: {  	_ = 	snop  }
0x3d: {  	[tilespmem:s21], [sflag:$0x2] =	stream.indirect.gather [hbm4b:s4+s19], $0x40, s19, s19, $0xb8;
	[tilespmem:$0x1B400] =	vst v63  }
0x3e: {  	_ =	swait.ge [sflag:s22], $0x4000  }
0x3f: {  	[sflag:s22] =	ssyncset.done $0x0  }
0x40: {  	s18 =	simm.s32 $0x3A00;
	[sflag:s22] =	ssyncadd.s32 $0xFFFFC000  }
0x41: {  	[spmem:s2] =	stream.indirect.scatter.add.f32 [tilespmem:s20], [sflag:$0x3], $0x40, s18, s23, $0xb8;
	[tilespmem:$0x1B400] =	vst v63  }
0x42: {  	s1 =	simm.s32 $0x3A80  }
0x43: {  	[spmem:s2] =	stream.indirect.scatter.add.f32 [tilespmem:s24], [sflag:$0x3], $0x40, s1, s23, $0xb8;
	[tilespmem:$0x1B400] =	vst v63  }
0x44: {  	_ =	swait.ge [sflag:s25], $0x4000  }
0x45: {  	[sflag:s25] =	ssyncset.done $0x0  }
0x46: {  	s18 =	simm.s32 $0x3B00;
	[sflag:s25] =	ssyncadd.s32 $0xFFFFC000  }
0x47: {  	[spmem:s2] =	stream.indirect.scatter.add.f32 [tilespmem:s21], [sflag:$0x4], $0x40, s18, s23, $0xb8;
	[tilespmem:$0x1B400] =	vst v63  }
0x48: {  	s1 =	simm.s32 $0x3B80  }
0x49: {  	[spmem:s2] =	stream.indirect.scatter.add.f32 [tilespmem:s26], [sflag:$0x4], $0x40, s1, s23, $0xb8;
	[tilespmem:$0x1B400] =	vst v63  }
0x4a: {  	_ =	swait.ge [sflag:s28], $0x2000  }
0x4b: {  	[sflag:s28] =	ssyncset.done $0x0  }
0x4c: {  	[sflag:s28] =	ssyncadd.s32 $0xFFFFE000  }
0x4d: {  	_ =	swait.ge [sflag:s28], $0x2000  }
0x4e: {  	[sflag:s28] =	ssyncset.done $0x0  }
0x4f: {  	s18 =	simm.s32 $0x200;
	[sflag:s28] =	ssyncadd.s32 $0xFFFFE000  }
0x50: {  	[tilespmem:s20], [sflag:$0x1] =	stream.indirect.gather [hbm4b:s4+s19], $0x40, s18, s19, $0xb8;
	[tilespmem:$0x1B400] =	vst v63  }
0x51: {  	p0 =	sne.s32 s15, $0x800;
	_ =	swait.ge [sflag:s29], $0x2000  }
.Ltmp1:
0x52: {  	[sflag:s29] =	ssyncset.done $0x0;
	(pc) =	sbr.rel @!p0 .LBB2_5-.Ltmp1, $4  }
0x53: {  	[sflag:s29] =	ssyncadd.s32 $0xFFFFE000  }
0x54: {  	_ =	swait.ge [sflag:s29], $0x2000  }
0x55: {  	s31 =	simm.s32 $0x800;
	[sflag:s29] =	ssyncset.done $0x0  }
0x56: {  	s0 =	simm.s32 $0x300;
	s1 =	simm.s32 $0x1;
	[sflag:s29] =	ssyncadd.s32 $0xFFFFE000  }
.LBB2_4:
0x57: {  	[tilespmem:s21], [sflag:$0x2] =	stream.indirect.gather [hbm4b:s4+s19], $0x40, s0, s19, $0xb8;
	[tilespmem:$0x1B400] =	vst v63  }
0x58: {  	s0 =	smov.u32 s31;
	s31 =	sadd.s32 $0x800, s31;
	_ =	swait.ge [sflag:s22], $0x4000  }
0x59: {  	s0 =	sshra.s32 s0, $0x2;
	p0 =	sne.s32 s15, s31;
	[sflag:s22] =	ssyncset.done $0x0  }
0x5a: {  	s18 =	sadd.s32 $0x3A00, s0;
	[sflag:s22] =	ssyncadd.s32 $0xFFFFC000  }
0x5b: {  	[spmem:s2] =	stream.indirect.scatter.add.f32 [tilespmem:s20], [sflag:$0x3], $0x40, s18, s23, $0xb8;
	[tilespmem:$0x1B400] =	vst v63  }
0x5c: {  	s18 =	sadd.s32 $0x3A80, s0  }
0x5d: {  	[spmem:s2] =	stream.indirect.scatter.add.f32 [tilespmem:s24], [sflag:$0x3], $0x40, s18, s23, $0xb8;
	[tilespmem:$0x1B400] =	vst v63  }
0x5e: {  	_ =	swait.ge [sflag:s25], $0x4000  }
0x5f: {  	[sflag:s25] =	ssyncset.done $0x0  }
0x60: {  	s18 =	sadd.s32 $0x3B00, s0;
	[sflag:s25] =	ssyncadd.s32 $0xFFFFC000  }
0x61: {  	[spmem:s2] =	stream.indirect.scatter.add.f32 [tilespmem:s21], [sflag:$0x4], $0x40, s18, s23, $0xb8;
	[tilespmem:$0x1B400] =	vst v63  }
0x62: {  	s18 =	sadd.s32 $0x3B80, s0  }
0x63: {  	[spmem:s2] =	stream.indirect.scatter.add.f32 [tilespmem:s26], [sflag:$0x4], $0x40, s18, s23, $0xb8;
	[tilespmem:$0x1B400] =	vst v63  }
0x64: {  	_ =	swait.ge [sflag:s28], $0x2000  }
0x65: {  	[sflag:s28] =	ssyncset.done $0x0  }
0x66: {  	[sflag:s28] =	ssyncadd.s32 $0xFFFFE000  }
0x67: {  	_ =	swait.ge [sflag:s28], $0x2000  }
0x68: {  	[sflag:s28] =	ssyncset.done $0x0  }
0x69: {  	s18 =	sadd.s32 $0x200, s0;
	[sflag:s28] =	ssyncadd.s32 $0xFFFFE000  }
0x6a: {  	[tilespmem:s20], [sflag:$0x1] =	stream.indirect.gather [hbm4b:s4+s19], $0x40, s18, s19, $0xb8;
	[tilespmem:$0x1B400] =	vst v63  }
0x6b: {  	_ =	swait.ge [sflag:s29], $0x2000  }
.Ltmp2:
0x6c: {  	[sflag:s29] =	ssyncset.done $0x0;
	(pc) =	sbr.rel @p0 .LBB2_4-.Ltmp2, $4  }
0x6d: {  	[sflag:s29] =	ssyncadd.s32 $0xFFFFE000  }
0x6e: {  	_ =	swait.ge [sflag:s29], $0x2000  }
0x6f: {  	[sflag:s29] =	ssyncset.done $0x0  }
0x70: {  	s1 =	sadd.s32 $0x1, s1;
	s0 =	sadd.s32 $0x300, s0;
	[sflag:s29] =	ssyncadd.s32 $0xFFFFE000  }
.LBB2_5:
0x71: {  	[tilespmem:s21], [sflag:$0x2] =	stream.indirect.gather [hbm4b:s4+s19], $0x40, s0, s19, $0xb8;
	[tilespmem:$0x1B400] =	vst v63  }
0x72: {  	_ =	swait.ge [sflag:s22], $0x4000  }
0x73: {  	s0 =	sshra.s32 s31, $0x2;
	[sflag:s22] =	ssyncset.done $0x0  }
0x74: {  	s18 =	sadd.s32 $0x3A00, s0;
	[sflag:s22] =	ssyncadd.s32 $0xFFFFC000  }
0x75: {  	[spmem:s2] =	stream.indirect.scatter.add.f32 [tilespmem:s20], [sflag:$0x3], $0x40, s18, s23, $0xb8;
	[tilespmem:$0x1B400] =	vst v63  }
0x76: {  	s18 =	sadd.s32 $0x3A80, s0  }
0x77: {  	[spmem:s2] =	stream.indirect.scatter.add.f32 [tilespmem:s24], [sflag:$0x3], $0x40, s18, s23, $0xb8;
	[tilespmem:$0x1B400] =	vst v63  }
0x78: {  	_ =	swait.ge [sflag:s25], $0x4000  }
0x79: {  	[sflag:s25] =	ssyncset.done $0x0  }
0x7a: {  	s18 =	sadd.s32 $0x3B00, s0;
	[sflag:s25] =	ssyncadd.s32 $0xFFFFC000  }
0x7b: {  	[spmem:s2] =	stream.indirect.scatter.add.f32 [tilespmem:s21], [sflag:$0x4], $0x40, s18, s23, $0xb8;
	[tilespmem:$0x1B400] =	vst v63  }
0x7c: {  	p0 =	sge.u32 s1, s12;
	s0 =	sadd.s32 $0x3B80, s0  }
0x7d: {  	[spmem:s2] =	stream.indirect.scatter.add.f32 [tilespmem:s26], [sflag:$0x4], $0x40, s0, s23, $0xb8;
	[tilespmem:$0x1B400] =	vst v63  }
0x7e: {  	s0 =	simm.s32 @!p0 $0x3  }
0x7f: {  	_ =	swait.ge @!p0 [sflag:s0], $0x2000  }
0x80: {  	[sflag:s0] =	ssyncset.done @!p0 $0x0  }
0x81: {  	[sflag:s0] =	ssyncadd.s32 @!p0 $0xFFFFE000  }
0x82: {  	_ =	swait.ge @!p0 [sflag:s0], $0x2000  }
0x83: {  	[sflag:s0] =	ssyncset.done @!p0 $0x0  }
0x84: {  	[sflag:s0] =	ssyncadd.s32 @!p0 $0xFFFFE000;
	s0 =	sshra.s32 @!p0 s31, $0x2  }
0x85: {  	s18 =	simm.s32 @!p0 $0x100;
	s31 =	simm.s32 @!p0 $0x13400;
	s1 =	sadd.s32 @!p0 $0x200, s0  }
0x86: {  	[tilespmem:s31], [sflag:$0x1] =	stream.indirect.gather @!p0 [hbm4b:s4+s18], $0x40, s1, s18, $0xb8;
	[tilespmem:$0x1B400] =	vst v63  }
0x87: {  	s1 =	simm.s32 @!p0 $0x4  }
0x88: {  	_ =	swait.ge @!p0 [sflag:s1], $0x2000  }
0x89: {  	[sflag:s1] =	ssyncset.done @!p0 $0x0  }
0x8a: {  	[sflag:s1] =	ssyncadd.s32 @!p0 $0xFFFFE000  }
0x8b: {  	_ =	swait.ge @!p0 [sflag:s1], $0x2000  }
0x8c: {  	[sflag:s1] =	ssyncset.done @!p0 $0x0  }
0x8d: {  	s0 =	sadd.s32 @!p0 $0x300, s0;
	[sflag:s1] =	ssyncadd.s32 @!p0 $0xFFFFE000;
	s1 =	simm.s32 @!p0 $0x17400  }
0x8e: {  	[tilespmem:s1], [sflag:$0x2] =	stream.indirect.gather @!p0 [hbm4b:s4+s18], $0x40, s0, s18, $0xb8;
	[tilespmem:$0x1B400] =	vst v63  }
0x8f: {  	_ =	swait.ge [sflag:s28], $0x2000  }
0x90: {  	[sflag:s28] =	ssyncset.done $0x0  }
0x91: {  	[sflag:s28] =	ssyncadd.s32 $0xFFFFE000  }
0x92: {  	_ =	swait.ge [sflag:s28], $0x2000  }
0x93: {  	[sflag:s28] =	ssyncset.done $0x0  }
0x94: {  	[sflag:s28] =	ssyncadd.s32 $0xFFFFE000  }
0x95: {  	_ =	swait.ge [sflag:s29], $0x2000  }
0x96: {  	[sflag:s29] =	ssyncset.done $0x0  }
0x97: {  	[sflag:s29] =	ssyncadd.s32 $0xFFFFE000  }
0x98: {  	s30 =	sadd.s32 $0x1, s30;
	_ =	swait.ge [sflag:s29], $0x2000  }
0x99: {  	s31 =	sshrl.u32 s5, $0x3;
	s18 =	stileid.u32;
	[sflag:s29] =	ssyncset.done $0x0  }
0x9a: {  	p0 =	sne.s32 s30, s14;
	s0 =	sshll.u32 s18, $0x6;
	[sflag:s29] =	ssyncadd.s32 $0xFFFFE000  }
.Ltmp3:
0x9b: {  	s0 =	sor.u32 $0x1C05, s0;
	[bflag:$0x0] =	sbarrier.arrive $0xFFFF;
	(pc) =	sbr.rel @p0 .LBB2_1-.Ltmp3, $4  }
0x9c: {  	[hbm:s13], [sflag:s0] =	dma.local [spmem:s31], $0x1400  }
0x9d: {  	_ =	swait.ge [sflag:s17], $0x1400  }
0x9e: {  	[sflag:s17] =	ssyncset.done $0x0  }
0x9f: {  	[sflag:s17] =	ssyncadd.s32 $0xFFFFEC00  }
0xa0: {  	_ =	sfence.sel $0x180000  }
0xa1: {  	[bflag:$0x0] =	sbarrier.arrive $0xFFFF  }
0xa2: {  	_ =	strace $0x90000050  }
0xa3: {  	s0 =	stileid.u32;
	[bflag:$0x2] =	sbarrier.arrive $0xFFFF  }
0xa4: {  	p0 =	sne.s32 s0, $0x0;
	s0 =	rddreg [dreg:$0x2]  }
0xa5: {  	s0 =	sadd.s32 @!p0 $0x100000, s0  }
0xa6: {  	[sflag:s0] =	ssyncadd.tile.s32 @!p0 $0x1;
	_ =	shalt  }
.Lfunc_end2:
_tile_overlayer_lowered:
.L_overlay_start_2:
0xa7: {  	(tag) =	ssettag $0x2  }
0xa8: {  	s0 =	rddreg [dreg:$0x0];
	s2 =	stileid.u32  }
0xa9: {  	s1 =	rddreg [dreg:$0x1];
	p0 =	sne.s32 s2, $0x0  }
0xaa: {  	s3 =	rddreg [dreg:$0x2];
	[bflag:$0x3] =	sbarrier.arrive $0xFFFF;
	s2 =	simm.s32 @!p0 $0x1C05  }
0xab: {  	[timem:s3], [sflag:s2] =	dma.local @!p0 [hbm:s0], s1  }
0xac: {  	s0 =	simm.s32 @!p0 $0x5  }
0xad: {  	_ =	swait.ge @!p0 [sflag:s0], s1  }
0xae: {  	s1 =	ssub.s32 @!p0 $0x0, s1;
	[sflag:s0] =	ssyncset.done @!p0 $0x0  }
0xaf: {  	[sflag:s0] =	ssyncadd.s32 @!p0 s1  }
0xb0: {  	[bflag:$0x3] =	sbarrier.arrive $0xFFFF  }
0xb1: {  	_ =	shalt  }

// kernel: kernel.26.cloned.1.call-start
scs
__scs_entry_jumppad:
0x0: {  	(pc) =	sbr.rel $0x88, $3  }
0x1: {  	(tag) =	ssettag $0x0;
	lr =	simm.s32 $0x1  }
0x2: {  	[smem:$0x3F94] =	sst lr;
	_ =	strace $0xD0000000  }
0x3: {  	_ = 	snop  }
0x4: {  	_ = 	snop  }
0x5: {  	_ = 	snop  }
0x6: {  	_ = 	snop  }
0x7: {  	_ = 	snop  }
__scs_overlays_trampoline_lowered:
0x8: {  	[smem:$0x3FA3] =	sst s0  }
0x9: {  	[smem:$0x3FA4] =	sst s1  }
0xa: {  	[smem:$0x3FA5] =	sst s2  }
0xb: {  	[smem:$0x3FA6] =	sst s3  }
0xc: {  	[smem:$0x3FA7] =	sst s4  }
0xd: {  	[smem:$0x3FA8] =	sst s5  }
0xe: {  	[smem:$0x3FA9] =	sst s6  }
0xf: {  	[smem:$0x3FAA] =	sst s7  }
0x10: {  	[smem:$0x3FAB] =	sst s8  }
0x11: {  	[smem:$0x3FAC] =	sst s9;
	s0 =	simm.s32 @!p0 $0x0  }
0x12: {  	s1 =	sld [smem:$0x3F92];
	s0 =	simm.s32 @p0 $0x1  }
0x13: {  	[smem:$0x3FAD] =	sst s0;
	s0 =	simm.s32 @!p1 $0x0  }
0x14: {  	s2 =	sld [smem:$0x3F91];
	s0 =	simm.s32 @p1 $0x1  }
0x15: {  	[smem:$0x3FAE] =	sst s0;
	s0 =	simm.s32 @!p2 $0x0  }
0x16: {  	s3 =	sld [smem:$0x3FDB];
	s0 =	simm.s32 @p2 $0x1  }
0x17: {  	s4 =	simm.s32 $0x1BF5;
	[smem:$0x3FB0] =	sst s0  }
0x18: {  	s0 =	sld [smem:$0x3F93];
	_ =	swait.ge [sflag:s4], $0x0  }
0x19: {  	s7 =	sld [smem:$0x3F94]  }
0x1a: {  	s8 =	sadd.s32 $0xFFFFE003, lr  }
0x1b: {  	s9 =	sadd.s32 $0xFFFFFEF7, lr;
	s5 =	simm.s32 $0xFFFFFFFF;
	p2 =	slt.u32 s8, $0xFFFFF086  }
0x1c: {  	p1 =	slt.u32 s9, $0xF7A;
	s5 =	simm.s32 @!p2 $0x0  }
0x1d: {  	s5 =	simm.s32 @p1 $0x1;
	p0 =	seq.s32 s7, s2  }
0x1e: {  	s7 =	smul.u32 @!p0 $0xF7A, s2;
	p2 =	seq.s32 @!p0 s5, $0x0  }
0x1f: {  	s9 =	smul.u32 $0xF7A, s1;
	s8 =	simm.s32 @!p0 $0x1BF5;
	p2 =	por !p2, p0  }
0x20: {  	[sflag:s8] =	ssyncset.s32 @!p0 $0xFFFFF086;
	s6 =	sadd.s32 @!p0 s3, s7;
	s7 =	simm.s32 @!p0 $0x108  }
0x21: {  	s3 =	sadd.s32 s3, s9;
	s6 =	sadd.s32 @!p0 $0x88, s6;
	s7 =	simm.s32 @p2 $0x1082  }
0x22: {  	[simem:s7], [sflag:s8] =	dma.local @!p0 [hbm:s6], $0xF7A  }
0x23: {  	s9 =	sor.u32 $0xD0000000, s2;
	s6 =	simm.s32 $0x108;
	_ =	swait.ge @!p0 [sflag:s8], $0x0  }
0x24: {  	s3 =	sadd.s32 $0x88, s3;
	s6 =	simm.s32 @!p1 $0x1082;
	[sflag:s4] =	ssyncset.s32 $0xFFFFF086  }
0x25: {  	[simem:s6], [sflag:s4] =	dma.local [hbm:s3], $0xF7A  }
0x26: {  	[smem:$0x3F94] =	sst s1;
	(tag) =	ssettag s2;
	_ =	strace s9  }
0x27: {  	s1 =	sld [smem:$0x3FA4]  }
0x28: {  	s2 =	sld [smem:$0x3FA5]  }
0x29: {  	s4 =	sld [smem:$0x3FA7]  }
0x2a: {  	p0 =	seq.s32 s5, $0x0;
	s5 =	sld [smem:$0x3FA8]  }
0x2b: {  	s6 =	sld [smem:$0x3FA9]  }
0x2c: {  	s7 =	sld [smem:$0x3FAA]  }
0x2d: {  	s3 =	simm.s32 $0x108;
	s8 =	sld [smem:$0x3FAB]  }
0x2e: {  	s3 =	simm.s32 @!p0 $0x1082;
	s9 =	sld [smem:$0x3FAC]  }
0x2f: {  	lr =	sadd.s32 s0, s3;
	s0 =	sld [smem:$0x3FA3]  }
0x30: {  	s3 =	sld [smem:$0x3FA6]  }
0x31: {  	[smem:$0x3FAF] =	sst s10  }
0x32: {  	s10 =	sld [smem:$0x3FAD];
	_ =	sdelay $0x3  }
0x33: {  	p0 =	seq.s32 s10, $0x1;
	s10 =	sld [smem:$0x3FAF];
	_ =	sdelay $0x3  }
0x34: {  	[smem:$0x3FAF] =	sst s10  }
0x35: {  	s10 =	sld [smem:$0x3FAE];
	_ =	sdelay $0x3  }
0x36: {  	p1 =	seq.s32 s10, $0x1;
	s10 =	sld [smem:$0x3FAF];
	_ =	sdelay $0x3  }
0x37: {  	[smem:$0x3FAF] =	sst s10  }
0x38: {  	s10 =	sld [smem:$0x3FB0]  }
0x39: {  	_ = 	snop;
	(pc) =	sbr.ind lr, $3  }
0x3a: {  	_ = 	snop  }
0x3b: {  	_ = 	snop  }
0x3c: {  	p2 =	seq.s32 s10, $0x1;
	s10 =	sld [smem:$0x3FAF]  }
0x3d: {  	_ =	shalt  }
0x3e: {  	_ =	shalt  }
0x3f: {  	_ =	shalt  }
0x40: {  	_ =	shalt  }
0x41: {  	_ =	shalt  }
0x42: {  	_ =	shalt  }
0x43: {  	_ =	shalt  }
0x44: {  	_ =	shalt  }
0x45: {  	_ =	shalt  }
0x46: {  	_ =	shalt  }
0x47: {  	_ =	shalt  }
0x48: {  	_ =	shalt  }
0x49: {  	_ =	shalt  }
0x4a: {  	_ =	shalt  }
0x4b: {  	_ =	shalt  }
0x4c: {  	_ =	shalt  }
0x4d: {  	_ =	shalt  }
0x4e: {  	_ =	shalt  }
0x4f: {  	_ =	shalt  }
0x50: {  	_ =	shalt  }
0x51: {  	_ =	shalt  }
0x52: {  	_ =	shalt  }
0x53: {  	_ =	shalt  }
0x54: {  	_ =	shalt  }
0x55: {  	_ =	shalt  }
0x56: {  	_ =	shalt  }
0x57: {  	_ =	shalt  }
0x58: {  	_ =	shalt  }
0x59: {  	_ =	shalt  }
0x5a: {  	_ =	shalt  }
0x5b: {  	_ =	shalt  }
0x5c: {  	_ =	shalt  }
0x5d: {  	_ =	shalt  }
0x5e: {  	_ =	shalt  }
0x5f: {  	_ =	shalt  }
0x60: {  	_ =	shalt  }
0x61: {  	_ =	shalt  }
0x62: {  	_ =	shalt  }
0x63: {  	_ =	shalt  }
0x64: {  	_ =	shalt  }
0x65: {  	_ =	shalt  }
0x66: {  	_ =	shalt  }
0x67: {  	_ =	shalt  }
0x68: {  	_ =	shalt  }
0x69: {  	_ =	shalt  }
0x6a: {  	_ =	shalt  }
0x6b: {  	_ =	shalt  }
0x6c: {  	_ =	shalt  }
0x6d: {  	_ =	shalt  }
0x6e: {  	_ =	shalt  }
0x6f: {  	_ =	shalt  }
0x70: {  	_ =	shalt  }
0x71: {  	_ =	shalt  }
0x72: {  	_ =	shalt  }
0x73: {  	_ =	shalt  }
0x74: {  	_ =	shalt  }
0x75: {  	_ =	shalt  }
0x76: {  	_ =	shalt  }
0x77: {  	_ =	shalt  }
0x78: {  	_ =	shalt  }
0x79: {  	_ =	shalt  }
0x7a: {  	_ =	shalt  }
0x7b: {  	_ =	shalt  }
0x7c: {  	_ =	shalt  }
0x7d: {  	_ =	shalt  }
0x7e: {  	_ =	shalt  }
0x7f: {  	_ =	shalt  }
0x80: {  	_ =	shalt  }
0x81: {  	_ =	shalt  }
0x82: {  	_ =	shalt  }
0x83: {  	_ =	shalt  }
0x84: {  	_ =	shalt  }
0x85: {  	_ =	shalt  }
0x86: {  	_ =	shalt  }
0x87: {  	_ =	shalt  }
.Lfunc_end0:
.L_simem_size_0:
called_computation.4_lowered:
.L_overlay_start_0:
0x88: {  	s2 =	sld [smem:$0x3FD9]  }
0x89: {  	s3 =	sld [smem:$0x3FFE];
	_ =	sdelay $0x1  }
0x8a: {  	s1 =	srdreg.scid  }
0x8b: {  	s0 =	sand.u32 $0x1, s1  }
0x8c: {  	s16 =	sshll.u32 s0, $0xA;
	s2 =	sadd.s32 s3, s2  }
0x8d: {  	s2 =	sadd.s32 s2, s16  }
0x8e: {  	[smem:$0x3FBB] =	sst s2  }
0x8f: {  	_ = 	snop  }
0x90: {  	(tm) =	ssettm $0x1  }
0x91: {  	s17 =	sld [smem:$0x3FFB];
	_ =	sdelay $0x3  }
0x92: {  	_ =	strace s17  }
0x93: {  	s2 =	sld [smem:$0x3FFC];
	_ =	sdelay $0x3  }
0x94: {  	_ =	strace s2  }
0x95: {  	s2 =	sld [smem:$0x3FFD];
	_ =	sdelay $0x3  }
0x96: {  	_ =	strace s2  }
0x97: {  	_ =	strace $0x8FFFFFFF  }
0x98: {  	s18 =	sld [smem:$0x3FDB];
	_ =	sdelay $0x1  }
0x99: {  	s19 =	simm.s32 $_scs_section_size  }
0x9a: {  	s4 =	simm.s32 $_size__tile_overlayer_lowered;
	s5 =	simm.s32 $_tile_overlayer_lowered  }
0x9b: {  	s22 =	simm.s32 $0x1BFF;
	s21 =	sshll.u32 s5, $0x1;
	s2 =	sadd.s32 s19, s18  }
0x9c: {  	s6 =	simm.s32 $0x0;
	s20 =	sshll.u32 s4, $0x1;
	s4 =	sadd.s32 s21, s2  }
0x9d: {  	[timem:s6], [sflag:s22] =	dma.local [hbm:s4], s20  }
0x9e: {  	_ =	swait.ge [sflag:s22], s20  }
0x9f: {  	s3 =	ssub.s32 $0x0, s20;
	[sflag:s22] =	ssyncset.done $0x0  }
0xa0: {  	[sflag:s22] =	ssyncadd.s32 s3;
	_ =	sdelay $0x1  }
0xa1: {  	s23 =	simm.s32 $0x1B8B  }
0xa2: {  	_ =	swait.ge [sflag:s23], $0x1  }
0xa3: {  	[sflag:s23] =	ssyncset.done $0x0  }
0xa4: {  	s25 =	simm.s32 $0x1B8E;
	s24 =	sld [smem:$0x3FFE];
	[sflag:s23] =	ssyncadd.s32 $0xFFFFFFFF  }
0xa5: {  	s26 =	simm.s32 $execute0_lowered;
	[smem:$0x3FD2] =	sst s25  }
0xa6: {  	s4 =	sshll.u32 s26, $0x1;
	_ =	strace $0x80000052;
	[dreg:$0x1] =	wrdreg $0xFFFFFFFF  }
0xa7: {  	s28 =	simm.s32 $_size_execute0_lowered;
	s2 =	sadd.s32 s2, s4;
	[dreg:$0x0] =	wrdreg $0x0  }
0xa8: {  	s4 =	sshll.u32 s28, $0x1;
	[dreg:$0x2] =	wrdreg s2  }
0xa9: {  	[dreg:$0x3] =	wrdreg s4  }
0xaa: {  	[dreg:$0x4] =	wrdreg $0xC0  }
0xab: {  	_ =	task [dreg:s6], $0x5FFFF  }
0xac: {  	[dreg:$0x1] =	wrdreg $0xFFFFFFFF  }
0xad: {  	[dreg:$0x0] =	wrdreg $0x60  }
0xae: {  	[dreg:$0x2] =	wrdreg s24  }
0xaf: {  	[dreg:$0x3] =	wrdreg $0x94000  }
0xb0: {  	[dreg:$0x4] =	wrdreg $0x9  }
0xb1: {  	_ =	task.clear_ibuf [dreg:s6], $0x5FFFF;
	_ =	strace $0x90000052  }
0xb2: {  	s29 =	simm.s32 $0x9;
	_ =	strace $0x80000054  }
0xb3: {  	_ =	swait.ge [sflag:s29], $0x1  }
0xb4: {  	[sflag:s29] =	ssyncadd.s32 $0xFFFFFFFF  }
0xb5: {  	_ =	strace $0x90000054  }
0xb6: {  	_ =	sfence  }
0xb7: {  	s30 =	sld [smem:$0x0];
	_ =	sdelay $0x2  }
0xb8: {  	s31 =	sshll.u32 s1, $0xD;
	s1 =	sshrl.u32 s1, $0x2  }
0xb9: {  	s3 =	sand.u32 $0x4000, s31;
	s1 =	sadd.s32 s1, s30  }
0xba: {  	s0 =	sor.u32 s3, s0;
	s1 =	sshll.u32 s1, $0x11  }
0xbb: {  	s0 =	sor.u32 s1, s0  }
0xbc: {  	s0 =	sadd.s32 $0x8F2B, s0  }
0xbd: {  	[sflag:s0] =	ssyncadd.remote.s32 $0x1  }
0xbe: {  	_ =	sfence.sel $0xFFFF  }
0xbf: {  	[dreg:$0x0] =	wrdreg $0xFFFFFFFF;
	(pc) =	sbr.abs _section_cstart, $3  }
0xc0: {  	[dreg:$0x1] =	wrdreg $0xFFFFFFFF  }
0xc1: {  	_ =	task.clear_ibuf [dreg:s6], $0x2FFFF;
	_ =	strace $0x9FFFFFFF  }
0xc2: {  	(tm) =	ssettm $0x7FFFFFFF  }
0xc3: {  	_ =	shalt  }
tec
execute0_lowered:
.L_overlay_start_1:
0x0: {  	(tag) =	ssettag $0x1  }
0x1: {  	s0 =	srdreg.scid;
	s5 =	rddreg [dreg:$0x0]  }
0x2: {  	s4 =	stileid.u32;
	s2 =	rddreg [dreg:$0x1]  }
0x3: {  	s3 =	simm.s32 $0x0;
	s16 =	simm.s32 $0x7400;
	s17 =	simm.s32 $0x5  }
0x4: {  	s19 =	simm.s32 $0x100;
	s20 =	simm.s32 $0x13400;
	s21 =	simm.s32 $0x17400  }
0x5: {  	s22 =	simm.s32 $0x1;
	s23 =	simm.s32 $0x80;
	s24 =	simm.s32 $0x15400  }
0x6: {  	s25 =	simm.s32 $0x2;
	s26 =	simm.s32 $0x19400;
	s28 =	simm.s32 $0x3  }
0x7: {  	s29 =	simm.s32 $0x4;
	s30 =	simm.s32 $0x0;
	s0 =	sand.u32 $0x1, s0  }
0x8: {  	s1 =	sshll.u32 s4, $0x1;
	s6 =	smul.u32 $0xA000, s4;
	[smem:$0x7FF] =	sst s3  }
0x9: {  	s8 =	smul.u32 $0x28000, s4;
	s4 =	sadd.s32 $0x3E00, s5;
	s1 =	sor.u32 s0, s1  }
0xa: {  	s7 =	smul.u32 $0xA0000, s0;
	_ =	strace $0x80000053;
	s9 =	ssub.s32 $0x2, s0  }
0xb: {  	p0 =	seq.s32 s0, $0x0;
	s0 =	simm.s32 $0x1D;
	s1 =	smul.u32 $0x740, s1  }
0xc: {  	s8 =	sshrl.u32 s8, $0x2;
	s31 =	sshrl.u32 s9, $0x1;
	s0 =	simm.s32 @!p0 $0xB  }
0xd: {  	s7 =	sadd.s32 s6, s7;
	s10 =	sadd.s32 s8, s2;
	s14 =	ssub.s32 s9, s31  }
0xe: {  	s12 =	sadd.s32 $0xFFFFFFFF, s0;
	s0 =	sshll.u32 s0, $0xB;
	s1 =	sadd.s32 s1, s5  }
0xf: {  	s7 =	sshrl.u32 s7, $0x3;
	s8 =	sadd.s32 $0x6000, s10;
	s9 =	sadd.s32 $0x8000, s10  }
0x10: {  	s14 =	smax.u32 s14, $0x1;
	s15 =	sadd.s32 $0xFFFFF800, s0;
	s13 =	sadd.s32 s7, s5  }
0x11: {  	s5 =	sadd.s32 s6, s2;
	s6 =	sadd.s32 $0x2000, s10;
	s7 =	sadd.s32 $0x4000, s10  }
0x12: {  	v0 =	vimm.f32 $0.0e+00;
	s10 =	sadd.s32 $0x2B600, s1;
	s11 =	sadd.s32 $0x1CE00, s1;
	s13 =	sadd.s32 $0x39E00, s13  }
.LBB2_1:
0x13: {  	s0 =	sand.u32 $0x7F00, s3  }
0x14: {  	s31 =	sand.u32 $0x30, s3;
	s0 =	sshrl.u32 s0, $0x2  }
0x15: {  	s1 =	simm.s32 $0x40;
	s0 =	sor.u32 s31, s0;
	s31 =	simm.s32 $0x0  }
.LBB2_2:
0x16: {  	p0 =	sne.s32 s1, $0x7FC0  }
0x17: {  	[tilespmem:s0+$0x7400] =	vst v0;
	s31 =	sadd.s32 $0x10, s31;
	s0 =	smov.u32 s1;
	s1 =	sadd.s32 $0x40, s1  }
.Ltmp0:
0x18: {  	(pc) =	sbr.rel @p0 .LBB2_2-.Ltmp0, $4  }
0x19: {  	_ = 	snop  }
0x1a: {  	s0 =	sand.u32 $0x7F00, s0  }
0x1b: {  	s18 =	sand.u32 $0x30, s31;
	s0 =	sshrl.u32 s0, $0x2  }
0x1c: {  	s0 =	sor.u32 s18, s0  }
0x1d: {  	[tilespmem:s0+$0x7400] =	vst v0  }
0x1e: {  	[spmem:s5] =	stream.linear.scatter [tilespmem:s16], [sflag:$0x5], $0x2000, $0x38;
	[tilespmem:$0x1B400] =	vst v63  }
0x1f: {  	_ =	swait.ge [sflag:s17], $0x2000  }
0x20: {  	[sflag:s17] =	ssyncset.done $0x0  }
0x21: {  	[sflag:s17] =	ssyncadd.s32 $0xFFFFE000  }
0x22: {  	[spmem:s6] =	stream.linear.scatter [tilespmem:s16], [sflag:$0x5], $0x2000, $0x38;
	[tilespmem:$0x1B400] =	vst v63  }
0x23: {  	_ =	swait.ge [sflag:s17], $0x2000  }
0x24: {  	[sflag:s17] =	ssyncset.done $0x0  }
0x25: {  	[sflag:s17] =	ssyncadd.s32 $0xFFFFE000  }
0x26: {  	[spmem:s7] =	stream.linear.scatter [tilespmem:s16], [sflag:$0x5], $0x2000, $0x38;
	[tilespmem:$0x1B400] =	vst v63  }
0x27: {  	_ =	swait.ge [sflag:s17], $0x2000  }
0x28: {  	[sflag:s17] =	ssyncset.done $0x0  }
0x29: {  	[sflag:s17] =	ssyncadd.s32 $0xFFFFE000  }
0x2a: {  	[spmem:s8] =	stream.linear.scatter [tilespmem:s16], [sflag:$0x5], $0x2000, $0x38;
	[tilespmem:$0x1B400] =	vst v63  }
0x2b: {  	_ =	swait.ge [sflag:s17], $0x2000  }
0x2c: {  	[sflag:s17] =	ssyncset.done $0x0  }
0x2d: {  	[sflag:s17] =	ssyncadd.s32 $0xFFFFE000  }
0x2e: {  	[spmem:s9] =	stream.linear.scatter [tilespmem:s16], [sflag:$0x5], $0x2000, $0x38;
	[tilespmem:$0x1B400] =	vst v63  }
0x2f: {  	_ =	swait.ge [sflag:s17], $0x2000  }
0x30: {  	[sflag:s17] =	ssyncset.done $0x0  }
0x31: {  	s18 =	simm.s32 $0x0;
	[sflag:s17] =	ssyncadd.s32 $0xFFFFE000  }
0x32: {  	[tilespmem:s18], [sflag:$0x5] =	stream.linear.gather [hbm4b:s10+s18], $0x3A00, $0x38;
	[tilespmem:$0x1B400] =	vst v63  }
0x33: {  	_ =	swait.ge [sflag:s17], $0x3A00  }
0x34: {  	[sflag:s17] =	ssyncset.done $0x0  }
0x35: {  	s1 =	simm.s32 $0x3A00;
	[sflag:s17] =	ssyncadd.s32 $0xFFFFC600  }
0x36: {  	[tilespmem:s1], [sflag:$0x5] =	stream.linear.gather [hbm4b:s11+s18], $0x3A00, $0x38;
	[tilespmem:$0x1B400] =	vst v63  }
0x37: {  	_ =	swait.ge [sflag:s17], $0x3A00  }
0x38: {  	[sflag:s17] =	ssyncset.done $0x0  }
0x39: {  	[sflag:s17] =	ssyncadd.s32 $0xFFFFC600  }
0x3a: {  	[bflag:$0x0] =	sbarrier.arrive $0xFFFF  }
0x3b: {  	[tilespmem:s20], [sflag:$0x1] =	stream.indirect.gather [hbm4b:s4+s19], $0x40, s18, s19, $0xb8;
	[tilespmem:$0x1B400] =	vst v63  }
0x3c: {  	_ = 	snop  }
0x3d: {  	[tilespmem:s21], [sflag:$0x2] =	stream.indirect.gather [hbm4b:s4+s19], $0x40, s19, s19, $0xb8;
	[tilespmem:$0x1B400] =	vst v63  }
0x3e: {  	_ =	swait.ge [sflag:s22], $0x4000  }
0x3f: {  	[sflag:s22] =	ssyncset.done $0x0  }
0x40: {  	s18 =	simm.s32 $0x3A00;
	[sflag:s22] =	ssyncadd.s32 $0xFFFFC000  }
0x41: {  	[spmem:s2] =	stream.indirect.scatter.add.f32 [tilespmem:s20], [sflag:$0x3], $0x40, s18, s23, $0xb8;
	[tilespmem:$0x1B400] =	vst v63  }
0x42: {  	s1 =	simm.s32 $0x3A80  }
0x43: {  	[spmem:s2] =	stream.indirect.scatter.add.f32 [tilespmem:s24], [sflag:$0x3], $0x40, s1, s23, $0xb8;
	[tilespmem:$0x1B400] =	vst v63  }
0x44: {  	_ =	swait.ge [sflag:s25], $0x4000  }
0x45: {  	[sflag:s25] =	ssyncset.done $0x0  }
0x46: {  	s18 =	simm.s32 $0x3B00;
	[sflag:s25] =	ssyncadd.s32 $0xFFFFC000  }
0x47: {  	[spmem:s2] =	stream.indirect.scatter.add.f32 [tilespmem:s21], [sflag:$0x4], $0x40, s18, s23, $0xb8;
	[tilespmem:$0x1B400] =	vst v63  }
0x48: {  	s1 =	simm.s32 $0x3B80  }
0x49: {  	[spmem:s2] =	stream.indirect.scatter.add.f32 [tilespmem:s26], [sflag:$0x4], $0x40, s1, s23, $0xb8;
	[tilespmem:$0x1B400] =	vst v63  }
0x4a: {  	_ =	swait.ge [sflag:s28], $0x2000  }
0x4b: {  	[sflag:s28] =	ssyncset.done $0x0  }
0x4c: {  	[sflag:s28] =	ssyncadd.s32 $0xFFFFE000  }
0x4d: {  	_ =	swait.ge [sflag:s28], $0x2000  }
0x4e: {  	[sflag:s28] =	ssyncset.done $0x0  }
0x4f: {  	s18 =	simm.s32 $0x200;
	[sflag:s28] =	ssyncadd.s32 $0xFFFFE000  }
0x50: {  	[tilespmem:s20], [sflag:$0x1] =	stream.indirect.gather [hbm4b:s4+s19], $0x40, s18, s19, $0xb8;
	[tilespmem:$0x1B400] =	vst v63  }
0x51: {  	p0 =	sne.s32 s15, $0x800;
	_ =	swait.ge [sflag:s29], $0x2000  }
.Ltmp1:
0x52: {  	[sflag:s29] =	ssyncset.done $0x0;
	(pc) =	sbr.rel @!p0 .LBB2_5-.Ltmp1, $4  }
0x53: {  	[sflag:s29] =	ssyncadd.s32 $0xFFFFE000  }
0x54: {  	_ =	swait.ge [sflag:s29], $0x2000  }
0x55: {  	s31 =	simm.s32 $0x800;
	[sflag:s29] =	ssyncset.done $0x0  }
0x56: {  	s0 =	simm.s32 $0x300;
	s1 =	simm.s32 $0x1;
	[sflag:s29] =	ssyncadd.s32 $0xFFFFE000  }
.LBB2_4:
0x57: {  	[tilespmem:s21], [sflag:$0x2] =	stream.indirect.gather [hbm4b:s4+s19], $0x40, s0, s19, $0xb8;
	[tilespmem:$0x1B400] =	vst v63  }
0x58: {  	s0 =	smov.u32 s31;
	s31 =	sadd.s32 $0x800, s31;
	_ =	swait.ge [sflag:s22], $0x4000  }
0x59: {  	s0 =	sshra.s32 s0, $0x2;
	p0 =	sne.s32 s15, s31;
	[sflag:s22] =	ssyncset.done $0x0  }
0x5a: {  	s18 =	sadd.s32 $0x3A00, s0;
	[sflag:s22] =	ssyncadd.s32 $0xFFFFC000  }
0x5b: {  	[spmem:s2] =	stream.indirect.scatter.add.f32 [tilespmem:s20], [sflag:$0x3], $0x40, s18, s23, $0xb8;
	[tilespmem:$0x1B400] =	vst v63  }
0x5c: {  	s18 =	sadd.s32 $0x3A80, s0  }
0x5d: {  	[spmem:s2] =	stream.indirect.scatter.add.f32 [tilespmem:s24], [sflag:$0x3], $0x40, s18, s23, $0xb8;
	[tilespmem:$0x1B400] =	vst v63  }
0x5e: {  	_ =	swait.ge [sflag:s25], $0x4000  }
0x5f: {  	[sflag:s25] =	ssyncset.done $0x0  }
0x60: {  	s18 =	sadd.s32 $0x3B00, s0;
	[sflag:s25] =	ssyncadd.s32 $0xFFFFC000  }
0x61: {  	[spmem:s2] =	stream.indirect.scatter.add.f32 [tilespmem:s21], [sflag:$0x4], $0x40, s18, s23, $0xb8;
	[tilespmem:$0x1B400] =	vst v63  }
0x62: {  	s18 =	sadd.s32 $0x3B80, s0  }
0x63: {  	[spmem:s2] =	stream.indirect.scatter.add.f32 [tilespmem:s26], [sflag:$0x4], $0x40, s18, s23, $0xb8;
	[tilespmem:$0x1B400] =	vst v63  }
0x64: {  	_ =	swait.ge [sflag:s28], $0x2000  }
0x65: {  	[sflag:s28] =	ssyncset.done $0x0  }
0x66: {  	[sflag:s28] =	ssyncadd.s32 $0xFFFFE000  }
0x67: {  	_ =	swait.ge [sflag:s28], $0x2000  }
0x68: {  	[sflag:s28] =	ssyncset.done $0x0  }
0x69: {  	s18 =	sadd.s32 $0x200, s0;
	[sflag:s28] =	ssyncadd.s32 $0xFFFFE000  }
0x6a: {  	[tilespmem:s20], [sflag:$0x1] =	stream.indirect.gather [hbm4b:s4+s19], $0x40, s18, s19, $0xb8;
	[tilespmem:$0x1B400] =	vst v63  }
0x6b: {  	_ =	swait.ge [sflag:s29], $0x2000  }
.Ltmp2:
0x6c: {  	[sflag:s29] =	ssyncset.done $0x0;
	(pc) =	sbr.rel @p0 .LBB2_4-.Ltmp2, $4  }
0x6d: {  	[sflag:s29] =	ssyncadd.s32 $0xFFFFE000  }
0x6e: {  	_ =	swait.ge [sflag:s29], $0x2000  }
0x6f: {  	[sflag:s29] =	ssyncset.done $0x0  }
0x70: {  	s1 =	sadd.s32 $0x1, s1;
	s0 =	sadd.s32 $0x300, s0;
	[sflag:s29] =	ssyncadd.s32 $0xFFFFE000  }
.LBB2_5:
0x71: {  	[tilespmem:s21], [sflag:$0x2] =	stream.indirect.gather [hbm4b:s4+s19], $0x40, s0, s19, $0xb8;
	[tilespmem:$0x1B400] =	vst v63  }
0x72: {  	_ =	swait.ge [sflag:s22], $0x4000  }
0x73: {  	s0 =	sshra.s32 s31, $0x2;
	[sflag:s22] =	ssyncset.done $0x0  }
0x74: {  	s18 =	sadd.s32 $0x3A00, s0;
	[sflag:s22] =	ssyncadd.s32 $0xFFFFC000  }
0x75: {  	[spmem:s2] =	stream.indirect.scatter.add.f32 [tilespmem:s20], [sflag:$0x3], $0x40, s18, s23, $0xb8;
	[tilespmem:$0x1B400] =	vst v63  }
0x76: {  	s18 =	sadd.s32 $0x3A80, s0  }
0x77: {  	[spmem:s2] =	stream.indirect.scatter.add.f32 [tilespmem:s24], [sflag:$0x3], $0x40, s18, s23, $0xb8;
	[tilespmem:$0x1B400] =	vst v63  }
0x78: {  	_ =	swait.ge [sflag:s25], $0x4000  }
0x79: {  	[sflag:s25] =	ssyncset.done $0x0  }
0x7a: {  	s18 =	sadd.s32 $0x3B00, s0;
	[sflag:s25] =	ssyncadd.s32 $0xFFFFC000  }
0x7b: {  	[spmem:s2] =	stream.indirect.scatter.add.f32 [tilespmem:s21], [sflag:$0x4], $0x40, s18, s23, $0xb8;
	[tilespmem:$0x1B400] =	vst v63  }
0x7c: {  	p0 =	sge.u32 s1, s12;
	s0 =	sadd.s32 $0x3B80, s0  }
0x7d: {  	[spmem:s2] =	stream.indirect.scatter.add.f32 [tilespmem:s26], [sflag:$0x4], $0x40, s0, s23, $0xb8;
	[tilespmem:$0x1B400] =	vst v63  }
0x7e: {  	s0 =	simm.s32 @!p0 $0x3  }
0x7f: {  	_ =	swait.ge @!p0 [sflag:s0], $0x2000  }
0x80: {  	[sflag:s0] =	ssyncset.done @!p0 $0x0  }
0x81: {  	[sflag:s0] =	ssyncadd.s32 @!p0 $0xFFFFE000  }
0x82: {  	_ =	swait.ge @!p0 [sflag:s0], $0x2000  }
0x83: {  	[sflag:s0] =	ssyncset.done @!p0 $0x0  }
0x84: {  	[sflag:s0] =	ssyncadd.s32 @!p0 $0xFFFFE000;
	s0 =	sshra.s32 @!p0 s31, $0x2  }
0x85: {  	s18 =	simm.s32 @!p0 $0x100;
	s31 =	simm.s32 @!p0 $0x13400;
	s1 =	sadd.s32 @!p0 $0x200, s0  }
0x86: {  	[tilespmem:s31], [sflag:$0x1] =	stream.indirect.gather @!p0 [hbm4b:s4+s18], $0x40, s1, s18, $0xb8;
	[tilespmem:$0x1B400] =	vst v63  }
0x87: {  	s1 =	simm.s32 @!p0 $0x4  }
0x88: {  	_ =	swait.ge @!p0 [sflag:s1], $0x2000  }
0x89: {  	[sflag:s1] =	ssyncset.done @!p0 $0x0  }
0x8a: {  	[sflag:s1] =	ssyncadd.s32 @!p0 $0xFFFFE000  }
0x8b: {  	_ =	swait.ge @!p0 [sflag:s1], $0x2000  }
0x8c: {  	[sflag:s1] =	ssyncset.done @!p0 $0x0  }
0x8d: {  	s0 =	sadd.s32 @!p0 $0x300, s0;
	[sflag:s1] =	ssyncadd.s32 @!p0 $0xFFFFE000;
	s1 =	simm.s32 @!p0 $0x17400  }
0x8e: {  	[tilespmem:s1], [sflag:$0x2] =	stream.indirect.gather @!p0 [hbm4b:s4+s18], $0x40, s0, s18, $0xb8;
	[tilespmem:$0x1B400] =	vst v63  }
0x8f: {  	_ =	swait.ge [sflag:s28], $0x2000  }
0x90: {  	[sflag:s28] =	ssyncset.done $0x0  }
0x91: {  	[sflag:s28] =	ssyncadd.s32 $0xFFFFE000  }
0x92: {  	_ =	swait.ge [sflag:s28], $0x2000  }
0x93: {  	[sflag:s28] =	ssyncset.done $0x0  }
0x94: {  	[sflag:s28] =	ssyncadd.s32 $0xFFFFE000  }
0x95: {  	_ =	swait.ge [sflag:s29], $0x2000  }
0x96: {  	[sflag:s29] =	ssyncset.done $0x0  }
0x97: {  	[sflag:s29] =	ssyncadd.s32 $0xFFFFE000  }
0x98: {  	s30 =	sadd.s32 $0x1, s30;
	_ =	swait.ge [sflag:s29], $0x2000  }
0x99: {  	s31 =	sshrl.u32 s5, $0x3;
	s18 =	stileid.u32;
	[sflag:s29] =	ssyncset.done $0x0  }
0x9a: {  	p0 =	sne.s32 s30, s14;
	s0 =	sshll.u32 s18, $0x6;
	[sflag:s29] =	ssyncadd.s32 $0xFFFFE000  }
.Ltmp3:
0x9b: {  	s0 =	sor.u32 $0x1C05, s0;
	[bflag:$0x0] =	sbarrier.arrive $0xFFFF;
	(pc) =	sbr.rel @p0 .LBB2_1-.Ltmp3, $4  }
0x9c: {  	[hbm:s13], [sflag:s0] =	dma.local [spmem:s31], $0x1400  }
0x9d: {  	_ =	swait.ge [sflag:s17], $0x1400  }
0x9e: {  	[sflag:s17] =	ssyncset.done $0x0  }
0x9f: {  	[sflag:s17] =	ssyncadd.s32 $0xFFFFEC00  }
0xa0: {  	_ =	sfence.sel $0x180000  }
0xa1: {  	[bflag:$0x0] =	sbarrier.arrive $0xFFFF  }
0xa2: {  	_ =	strace $0x90000053  }
0xa3: {  	s0 =	stileid.u32;
	[bflag:$0x2] =	sbarrier.arrive $0xFFFF  }
0xa4: {  	p0 =	sne.s32 s0, $0x0;
	s0 =	rddreg [dreg:$0x2]  }
0xa5: {  	s0 =	sadd.s32 @!p0 $0x100000, s0  }
0xa6: {  	[sflag:s0] =	ssyncadd.tile.s32 @!p0 $0x1;
	_ =	shalt  }
.Lfunc_end2:
_tile_overlayer_lowered:
.L_overlay_start_2:
0xa7: {  	(tag) =	ssettag $0x2  }
0xa8: {  	s0 =	rddreg [dreg:$0x0];
	s2 =	stileid.u32  }
0xa9: {  	s1 =	rddreg [dreg:$0x1];
	p0 =	sne.s32 s2, $0x0  }
0xaa: {  	s3 =	rddreg [dreg:$0x2];
	[bflag:$0x3] =	sbarrier.arrive $0xFFFF;
	s2 =	simm.s32 @!p0 $0x1C05  }
0xab: {  	[timem:s3], [sflag:s2] =	dma.local @!p0 [hbm:s0], s1  }
0xac: {  	s0 =	simm.s32 @!p0 $0x5  }
0xad: {  	_ =	swait.ge @!p0 [sflag:s0], s1  }
0xae: {  	s1 =	ssub.s32 @!p0 $0x0, s1;
	[sflag:s0] =	ssyncset.done @!p0 $0x0  }
0xaf: {  	[sflag:s0] =	ssyncadd.s32 @!p0 s1  }
0xb0: {  	[bflag:$0x3] =	sbarrier.arrive $0xFFFF  }
0xb1: {  	_ =	shalt  }

// kernel: kernel.29.cloned.1.call-start
scs
__scs_entry_jumppad:
0x0: {  	(pc) =	sbr.rel $0x88, $3  }
0x1: {  	(tag) =	ssettag $0x0;
	lr =	simm.s32 $0x1  }
0x2: {  	[smem:$0x3F94] =	sst lr;
	_ =	strace $0xD0000000  }
0x3: {  	_ = 	snop  }
0x4: {  	_ = 	snop  }
0x5: {  	_ = 	snop  }
0x6: {  	_ = 	snop  }
0x7: {  	_ = 	snop  }
__scs_overlays_trampoline_lowered:
0x8: {  	[smem:$0x3FA3] =	sst s0  }
0x9: {  	[smem:$0x3FA4] =	sst s1  }
0xa: {  	[smem:$0x3FA5] =	sst s2  }
0xb: {  	[smem:$0x3FA6] =	sst s3  }
0xc: {  	[smem:$0x3FA7] =	sst s4  }
0xd: {  	[smem:$0x3FA8] =	sst s5  }
0xe: {  	[smem:$0x3FA9] =	sst s6  }
0xf: {  	[smem:$0x3FAA] =	sst s7  }
0x10: {  	[smem:$0x3FAB] =	sst s8  }
0x11: {  	[smem:$0x3FAC] =	sst s9;
	s0 =	simm.s32 @!p0 $0x0  }
0x12: {  	s1 =	sld [smem:$0x3F92];
	s0 =	simm.s32 @p0 $0x1  }
0x13: {  	[smem:$0x3FAD] =	sst s0;
	s0 =	simm.s32 @!p1 $0x0  }
0x14: {  	s2 =	sld [smem:$0x3F91];
	s0 =	simm.s32 @p1 $0x1  }
0x15: {  	[smem:$0x3FAE] =	sst s0;
	s0 =	simm.s32 @!p2 $0x0  }
0x16: {  	s3 =	sld [smem:$0x3FDB];
	s0 =	simm.s32 @p2 $0x1  }
0x17: {  	s4 =	simm.s32 $0x1BF5;
	[smem:$0x3FB0] =	sst s0  }
0x18: {  	s0 =	sld [smem:$0x3F93];
	_ =	swait.ge [sflag:s4], $0x0  }
0x19: {  	s7 =	sld [smem:$0x3F94]  }
0x1a: {  	s8 =	sadd.s32 $0xFFFFE003, lr  }
0x1b: {  	s9 =	sadd.s32 $0xFFFFFEF7, lr;
	s5 =	simm.s32 $0xFFFFFFFF;
	p2 =	slt.u32 s8, $0xFFFFF086  }
0x1c: {  	p1 =	slt.u32 s9, $0xF7A;
	s5 =	simm.s32 @!p2 $0x0  }
0x1d: {  	s5 =	simm.s32 @p1 $0x1;
	p0 =	seq.s32 s7, s2  }
0x1e: {  	s7 =	smul.u32 @!p0 $0xF7A, s2;
	p2 =	seq.s32 @!p0 s5, $0x0  }
0x1f: {  	s9 =	smul.u32 $0xF7A, s1;
	s8 =	simm.s32 @!p0 $0x1BF5;
	p2 =	por !p2, p0  }
0x20: {  	[sflag:s8] =	ssyncset.s32 @!p0 $0xFFFFF086;
	s6 =	sadd.s32 @!p0 s3, s7;
	s7 =	simm.s32 @!p0 $0x108  }
0x21: {  	s3 =	sadd.s32 s3, s9;
	s6 =	sadd.s32 @!p0 $0x88, s6;
	s7 =	simm.s32 @p2 $0x1082  }
0x22: {  	[simem:s7], [sflag:s8] =	dma.local @!p0 [hbm:s6], $0xF7A  }
0x23: {  	s9 =	sor.u32 $0xD0000000, s2;
	s6 =	simm.s32 $0x108;
	_ =	swait.ge @!p0 [sflag:s8], $0x0  }
0x24: {  	s3 =	sadd.s32 $0x88, s3;
	s6 =	simm.s32 @!p1 $0x1082;
	[sflag:s4] =	ssyncset.s32 $0xFFFFF086  }
0x25: {  	[simem:s6], [sflag:s4] =	dma.local [hbm:s3], $0xF7A  }
0x26: {  	[smem:$0x3F94] =	sst s1;
	(tag) =	ssettag s2;
	_ =	strace s9  }
0x27: {  	s1 =	sld [smem:$0x3FA4]  }
0x28: {  	s2 =	sld [smem:$0x3FA5]  }
0x29: {  	s4 =	sld [smem:$0x3FA7]  }
0x2a: {  	p0 =	seq.s32 s5, $0x0;
	s5 =	sld [smem:$0x3FA8]  }
0x2b: {  	s6 =	sld [smem:$0x3FA9]  }
0x2c: {  	s7 =	sld [smem:$0x3FAA]  }
0x2d: {  	s3 =	simm.s32 $0x108;
	s8 =	sld [smem:$0x3FAB]  }
0x2e: {  	s3 =	simm.s32 @!p0 $0x1082;
	s9 =	sld [smem:$0x3FAC]  }
0x2f: {  	lr =	sadd.s32 s0, s3;
	s0 =	sld [smem:$0x3FA3]  }
0x30: {  	s3 =	sld [smem:$0x3FA6]  }
0x31: {  	[smem:$0x3FAF] =	sst s10  }
0x32: {  	s10 =	sld [smem:$0x3FAD];
	_ =	sdelay $0x3  }
0x33: {  	p0 =	seq.s32 s10, $0x1;
	s10 =	sld [smem:$0x3FAF];
	_ =	sdelay $0x3  }
0x34: {  	[smem:$0x3FAF] =	sst s10  }
0x35: {  	s10 =	sld [smem:$0x3FAE];
	_ =	sdelay $0x3  }
0x36: {  	p1 =	seq.s32 s10, $0x1;
	s10 =	sld [smem:$0x3FAF];
	_ =	sdelay $0x3  }
0x37: {  	[smem:$0x3FAF] =	sst s10  }
0x38: {  	s10 =	sld [smem:$0x3FB0]  }
0x39: {  	_ = 	snop;
	(pc) =	sbr.ind lr, $3  }
0x3a: {  	_ = 	snop  }
0x3b: {  	_ = 	snop  }
0x3c: {  	p2 =	seq.s32 s10, $0x1;
	s10 =	sld [smem:$0x3FAF]  }
0x3d: {  	_ =	shalt  }
0x3e: {  	_ =	shalt  }
0x3f: {  	_ =	shalt  }
0x40: {  	_ =	shalt  }
0x41: {  	_ =	shalt  }
0x42: {  	_ =	shalt  }
0x43: {  	_ =	shalt  }
0x44: {  	_ =	shalt  }
0x45: {  	_ =	shalt  }
0x46: {  	_ =	shalt  }
0x47: {  	_ =	shalt  }
0x48: {  	_ =	shalt  }
0x49: {  	_ =	shalt  }
0x4a: {  	_ =	shalt  }
0x4b: {  	_ =	shalt  }
0x4c: {  	_ =	shalt  }
0x4d: {  	_ =	shalt  }
0x4e: {  	_ =	shalt  }
0x4f: {  	_ =	shalt  }
0x50: {  	_ =	shalt  }
0x51: {  	_ =	shalt  }
0x52: {  	_ =	shalt  }
0x53: {  	_ =	shalt  }
0x54: {  	_ =	shalt  }
0x55: {  	_ =	shalt  }
0x56: {  	_ =	shalt  }
0x57: {  	_ =	shalt  }
0x58: {  	_ =	shalt  }
0x59: {  	_ =	shalt  }
0x5a: {  	_ =	shalt  }
0x5b: {  	_ =	shalt  }
0x5c: {  	_ =	shalt  }
0x5d: {  	_ =	shalt  }
0x5e: {  	_ =	shalt  }
0x5f: {  	_ =	shalt  }
0x60: {  	_ =	shalt  }
0x61: {  	_ =	shalt  }
0x62: {  	_ =	shalt  }
0x63: {  	_ =	shalt  }
0x64: {  	_ =	shalt  }
0x65: {  	_ =	shalt  }
0x66: {  	_ =	shalt  }
0x67: {  	_ =	shalt  }
0x68: {  	_ =	shalt  }
0x69: {  	_ =	shalt  }
0x6a: {  	_ =	shalt  }
0x6b: {  	_ =	shalt  }
0x6c: {  	_ =	shalt  }
0x6d: {  	_ =	shalt  }
0x6e: {  	_ =	shalt  }
0x6f: {  	_ =	shalt  }
0x70: {  	_ =	shalt  }
0x71: {  	_ =	shalt  }
0x72: {  	_ =	shalt  }
0x73: {  	_ =	shalt  }
0x74: {  	_ =	shalt  }
0x75: {  	_ =	shalt  }
0x76: {  	_ =	shalt  }
0x77: {  	_ =	shalt  }
0x78: {  	_ =	shalt  }
0x79: {  	_ =	shalt  }
0x7a: {  	_ =	shalt  }
0x7b: {  	_ =	shalt  }
0x7c: {  	_ =	shalt  }
0x7d: {  	_ =	shalt  }
0x7e: {  	_ =	shalt  }
0x7f: {  	_ =	shalt  }
0x80: {  	_ =	shalt  }
0x81: {  	_ =	shalt  }
0x82: {  	_ =	shalt  }
0x83: {  	_ =	shalt  }
0x84: {  	_ =	shalt  }
0x85: {  	_ =	shalt  }
0x86: {  	_ =	shalt  }
0x87: {  	_ =	shalt  }
.Lfunc_end0:
.L_simem_size_0:
called_computation.5_lowered:
.L_overlay_start_0:
0x88: {  	s2 =	sld [smem:$0x3FD9]  }
0x89: {  	s3 =	sld [smem:$0x3FFE];
	_ =	sdelay $0x1  }
0x8a: {  	s1 =	srdreg.scid  }
0x8b: {  	s0 =	sand.u32 $0x1, s1  }
0x8c: {  	s14 =	sshll.u32 s0, $0xA;
	s2 =	sadd.s32 s3, s2  }
0x8d: {  	s2 =	sadd.s32 s2, s14  }
0x8e: {  	[smem:$0x3FBB] =	sst s2  }
0x8f: {  	_ = 	snop  }
0x90: {  	s2 =	sld [smem:$0x3FD0];
	_ =	sdelay $0x2  }
0x91: {  	s15 =	simm.s32 $0xA;
	s4 =	simm.s32 $0x10  }
0x92: {  	[smem:s4], [sflag:s15] =	dma.local [hbm:s2], $0x1  }
0x93: {  	_ =	swait.eq [sflag:s15], $0x1  }
0x94: {  	[sflag:s15] =	ssyncset.done $0x0  }
0x95: {  	[sflag:s15] =	ssyncadd.s32 $0xFFFFFFFF  }
0x96: {  	s16 =	sld [smem:$0x11];
	(tm) =	ssettm $0x1  }
0x97: {  	s17 =	sld [smem:$0x3FFB];
	_ =	sdelay $0x3  }
0x98: {  	_ =	strace s17  }
0x99: {  	s3 =	sld [smem:$0x3FFC];
	_ =	sdelay $0x3  }
0x9a: {  	_ =	strace s3  }
0x9b: {  	s3 =	sld [smem:$0x3FFD];
	_ =	sdelay $0x3  }
0x9c: {  	_ =	strace s3  }
0x9d: {  	_ =	strace $0x8FFFFFFF  }
0x9e: {  	s18 =	sld [smem:$0x3FDB];
	_ =	sdelay $0x1  }
0x9f: {  	s19 =	simm.s32 $_scs_section_size  }
0xa0: {  	s5 =	simm.s32 $_size__tile_overlayer_lowered;
	s6 =	simm.s32 $_tile_overlayer_lowered  }
0xa1: {  	s22 =	simm.s32 $0x1BFF;
	s21 =	sshll.u32 s6, $0x1;
	s3 =	sadd.s32 s19, s18  }
0xa2: {  	s7 =	simm.s32 $0x0;
	s20 =	sshll.u32 s5, $0x1;
	s5 =	sadd.s32 s21, s3  }
0xa3: {  	[timem:s7], [sflag:s22] =	dma.local [hbm:s5], s20  }
0xa4: {  	_ =	swait.ge [sflag:s22], s20  }
0xa5: {  	s4 =	ssub.s32 $0x0, s20;
	[sflag:s22] =	ssyncset.done $0x0  }
0xa6: {  	[sflag:s22] =	ssyncadd.s32 s4;
	_ =	sdelay $0x1  }
0xa7: {  	s23 =	simm.s32 $0x1B8B  }
0xa8: {  	_ =	swait.ge [sflag:s23], $0x1  }
0xa9: {  	[sflag:s23] =	ssyncset.done $0x0  }
0xaa: {  	s25 =	simm.s32 $0x1B8E;
	s24 =	sld [smem:$0x3FFE];
	[sflag:s23] =	ssyncadd.s32 $0xFFFFFFFF  }
0xab: {  	s26 =	simm.s32 $execute0_lowered;
	[smem:$0x3FD2] =	sst s25  }
0xac: {  	s5 =	sshll.u32 s26, $0x1;
	_ =	strace $0x80000055;
	[dreg:$0x1] =	wrdreg $0xFFFFFFFF  }
0xad: {  	s28 =	simm.s32 $_size_execute0_lowered;
	s3 =	sadd.s32 s3, s5;
	[dreg:$0x0] =	wrdreg $0x0  }
0xae: {  	s5 =	sshll.u32 s28, $0x1;
	[dreg:$0x2] =	wrdreg s3  }
0xaf: {  	[dreg:$0x3] =	wrdreg s5  }
0xb0: {  	[dreg:$0x4] =	wrdreg $0xC0  }
0xb1: {  	_ =	task [dreg:s7], $0x5FFFF  }
0xb2: {  	[dreg:$0x1] =	wrdreg $0xFFFFFFFF  }
0xb3: {  	[dreg:$0x0] =	wrdreg $0x60  }
0xb4: {  	[dreg:$0x2] =	wrdreg s24  }
0xb5: {  	[dreg:$0x3] =	wrdreg s16  }
0xb6: {  	[dreg:$0x4] =	wrdreg $0x9  }
0xb7: {  	_ =	task.clear_ibuf [dreg:s7], $0x5FFFF;
	_ =	strace $0x90000055  }
0xb8: {  	s29 =	simm.s32 $0x9;
	_ =	strace $0x80000057  }
0xb9: {  	_ =	swait.ge [sflag:s29], $0x1  }
0xba: {  	[sflag:s29] =	ssyncadd.s32 $0xFFFFFFFF  }
0xbb: {  	_ =	strace $0x90000057  }
0xbc: {  	_ =	sfence  }
0xbd: {  	s30 =	sld [smem:$0x0];
	_ =	sdelay $0x2  }
0xbe: {  	s31 =	sshll.u32 s1, $0xD;
	s1 =	sshrl.u32 s1, $0x2  }
0xbf: {  	s3 =	sand.u32 $0x4000, s31;
	s1 =	sadd.s32 s1, s30  }
0xc0: {  	s0 =	sor.u32 s3, s0;
	s1 =	sshll.u32 s1, $0x11  }
0xc1: {  	s0 =	sor.u32 s1, s0  }
0xc2: {  	s0 =	sadd.s32 $0x8F2B, s0  }
0xc3: {  	[sflag:s0] =	ssyncadd.remote.s32 $0x1  }
0xc4: {  	_ =	sfence.sel $0xFFFF  }
0xc5: {  	[dreg:$0x0] =	wrdreg $0xFFFFFFFF;
	(pc) =	sbr.abs _section_cstart, $3  }
0xc6: {  	[dreg:$0x1] =	wrdreg $0xFFFFFFFF  }
0xc7: {  	_ =	task.clear_ibuf [dreg:s7], $0x2FFFF;
	_ =	strace $0x9FFFFFFF  }
0xc8: {  	(tm) =	ssettm $0x7FFFFFFF  }
0xc9: {  	_ =	shalt  }
tec
execute0_lowered:
.L_overlay_start_1:
0x0: {  	(tag) =	ssettag $0x1  }
0x1: {  	s1 =	srdreg.scid  }
0x2: {  	s0 =	stileid.u32;
	s3 =	rddreg [dreg:$0x0]  }
0x3: {  	s5 =	rddreg [dreg:$0x1];
	s2 =	simm.s32 $0x0;
	s14 =	simm.s32 $0xA180  }
0x4: {  	s15 =	simm.s32 $0x12180;
	s16 =	simm.s32 $0x80;
	s17 =	simm.s32 $0x400  }
0x5: {  	s18 =	simm.s32 $0x0;
	s4 =	sand.u32 $0x1, s1;
	s1 =	rddreg [dreg:$0x2]  }
0x6: {  	s26 =	sshll.u32 s0, $0x1;
	[smem:$0x7FF] =	sst s2;
	s28 =	smul.u32 $0xFFFFFD80, s0  }
0x7: {  	s9 =	sshll.u32 s0, $0x6;
	s6 =	sor.u32 s4, s26;
	s13 =	smul.u32 $0xFFFFFEC0, s4  }
0x8: {  	_ =	strace $0x80000056;
	s10 =	ssub.s32 $0x2, s4;
	s7 =	smul.u32 $0x1400, s6  }
0x9: {  	s9 =	sand.u32 $0x300, s9;
	s8 =	sshll.u32 s6, $0xC;
	s11 =	smul.u32 $0x28, s6  }
0xa: {  	s12 =	sshrl.u32 s10, $0x1;
	s9 =	sadd.s32 s9, s3;
	s6 =	sshll.u32 s6, $0x4  }
0xb: {  	s8 =	sadd.s32 s8, s3;
	s10 =	ssub.s32 s10, s12;
	s29 =	sand.u32 $0x70, s6  }
0xc: {  	s30 =	sadd.s32 s28, s13;
	s12 =	simm.s32 $0xA000;
	s13 =	simm.s32 $0x1A180  }
0xd: {  	s7 =	sadd.s32 s7, s3;
	s4 =	sadd.s32 s5, s11;
	s5 =	sadd.s32 $0x2BE00, s8  }
0xe: {  	s6 =	sadd.s32 $0x4BE00, s8;
	s31 =	sadd.s32 $0x2710, s30;
	s11 =	simm.s32 $0x1  }
0xf: {  	s3 =	sadd.s32 $0x3E00, s7;
	s7 =	sadd.s32 s29, s9;
	s8 =	smin.u32 s31, $0x140  }
0x10: {  	v0 =	vimm.f32 $0.0e+00;
	v1 =	vimm.f32 $-Inf;
	v2 =	vimm.f32 $1.000000000e+00;
	s9 =	smax.u32 s10, $0x1;
	s7 =	sadd.s32 $0x6BE00, s7;
	s10 =	sshll.u32 s8, $0x2  }
.LBB2_1:
0x11: {  	[tilespmem:s2], [sflag:$0x1] =	stream.linear.gather [hbm4b:s3+s2], $0xA000, $0x38;
	[tilespmem:$0x1A280] =	vst v63  }
0x12: {  	_ =	swait.ge [sflag:s11], $0xA000  }
0x13: {  	[sflag:s11] =	ssyncset.done $0x0  }
0x14: {  	[sflag:s11] =	ssyncadd.s32 $0xFFFF6000  }
0x15: {  	[tilespmem:s12], [sflag:$0x1] =	stream.linear.gather [hbm4b:s4+s2], $0x140, $0x38;
	[tilespmem:$0x1A280] =	vst v63  }
0x16: {  	_ =	swait.ge [sflag:s11], $0x140  }
0x17: {  	s19 =	sand.u32 $0x7F80, s2;
	s20 =	sand.u32 $0x30, s2;
	[sflag:s11] =	ssyncset.done $0x0  }
0x18: {  	s20 =	sor.u32 s20, s19;
	[sflag:s11] =	ssyncadd.s32 $0xFFFFFEC0  }
0x19: {  	[tilespmem:s20+$0x12180] =	vst v1  }
0x1a: {  	s19 =	simm.s32 $0x20;
	[tilespmem:s20+$0xA180] =	vst v0;
	s20 =	simm.s32 $0x0  }
.LBB2_2:
0x1b: {  	p0 =	sne.s32 s19, $0x7FE0  }
.Ltmp0:
0x1c: {  	s21 =	sand.u32 $0x7F80, s19;
	s20 =	sadd.s32 $0x10, s20;
	(pc) =	sbr.rel @p0 .LBB2_2-.Ltmp0, $4  }
0x1d: {  	s19 =	sadd.s32 $0x20, s19;
	s22 =	sand.u32 $0x30, s20  }
0x1e: {  	s21 =	sor.u32 s22, s21  }
0x1f: {  	[tilespmem:s21+$0x12180] =	vst v1  }
0x20: {  	[tilespmem:s21+$0xA180] =	vst v0  }
0x21: {  	[tilespmem:$0x1A180] =	vst v0  }
0x22: {  	[tilespmem:$0x1A190] =	vst v0  }
0x23: {  	[tilespmem:$0x1A1A0] =	vst v0  }
0x24: {  	[tilespmem:$0x1A1B0] =	vst v0  }
0x25: {  	[tilespmem:$0x1A1C0] =	vst v0  }
0x26: {  	[tilespmem:$0x1A1D0] =	vst v0  }
0x27: {  	[tilespmem:$0x1A1E0] =	vst v0  }
0x28: {  	[tilespmem:$0x1A1F0] =	vst v0  }
0x29: {  	[tilespmem:$0x1A200] =	vst v0  }
0x2a: {  	[tilespmem:$0x1A210] =	vst v0  }
0x2b: {  	[tilespmem:$0x1A220] =	vst v0  }
0x2c: {  	[tilespmem:$0x1A230] =	vst v0  }
0x2d: {  	[tilespmem:$0x1A240] =	vst v0  }
0x2e: {  	[tilespmem:$0x1A250] =	vst v0  }
0x2f: {  	[tilespmem:$0x1A260] =	vst v0  }
0x30: {  	[tilespmem:$0x1A270] =	vst v0;
	s20 =	simm.s32 $0xA000;
	s19 =	simm.s32 $0xA000;
	s21 =	smov.u32 s10  }
.LBB2_4:
0x31: {  	v3 =	vld [tilespmem:s19+$0x0];
	_ =	sdelay $0x2  }
0x32: {  	p0 =	sne.s32 s21, $0x40  }
.Ltmp1:
0x33: {  	_ = 	snop;
	(pc) =	sbr.rel @p0 .LBB2_4-.Ltmp1, $2  }
0x34: {  	_ =	sdelay $0x2  }
0x35: {  	s19 =	sadd.s32 $0x10, s19;
	s21 =	sadd.s32 $0xFFFFFFC0, s21;
	[tilespmem:v3+s13+$0x0] =	vst.idx.add.f32.msk $0xffff, v2  }
0x36: {  	p1 =	sne.s32 s8, $0x1  }
.Ltmp2:
0x37: {  	_ = 	snop;
	(pc) =	sbr.rel @!p1 .LBB2_6-.Ltmp2, $2  }
0x38: {  	_ =	sdelay $0x2  }
0x39: {  	s19 =	simm.s32 $0x20;
	v3 =	vld [tilespmem:s20+$0x0];
	s20 =	sadd.s32 $0xFFFFFFFF, s8;
	p0 =	por $0x0, $0x0  }
0x3a: {  	_ =	sdelay $0x3  }
0x3b: {  	(v2sf) =	vpush v3, $0x0;
	_ =	sdelay $0xe  }
0x3c: {  	s21 =	spop (v2sf)  }
0x3d: {  	v3 =	vld [tilespmem:s19+$0xFFFFFFE0];
	s21 =	sshll.u32 s21, $0x7  }
0x3e: {  	v4 =	vld [tilespmem:s21+$0x12180]  }
0x3f: {  	v5 =	vld [tilespmem:s21+$0xA180];
	_ =	sdelay $0x4  }
0x40: {  	v4 =	vmax.f32 v4, v3;
	v3 =	vadd.f32 v5, v3  }
0x41: {  	[tilespmem:s21+$0x12180] =	vst v4;
	v4 =	vld [tilespmem:s21+$0x12190]  }
0x42: {  	[tilespmem:s21+$0xA180] =	vst v3;
	v3 =	vld [tilespmem:s21+$0xA190]  }
0x43: {  	v5 =	vld [tilespmem:s19+$0xFFFFFFF0];
	_ =	sdelay $0x4  }
0x44: {  	v4 =	vmax.f32 v4, v5;
	v3 =	vadd.f32 v3, v5  }
0x45: {  	v5 =	vld [tilespmem:s21+$0x121A0];
	[tilespmem:s21+$0x12190] =	vst v4  }
0x46: {  	[tilespmem:s21+$0xA190] =	vst v3;
	v3 =	vld [tilespmem:s21+$0xA1A0]  }
0x47: {  	v4 =	vld [tilespmem:s19+$0x0];
	_ =	sdelay $0x4  }
0x48: {  	v5 =	vmax.f32 v5, v4;
	v3 =	vadd.f32 v3, v4  }
0x49: {  	v4 =	vld [tilespmem:s21+$0xA1B0];
	[tilespmem:s21+$0x121A0] =	vst v5  }
0x4a: {  	v5 =	vld [tilespmem:s21+$0x121B0];
	[tilespmem:s21+$0xA1A0] =	vst v3  }
0x4b: {  	v3 =	vld [tilespmem:s19+$0x10];
	_ =	sdelay $0x3  }
0x4c: {  	p1 =	sne.s32 s20, $0x1  }
.Ltmp3:
0x4d: {  	v5 =	vmax.f32 v5, v3;
	v3 =	vadd.f32 v4, v3;
	(pc) =	sbr.rel @!p1 .LBB2_8-.Ltmp3, $4  }
0x4e: {  	[tilespmem:s21+$0x121B0] =	vst v5  }
0x4f: {  	[tilespmem:s21+$0xA1B0] =	vst v3;
	s21 =	simm.s32 $0xA001  }
0x50: {  	v3 =	vld [tilespmem:s21+$0x0]  }
0x51: {  	s22 =	sadd.s32 $0xFFFFFFFF, s20;
	p0 =	por $0x1, $0x1;
	s20 =	simm.s32 $0x20  }
.LBB2_9:
0x52: {  	p1 =	sne.s32 s22, $0x1;
	_ =	sdelay $0x2  }
0x53: {  	(v2sf) =	vpush v3, $0x0;
	_ =	sdelay $0xe  }
0x54: {  	s20 =	sadd.s32 $0x80, s20;
	s23 =	spop (v2sf)  }
0x55: {  	v3 =	vld [tilespmem:s20+$0xFFFFFFE0];
	s23 =	sshll.u32 s23, $0x7  }
0x56: {  	v4 =	vld [tilespmem:s23+$0x12180]  }
0x57: {  	v5 =	vld [tilespmem:s23+$0xA180]  }
0x58: {  	v6 =	vld [tilespmem:s23+$0x121A0]  }
0x59: {  	v7 =	vld [tilespmem:s23+$0xA1B0]  }
0x5a: {  	v8 =	vld [tilespmem:s23+$0x121B0];
	_ =	sdelay $0x1  }
0x5b: {  	v4 =	vmax.f32 v4, v3;
	v3 =	vadd.f32 v5, v3  }
0x5c: {  	[tilespmem:s23+$0x12180] =	vst v4;
	v4 =	vld [tilespmem:s23+$0x12190]  }
0x5d: {  	[tilespmem:s23+$0xA180] =	vst v3;
	v3 =	vld [tilespmem:s23+$0xA190]  }
0x5e: {  	v5 =	vld [tilespmem:s20+$0xFFFFFFF0];
	_ =	sdelay $0x4  }
0x5f: {  	v4 =	vmax.f32 v4, v5;
	v3 =	vadd.f32 v3, v5  }
0x60: {  	[tilespmem:s23+$0x12190] =	vst v4  }
0x61: {  	[tilespmem:s23+$0xA190] =	vst v3;
	v3 =	vld [tilespmem:s23+$0xA1A0]  }
0x62: {  	v4 =	vld [tilespmem:s20+$0x0];
	_ =	sdelay $0x4  }
0x63: {  	v5 =	vmax.f32 v6, v4;
	v3 =	vadd.f32 v3, v4  }
0x64: {  	[tilespmem:s23+$0x121A0] =	vst v5  }
0x65: {  	[tilespmem:s23+$0xA1A0] =	vst v3  }
0x66: {  	v3 =	vld [tilespmem:s20+$0x10];
	_ =	sdelay $0x4  }
.Ltmp4:
0x67: {  	v4 =	vmax.f32 v8, v3;
	v3 =	vadd.f32 v7, v3;
	(pc) =	sbr.rel @p1 .LBB2_9-.Ltmp4, $4  }
0x68: {  	[tilespmem:s23+$0x121B0] =	vst v4  }
0x69: {  	s21 =	sadd.s32 $0x1, s21;
	[tilespmem:s23+$0xA1B0] =	vst v3  }
0x6a: {  	v3 =	vld [tilespmem:s21+$0x0]  }
0x6b: {  	s22 =	sadd.s32 $0xFFFFFFFF, s22  }
.LBB2_10:
0x6c: {  	_ =	sdelay $0x2  }
0x6d: {  	(v2sf) =	vpush v3, $0x0;
	_ =	sdelay $0xd  }
0x6e: {  	s20 =	sadd.s32 @p0 $0x80, s20  }
0x6f: {  	s19 =	smov.u32 @p0 s20;
	s21 =	spop (v2sf)  }
0x70: {  	v3 =	vld [tilespmem:s19+$0xFFFFFFE0];
	s31 =	sshll.u32 s21, $0x7  }
0x71: {  	v4 =	vld [tilespmem:s31+$0x12180]  }
0x72: {  	v5 =	vld [tilespmem:s31+$0xA180];
	_ =	sdelay $0x4  }
0x73: {  	v4 =	vmax.f32 v4, v3;
	v3 =	vadd.f32 v5, v3  }
0x74: {  	v59 =	vld [tilespmem:s31+$0x12190];
	[tilespmem:s31+$0x12180] =	vst v4  }
0x75: {  	[tilespmem:s31+$0xA180] =	vst v3;
	v3 =	vld [tilespmem:s31+$0xA190]  }
0x76: {  	v60 =	vld [tilespmem:s19+$0xFFFFFFF0];
	_ =	sdelay $0x4  }
0x77: {  	v4 =	vmax.f32 v59, v60;
	v3 =	vadd.f32 v3, v60  }
0x78: {  	v61 =	vld [tilespmem:s31+$0x121A0];
	[tilespmem:s31+$0x12190] =	vst v4  }
0x79: {  	[tilespmem:s31+$0xA190] =	vst v3;
	v3 =	vld [tilespmem:s31+$0xA1A0]  }
0x7a: {  	v4 =	vld [tilespmem:s19+$0x0];
	_ =	sdelay $0x4  }
0x7b: {  	v5 =	vmax.f32 v61, v4;
	v3 =	vadd.f32 v3, v4  }
0x7c: {  	v62 =	vld [tilespmem:s31+$0xA1B0];
	[tilespmem:s31+$0x121A0] =	vst v5  }
0x7d: {  	v63 =	vld [tilespmem:s31+$0x121B0];
	[tilespmem:s31+$0xA1A0] =	vst v3  }
0x7e: {  	v3 =	vld [tilespmem:s19+$0x10];
	_ =	sdelay $0x4  }
0x7f: {  	v5 =	vmax.f32 v63, v3;
	v3 =	vadd.f32 v62, v3  }
0x80: {  	[tilespmem:s31+$0x121B0] =	vst v5  }
0x81: {  	[tilespmem:s31+$0xA1B0] =	vst v3  }
0x82: {  	[hbm4b:s5+s2] =	stream.linear.scatter [tilespmem:s14], [sflag:$0x1], $0x8000, $0x38;
	[tilespmem:$0x1A280] =	vst v63  }
0x83: {  	_ =	swait.ge [sflag:s11], $0x8000  }
0x84: {  	[sflag:s11] =	ssyncset.done $0x0  }
0x85: {  	[sflag:s11] =	ssyncadd.s32 $0xFFFF8000  }
0x86: {  	[hbm4b:s6+s2] =	stream.linear.scatter [tilespmem:s15], [sflag:$0x1], $0x8000, $0x38;
	[tilespmem:$0x1A280] =	vst v63  }
0x87: {  	_ =	swait.ge [sflag:s11], $0x8000  }
0x88: {  	s18 =	sadd.s32 $0x1, s18;
	[sflag:s11] =	ssyncset.done $0x0  }
0x89: {  	p0 =	sne.s32 s18, s9;
	[sflag:s11] =	ssyncadd.s32 $0xFFFF8000  }
0x8a: {  	[hbm4b:s7+s16] =	stream.strided.scatter [tilespmem:s13], [sflag:$0x1], $0x100, s17, s16, $0x38;
	[tilespmem:$0x1A280] =	vst v63  }
.Ltmp5:
0x8b: {  	_ = 	snop;
	(pc) =	sbr.rel @p0 .LBB2_1-.Ltmp5, $4  }
.Ltmp6:
0x8c: {  	_ = 	snop;
	(pc) =	sbr.rel @!p0 .LBB2_11-.Ltmp6, $4  }
0x8d: {  	_ =	swait.ge [sflag:s11], $0x100  }
0x8e: {  	[sflag:s11] =	ssyncset.done $0x0  }
0x8f: {  	[sflag:s11] =	ssyncadd.s32 $0xFFFFFF00  }
0x90: {  	_ = 	snop  }
.LBB2_6:
.Ltmp7:
0x91: {  	(pc) =	sbr.rel .LBB2_10-.Ltmp7, $2  }
0x92: {  	_ =	sdelay $0x2  }
0x93: {  	s20 =	simm.s32 $0x20  }
.LBB2_8:
.Ltmp8:
0x94: {  	(pc) =	sbr.rel .LBB2_10-.Ltmp8, $2  }
0x95: {  	_ =	sdelay $0x2  }
0x96: {  	s20 =	simm.s32 $0x20  }
.LBB2_11:
0x97: {  	_ =	sfence.sel $0x180000  }
0x98: {  	[bflag:$0x0] =	sbarrier.arrive $0xFFFF  }
0x99: {  	p0 =	sne.s32 s0, $0x0;
	_ =	strace $0x90000056  }
0x9a: {  	s0 =	sadd.s32 @!p0 $0x100000, s1;
	[bflag:$0x2] =	sbarrier.arrive $0xFFFF  }
0x9b: {  	[sflag:s0] =	ssyncadd.tile.s32 @!p0 $0x1;
	_ =	shalt  }
.Lfunc_end2:
_tile_overlayer_lowered:
.L_overlay_start_2:
0x9c: {  	(tag) =	ssettag $0x2  }
0x9d: {  	s0 =	rddreg [dreg:$0x0];
	s2 =	stileid.u32  }
0x9e: {  	s1 =	rddreg [dreg:$0x1];
	p0 =	sne.s32 s2, $0x0  }
0x9f: {  	s3 =	rddreg [dreg:$0x2];
	[bflag:$0x3] =	sbarrier.arrive $0xFFFF;
	s2 =	simm.s32 @!p0 $0x1C01  }
0xa0: {  	[timem:s3], [sflag:s2] =	dma.local @!p0 [hbm:s0], s1  }
0xa1: {  	s0 =	simm.s32 @!p0 $0x1  }
0xa2: {  	_ =	swait.ge @!p0 [sflag:s0], s1  }
0xa3: {  	s1 =	ssub.s32 @!p0 $0x0, s1;
	[sflag:s0] =	ssyncset.done @!p0 $0x0  }
0xa4: {  	[sflag:s0] =	ssyncadd.s32 @!p0 s1  }
0xa5: {  	[bflag:$0x3] =	sbarrier.arrive $0xFFFF  }
0xa6: {  	_ =	shalt  }

</sc_bundles>
